<compile_context>
chip_gen: v7x
topology: tpu7x:2x2x1
jax: 0.10.2.dev20260603
libtpu: 0.0.44.dev20260713+nightly
codegen_flags: <defaults>
</compile_context>

<pallas_src>
import functools

import jax
import jax.numpy as jnp
from jax import lax
from jax.experimental import pallas as pl
from jax.experimental.pallas import tpu as pltpu
from jax.experimental.pallas import tpu_sc as plsc

NC = 2
NS = 16
L = 16
CHUNK = 128
PAGE = 16
PAGES_PER_TILE = 5


def _scale_rows(rows_ref, vals_ref, base, d):

  def scale_group(g, carry):
    vv = vals_ref[pl.ds(base + g * L, L)]
    for j in range(L):
      vj = lax.gather(
          vv, jnp.full((L, 1), j, jnp.int32),
          lax.GatherDimensionNumbers(offset_dims=(),
                                     collapsed_slice_dims=(0,),
                                     start_index_map=(0,)),
          slice_sizes=(1,),
          mode=lax.GatherScatterMode.PROMISE_IN_BOUNDS)
      for k in range(d // L):
        sl = (g * L + j, pl.ds(k * L, L))
        rows_ref[sl] = rows_ref[sl] * vj
    return carry

  lax.fori_loop(0, CHUNK // L, scale_group, 0, unroll=False)


def _sc_spmm_body(src_hbm, dst_hbm, vals_hbm, x_hbm, zeros_hbm, part_hbm,
                  acc_sh, src_v, dst_v, vals_v, rows0, rows1,
                  g0, g1, w0, w1):
  n, d = x_hbm.shape
  zrows = (n // NS) // 8 * 8
  rem = n - NS * zrows
  c = lax.axis_index("c")
  s = lax.axis_index("s")

  pltpu.sync_copy(zeros_hbm.at[pl.ds(s * zrows, zrows)],
                  acc_sh.at[pl.ds(s * zrows, zrows)])
  if rem:
    @pl.when(s == 0)
    def _():
      pltpu.sync_copy(zeros_hbm.at[pl.ds(NS * zrows, rem)],
                      acc_sh.at[pl.ds(NS * zrows, rem)])
  plsc.subcore_barrier()

  def gather_rows(chunk, rows_ref, sem):
    idx = src_v.at[pl.ds(chunk * CHUNK, CHUNK)]
    return pltpu.async_copy(x_hbm.at[idx], rows_ref, sem)

  def wait_gather(rows_ref, sem):
    idx = src_v.at[pl.ds(0, CHUNK)]
    pltpu.make_async_copy(x_hbm.at[idx], rows_ref, sem).wait()

  def scatter_rows(chunk, rows_ref, sem):
    return pltpu.async_copy(rows_ref, acc_sh.at[dst_v.at[chunk]], sem,
                            add=True)

  def wait_scatter(rows_ref, sem):
    pltpu.make_async_copy(rows_ref, acc_sh.at[dst_v.at[0]], sem).wait()

  def do_page(page):
    pltpu.sync_copy(src_hbm.at[pl.ds(page * PAGE * CHUNK, PAGE * CHUNK)],
                    src_v)
    pltpu.sync_copy(vals_hbm.at[pl.ds(page * PAGE * CHUNK, PAGE * CHUNK)],
                    vals_v)
    pltpu.sync_copy(dst_hbm.at[pl.ds(page * PAGE, PAGE)], dst_v)

    gather_rows(0, rows0, g0)
    gather_rows(1, rows1, g1)
    last = PAGE - 1

    def pair_body(i, carry2):
      c0 = 2 * i
      c1 = c0 + 1
      wait_gather(rows0, g0)
      _scale_rows(rows0, vals_v, c0 * CHUNK, d)
      scatter_rows(c0, rows0, w0)
      wait_scatter(rows0, w0)
      gather_rows(jnp.minimum(c0 + 2, last), rows0, g0)
      wait_gather(rows1, g1)
      _scale_rows(rows1, vals_v, c1 * CHUNK, d)
      scatter_rows(c1, rows1, w1)
      wait_scatter(rows1, w1)
      gather_rows(jnp.minimum(c1 + 2, last), rows1, g1)
      return carry2

    lax.fori_loop(0, PAGE // 2, pair_body, 0, unroll=False)
    wait_gather(rows0, g0)
    wait_gather(rows1, g1)

  def page_body(p, carry):
    do_page((c * NS + s) * PAGES_PER_TILE + p)
    return carry

  lax.fori_loop(0, PAGES_PER_TILE, page_body, 0, unroll=False)
  plsc.subcore_barrier()

  pltpu.sync_copy(acc_sh.at[pl.ds(s * zrows, zrows)],
                  part_hbm.at[pl.ds(c * n + s * zrows, zrows)])
  if rem:
    @pl.when(s == 0)
    def _():
      pltpu.sync_copy(acc_sh.at[pl.ds(NS * zrows, rem)],
                      part_hbm.at[pl.ds(c * n + NS * zrows, rem)])


def _tc_finish_body(a_ref, p_ref, x_ref, w_ref, o_ref):
  a = a_ref[0]
  blended = (1.0 - a) * (p_ref[0] + p_ref[1]) + a * x_ref[...]
  o_ref[...] = jnp.dot(blended, w_ref[...], preferred_element_type=jnp.float32)


def kernel(edge_index, adj_vals, x, alpha, W):
  n, d_in = x.shape
  d_out = W.shape[1]
  e = adj_vals.shape[0]

  dst = edge_index[0]
  src = edge_index[1]
  e_pad = NC * NS * PAGES_PER_TILE * PAGE * CHUNK
  assert e_pad >= e, "page split must cover all edges"
  if e_pad != e:
    pad = e_pad - e
    spread = jnp.arange(pad, dtype=jnp.int32) % n
    src = jnp.concatenate([src, spread])
    dst = jnp.concatenate([dst, spread])
    vals = jnp.concatenate([adj_vals, jnp.zeros((pad,), adj_vals.dtype)])
  else:
    vals = adj_vals
  dst2 = dst.reshape(e_pad // CHUNK, CHUNK)
  zeros = jnp.zeros((n, d_in), jnp.float32)

  mesh = plsc.VectorSubcoreMesh(core_axis_name="c", subcore_axis_name="s")
  part = pl.kernel(
      _sc_spmm_body,
      out_type=jax.ShapeDtypeStruct((NC * n, d_in), jnp.float32),
      mesh=mesh,
      scratch_types=[
          pltpu.VMEM_SHARED((n, d_in), jnp.float32),
          pltpu.VMEM((PAGE * CHUNK,), jnp.int32),
          pltpu.VMEM((PAGE, CHUNK), jnp.int32),
          pltpu.VMEM((PAGE * CHUNK,), jnp.float32),
          pltpu.VMEM((CHUNK, d_in), jnp.float32),
          pltpu.VMEM((CHUNK, d_in), jnp.float32),
          pltpu.SemaphoreType.DMA,
          pltpu.SemaphoreType.DMA,
          pltpu.SemaphoreType.DMA,
          pltpu.SemaphoreType.DMA,
      ],
  )(src, dst2, vals, x, zeros)

  part = part.reshape(NC, n, d_in)

  bt = 1000
  grid = n // bt
  out = pl.pallas_call(
      _tc_finish_body,
      out_shape=jax.ShapeDtypeStruct((n, d_out), jnp.float32),
      grid=(grid,),
      in_specs=[
          pl.BlockSpec(memory_space=pltpu.SMEM),
          pl.BlockSpec((NC, bt, d_in), lambda i: (0, i, 0)),
          pl.BlockSpec((bt, d_in), lambda i: (i, 0)),
          pl.BlockSpec((d_in, d_out), lambda i: (0, 0)),
      ],
      out_specs=pl.BlockSpec((bt, d_out), lambda i: (i, 0)),
  )(alpha.reshape(1), part, x, W)
  return out

# --- scband reference (transcript-rebuilt; emitter-appended) ---
"""Pipeline reference for scband-graph-convolution-22239340659136 (READ-ONLY COPY).

The authoritative reference and input builder live on the scoring server;
editing this copy changes nothing except your own understanding.
"""

import jax, jax.numpy as jnp
import numpy as np

N = 10000
E = 320000
D_IN = 128
D_OUT = 128


def setup_inputs(seed: int = 0) -> dict:
    key = jax.random.key(seed)
    k1, k2, k3, k4, k5 = jax.random.split(key, 5)
    edge_index = jax.random.randint(k1, (2, E), 0, N, dtype=jnp.int64 if jax.config.jax_enable_x64 else jnp.int32).astype(jnp.int32)
    adj_vals = jax.random.uniform(k2, (E,), dtype=jnp.float32)
    x = jax.random.normal(k3, (N, D_IN), dtype=jnp.float32)
    alpha = jax.random.uniform(k4, (), dtype=jnp.float32)
    stdv = 1.0 / np.sqrt(D_OUT)
    W = jax.random.uniform(k5, (D_IN, D_OUT), minval=-stdv, maxval=stdv, dtype=jnp.float32)
    return {"edge_index": edge_index, "adj_vals": adj_vals, "x": x, "alpha": alpha, "W": W}


def reference(edge_index, adj_vals, x, alpha, W):
    # torch.spmm(adj, x): sparse (N,N) adjacency in COO form -> gather + weighted scatter-add
    dst = edge_index[0]
    src = edge_index[1]
    msgs = adj_vals[:, None] * jnp.take(x, src, axis=0)   # gather rows of x
    spmm = jax.ops.segment_sum(msgs, dst, num_segments=N)  # scatter-add into dst rows
    h = (1.0 - alpha) * spmm + alpha * x
    h = h @ W
    return h

if __name__ == "__main__":
    import jax
    _d = setup_inputs()
    print(jax.jit(kernel)(*tuple(_d.values())))

</pallas_src>

<mosaic_0001>
#map = affine_map<(d0, d1) -> (0)>
#map1 = affine_map<(d0, d1) -> (0, 0)>
module attributes {stable_mosaic.version = 14 : i64} {
  func.func @_sc_spmm_body(%arg0: i32, %arg1: i32, %arg2: memref<327680xi32, #tpu.memory_space<hbm>>, %arg3: memref<2560x128xi32, #tpu.memory_space<hbm>>, %arg4: memref<327680xf32, #tpu.memory_space<hbm>>, %arg5: memref<10000x128xf32, #tpu.memory_space<hbm>>, %arg6: memref<10000x128xf32, #tpu.memory_space<hbm>>, %arg7: memref<20000x128xf32, #tpu.memory_space<hbm>>, %arg8: memref<10000x128xf32, #tpu.memory_space<vmem_shared>>, %arg9: memref<2048xi32, #tpu.memory_space<vmem>>, %arg10: memref<16x128xi32, #tpu.memory_space<vmem>>, %arg11: memref<2048xf32, #tpu.memory_space<vmem>>, %arg12: memref<128x128xf32, #tpu.memory_space<vmem>>, %arg13: memref<128x128xf32, #tpu.memory_space<vmem>>, %arg14: memref<!tpu.dma_semaphore, #tpu.memory_space<semaphore_mem>>, %arg15: memref<!tpu.dma_semaphore, #tpu.memory_space<semaphore_mem>>, %arg16: memref<!tpu.dma_semaphore, #tpu.memory_space<semaphore_mem>>, %arg17: memref<!tpu.dma_semaphore, #tpu.memory_space<semaphore_mem>>) attributes {dimension_semantics = [#tpu.dimension_semantics<core_parallel>, #tpu.dimension_semantics<subcore_parallel>], iteration_bounds = array<i64: 2, 16>, scalar_prefetch = 0 : i64, scratch_operands = 10 : i64, tpu.core_type = #tpu.core_type<sc_vector_subcore>, window_params = [{transform_indices = #map}, {transform_indices = #map1}, {transform_indices = #map}, {transform_indices = #map1}, {transform_indices = #map1}, {transform_indices = #map1}]} {
    %mul3A = arith.constant 624 : i32
    %mul3A_0 = arith.muli %arg1, %mul3A : i32
    %mul3A_1 = arith.constant 624 : i32
    %mul3A_2 = arith.muli %arg1, %mul3A_1 : i32
    "tpu.region"() ({
      %run_scoped3A = tpu.sem_alloc : memref<!tpu.dma_semaphore, #tpu.memory_space<semaphore_mem>>
      %dma_start3A = arith.constant 0 : i32
      %dma_start3A_22 = tpu.memref_slice %arg8[%mul3A_2, %dma_start3A] : memref<10000x128xf32, #tpu.memory_space<vmem_shared>> -> memref<624x128xf32, #tpu.memory_space<vmem_shared>>
      %dma_start3A_23 = arith.constant 0 : i32
      %dma_start3A_24 = tpu.memref_slice %arg6[%mul3A_0, %dma_start3A_23] : memref<10000x128xf32, #tpu.memory_space<hbm>> -> memref<624x128xf32, #tpu.memory_space<hbm>>
      tpu.enqueue_dma source(%dma_start3A_24 : memref<624x128xf32, #tpu.memory_space<hbm>>) target(%dma_start3A_22 : memref<624x128xf32, #tpu.memory_space<vmem_shared>>) target_semaphore(%run_scoped3A : memref<!tpu.dma_semaphore, #tpu.memory_space<semaphore_mem>>)
      %dma_wait3A = arith.constant 0 : i32
      %dma_wait3A_25 = tpu.memref_slice %arg8[%mul3A_2, %dma_wait3A] : memref<10000x128xf32, #tpu.memory_space<vmem_shared>> -> memref<624x128xf32, #tpu.memory_space<vmem_shared>>
      %dma_wait3A_26 = arith.constant 0 : i32
      %dma_wait3A_27 = tpu.memref_slice %arg6[%mul3A_0, %dma_wait3A_26] : memref<10000x128xf32, #tpu.memory_space<hbm>> -> memref<624x128xf32, #tpu.memory_space<hbm>>
      tpu.wait_dma2 semaphore(%run_scoped3A : memref<!tpu.dma_semaphore, #tpu.memory_space<semaphore_mem>>) src(%dma_wait3A_27 : memref<624x128xf32, #tpu.memory_space<hbm>>) dst(%dma_wait3A_25 : memref<624x128xf32, #tpu.memory_space<vmem_shared>>)
      tpu.yield
    }) : () -> ()
    %eq3A = arith.constant 0 : i32
    %eq3A_3 = arith.cmpi eq, %arg1, %eq3A : i32
    %convert_element_type3A = arith.extui %eq3A_3 : i1 to i32
    %cond3A = arith.constant 0 : i32
    %cond3A_4 = arith.cmpi ne, %convert_element_type3A, %cond3A : i32
    scf.if %cond3A_4 {
      "tpu.region"() ({
        %run_scoped3A = tpu.sem_alloc : memref<!tpu.dma_semaphore, #tpu.memory_space<semaphore_mem>>
        %dma_start3A = arith.constant 9984 : i32
        %dma_start3A_22 = arith.constant 0 : i32
        %dma_start3A_23 = tpu.memref_slice %arg8[%dma_start3A, %dma_start3A_22] : memref<10000x128xf32, #tpu.memory_space<vmem_shared>> -> memref<16x128xf32, #tpu.memory_space<vmem_shared>>
        %dma_start3A_24 = arith.constant 9984 : i32
        %dma_start3A_25 = arith.constant 0 : i32
        %dma_start3A_26 = tpu.memref_slice %arg6[%dma_start3A_24, %dma_start3A_25] : memref<10000x128xf32, #tpu.memory_space<hbm>> -> memref<16x128xf32, #tpu.memory_space<hbm>>
        tpu.enqueue_dma source(%dma_start3A_26 : memref<16x128xf32, #tpu.memory_space<hbm>>) target(%dma_start3A_23 : memref<16x128xf32, #tpu.memory_space<vmem_shared>>) target_semaphore(%run_scoped3A : memref<!tpu.dma_semaphore, #tpu.memory_space<semaphore_mem>>)
        %dma_wait3A = arith.constant 9984 : i32
        %dma_wait3A_27 = arith.constant 0 : i32
        %dma_wait3A_28 = tpu.memref_slice %arg8[%dma_wait3A, %dma_wait3A_27] : memref<10000x128xf32, #tpu.memory_space<vmem_shared>> -> memref<16x128xf32, #tpu.memory_space<vmem_shared>>
        %dma_wait3A_29 = arith.constant 9984 : i32
        %dma_wait3A_30 = arith.constant 0 : i32
        %dma_wait3A_31 = tpu.memref_slice %arg6[%dma_wait3A_29, %dma_wait3A_30] : memref<10000x128xf32, #tpu.memory_space<hbm>> -> memref<16x128xf32, #tpu.memory_space<hbm>>
        tpu.wait_dma2 semaphore(%run_scoped3A : memref<!tpu.dma_semaphore, #tpu.memory_space<semaphore_mem>>) src(%dma_wait3A_31 : memref<16x128xf32, #tpu.memory_space<hbm>>) dst(%dma_wait3A_28 : memref<16x128xf32, #tpu.memory_space<vmem_shared>>)
        tpu.yield
      }) : () -> ()
    } else {
    }
    %barrier3A = arith.constant 0 : index
    tpu.barrier barrier_id(%barrier3A)
    %scan3A = arith.constant 0 : i32
    %scan3A_5 = arith.constant 0 : i32
    %scan3A_6 = arith.constant 5 : i32
    %scan3A_7 = arith.addi %scan3A_5, %scan3A_6 : i32
    %scan3A_8 = arith.constant 1 : i32
    scf.for %scan3A_22 = %scan3A_5 to %scan3A_7 step %scan3A_8  : i32 {
      %mul3A_23 = arith.constant 16 : i32
      %mul3A_24 = arith.muli %arg0, %mul3A_23 : i32
      %add3A_25 = arith.addi %mul3A_24, %arg1 : i32
      %mul3A_26 = arith.constant 5 : i32
      %mul3A_27 = arith.muli %add3A_25, %mul3A_26 : i32
      %add3A_28 = arith.addi %mul3A_27, %scan3A_22 : i32
      %mul3A_29 = arith.constant 16 : i32
      %mul3A_30 = arith.muli %add3A_28, %mul3A_29 : i32
      %mul3A_31 = arith.constant 128 : i32
      %mul3A_32 = arith.muli %mul3A_30, %mul3A_31 : i32
      "tpu.region"() ({
        %run_scoped3A = tpu.sem_alloc : memref<!tpu.dma_semaphore, #tpu.memory_space<semaphore_mem>>
        %dma_start3A_63 = tpu.memref_slice %arg2[%mul3A_32] : memref<327680xi32, #tpu.memory_space<hbm>> -> memref<2048xi32, #tpu.memory_space<hbm>>
        %dma_start3A_64 = tpu.memref_slice %arg2[%mul3A_32] : memref<327680xi32, #tpu.memory_space<hbm>> -> memref<2048xi32, #tpu.memory_space<hbm>>
        tpu.enqueue_dma source(%dma_start3A_64 : memref<2048xi32, #tpu.memory_space<hbm>>) target(%arg9 : memref<2048xi32, #tpu.memory_space<vmem>>) target_semaphore(%run_scoped3A : memref<!tpu.dma_semaphore, #tpu.memory_space<semaphore_mem>>)
        %dma_wait3A_65 = tpu.memref_slice %arg2[%mul3A_32] : memref<327680xi32, #tpu.memory_space<hbm>> -> memref<2048xi32, #tpu.memory_space<hbm>>
        %dma_wait3A_66 = tpu.memref_slice %arg2[%mul3A_32] : memref<327680xi32, #tpu.memory_space<hbm>> -> memref<2048xi32, #tpu.memory_space<hbm>>
        tpu.wait_dma2 semaphore(%run_scoped3A : memref<!tpu.dma_semaphore, #tpu.memory_space<semaphore_mem>>) src(%dma_wait3A_66 : memref<2048xi32, #tpu.memory_space<hbm>>) dst(%arg9 : memref<2048xi32, #tpu.memory_space<vmem>>)
        tpu.yield
      }) : () -> ()
      %mul3A_33 = arith.constant 16 : i32
      %mul3A_34 = arith.muli %add3A_28, %mul3A_33 : i32
      %mul3A_35 = arith.constant 128 : i32
      %mul3A_36 = arith.muli %mul3A_34, %mul3A_35 : i32
      "tpu.region"() ({
        %run_scoped3A = tpu.sem_alloc : memref<!tpu.dma_semaphore, #tpu.memory_space<semaphore_mem>>
        %dma_start3A_63 = tpu.memref_slice %arg4[%mul3A_36] : memref<327680xf32, #tpu.memory_space<hbm>> -> memref<2048xf32, #tpu.memory_space<hbm>>
        %dma_start3A_64 = tpu.memref_slice %arg4[%mul3A_36] : memref<327680xf32, #tpu.memory_space<hbm>> -> memref<2048xf32, #tpu.memory_space<hbm>>
        tpu.enqueue_dma source(%dma_start3A_64 : memref<2048xf32, #tpu.memory_space<hbm>>) target(%arg11 : memref<2048xf32, #tpu.memory_space<vmem>>) target_semaphore(%run_scoped3A : memref<!tpu.dma_semaphore, #tpu.memory_space<semaphore_mem>>)
        %dma_wait3A_65 = tpu.memref_slice %arg4[%mul3A_36] : memref<327680xf32, #tpu.memory_space<hbm>> -> memref<2048xf32, #tpu.memory_space<hbm>>
        %dma_wait3A_66 = tpu.memref_slice %arg4[%mul3A_36] : memref<327680xf32, #tpu.memory_space<hbm>> -> memref<2048xf32, #tpu.memory_space<hbm>>
        tpu.wait_dma2 semaphore(%run_scoped3A : memref<!tpu.dma_semaphore, #tpu.memory_space<semaphore_mem>>) src(%dma_wait3A_66 : memref<2048xf32, #tpu.memory_space<hbm>>) dst(%arg11 : memref<2048xf32, #tpu.memory_space<vmem>>)
        tpu.yield
      }) : () -> ()
      %mul3A_37 = arith.constant 16 : i32
      %mul3A_38 = arith.muli %add3A_28, %mul3A_37 : i32
      "tpu.region"() ({
        %run_scoped3A = tpu.sem_alloc : memref<!tpu.dma_semaphore, #tpu.memory_space<semaphore_mem>>
        %dma_start3A_63 = arith.constant 0 : i32
        %dma_start3A_64 = tpu.memref_slice %arg3[%mul3A_38, %dma_start3A_63] : memref<2560x128xi32, #tpu.memory_space<hbm>> -> memref<16x128xi32, #tpu.memory_space<hbm>>
        %dma_start3A_65 = arith.constant 0 : i32
        %dma_start3A_66 = tpu.memref_slice %arg3[%mul3A_38, %dma_start3A_65] : memref<2560x128xi32, #tpu.memory_space<hbm>> -> memref<16x128xi32, #tpu.memory_space<hbm>>
        tpu.enqueue_dma source(%dma_start3A_66 : memref<16x128xi32, #tpu.memory_space<hbm>>) target(%arg10 : memref<16x128xi32, #tpu.memory_space<vmem>>) target_semaphore(%run_scoped3A : memref<!tpu.dma_semaphore, #tpu.memory_space<semaphore_mem>>)
        %dma_wait3A_67 = arith.constant 0 : i32
        %dma_wait3A_68 = tpu.memref_slice %arg3[%mul3A_38, %dma_wait3A_67] : memref<2560x128xi32, #tpu.memory_space<hbm>> -> memref<16x128xi32, #tpu.memory_space<hbm>>
        %dma_wait3A_69 = arith.constant 0 : i32
        %dma_wait3A_70 = tpu.memref_slice %arg3[%mul3A_38, %dma_wait3A_69] : memref<2560x128xi32, #tpu.memory_space<hbm>> -> memref<16x128xi32, #tpu.memory_space<hbm>>
        tpu.wait_dma2 semaphore(%run_scoped3A : memref<!tpu.dma_semaphore, #tpu.memory_space<semaphore_mem>>) src(%dma_wait3A_70 : memref<16x128xi32, #tpu.memory_space<hbm>>) dst(%arg10 : memref<16x128xi32, #tpu.memory_space<vmem>>)
        tpu.yield
      }) : () -> ()
      %dma_start3A = arith.constant 0 : i32
      %dma_start3A_39 = tpu.memref_slice %arg9[%dma_start3A] : memref<2048xi32, #tpu.memory_space<vmem>> -> memref<128xi32, #tpu.memory_space<vmem>>
      %dma_start3A_40 = arith.constant 0 : i32
      %dma_start3A_41 = arith.constant 0 : i32
      %dma_start3A_42 = tpu.memref_slice %arg5[%dma_start3A_40, %dma_start3A_41] : memref<10000x128xf32, #tpu.memory_space<hbm>> -> memref<10000x128xf32, #tpu.memory_space<hbm>>
      tpu.enqueue_indirect_dma source(%dma_start3A_42 : memref<10000x128xf32, #tpu.memory_space<hbm>>) target(%arg12 : memref<128x128xf32, #tpu.memory_space<vmem>>) offsets(%dma_start3A_39 : memref<128xi32, #tpu.memory_space<vmem>>) semaphore(%arg14 : memref<!tpu.dma_semaphore, #tpu.memory_space<semaphore_mem>>)
      %dma_start3A_43 = arith.constant 128 : i32
      %dma_start3A_44 = tpu.memref_slice %arg9[%dma_start3A_43] : memref<2048xi32, #tpu.memory_space<vmem>> -> memref<128xi32, #tpu.memory_space<vmem>>
      %dma_start3A_45 = arith.constant 0 : i32
      %dma_start3A_46 = arith.constant 0 : i32
      %dma_start3A_47 = tpu.memref_slice %arg5[%dma_start3A_45, %dma_start3A_46] : memref<10000x128xf32, #tpu.memory_space<hbm>> -> memref<10000x128xf32, #tpu.memory_space<hbm>>
      tpu.enqueue_indirect_dma source(%dma_start3A_47 : memref<10000x128xf32, #tpu.memory_space<hbm>>) target(%arg13 : memref<128x128xf32, #tpu.memory_space<vmem>>) offsets(%dma_start3A_44 : memref<128xi32, #tpu.memory_space<vmem>>) semaphore(%arg15 : memref<!tpu.dma_semaphore, #tpu.memory_space<semaphore_mem>>)
      %scan3A_48 = arith.constant 0 : i32
      %scan3A_49 = arith.constant 0 : i32
      %scan3A_50 = arith.constant 8 : i32
      %scan3A_51 = arith.addi %scan3A_49, %scan3A_50 : i32
      %scan3A_52 = arith.constant 1 : i32
      scf.for %scan3A_63 = %scan3A_49 to %scan3A_51 step %scan3A_52  : i32 {
        %mul3A_64 = arith.constant 2 : i32
        %mul3A_65 = arith.muli %mul3A_64, %scan3A_63 : i32
        %add3A_66 = arith.constant 1 : i32
        %add3A_67 = arith.addi %mul3A_65, %add3A_66 : i32
        %dma_wait3A_68 = arith.constant 0 : i32
        %dma_wait3A_69 = tpu.memref_slice %arg9[%dma_wait3A_68] : memref<2048xi32, #tpu.memory_space<vmem>> -> memref<128xi32, #tpu.memory_space<vmem>>
        %dma_wait3A_70 = arith.constant 0 : i32
        %dma_wait3A_71 = arith.constant 0 : i32
        %dma_wait3A_72 = tpu.memref_slice %arg5[%dma_wait3A_70, %dma_wait3A_71] : memref<10000x128xf32, #tpu.memory_space<hbm>> -> memref<10000x128xf32, #tpu.memory_space<hbm>>
        tpu.wait_indirect_dma semaphore(%arg14 : memref<!tpu.dma_semaphore, #tpu.memory_space<semaphore_mem>>) src(%dma_wait3A_72 : memref<10000x128xf32, #tpu.memory_space<hbm>>) dst(%arg12 : memref<128x128xf32, #tpu.memory_space<vmem>>)
        %mul3A_73 = arith.constant 128 : i32
        %mul3A_74 = arith.muli %mul3A_65, %mul3A_73 : i32
        %scan3A_75 = arith.constant 0 : i32
        %scan3A_76 = arith.constant 0 : i32
        %scan3A_77 = arith.constant 8 : i32
        %scan3A_78 = arith.addi %scan3A_76, %scan3A_77 : i32
        %scan3A_79 = arith.constant 1 : i32
        scf.for %scan3A_139 = %scan3A_76 to %scan3A_78 step %scan3A_79  : i32 {
          %mul3A_140 = arith.constant 16 : i32
          %mul3A_141 = arith.muli %scan3A_139, %mul3A_140 : i32
          %add3A_142 = arith.addi %mul3A_74, %mul3A_141 : i32
          %get3A = arith.index_cast %add3A_142 : i32 to index
          %get3A_143 = tpu.vector_load %arg11[%get3A] {strides = array<i32>} : memref<2048xf32, #tpu.memory_space<vmem>>, vector<16xf32>,
          %get3A_144 = vector.shape_cast %get3A_143 : vector<16xf32> to vector<16xf32>
          %broadcast_in_dim3A = arith.constant 0 : i32
          %broadcast_in_dim3A_145 = vector.broadcast %broadcast_in_dim3A : i32 to vector<16x1xi32>
          %gather3A = vector.shape_cast %broadcast_in_dim3A_145 : vector<16x1xi32> to vector<16xi32>
          %gather3A_146 = tpu.dynamic_gather %get3A_144[%gather3A] in [0] : vector<16xf32>, vector<16xi32> -> vector<16xf32>
          %mul3A_147 = arith.constant 16 : i32
          %mul3A_148 = arith.muli %scan3A_139, %mul3A_147 : i32
          %add3A_149 = arith.constant 0 : i32
          %add3A_150 = arith.addi %mul3A_148, %add3A_149 : i32
          %get3A_151 = arith.index_cast %add3A_150 : i32 to index
          %get3A_152 = arith.constant 0 : index
          %get3A_153 = tpu.vector_load %arg12[%get3A_151, %get3A_152] {strides = array<i32>} : memref<128x128xf32, #tpu.memory_space<vmem>>, vector<1x16xf32>,
          %get3A_154 = vector.shape_cast %get3A_153 : vector<1x16xf32> to vector<16xf32>
          %mul3A_155 = arith.mulf %get3A_154, %gather3A_146 : vector<16xf32>
          %swap3A = arith.index_cast %add3A_150 : i32 to index
          %swap3A_156 = arith.constant 0 : index
          %swap3A_157 = tpu.vector_load %arg12[%swap3A, %swap3A_156] {strides = array<i32>} : memref<128x128xf32, #tpu.memory_space<vmem>>, vector<1x16xf32>,
          %swap3A_158 = vector.shape_cast %swap3A_157 : vector<1x16xf32> to vector<16xf32>
          %swap3A_159 = vector.shape_cast %mul3A_155 : vector<16xf32> to vector<1x16xf32>
          tpu.vector_store %arg12[%swap3A, %swap3A_156], %swap3A_159 {strides = array<i32>} : memref<128x128xf32, #tpu.memory_space<vmem>>, vector<1x16xf32>,
          %mul3A_160 = arith.constant 16 : i32
          %mul3A_161 = arith.muli %scan3A_139, %mul3A_160 : i32
          %add3A_162 = arith.constant 0 : i32
          %add3A_163 = arith.addi %mul3A_161, %add3A_162 : i32
          %get3A_164 = arith.index_cast %add3A_163 : i32 to index
          %get3A_165 = arith.constant 16 : index
          %get3A_166 = tpu.vector_load %arg12[%get3A_164, %get3A_165] {strides = array<i32>} : memref<128x128xf32, #tpu.memory_space<vmem>>, vector<1x16xf32>,
          %get3A_167 = vector.shape_cast %get3A_166 : vector<1x16xf32> to vector<16xf32>
          %mul3A_168 = arith.mulf %get3A_167, %gather3A_146 : vector<16xf32>
          %swap3A_169 = arith.index_cast %add3A_163 : i32 to index
          %swap3A_170 = arith.constant 16 : index
          %swap3A_171 = tpu.vector_load %arg12[%swap3A_169, %swap3A_170] {strides = array<i32>} : memref<128x128xf32, #tpu.memory_space<vmem>>, vector<1x16xf32>,
          %swap3A_172 = vector.shape_cast %swap3A_171 : vector<1x16xf32> to vector<16xf32>
          %swap3A_173 = vector.shape_cast %mul3A_168 : vector<16xf32> to vector<1x16xf32>
          tpu.vector_store %arg12[%swap3A_169, %swap3A_170], %swap3A_173 {strides = array<i32>} : memref<128x128xf32, #tpu.memory_space<vmem>>, vector<1x16xf32>,
          %mul3A_174 = arith.constant 16 : i32
          %mul3A_175 = arith.muli %scan3A_139, %mul3A_174 : i32
          %add3A_176 = arith.constant 0 : i32
          %add3A_177 = arith.addi %mul3A_175, %add3A_176 : i32
          %get3A_178 = arith.index_cast %add3A_177 : i32 to index
          %get3A_179 = arith.constant 32 : index
          %get3A_180 = tpu.vector_load %arg12[%get3A_178, %get3A_179] {strides = array<i32>} : memref<128x128xf32, #tpu.memory_space<vmem>>, vector<1x16xf32>,
          %get3A_181 = vector.shape_cast %get3A_180 : vector<1x16xf32> to vector<16xf32>
          %mul3A_182 = arith.mulf %get3A_181, %gather3A_146 : vector<16xf32>
          %swap3A_183 = arith.index_cast %add3A_177 : i32 to index
          %swap3A_184 = arith.constant 32 : index
          %swap3A_185 = tpu.vector_load %arg12[%swap3A_183, %swap3A_184] {strides = array<i32>} : memref<128x128xf32, #tpu.memory_space<vmem>>, vector<1x16xf32>,
          %swap3A_186 = vector.shape_cast %swap3A_185 : vector<1x16xf32> to vector<16xf32>
          %swap3A_187 = vector.shape_cast %mul3A_182 : vector<16xf32> to vector<1x16xf32>
          tpu.vector_store %arg12[%swap3A_183, %swap3A_184], %swap3A_187 {strides = array<i32>} : memref<128x128xf32, #tpu.memory_space<vmem>>, vector<1x16xf32>,
          %mul3A_188 = arith.constant 16 : i32
          %mul3A_189 = arith.muli %scan3A_139, %mul3A_188 : i32
          %add3A_190 = arith.constant 0 : i32
          %add3A_191 = arith.addi %mul3A_189, %add3A_190 : i32
          %get3A_192 = arith.index_cast %add3A_191 : i32 to index
          %get3A_193 = arith.constant 48 : index
          %get3A_194 = tpu.vector_load %arg12[%get3A_192, %get3A_193] {strides = array<i32>} : memref<128x128xf32, #tpu.memory_space<vmem>>, vector<1x16xf32>,
          %get3A_195 = vector.shape_cast %get3A_194 : vector<1x16xf32> to vector<16xf32>
          %mul3A_196 = arith.mulf %get3A_195, %gather3A_146 : vector<16xf32>
          %swap3A_197 = arith.index_cast %add3A_191 : i32 to index
          %swap3A_198 = arith.constant 48 : index
          %swap3A_199 = tpu.vector_load %arg12[%swap3A_197, %swap3A_198] {strides = array<i32>} : memref<128x128xf32, #tpu.memory_space<vmem>>, vector<1x16xf32>,
          %swap3A_200 = vector.shape_cast %swap3A_199 : vector<1x16xf32> to vector<16xf32>
          %swap3A_201 = vector.shape_cast %mul3A_196 : vector<16xf32> to vector<1x16xf32>
          tpu.vector_store %arg12[%swap3A_197, %swap3A_198], %swap3A_201 {strides = array<i32>} : memref<128x128xf32, #tpu.memory_space<vmem>>, vector<1x16xf32>,
          %mul3A_202 = arith.constant 16 : i32
          %mul3A_203 = arith.muli %scan3A_139, %mul3A_202 : i32
          %add3A_204 = arith.constant 0 : i32
          %add3A_205 = arith.addi %mul3A_203, %add3A_204 : i32
          %get3A_206 = arith.index_cast %add3A_205 : i32 to index
          %get3A_207 = arith.constant 64 : index
          %get3A_208 = tpu.vector_load %arg12[%get3A_206, %get3A_207] {strides = array<i32>} : memref<128x128xf32, #tpu.memory_space<vmem>>, vector<1x16xf32>,
          %get3A_209 = vector.shape_cast %get3A_208 : vector<1x16xf32> to vector<16xf32>
          %mul3A_210 = arith.mulf %get3A_209, %gather3A_146 : vector<16xf32>
          %swap3A_211 = arith.index_cast %add3A_205 : i32 to index
          %swap3A_212 = arith.constant 64 : index
          %swap3A_213 = tpu.vector_load %arg12[%swap3A_211, %swap3A_212] {strides = array<i32>} : memref<128x128xf32, #tpu.memory_space<vmem>>, vector<1x16xf32>,
          %swap3A_214 = vector.shape_cast %swap3A_213 : vector<1x16xf32> to vector<16xf32>
          %swap3A_215 = vector.shape_cast %mul3A_210 : vector<16xf32> to vector<1x16xf32>
          tpu.vector_store %arg12[%swap3A_211, %swap3A_212], %swap3A_215 {strides = array<i32>} : memref<128x128xf32, #tpu.memory_space<vmem>>, vector<1x16xf32>,
          %mul3A_216 = arith.constant 16 : i32
          %mul3A_217 = arith.muli %scan3A_139, %mul3A_216 : i32
          %add3A_218 = arith.constant 0 : i32
          %add3A_219 = arith.addi %mul3A_217, %add3A_218 : i32
          %get3A_220 = arith.index_cast %add3A_219 : i32 to index
          %get3A_221 = arith.constant 80 : index
          %get3A_222 = tpu.vector_load %arg12[%get3A_220, %get3A_221] {strides = array<i32>} : memref<128x128xf32, #tpu.memory_space<vmem>>, vector<1x16xf32>,
          %get3A_223 = vector.shape_cast %get3A_222 : vector<1x16xf32> to vector<16xf32>
          %mul3A_224 = arith.mulf %get3A_223, %gather3A_146 : vector<16xf32>
          %swap3A_225 = arith.index_cast %add3A_219 : i32 to index
          %swap3A_226 = arith.constant 80 : index
          %swap3A_227 = tpu.vector_load %arg12[%swap3A_225, %swap3A_226] {strides = array<i32>} : memref<128x128xf32, #tpu.memory_space<vmem>>, vector<1x16xf32>,
          %swap3A_228 = vector.shape_cast %swap3A_227 : vector<1x16xf32> to vector<16xf32>
          %swap3A_229 = vector.shape_cast %mul3A_224 : vector<16xf32> to vector<1x16xf32>
          tpu.vector_store %arg12[%swap3A_225, %swap3A_226], %swap3A_229 {strides = array<i32>} : memref<128x128xf32, #tpu.memory_space<vmem>>, vector<1x16xf32>,
          %mul3A_230 = arith.constant 16 : i32
          %mul3A_231 = arith.muli %scan3A_139, %mul3A_230 : i32
          %add3A_232 = arith.constant 0 : i32
          %add3A_233 = arith.addi %mul3A_231, %add3A_232 : i32
          %get3A_234 = arith.index_cast %add3A_233 : i32 to index
          %get3A_235 = arith.constant 96 : index
          %get3A_236 = tpu.vector_load %arg12[%get3A_234, %get3A_235] {strides = array<i32>} : memref<128x128xf32, #tpu.memory_space<vmem>>, vector<1x16xf32>,
          %get3A_237 = vector.shape_cast %get3A_236 : vector<1x16xf32> to vector<16xf32>
          %mul3A_238 = arith.mulf %get3A_237, %gather3A_146 : vector<16xf32>
          %swap3A_239 = arith.index_cast %add3A_233 : i32 to index
          %swap3A_240 = arith.constant 96 : index
          %swap3A_241 = tpu.vector_load %arg12[%swap3A_239, %swap3A_240] {strides = array<i32>} : memref<128x128xf32, #tpu.memory_space<vmem>>, vector<1x16xf32>,
          %swap3A_242 = vector.shape_cast %swap3A_241 : vector<1x16xf32> to vector<16xf32>
          %swap3A_243 = vector.shape_cast %mul3A_238 : vector<16xf32> to vector<1x16xf32>
          tpu.vector_store %arg12[%swap3A_239, %swap3A_240], %swap3A_243 {strides = array<i32>} : memref<128x128xf32, #tpu.memory_space<vmem>>, vector<1x16xf32>,
          %mul3A_244 = arith.constant 16 : i32
          %mul3A_245 = arith.muli %scan3A_139, %mul3A_244 : i32
          %add3A_246 = arith.constant 0 : i32
          %add3A_247 = arith.addi %mul3A_245, %add3A_246 : i32
          %get3A_248 = arith.index_cast %add3A_247 : i32 to index
          %get3A_249 = arith.constant 112 : index
          %get3A_250 = tpu.vector_load %arg12[%get3A_248, %get3A_249] {strides = array<i32>} : memref<128x128xf32, #tpu.memory_space<vmem>>, vector<1x16xf32>,
          %get3A_251 = vector.shape_cast %get3A_250 : vector<1x16xf32> to vector<16xf32>
          %mul3A_252 = arith.mulf %get3A_251, %gather3A_146 : vector<16xf32>
          %swap3A_253 = arith.index_cast %add3A_247 : i32 to index
          %swap3A_254 = arith.constant 112 : index
          %swap3A_255 = tpu.vector_load %arg12[%swap3A_253, %swap3A_254] {strides = array<i32>} : memref<128x128xf32, #tpu.memory_space<vmem>>, vector<1x16xf32>,
          %swap3A_256 = vector.shape_cast %swap3A_255 : vector<1x16xf32> to vector<16xf32>
          %swap3A_257 = vector.shape_cast %mul3A_252 : vector<16xf32> to vector<1x16xf32>
          tpu.vector_store %arg12[%swap3A_253, %swap3A_254], %swap3A_257 {strides = array<i32>} : memref<128x128xf32, #tpu.memory_space<vmem>>, vector<1x16xf32>,
          %broadcast_in_dim3A_258 = arith.constant 1 : i32
          %broadcast_in_dim3A_259 = vector.broadcast %broadcast_in_dim3A_258 : i32 to vector<16x1xi32>
          %gather3A_260 = vector.shape_cast %broadcast_in_dim3A_259 : vector<16x1xi32> to vector<16xi32>
          %gather3A_261 = tpu.dynamic_gather %get3A_144[%gather3A_260] in [0] : vector<16xf32>, vector<16xi32> -> vector<16xf32>
          %mul3A_262 = arith.constant 16 : i32
          %mul3A_263 = arith.muli %scan3A_139, %mul3A_262 : i32
          %add3A_264 = arith.constant 1 : i32
          %add3A_265 = arith.addi %mul3A_263, %add3A_264 : i32
          %get3A_266 = arith.index_cast %add3A_265 : i32 to index
          %get3A_267 = arith.constant 0 : index
          %get3A_268 = tpu.vector_load %arg12[%get3A_266, %get3A_267] {strides = array<i32>} : memref<128x128xf32, #tpu.memory_space<vmem>>, vector<1x16xf32>,
          %get3A_269 = vector.shape_cast %get3A_268 : vector<1x16xf32> to vector<16xf32>
          %mul3A_270 = arith.mulf %get3A_269, %gather3A_261 : vector<16xf32>
          %swap3A_271 = arith.index_cast %add3A_265 : i32 to index
          %swap3A_272 = arith.constant 0 : index
          %swap3A_273 = tpu.vector_load %arg12[%swap3A_271, %swap3A_272] {strides = array<i32>} : memref<128x128xf32, #tpu.memory_space<vmem>>, vector<1x16xf32>,
          %swap3A_274 = vector.shape_cast %swap3A_273 : vector<1x16xf32> to vector<16xf32>
          %swap3A_275 = vector.shape_cast %mul3A_270 : vector<16xf32> to vector<1x16xf32>
          tpu.vector_store %arg12[%swap3A_271, %swap3A_272], %swap3A_275 {strides = array<i32>} : memref<128x128xf32, #tpu.memory_space<vmem>>, vector<1x16xf32>,
          %mul3A_276 = arith.constant 16 : i32
          %mul3A_277 = arith.muli %scan3A_139, %mul3A_276 : i32
          %add3A_278 = arith.constant 1 : i32
          %add3A_279 = arith.addi %mul3A_277, %add3A_278 : i32
          %get3A_280 = arith.index_cast %add3A_279 : i32 to index
          %get3A_281 = arith.constant 16 : index
          %get3A_282 = tpu.vector_load %arg12[%get3A_280, %get3A_281] {strides = array<i32>} : memref<128x128xf32, #tpu.memory_space<vmem>>, vector<1x16xf32>,
          %get3A_283 = vector.shape_cast %get3A_282 : vector<1x16xf32> to vector<16xf32>
          %mul3A_284 = arith.mulf %get3A_283, %gather3A_261 : vector<16xf32>
          %swap3A_285 = arith.index_cast %add3A_279 : i32 to index
          %swap3A_286 = arith.constant 16 : index
          %swap3A_287 = tpu.vector_load %arg12[%swap3A_285, %swap3A_286] {strides = array<i32>} : memref<128x128xf32, #tpu.memory_space<vmem>>, vector<1x16xf32>,
          %swap3A_288 = vector.shape_cast %swap3A_287 : vector<1x16xf32> to vector<16xf32>
          %swap3A_289 = vector.shape_cast %mul3A_284 : vector<16xf32> to vector<1x16xf32>
          tpu.vector_store %arg12[%swap3A_285, %swap3A_286], %swap3A_289 {strides = array<i32>} : memref<128x128xf32, #tpu.memory_space<vmem>>, vector<1x16xf32>,
          %mul3A_290 = arith.constant 16 : i32
          %mul3A_291 = arith.muli %scan3A_139, %mul3A_290 : i32
          %add3A_292 = arith.constant 1 : i32
          %add3A_293 = arith.addi %mul3A_291, %add3A_292 : i32
          %get3A_294 = arith.index_cast %add3A_293 : i32 to index
          %get3A_295 = arith.constant 32 : index
          %get3A_296 = tpu.vector_load %arg12[%get3A_294, %get3A_295] {strides = array<i32>} : memref<128x128xf32, #tpu.memory_space<vmem>>, vector<1x16xf32>,
          %get3A_297 = vector.shape_cast %get3A_296 : vector<1x16xf32> to vector<16xf32>
          %mul3A_298 = arith.mulf %get3A_297, %gather3A_261 : vector<16xf32>
          %swap3A_299 = arith.index_cast %add3A_293 : i32 to index
          %swap3A_300 = arith.constant 32 : index
          %swap3A_301 = tpu.vector_load %arg12[%swap3A_299, %swap3A_300] {strides = array<i32>} : memref<128x128xf32, #tpu.memory_space<vmem>>, vector<1x16xf32>,
          %swap3A_302 = vector.shape_cast %swap3A_301 : vector<1x16xf32> to vector<16xf32>
          %swap3A_303 = vector.shape_cast %mul3A_298 : vector<16xf32> to vector<1x16xf32>
          tpu.vector_store %arg12[%swap3A_299, %swap3A_300], %swap3A_303 {strides = array<i32>} : memref<128x128xf32, #tpu.memory_space<vmem>>, vector<1x16xf32>,
          %mul3A_304 = arith.constant 16 : i32
          %mul3A_305 = arith.muli %scan3A_139, %mul3A_304 : i32
          %add3A_306 = arith.constant 1 : i32
          %add3A_307 = arith.addi %mul3A_305, %add3A_306 : i32
          %get3A_308 = arith.index_cast %add3A_307 : i32 to index
          %get3A_309 = arith.constant 48 : index
          %get3A_310 = tpu.vector_load %arg12[%get3A_308, %get3A_309] {strides = array<i32>} : memref<128x128xf32, #tpu.memory_space<vmem>>, vector<1x16xf32>,
          %get3A_311 = vector.shape_cast %get3A_310 : vector<1x16xf32> to vector<16xf32>
          %mul3A_312 = arith.mulf %get3A_311, %gather3A_261 : vector<16xf32>
          %swap3A_313 = arith.index_cast %add3A_307 : i32 to index
          %swap3A_314 = arith.constant 48 : index
          %swap3A_315 = tpu.vector_load %arg12[%swap3A_313, %swap3A_314] {strides = array<i32>} : memref<128x128xf32, #tpu.memory_space<vmem>>, vector<1x16xf32>,
          %swap3A_316 = vector.shape_cast %swap3A_315 : vector<1x16xf32> to vector<16xf32>
          %swap3A_317 = vector.shape_cast %mul3A_312 : vector<16xf32> to vector<1x16xf32>
          tpu.vector_store %arg12[%swap3A_313, %swap3A_314], %swap3A_317 {strides = array<i32>} : memref<128x128xf32, #tpu.memory_space<vmem>>, vector<1x16xf32>,
          %mul3A_318 = arith.constant 16 : i32
          %mul3A_319 = arith.muli %scan3A_139, %mul3A_318 : i32
          %add3A_320 = arith.constant 1 : i32
          %add3A_321 = arith.addi %mul3A_319, %add3A_320 : i32
          %get3A_322 = arith.index_cast %add3A_321 : i32 to index
          %get3A_323 = arith.constant 64 : index
          %get3A_324 = tpu.vector_load %arg12[%get3A_322, %get3A_323] {strides = array<i32>} : memref<128x128xf32, #tpu.memory_space<vmem>>, vector<1x16xf32>,
          %get3A_325 = vector.shape_cast %get3A_324 : vector<1x16xf32> to vector<16xf32>
          %mul3A_326 = arith.mulf %get3A_325, %gather3A_261 : vector<16xf32>
          %swap3A_327 = arith.index_cast %add3A_321 : i32 to index
          %swap3A_328 = arith.constant 64 : index
          %swap3A_329 = tpu.vector_load %arg12[%swap3A_327, %swap3A_328] {strides = array<i32>} : memref<128x128xf32, #tpu.memory_space<vmem>>, vector<1x16xf32>,
          %swap3A_330 = vector.shape_cast %swap3A_329 : vector<1x16xf32> to vector<16xf32>
          %swap3A_331 = vector.shape_cast %mul3A_326 : vector<16xf32> to vector<1x16xf32>
          tpu.vector_store %arg12[%swap3A_327, %swap3A_328], %swap3A_331 {strides = array<i32>} : memref<128x128xf32, #tpu.memory_space<vmem>>, vector<1x16xf32>,
          %mul3A_332 = arith.constant 16 : i32
          %mul3A_333 = arith.muli %scan3A_139, %mul3A_332 : i32
          %add3A_334 = arith.constant 1 : i32
          %add3A_335 = arith.addi %mul3A_333, %add3A_334 : i32
          %get3A_336 = arith.index_cast %add3A_335 : i32 to index
          %get3A_337 = arith.constant 80 : index
          %get3A_338 = tpu.vector_load %arg12[%get3A_336, %get3A_337] {strides = array<i32>} : memref<128x128xf32, #tpu.memory_space<vmem>>, vector<1x16xf32>,
          %get3A_339 = vector.shape_cast %get3A_338 : vector<1x16xf32> to vector<16xf32>
          %mul3A_340 = arith.mulf %get3A_339, %gather3A_261 : vector<16xf32>
          %swap3A_341 = arith.index_cast %add3A_335 : i32 to index
          %swap3A_342 = arith.constant 80 : index
          %swap3A_343 = tpu.vector_load %arg12[%swap3A_341, %swap3A_342] {strides = array<i32>} : memref<128x128xf32, #tpu.memory_space<vmem>>, vector<1x16xf32>,
          %swap3A_344 = vector.shape_cast %swap3A_343 : vector<1x16xf32> to vector<16xf32>
          %swap3A_345 = vector.shape_cast %mul3A_340 : vector<16xf32> to vector<1x16xf32>
          tpu.vector_store %arg12[%swap3A_341, %swap3A_342], %swap3A_345 {strides = array<i32>} : memref<128x128xf32, #tpu.memory_space<vmem>>, vector<1x16xf32>,
          %mul3A_346 = arith.constant 16 : i32
          %mul3A_347 = arith.muli %scan3A_139, %mul3A_346 : i32
          %add3A_348 = arith.constant 1 : i32
          %add3A_349 = arith.addi %mul3A_347, %add3A_348 : i32
          %get3A_350 = arith.index_cast %add3A_349 : i32 to index
          %get3A_351 = arith.constant 96 : index
          %get3A_352 = tpu.vector_load %arg12[%get3A_350, %get3A_351] {strides = array<i32>} : memref<128x128xf32, #tpu.memory_space<vmem>>, vector<1x16xf32>,
          %get3A_353 = vector.shape_cast %get3A_352 : vector<1x16xf32> to vector<16xf32>
          %mul3A_354 = arith.mulf %get3A_353, %gather3A_261 : vector<16xf32>
          %swap3A_355 = arith.index_cast %add3A_349 : i32 to index
          %swap3A_356 = arith.constant 96 : index
          %swap3A_357 = tpu.vector_load %arg12[%swap3A_355, %swap3A_356] {strides = array<i32>} : memref<128x128xf32, #tpu.memory_space<vmem>>, vector<1x16xf32>,
          %swap3A_358 = vector.shape_cast %swap3A_357 : vector<1x16xf32> to vector<16xf32>
          %swap3A_359 = vector.shape_cast %mul3A_354 : vector<16xf32> to vector<1x16xf32>
          tpu.vector_store %arg12[%swap3A_355, %swap3A_356], %swap3A_359 {strides = array<i32>} : memref<128x128xf32, #tpu.memory_space<vmem>>, vector<1x16xf32>,
          %mul3A_360 = arith.constant 16 : i32
          %mul3A_361 = arith.muli %scan3A_139, %mul3A_360 : i32
          %add3A_362 = arith.constant 1 : i32
          %add3A_363 = arith.addi %mul3A_361, %add3A_362 : i32
          %get3A_364 = arith.index_cast %add3A_363 : i32 to index
          %get3A_365 = arith.constant 112 : index
          %get3A_366 = tpu.vector_load %arg12[%get3A_364, %get3A_365] {strides = array<i32>} : memref<128x128xf32, #tpu.memory_space<vmem>>, vector<1x16xf32>,
          %get3A_367 = vector.shape_cast %get3A_366 : vector<1x16xf32> to vector<16xf32>
          %mul3A_368 = arith.mulf %get3A_367, %gather3A_261 : vector<16xf32>
          %swap3A_369 = arith.index_cast %add3A_363 : i32 to index
          %swap3A_370 = arith.constant 112 : index
          %swap3A_371 = tpu.vector_load %arg12[%swap3A_369, %swap3A_370] {strides = array<i32>} : memref<128x128xf32, #tpu.memory_space<vmem>>, vector<1x16xf32>,
          %swap3A_372 = vector.shape_cast %swap3A_371 : vector<1x16xf32> to vector<16xf32>
          %swap3A_373 = vector.shape_cast %mul3A_368 : vector<16xf32> to vector<1x16xf32>
          tpu.vector_store %arg12[%swap3A_369, %swap3A_370], %swap3A_373 {strides = array<i32>} : memref<128x128xf32, #tpu.memory_space<vmem>>, vector<1x16xf32>,
          %broadcast_in_dim3A_374 = arith.constant 2 : i32
          %broadcast_in_dim3A_375 = vector.broadcast %broadcast_in_dim3A_374 : i32 to vector<16x1xi32>
          %gather3A_376 = vector.shape_cast %broadcast_in_dim3A_375 : vector<16x1xi32> to vector<16xi32>
          %gather3A_377 = tpu.dynamic_gather %get3A_144[%gather3A_376] in [0] : vector<16xf32>, vector<16xi32> -> vector<16xf32>
          %mul3A_378 = arith.constant 16 : i32
          %mul3A_379 = arith.muli %scan3A_139, %mul3A_378 : i32
          %add3A_380 = arith.constant 2 : i32
          %add3A_381 = arith.addi %mul3A_379, %add3A_380 : i32
          %get3A_382 = arith.index_cast %add3A_381 : i32 to index
          %get3A_383 = arith.constant 0 : index
          %get3A_384 = tpu.vector_load %arg12[%get3A_382, %get3A_383] {strides = array<i32>} : memref<128x128xf32, #tpu.memory_space<vmem>>, vector<1x16xf32>,
          %get3A_385 = vector.shape_cast %get3A_384 : vector<1x16xf32> to vector<16xf32>
          %mul3A_386 = arith.mulf %get3A_385, %gather3A_377 : vector<16xf32>
          %swap3A_387 = arith.index_cast %add3A_381 : i32 to index
          %swap3A_388 = arith.constant 0 : index
          %swap3A_389 = tpu.vector_load %arg12[%swap3A_387, %swap3A_388] {strides = array<i32>} : memref<128x128xf32, #tpu.memory_space<vmem>>, vector<1x16xf32>,
          %swap3A_390 = vector.shape_cast %swap3A_389 : vector<1x16xf32> to vector<16xf32>
          %swap3A_391 = vector.shape_cast %mul3A_386 : vector<16xf32> to vector<1x16xf32>
          tpu.vector_store %arg12[%swap3A_387, %swap3A_388], %swap3A_391 {strides = array<i32>} : memref<128x128xf32, #tpu.memory_space<vmem>>, vector<1x16xf32>,
          %mul3A_392 = arith.constant 16 : i32
          %mul3A_393 = arith.muli %scan3A_139, %mul3A_392 : i32
          %add3A_394 = arith.constant 2 : i32
          %add3A_395 = arith.addi %mul3A_393, %add3A_394 : i32
          %get3A_396 = arith.index_cast %add3A_395 : i32 to index
          %get3A_397 = arith.constant 16 : index
          %get3A_398 = tpu.vector_load %arg12[%get3A_396, %get3A_397] {strides = array<i32>} : memref<128x128xf32, #tpu.memory_space<vmem>>, vector<1x16xf32>,
          %get3A_399 = vector.shape_cast %get3A_398 : vector<1x16xf32> to vector<16xf32>
          %mul3A_400 = arith.mulf %get3A_399, %gather3A_377 : vector<16xf32>
          %swap3A_401 = arith.index_cast %add3A_395 : i32 to index
          %swap3A_402 = arith.constant 16 : index
          %swap3A_403 = tpu.vector_load %arg12[%swap3A_401, %swap3A_402] {strides = array<i32>} : memref<128x128xf32, #tpu.memory_space<vmem>>, vector<1x16xf32>,
          %swap3A_404 = vector.shape_cast %swap3A_403 : vector<1x16xf32> to vector<16xf32>
          %swap3A_405 = vector.shape_cast %mul3A_400 : vector<16xf32> to vector<1x16xf32>
          tpu.vector_store %arg12[%swap3A_401, %swap3A_402], %swap3A_405 {strides = array<i32>} : memref<128x128xf32, #tpu.memory_space<vmem>>, vector<1x16xf32>,
          %mul3A_406 = arith.constant 16 : i32
          %mul3A_407 = arith.muli %scan3A_139, %mul3A_406 : i32
          %add3A_408 = arith.constant 2 : i32
          %add3A_409 = arith.addi %mul3A_407, %add3A_408 : i32
          %get3A_410 = arith.index_cast %add3A_409 : i32 to index
          %get3A_411 = arith.constant 32 : index
          %get3A_412 = tpu.vector_load %arg12[%get3A_410, %get3A_411] {strides = array<i32>} : memref<128x128xf32, #tpu.memory_space<vmem>>, vector<1x16xf32>,
          %get3A_413 = vector.shape_cast %get3A_412 : vector<1x16xf32> to vector<16xf32>
          %mul3A_414 = arith.mulf %get3A_413, %gather3A_377 : vector<16xf32>
          %swap3A_415 = arith.index_cast %add3A_409 : i32 to index
          %swap3A_416 = arith.constant 32 : index
          %swap3A_417 = tpu.vector_load %arg12[%swap3A_415, %swap3A_416] {strides = array<i32>} : memref<128x128xf32, #tpu.memory_space<vmem>>, vector<1x16xf32>,
          %swap3A_418 = vector.shape_cast %swap3A_417 : vector<1x16xf32> to vector<16xf32>
          %swap3A_419 = vector.shape_cast %mul3A_414 : vector<16xf32> to vector<1x16xf32>
          tpu.vector_store %arg12[%swap3A_415, %swap3A_416], %swap3A_419 {strides = array<i32>} : memref<128x128xf32, #tpu.memory_space<vmem>>, vector<1x16xf32>,
          %mul3A_420 = arith.constant 16 : i32
          %mul3A_421 = arith.muli %scan3A_139, %mul3A_420 : i32
          %add3A_422 = arith.constant 2 : i32
          %add3A_423 = arith.addi %mul3A_421, %add3A_422 : i32
          %get3A_424 = arith.index_cast %add3A_423 : i32 to index
          %get3A_425 = arith.constant 48 : index
          %get3A_426 = tpu.vector_load %arg12[%get3A_424, %get3A_425] {strides = array<i32>} : memref<128x128xf32, #tpu.memory_space<vmem>>, vector<1x16xf32>,
          %get3A_427 = vector.shape_cast %get3A_426 : vector<1x16xf32> to vector<16xf32>
          %mul3A_428 = arith.mulf %get3A_427, %gather3A_377 : vector<16xf32>
          %swap3A_429 = arith.index_cast %add3A_423 : i32 to index
          %swap3A_430 = arith.constant 48 : index
          %swap3A_431 = tpu.vector_load %arg12[%swap3A_429, %swap3A_430] {strides = array<i32>} : memref<128x128xf32, #tpu.memory_space<vmem>>, vector<1x16xf32>,
          %swap3A_432 = vector.shape_cast %swap3A_431 : vector<1x16xf32> to vector<16xf32>
          %swap3A_433 = vector.shape_cast %mul3A_428 : vector<16xf32> to vector<1x16xf32>
          tpu.vector_store %arg12[%swap3A_429, %swap3A_430], %swap3A_433 {strides = array<i32>} : memref<128x128xf32, #tpu.memory_space<vmem>>, vector<1x16xf32>,
          %mul3A_434 = arith.constant 16 : i32
          %mul3A_435 = arith.muli %scan3A_139, %mul3A_434 : i32
          %add3A_436 = arith.constant 2 : i32
          %add3A_437 = arith.addi %mul3A_435, %add3A_436 : i32
          %get3A_438 = arith.index_cast %add3A_437 : i32 to index
          %get3A_439 = arith.constant 64 : index
          %get3A_440 = tpu.vector_load %arg12[%get3A_438, %get3A_439] {strides = array<i32>} : memref<128x128xf32, #tpu.memory_space<vmem>>, vector<1x16xf32>,
          %get3A_441 = vector.shape_cast %get3A_440 : vector<1x16xf32> to vector<16xf32>
          %mul3A_442 = arith.mulf %get3A_441, %gather3A_377 : vector<16xf32>
          %swap3A_443 = arith.index_cast %add3A_437 : i32 to index
          %swap3A_444 = arith.constant 64 : index
          %swap3A_445 = tpu.vector_load %arg12[%swap3A_443, %swap3A_444] {strides = array<i32>} : memref<128x128xf32, #tpu.memory_space<vmem>>, vector<1x16xf32>,
          %swap3A_446 = vector.shape_cast %swap3A_445 : vector<1x16xf32> to vector<16xf32>
          %swap3A_447 = vector.shape_cast %mul3A_442 : vector<16xf32> to vector<1x16xf32>
          tpu.vector_store %arg12[%swap3A_443, %swap3A_444], %swap3A_447 {strides = array<i32>} : memref<128x128xf32, #tpu.memory_space<vmem>>, vector<1x16xf32>,
          %mul3A_448 = arith.constant 16 : i32
          %mul3A_449 = arith.muli %scan3A_139, %mul3A_448 : i32
          %add3A_450 = arith.constant 2 : i32
          %add3A_451 = arith.addi %mul3A_449, %add3A_450 : i32
          %get3A_452 = arith.index_cast %add3A_451 : i32 to index
          %get3A_453 = arith.constant 80 : index
          %get3A_454 = tpu.vector_load %arg12[%get3A_452, %get3A_453] {strides = array<i32>} : memref<128x128xf32, #tpu.memory_space<vmem>>, vector<1x16xf32>,
          %get3A_455 = vector.shape_cast %get3A_454 : vector<1x16xf32> to vector<16xf32>
          %mul3A_456 = arith.mulf %get3A_455, %gather3A_377 : vector<16xf32>
          %swap3A_457 = arith.index_cast %add3A_451 : i32 to index
          %swap3A_458 = arith.constant 80 : index
          %swap3A_459 = tpu.vector_load %arg12[%swap3A_457, %swap3A_458] {strides = array<i32>} : memref<128x128xf32, #tpu.memory_space<vmem>>, vector<1x16xf32>,
          %swap3A_460 = vector.shape_cast %swap3A_459 : vector<1x16xf32> to vector<16xf32>
          %swap3A_461 = vector.shape_cast %mul3A_456 : vector<16xf32> to vector<1x16xf32>
          tpu.vector_store %arg12[%swap3A_457, %swap3A_458], %swap3A_461 {strides = array<i32>} : memref<128x128xf32, #tpu.memory_space<vmem>>, vector<1x16xf32>,
          %mul3A_462 = arith.constant 16 : i32
          %mul3A_463 = arith.muli %scan3A_139, %mul3A_462 : i32
          %add3A_464 = arith.constant 2 : i32
          %add3A_465 = arith.addi %mul3A_463, %add3A_464 : i32
          %get3A_466 = arith.index_cast %add3A_465 : i32 to index
          %get3A_467 = arith.constant 96 : index
          %get3A_468 = tpu.vector_load %arg12[%get3A_466, %get3A_467] {strides = array<i32>} : memref<128x128xf32, #tpu.memory_space<vmem>>, vector<1x16xf32>,
          %get3A_469 = vector.shape_cast %get3A_468 : vector<1x16xf32> to vector<16xf32>
          %mul3A_470 = arith.mulf %get3A_469, %gather3A_377 : vector<16xf32>
          %swap3A_471 = arith.index_cast %add3A_465 : i32 to index
          %swap3A_472 = arith.constant 96 : index
          %swap3A_473 = tpu.vector_load %arg12[%swap3A_471, %swap3A_472] {strides = array<i32>} : memref<128x128xf32, #tpu.memory_space<vmem>>, vector<1x16xf32>,
          %swap3A_474 = vector.shape_cast %swap3A_473 : vector<1x16xf32> to vector<16xf32>
          %swap3A_475 = vector.shape_cast %mul3A_470 : vector<16xf32> to vector<1x16xf32>
          tpu.vector_store %arg12[%swap3A_471, %swap3A_472], %swap3A_475 {strides = array<i32>} : memref<128x128xf32, #tpu.memory_space<vmem>>, vector<1x16xf32>,
          %mul3A_476 = arith.constant 16 : i32
          %mul3A_477 = arith.muli %scan3A_139, %mul3A_476 : i32
          %add3A_478 = arith.constant 2 : i32
          %add3A_479 = arith.addi %mul3A_477, %add3A_478 : i32
          %get3A_480 = arith.index_cast %add3A_479 : i32 to index
          %get3A_481 = arith.constant 112 : index
          %get3A_482 = tpu.vector_load %arg12[%get3A_480, %get3A_481] {strides = array<i32>} : memref<128x128xf32, #tpu.memory_space<vmem>>, vector<1x16xf32>,
          %get3A_483 = vector.shape_cast %get3A_482 : vector<1x16xf32> to vector<16xf32>
          %mul3A_484 = arith.mulf %get3A_483, %gather3A_377 : vector<16xf32>
          %swap3A_485 = arith.index_cast %add3A_479 : i32 to index
          %swap3A_486 = arith.constant 112 : index
          %swap3A_487 = tpu.vector_load %arg12[%swap3A_485, %swap3A_486] {strides = array<i32>} : memref<128x128xf32, #tpu.memory_space<vmem>>, vector<1x16xf32>,
          %swap3A_488 = vector.shape_cast %swap3A_487 : vector<1x16xf32> to vector<16xf32>
          %swap3A_489 = vector.shape_cast %mul3A_484 : vector<16xf32> to vector<1x16xf32>
          tpu.vector_store %arg12[%swap3A_485, %swap3A_486], %swap3A_489 {strides = array<i32>} : memref<128x128xf32, #tpu.memory_space<vmem>>, vector<1x16xf32>,
          %broadcast_in_dim3A_490 = arith.constant 3 : i32
          %broadcast_in_dim3A_491 = vector.broadcast %broadcast_in_dim3A_490 : i32 to vector<16x1xi32>
          %gather3A_492 = vector.shape_cast %broadcast_in_dim3A_491 : vector<16x1xi32> to vector<16xi32>
          %gather3A_493 = tpu.dynamic_gather %get3A_144[%gather3A_492] in [0] : vector<16xf32>, vector<16xi32> -> vector<16xf32>
          %mul3A_494 = arith.constant 16 : i32
          %mul3A_495 = arith.muli %scan3A_139, %mul3A_494 : i32
          %add3A_496 = arith.constant 3 : i32
          %add3A_497 = arith.addi %mul3A_495, %add3A_496 : i32
          %get3A_498 = arith.index_cast %add3A_497 : i32 to index
          %get3A_499 = arith.constant 0 : index
          %get3A_500 = tpu.vector_load %arg12[%get3A_498, %get3A_499] {strides = array<i32>} : memref<128x128xf32, #tpu.memory_space<vmem>>, vector<1x16xf32>,
          %get3A_501 = vector.shape_cast %get3A_500 : vector<1x16xf32> to vector<16xf32>
          %mul3A_502 = arith.mulf %get3A_501, %gather3A_493 : vector<16xf32>
          %swap3A_503 = arith.index_cast %add3A_497 : i32 to index
          %swap3A_504 = arith.constant 0 : index
          %swap3A_505 = tpu.vector_load %arg12[%swap3A_503, %swap3A_504] {strides = array<i32>} : memref<128x128xf32, #tpu.memory_space<vmem>>, vector<1x16xf32>,
          %swap3A_506 = vector.shape_cast %swap3A_505 : vector<1x16xf32> to vector<16xf32>
          %swap3A_507 = vector.shape_cast %mul3A_502 : vector<16xf32> to vector<1x16xf32>
          tpu.vector_store %arg12[%swap3A_503, %swap3A_504], %swap3A_507 {strides = array<i32>} : memref<128x128xf32, #tpu.memory_space<vmem>>, vector<1x16xf32>,
          %mul3A_508 = arith.constant 16 : i32
          %mul3A_509 = arith.muli %scan3A_139, %mul3A_508 : i32
          %add3A_510 = arith.constant 3 : i32
          %add3A_511 = arith.addi %mul3A_509, %add3A_510 : i32
          %get3A_512 = arith.index_cast %add3A_511 : i32 to index
          %get3A_513 = arith.constant 16 : index
          %get3A_514 = tpu.vector_load %arg12[%get3A_512, %get3A_513] {strides = array<i32>} : memref<128x128xf32, #tpu.memory_space<vmem>>, vector<1x16xf32>,
          %get3A_515 = vector.shape_cast %get3A_514 : vector<1x16xf32> to vector<16xf32>
          %mul3A_516 = arith.mulf %get3A_515, %gather3A_493 : vector<16xf32>
          %swap3A_517 = arith.index_cast %add3A_511 : i32 to index
          %swap3A_518 = arith.constant 16 : index
          %swap3A_519 = tpu.vector_load %arg12[%swap3A_517, %swap3A_518] {strides = array<i32>} : memref<128x128xf32, #tpu.memory_space<vmem>>, vector<1x16xf32>,
          %swap3A_520 = vector.shape_cast %swap3A_519 : vector<1x16xf32> to vector<16xf32>
          %swap3A_521 = vector.shape_cast %mul3A_516 : vector<16xf32> to vector<1x16xf32>
          tpu.vector_store %arg12[%swap3A_517, %swap3A_518], %swap3A_521 {strides = array<i32>} : memref<128x128xf32, #tpu.memory_space<vmem>>, vector<1x16xf32>,
          %mul3A_522 = arith.constant 16 : i32
          %mul3A_523 = arith.muli %scan3A_139, %mul3A_522 : i32
          %add3A_524 = arith.constant 3 : i32
          %add3A_525 = arith.addi %mul3A_523, %add3A_524 : i32
          %get3A_526 = arith.index_cast %add3A_525 : i32 to index
          %get3A_527 = arith.constant 32 : index
          %get3A_528 = tpu.vector_load %arg12[%get3A_526, %get3A_527] {strides = array<i32>} : memref<128x128xf32, #tpu.memory_space<vmem>>, vector<1x16xf32>,
          %get3A_529 = vector.shape_cast %get3A_528 : vector<1x16xf32> to vector<16xf32>
          %mul3A_530 = arith.mulf %get3A_529, %gather3A_493 : vector<16xf32>
          %swap3A_531 = arith.index_cast %add3A_525 : i32 to index
          %swap3A_532 = arith.constant 32 : index
          %swap3A_533 = tpu.vector_load %arg12[%swap3A_531, %swap3A_532] {strides = array<i32>} : memref<128x128xf32, #tpu.memory_space<vmem>>, vector<1x16xf32>,
          %swap3A_534 = vector.shape_cast %swap3A_533 : vector<1x16xf32> to vector<16xf32>
          %swap3A_535 = vector.shape_cast %mul3A_530 : vector<16xf32> to vector<1x16xf32>
          tpu.vector_store %arg12[%swap3A_531, %swap3A_532], %swap3A_535 {strides = array<i32>} : memref<128x128xf32, #tpu.memory_space<vmem>>, vector<1x16xf32>,
          %mul3A_536 = arith.constant 16 : i32
          %mul3A_537 = arith.muli %scan3A_139, %mul3A_536 : i32
          %add3A_538 = arith.constant 3 : i32
          %add3A_539 = arith.addi %mul3A_537, %add3A_538 : i32
          %get3A_540 = arith.index_cast %add3A_539 : i32 to index
          %get3A_541 = arith.constant 48 : index
          %get3A_542 = tpu.vector_load %arg12[%get3A_540, %get3A_541] {strides = array<i32>} : memref<128x128xf32, #tpu.memory_space<vmem>>, vector<1x16xf32>,
          %get3A_543 = vector.shape_cast %get3A_542 : vector<1x16xf32> to vector<16xf32>
          %mul3A_544 = arith.mulf %get3A_543, %gather3A_493 : vector<16xf32>
          %swap3A_545 = arith.index_cast %add3A_539 : i32 to index
          %swap3A_546 = arith.constant 48 : index
          %swap3A_547 = tpu.vector_load %arg12[%swap3A_545, %swap3A_546] {strides = array<i32>} : memref<128x128xf32, #tpu.memory_space<vmem>>, vector<1x16xf32>,
          %swap3A_548 = vector.shape_cast %swap3A_547 : vector<1x16xf32> to vector<16xf32>
          %swap3A_549 = vector.shape_cast %mul3A_544 : vector<16xf32> to vector<1x16xf32>
          tpu.vector_store %arg12[%swap3A_545, %swap3A_546], %swap3A_549 {strides = array<i32>} : memref<128x128xf32, #tpu.memory_space<vmem>>, vector<1x16xf32>,
          %mul3A_550 = arith.constant 16 : i32
          %mul3A_551 = arith.muli %scan3A_139, %mul3A_550 : i32
          %add3A_552 = arith.constant 3 : i32
          %add3A_553 = arith.addi %mul3A_551, %add3A_552 : i32
          %get3A_554 = arith.index_cast %add3A_553 : i32 to index
          %get3A_555 = arith.constant 64 : index
          %get3A_556 = tpu.vector_load %arg12[%get3A_554, %get3A_555] {strides = array<i32>} : memref<128x128xf32, #tpu.memory_space<vmem>>, vector<1x16xf32>,
          %get3A_557 = vector.shape_cast %get3A_556 : vector<1x16xf32> to vector<16xf32>
          %mul3A_558 = arith.mulf %get3A_557, %gather3A_493 : vector<16xf32>
          %swap3A_559 = arith.index_cast %add3A_553 : i32 to index
          %swap3A_560 = arith.constant 64 : index
          %swap3A_561 = tpu.vector_load %arg12[%swap3A_559, %swap3A_560] {strides = array<i32>} : memref<128x128xf32, #tpu.memory_space<vmem>>, vector<1x16xf32>,
          %swap3A_562 = vector.shape_cast %swap3A_561 : vector<1x16xf32> to vector<16xf32>
          %swap3A_563 = vector.shape_cast %mul3A_558 : vector<16xf32> to vector<1x16xf32>
          tpu.vector_store %arg12[%swap3A_559, %swap3A_560], %swap3A_563 {strides = array<i32>} : memref<128x128xf32, #tpu.memory_space<vmem>>, vector<1x16xf32>,
          %mul3A_564 = arith.constant 16 : i32
          %mul3A_565 = arith.muli %scan3A_139, %mul3A_564 : i32
          %add3A_566 = arith.constant 3 : i32
          %add3A_567 = arith.addi %mul3A_565, %add3A_566 : i32
          %get3A_568 = arith.index_cast %add3A_567 : i32 to index
          %get3A_569 = arith.constant 80 : index
          %get3A_570 = tpu.vector_load %arg12[%get3A_568, %get3A_569] {strides = array<i32>} : memref<128x128xf32, #tpu.memory_space<vmem>>, vector<1x16xf32>,
          %get3A_571 = vector.shape_cast %get3A_570 : vector<1x16xf32> to vector<16xf32>
          %mul3A_572 = arith.mulf %get3A_571, %gather3A_493 : vector<16xf32>
          %swap3A_573 = arith.index_cast %add3A_567 : i32 to index
          %swap3A_574 = arith.constant 80 : index
          %swap3A_575 = tpu.vector_load %arg12[%swap3A_573, %swap3A_574] {strides = array<i32>} : memref<128x128xf32, #tpu.memory_space<vmem>>, vector<1x16xf32>,
          %swap3A_576 = vector.shape_cast %swap3A_575 : vector<1x16xf32> to vector<16xf32>
          %swap3A_577 = vector.shape_cast %mul3A_572 : vector<16xf32> to vector<1x16xf32>
          tpu.vector_store %arg12[%swap3A_573, %swap3A_574], %swap3A_577 {strides = array<i32>} : memref<128x128xf32, #tpu.memory_space<vmem>>, vector<1x16xf32>,
          %mul3A_578 = arith.constant 16 : i32
          %mul3A_579 = arith.muli %scan3A_139, %mul3A_578 : i32
          %add3A_580 = arith.constant 3 : i32
          %add3A_581 = arith.addi %mul3A_579, %add3A_580 : i32
          %get3A_582 = arith.index_cast %add3A_581 : i32 to index
          %get3A_583 = arith.constant 96 : index
          %get3A_584 = tpu.vector_load %arg12[%get3A_582, %get3A_583] {strides = array<i32>} : memref<128x128xf32, #tpu.memory_space<vmem>>, vector<1x16xf32>,
          %get3A_585 = vector.shape_cast %get3A_584 : vector<1x16xf32> to vector<16xf32>
          %mul3A_586 = arith.mulf %get3A_585, %gather3A_493 : vector<16xf32>
          %swap3A_587 = arith.index_cast %add3A_581 : i32 to index
          %swap3A_588 = arith.constant 96 : index
          %swap3A_589 = tpu.vector_load %arg12[%swap3A_587, %swap3A_588] {strides = array<i32>} : memref<128x128xf32, #tpu.memory_space<vmem>>, vector<1x16xf32>,
          %swap3A_590 = vector.shape_cast %swap3A_589 : vector<1x16xf32> to vector<16xf32>
          %swap3A_591 = vector.shape_cast %mul3A_586 : vector<16xf32> to vector<1x16xf32>
          tpu.vector_store %arg12[%swap3A_587, %swap3A_588], %swap3A_591 {strides = array<i32>} : memref<128x128xf32, #tpu.memory_space<vmem>>, vector<1x16xf32>,
          %mul3A_592 = arith.constant 16 : i32
          %mul3A_593 = arith.muli %scan3A_139, %mul3A_592 : i32
          %add3A_594 = arith.constant 3 : i32
          %add3A_595 = arith.addi %mul3A_593, %add3A_594 : i32
          %get3A_596 = arith.index_cast %add3A_595 : i32 to index
          %get3A_597 = arith.constant 112 : index
          %get3A_598 = tpu.vector_load %arg12[%get3A_596, %get3A_597] {strides = array<i32>} : memref<128x128xf32, #tpu.memory_space<vmem>>, vector<1x16xf32>,
          %get3A_599 = vector.shape_cast %get3A_598 : vector<1x16xf32> to vector<16xf32>
          %mul3A_600 = arith.mulf %get3A_599, %gather3A_493 : vector<16xf32>
          %swap3A_601 = arith.index_cast %add3A_595 : i32 to index
          %swap3A_602 = arith.constant 112 : index
          %swap3A_603 = tpu.vector_load %arg12[%swap3A_601, %swap3A_602] {strides = array<i32>} : memref<128x128xf32, #tpu.memory_space<vmem>>, vector<1x16xf32>,
          %swap3A_604 = vector.shape_cast %swap3A_603 : vector<1x16xf32> to vector<16xf32>
          %swap3A_605 = vector.shape_cast %mul3A_600 : vector<16xf32> to vector<1x16xf32>
          tpu.vector_store %arg12[%swap3A_601, %swap3A_602], %swap3A_605 {strides = array<i32>} : memref<128x128xf32, #tpu.memory_space<vmem>>, vector<1x16xf32>,
          %broadcast_in_dim3A_606 = arith.constant 4 : i32
          %broadcast_in_dim3A_607 = vector.broadcast %broadcast_in_dim3A_606 : i32 to vector<16x1xi32>
          %gather3A_608 = vector.shape_cast %broadcast_in_dim3A_607 : vector<16x1xi32> to vector<16xi32>
          %gather3A_609 = tpu.dynamic_gather %get3A_144[%gather3A_608] in [0] : vector<16xf32>, vector<16xi32> -> vector<16xf32>
          %mul3A_610 = arith.constant 16 : i32
          %mul3A_611 = arith.muli %scan3A_139, %mul3A_610 : i32
          %add3A_612 = arith.constant 4 : i32
          %add3A_613 = arith.addi %mul3A_611, %add3A_612 : i32
          %get3A_614 = arith.index_cast %add3A_613 : i32 to index
          %get3A_615 = arith.constant 0 : index
          %get3A_616 = tpu.vector_load %arg12[%get3A_614, %get3A_615] {strides = array<i32>} : memref<128x128xf32, #tpu.memory_space<vmem>>, vector<1x16xf32>,
          %get3A_617 = vector.shape_cast %get3A_616 : vector<1x16xf32> to vector<16xf32>
          %mul3A_618 = arith.mulf %get3A_617, %gather3A_609 : vector<16xf32>
          %swap3A_619 = arith.index_cast %add3A_613 : i32 to index
          %swap3A_620 = arith.constant 0 : index
          %swap3A_621 = tpu.vector_load %arg12[%swap3A_619, %swap3A_620] {strides = array<i32>} : memref<128x128xf32, #tpu.memory_space<vmem>>, vector<1x16xf32>,
          %swap3A_622 = vector.shape_cast %swap3A_621 : vector<1x16xf32> to vector<16xf32>
          %swap3A_623 = vector.shape_cast %mul3A_618 : vector<16xf32> to vector<1x16xf32>
          tpu.vector_store %arg12[%swap3A_619, %swap3A_620], %swap3A_623 {strides = array<i32>} : memref<128x128xf32, #tpu.memory_space<vmem>>, vector<1x16xf32>,
          %mul3A_624 = arith.constant 16 : i32
          %mul3A_625 = arith.muli %scan3A_139, %mul3A_624 : i32
          %add3A_626 = arith.constant 4 : i32
          %add3A_627 = arith.addi %mul3A_625, %add3A_626 : i32
          %get3A_628 = arith.index_cast %add3A_627 : i32 to index
          %get3A_629 = arith.constant 16 : index
          %get3A_630 = tpu.vector_load %arg12[%get3A_628, %get3A_629] {strides = array<i32>} : memref<128x128xf32, #tpu.memory_space<vmem>>, vector<1x16xf32>,
          %get3A_631 = vector.shape_cast %get3A_630 : vector<1x16xf32> to vector<16xf32>
          %mul3A_632 = arith.mulf %get3A_631, %gather3A_609 : vector<16xf32>
          %swap3A_633 = arith.index_cast %add3A_627 : i32 to index
          %swap3A_634 = arith.constant 16 : index
          %swap3A_635 = tpu.vector_load %arg12[%swap3A_633, %swap3A_634] {strides = array<i32>} : memref<128x128xf32, #tpu.memory_space<vmem>>, vector<1x16xf32>,
          %swap3A_636 = vector.shape_cast %swap3A_635 : vector<1x16xf32> to vector<16xf32>
          %swap3A_637 = vector.shape_cast %mul3A_632 : vector<16xf32> to vector<1x16xf32>
          tpu.vector_store %arg12[%swap3A_633, %swap3A_634], %swap3A_637 {strides = array<i32>} : memref<128x128xf32, #tpu.memory_space<vmem>>, vector<1x16xf32>,
          %mul3A_638 = arith.constant 16 : i32
          %mul3A_639 = arith.muli %scan3A_139, %mul3A_638 : i32
          %add3A_640 = arith.constant 4 : i32
          %add3A_641 = arith.addi %mul3A_639, %add3A_640 : i32
          %get3A_642 = arith.index_cast %add3A_641 : i32 to index
          %get3A_643 = arith.constant 32 : index
          %get3A_644 = tpu.vector_load %arg12[%get3A_642, %get3A_643] {strides = array<i32>} : memref<128x128xf32, #tpu.memory_space<vmem>>, vector<1x16xf32>,
          %get3A_645 = vector.shape_cast %get3A_644 : vector<1x16xf32> to vector<16xf32>
          %mul3A_646 = arith.mulf %get3A_645, %gather3A_609 : vector<16xf32>
          %swap3A_647 = arith.index_cast %add3A_641 : i32 to index
          %swap3A_648 = arith.constant 32 : index
          %swap3A_649 = tpu.vector_load %arg12[%swap3A_647, %swap3A_648] {strides = array<i32>} : memref<128x128xf32, #tpu.memory_space<vmem>>, vector<1x16xf32>,
          %swap3A_650 = vector.shape_cast %swap3A_649 : vector<1x16xf32> to vector<16xf32>
          %swap3A_651 = vector.shape_cast %mul3A_646 : vector<16xf32> to vector<1x16xf32>
          tpu.vector_store %arg12[%swap3A_647, %swap3A_648], %swap3A_651 {strides = array<i32>} : memref<128x128xf32, #tpu.memory_space<vmem>>, vector<1x16xf32>,
          %mul3A_652 = arith.constant 16 : i32
          %mul3A_653 = arith.muli %scan3A_139, %mul3A_652 : i32
          %add3A_654 = arith.constant 4 : i32
          %add3A_655 = arith.addi %mul3A_653, %add3A_654 : i32
          %get3A_656 = arith.index_cast %add3A_655 : i32 to index
          %get3A_657 = arith.constant 48 : index
          %get3A_658 = tpu.vector_load %arg12[%get3A_656, %get3A_657] {strides = array<i32>} : memref<128x128xf32, #tpu.memory_space<vmem>>, vector<1x16xf32>,
          %get3A_659 = vector.shape_cast %get3A_658 : vector<1x16xf32> to vector<16xf32>
          %mul3A_660 = arith.mulf %get3A_659, %gather3A_609 : vector<16xf32>
          %swap3A_661 = arith.index_cast %add3A_655 : i32 to index
          %swap3A_662 = arith.constant 48 : index
          %swap3A_663 = tpu.vector_load %arg12[%swap3A_661, %swap3A_662] {strides = array<i32>} : memref<128x128xf32, #tpu.memory_space<vmem>>, vector<1x16xf32>,
          %swap3A_664 = vector.shape_cast %swap3A_663 : vector<1x16xf32> to vector<16xf32>
          %swap3A_665 = vector.shape_cast %mul3A_660 : vector<16xf32> to vector<1x16xf32>
          tpu.vector_store %arg12[%swap3A_661, %swap3A_662], %swap3A_665 {strides = array<i32>} : memref<128x128xf32, #tpu.memory_space<vmem>>, vector<1x16xf32>,
          %mul3A_666 = arith.constant 16 : i32
          %mul3A_667 = arith.muli %scan3A_139, %mul3A_666 : i32
          %add3A_668 = arith.constant 4 : i32
          %add3A_669 = arith.addi %mul3A_667, %add3A_668 : i32
          %get3A_670 = arith.index_cast %add3A_669 : i32 to index
          %get3A_671 = arith.constant 64 : index
          %get3A_672 = tpu.vector_load %arg12[%get3A_670, %get3A_671] {strides = array<i32>} : memref<128x128xf32, #tpu.memory_space<vmem>>, vector<1x16xf32>,
          %get3A_673 = vector.shape_cast %get3A_672 : vector<1x16xf32> to vector<16xf32>
          %mul3A_674 = arith.mulf %get3A_673, %gather3A_609 : vector<16xf32>
          %swap3A_675 = arith.index_cast %add3A_669 : i32 to index
          %swap3A_676 = arith.constant 64 : index
          %swap3A_677 = tpu.vector_load %arg12[%swap3A_675, %swap3A_676] {strides = array<i32>} : memref<128x128xf32, #tpu.memory_space<vmem>>, vector<1x16xf32>,
          %swap3A_678 = vector.shape_cast %swap3A_677 : vector<1x16xf32> to vector<16xf32>
          %swap3A_679 = vector.shape_cast %mul3A_674 : vector<16xf32> to vector<1x16xf32>
          tpu.vector_store %arg12[%swap3A_675, %swap3A_676], %swap3A_679 {strides = array<i32>} : memref<128x128xf32, #tpu.memory_space<vmem>>, vector<1x16xf32>,
          %mul3A_680 = arith.constant 16 : i32
          %mul3A_681 = arith.muli %scan3A_139, %mul3A_680 : i32
          %add3A_682 = arith.constant 4 : i32
          %add3A_683 = arith.addi %mul3A_681, %add3A_682 : i32
          %get3A_684 = arith.index_cast %add3A_683 : i32 to index
          %get3A_685 = arith.constant 80 : index
          %get3A_686 = tpu.vector_load %arg12[%get3A_684, %get3A_685] {strides = array<i32>} : memref<128x128xf32, #tpu.memory_space<vmem>>, vector<1x16xf32>,
          %get3A_687 = vector.shape_cast %get3A_686 : vector<1x16xf32> to vector<16xf32>
          %mul3A_688 = arith.mulf %get3A_687, %gather3A_609 : vector<16xf32>
          %swap3A_689 = arith.index_cast %add3A_683 : i32 to index
          %swap3A_690 = arith.constant 80 : index
          %swap3A_691 = tpu.vector_load %arg12[%swap3A_689, %swap3A_690] {strides = array<i32>} : memref<128x128xf32, #tpu.memory_space<vmem>>, vector<1x16xf32>,
          %swap3A_692 = vector.shape_cast %swap3A_691 : vector<1x16xf32> to vector<16xf32>
          %swap3A_693 = vector.shape_cast %mul3A_688 : vector<16xf32> to vector<1x16xf32>
          tpu.vector_store %arg12[%swap3A_689, %swap3A_690], %swap3A_693 {strides = array<i32>} : memref<128x128xf32, #tpu.memory_space<vmem>>, vector<1x16xf32>,
          %mul3A_694 = arith.constant 16 : i32
          %mul3A_695 = arith.muli %scan3A_139, %mul3A_694 : i32
          %add3A_696 = arith.constant 4 : i32
          %add3A_697 = arith.addi %mul3A_695, %add3A_696 : i32
          %get3A_698 = arith.index_cast %add3A_697 : i32 to index
          %get3A_699 = arith.constant 96 : index
          %get3A_700 = tpu.vector_load %arg12[%get3A_698, %get3A_699] {strides = array<i32>} : memref<128x128xf32, #tpu.memory_space<vmem>>, vector<1x16xf32>,
          %get3A_701 = vector.shape_cast %get3A_700 : vector<1x16xf32> to vector<16xf32>
          %mul3A_702 = arith.mulf %get3A_701, %gather3A_609 : vector<16xf32>
          %swap3A_703 = arith.index_cast %add3A_697 : i32 to index
          %swap3A_704 = arith.constant 96 : index
          %swap3A_705 = tpu.vector_load %arg12[%swap3A_703, %swap3A_704] {strides = array<i32>} : memref<128x128xf32, #tpu.memory_space<vmem>>, vector<1x16xf32>,
          %swap3A_706 = vector.shape_cast %swap3A_705 : vector<1x16xf32> to vector<16xf32>
          %swap3A_707 = vector.shape_cast %mul3A_702 : vector<16xf32> to vector<1x16xf32>
          tpu.vector_store %arg12[%swap3A_703, %swap3A_704], %swap3A_707 {strides = array<i32>} : memref<128x128xf32, #tpu.memory_space<vmem>>, vector<1x16xf32>,
          %mul3A_708 = arith.constant 16 : i32
          %mul3A_709 = arith.muli %scan3A_139, %mul3A_708 : i32
          %add3A_710 = arith.constant 4 : i32
          %add3A_711 = arith.addi %mul3A_709, %add3A_710 : i32
          %get3A_712 = arith.index_cast %add3A_711 : i32 to index
          %get3A_713 = arith.constant 112 : index
          %get3A_714 = tpu.vector_load %arg12[%get3A_712, %get3A_713] {strides = array<i32>} : memref<128x128xf32, #tpu.memory_space<vmem>>, vector<1x16xf32>,
          %get3A_715 = vector.shape_cast %get3A_714 : vector<1x16xf32> to vector<16xf32>
          %mul3A_716 = arith.mulf %get3A_715, %gather3A_609 : vector<16xf32>
          %swap3A_717 = arith.index_cast %add3A_711 : i32 to index
          %swap3A_718 = arith.constant 112 : index
          %swap3A_719 = tpu.vector_load %arg12[%swap3A_717, %swap3A_718] {strides = array<i32>} : memref<128x128xf32, #tpu.memory_space<vmem>>, vector<1x16xf32>,
          %swap3A_720 = vector.shape_cast %swap3A_719 : vector<1x16xf32> to vector<16xf32>
          %swap3A_721 = vector.shape_cast %mul3A_716 : vector<16xf32> to vector<1x16xf32>
          tpu.vector_store %arg12[%swap3A_717, %swap3A_718], %swap3A_721 {strides = array<i32>} : memref<128x128xf32, #tpu.memory_space<vmem>>, vector<1x16xf32>,
          %broadcast_in_dim3A_722 = arith.constant 5 : i32
          %broadcast_in_dim3A_723 = vector.broadcast %broadcast_in_dim3A_722 : i32 to vector<16x1xi32>
          %gather3A_724 = vector.shape_cast %broadcast_in_dim3A_723 : vector<16x1xi32> to vector<16xi32>
          %gather3A_725 = tpu.dynamic_gather %get3A_144[%gather3A_724] in [0] : vector<16xf32>, vector<16xi32> -> vector<16xf32>
          %mul3A_726 = arith.constant 16 : i32
          %mul3A_727 = arith.muli %scan3A_139, %mul3A_726 : i32
          %add3A_728 = arith.constant 5 : i32
          %add3A_729 = arith.addi %mul3A_727, %add3A_728 : i32
          %get3A_730 = arith.index_cast %add3A_729 : i32 to index
          %get3A_731 = arith.constant 0 : index
          %get3A_732 = tpu.vector_load %arg12[%get3A_730, %get3A_731] {strides = array<i32>} : memref<128x128xf32, #tpu.memory_space<vmem>>, vector<1x16xf32>,
          %get3A_733 = vector.shape_cast %get3A_732 : vector<1x16xf32> to vector<16xf32>
          %mul3A_734 = arith.mulf %get3A_733, %gather3A_725 : vector<16xf32>
          %swap3A_735 = arith.index_cast %add3A_729 : i32 to index
          %swap3A_736 = arith.constant 0 : index
          %swap3A_737 = tpu.vector_load %arg12[%swap3A_735, %swap3A_736] {strides = array<i32>} : memref<128x128xf32, #tpu.memory_space<vmem>>, vector<1x16xf32>,
          %swap3A_738 = vector.shape_cast %swap3A_737 : vector<1x16xf32> to vector<16xf32>
          %swap3A_739 = vector.shape_cast %mul3A_734 : vector<16xf32> to vector<1x16xf32>
          tpu.vector_store %arg12[%swap3A_735, %swap3A_736], %swap3A_739 {strides = array<i32>} : memref<128x128xf32, #tpu.memory_space<vmem>>, vector<1x16xf32>,
          %mul3A_740 = arith.constant 16 : i32
          %mul3A_741 = arith.muli %scan3A_139, %mul3A_740 : i32
          %add3A_742 = arith.constant 5 : i32
          %add3A_743 = arith.addi %mul3A_741, %add3A_742 : i32
          %get3A_744 = arith.index_cast %add3A_743 : i32 to index
          %get3A_745 = arith.constant 16 : index
          %get3A_746 = tpu.vector_load %arg12[%get3A_744, %get3A_745] {strides = array<i32>} : memref<128x128xf32, #tpu.memory_space<vmem>>, vector<1x16xf32>,
          %get3A_747 = vector.shape_cast %get3A_746 : vector<1x16xf32> to vector<16xf32>
          %mul3A_748 = arith.mulf %get3A_747, %gather3A_725 : vector<16xf32>
          %swap3A_749 = arith.index_cast %add3A_743 : i32 to index
          %swap3A_750 = arith.constant 16 : index
          %swap3A_751 = tpu.vector_load %arg12[%swap3A_749, %swap3A_750] {strides = array<i32>} : memref<128x128xf32, #tpu.memory_space<vmem>>, vector<1x16xf32>,
          %swap3A_752 = vector.shape_cast %swap3A_751 : vector<1x16xf32> to vector<16xf32>
          %swap3A_753 = vector.shape_cast %mul3A_748 : vector<16xf32> to vector<1x16xf32>
          tpu.vector_store %arg12[%swap3A_749, %swap3A_750], %swap3A_753 {strides = array<i32>} : memref<128x128xf32, #tpu.memory_space<vmem>>, vector<1x16xf32>,
          %mul3A_754 = arith.constant 16 : i32
          %mul3A_755 = arith.muli %scan3A_139, %mul3A_754 : i32
          %add3A_756 = arith.constant 5 : i32
          %add3A_757 = arith.addi %mul3A_755, %add3A_756 : i32
          %get3A_758 = arith.index_cast %add3A_757 : i32 to index
          %get3A_759 = arith.constant 32 : index
          %get3A_760 = tpu.vector_load %arg12[%get3A_758, %get3A_759] {strides = array<i32>} : memref<128x128xf32, #tpu.memory_space<vmem>>, vector<1x16xf32>,
          %get3A_761 = vector.shape_cast %get3A_760 : vector<1x16xf32> to vector<16xf32>
          %mul3A_762 = arith.mulf %get3A_761, %gather3A_725 : vector<16xf32>
          %swap3A_763 = arith.index_cast %add3A_757 : i32 to index
          %swap3A_764 = arith.constant 32 : index
          %swap3A_765 = tpu.vector_load %arg12[%swap3A_763, %swap3A_764] {strides = array<i32>} : memref<128x128xf32, #tpu.memory_space<vmem>>, vector<1x16xf32>,
          %swap3A_766 = vector.shape_cast %swap3A_765 : vector<1x16xf32> to vector<16xf32>
          %swap3A_767 = vector.shape_cast %mul3A_762 : vector<16xf32> to vector<1x16xf32>
          tpu.vector_store %arg12[%swap3A_763, %swap3A_764], %swap3A_767 {strides = array<i32>} : memref<128x128xf32, #tpu.memory_space<vmem>>, vector<1x16xf32>,
          %mul3A_768 = arith.constant 16 : i32
          %mul3A_769 = arith.muli %scan3A_139, %mul3A_768 : i32
          %add3A_770 = arith.constant 5 : i32
          %add3A_771 = arith.addi %mul3A_769, %add3A_770 : i32
          %get3A_772 = arith.index_cast %add3A_771 : i32 to index
          %get3A_773 = arith.constant 48 : index
          %get3A_774 = tpu.vector_load %arg12[%get3A_772, %get3A_773] {strides = array<i32>} : memref<128x128xf32, #tpu.memory_space<vmem>>, vector<1x16xf32>,
          %get3A_775 = vector.shape_cast %get3A_774 : vector<1x16xf32> to vector<16xf32>
          %mul3A_776 = arith.mulf %get3A_775, %gather3A_725 : vector<16xf32>
          %swap3A_777 = arith.index_cast %add3A_771 : i32 to index
          %swap3A_778 = arith.constant 48 : index
          %swap3A_779 = tpu.vector_load %arg12[%swap3A_777, %swap3A_778] {strides = array<i32>} : memref<128x128xf32, #tpu.memory_space<vmem>>, vector<1x16xf32>,
          %swap3A_780 = vector.shape_cast %swap3A_779 : vector<1x16xf32> to vector<16xf32>
          %swap3A_781 = vector.shape_cast %mul3A_776 : vector<16xf32> to vector<1x16xf32>
          tpu.vector_store %arg12[%swap3A_777, %swap3A_778], %swap3A_781 {strides = array<i32>} : memref<128x128xf32, #tpu.memory_space<vmem>>, vector<1x16xf32>,
          %mul3A_782 = arith.constant 16 : i32
          %mul3A_783 = arith.muli %scan3A_139, %mul3A_782 : i32
          %add3A_784 = arith.constant 5 : i32
          %add3A_785 = arith.addi %mul3A_783, %add3A_784 : i32
          %get3A_786 = arith.index_cast %add3A_785 : i32 to index
          %get3A_787 = arith.constant 64 : index
          %get3A_788 = tpu.vector_load %arg12[%get3A_786, %get3A_787] {strides = array<i32>} : memref<128x128xf32, #tpu.memory_space<vmem>>, vector<1x16xf32>,
          %get3A_789 = vector.shape_cast %get3A_788 : vector<1x16xf32> to vector<16xf32>
          %mul3A_790 = arith.mulf %get3A_789, %gather3A_725 : vector<16xf32>
          %swap3A_791 = arith.index_cast %add3A_785 : i32 to index
          %swap3A_792 = arith.constant 64 : index
          %swap3A_793 = tpu.vector_load %arg12[%swap3A_791, %swap3A_792] {strides = array<i32>} : memref<128x128xf32, #tpu.memory_space<vmem>>, vector<1x16xf32>,
          %swap3A_794 = vector.shape_cast %swap3A_793 : vector<1x16xf32> to vector<16xf32>
          %swap3A_795 = vector.shape_cast %mul3A_790 : vector<16xf32> to vector<1x16xf32>
          tpu.vector_store %arg12[%swap3A_791, %swap3A_792], %swap3A_795 {strides = array<i32>} : memref<128x128xf32, #tpu.memory_space<vmem>>, vector<1x16xf32>,
          %mul3A_796 = arith.constant 16 : i32
          %mul3A_797 = arith.muli %scan3A_139, %mul3A_796 : i32
          %add3A_798 = arith.constant 5 : i32
          %add3A_799 = arith.addi %mul3A_797, %add3A_798 : i32
          %get3A_800 = arith.index_cast %add3A_799 : i32 to index
          %get3A_801 = arith.constant 80 : index
          %get3A_802 = tpu.vector_load %arg12[%get3A_800, %get3A_801] {strides = array<i32>} : memref<128x128xf32, #tpu.memory_space<vmem>>, vector<1x16xf32>,
          %get3A_803 = vector.shape_cast %get3A_802 : vector<1x16xf32> to vector<16xf32>
          %mul3A_804 = arith.mulf %get3A_803, %gather3A_725 : vector<16xf32>
          %swap3A_805 = arith.index_cast %add3A_799 : i32 to index
          %swap3A_806 = arith.constant 80 : index
          %swap3A_807 = tpu.vector_load %arg12[%swap3A_805, %swap3A_806] {strides = array<i32>} : memref<128x128xf32, #tpu.memory_space<vmem>>, vector<1x16xf32>,
          %swap3A_808 = vector.shape_cast %swap3A_807 : vector<1x16xf32> to vector<16xf32>
          %swap3A_809 = vector.shape_cast %mul3A_804 : vector<16xf32> to vector<1x16xf32>
          tpu.vector_store %arg12[%swap3A_805, %swap3A_806], %swap3A_809 {strides = array<i32>} : memref<128x128xf32, #tpu.memory_space<vmem>>, vector<1x16xf32>,
          %mul3A_810 = arith.constant 16 : i32
          %mul3A_811 = arith.muli %scan3A_139, %mul3A_810 : i32
          %add3A_812 = arith.constant 5 : i32
          %add3A_813 = arith.addi %mul3A_811, %add3A_812 : i32
          %get3A_814 = arith.index_cast %add3A_813 : i32 to index
          %get3A_815 = arith.constant 96 : index
          %get3A_816 = tpu.vector_load %arg12[%get3A_814, %get3A_815] {strides = array<i32>} : memref<128x128xf32, #tpu.memory_space<vmem>>, vector<1x16xf32>,
          %get3A_817 = vector.shape_cast %get3A_816 : vector<1x16xf32> to vector<16xf32>
          %mul3A_818 = arith.mulf %get3A_817, %gather3A_725 : vector<16xf32>
          %swap3A_819 = arith.index_cast %add3A_813 : i32 to index
          %swap3A_820 = arith.constant 96 : index
          %swap3A_821 = tpu.vector_load %arg12[%swap3A_819, %swap3A_820] {strides = array<i32>} : memref<128x128xf32, #tpu.memory_space<vmem>>, vector<1x16xf32>,
          %swap3A_822 = vector.shape_cast %swap3A_821 : vector<1x16xf32> to vector<16xf32>
          %swap3A_823 = vector.shape_cast %mul3A_818 : vector<16xf32> to vector<1x16xf32>
          tpu.vector_store %arg12[%swap3A_819, %swap3A_820], %swap3A_823 {strides = array<i32>} : memref<128x128xf32, #tpu.memory_space<vmem>>, vector<1x16xf32>,
          %mul3A_824 = arith.constant 16 : i32
          %mul3A_825 = arith.muli %scan3A_139, %mul3A_824 : i32
          %add3A_826 = arith.constant 5 : i32
          %add3A_827 = arith.addi %mul3A_825, %add3A_826 : i32
          %get3A_828 = arith.index_cast %add3A_827 : i32 to index
          %get3A_829 = arith.constant 112 : index
          %get3A_830 = tpu.vector_load %arg12[%get3A_828, %get3A_829] {strides = array<i32>} : memref<128x128xf32, #tpu.memory_space<vmem>>, vector<1x16xf32>,
          %get3A_831 = vector.shape_cast %get3A_830 : vector<1x16xf32> to vector<16xf32>
          %mul3A_832 = arith.mulf %get3A_831, %gather3A_725 : vector<16xf32>
          %swap3A_833 = arith.index_cast %add3A_827 : i32 to index
          %swap3A_834 = arith.constant 112 : index
          %swap3A_835 = tpu.vector_load %arg12[%swap3A_833, %swap3A_834] {strides = array<i32>} : memref<128x128xf32, #tpu.memory_space<vmem>>, vector<1x16xf32>,
          %swap3A_836 = vector.shape_cast %swap3A_835 : vector<1x16xf32> to vector<16xf32>
          %swap3A_837 = vector.shape_cast %mul3A_832 : vector<16xf32> to vector<1x16xf32>
          tpu.vector_store %arg12[%swap3A_833, %swap3A_834], %swap3A_837 {strides = array<i32>} : memref<128x128xf32, #tpu.memory_space<vmem>>, vector<1x16xf32>,
          %broadcast_in_dim3A_838 = arith.constant 6 : i32
          %broadcast_in_dim3A_839 = vector.broadcast %broadcast_in_dim3A_838 : i32 to vector<16x1xi32>
          %gather3A_840 = vector.shape_cast %broadcast_in_dim3A_839 : vector<16x1xi32> to vector<16xi32>
          %gather3A_841 = tpu.dynamic_gather %get3A_144[%gather3A_840] in [0] : vector<16xf32>, vector<16xi32> -> vector<16xf32>
          %mul3A_842 = arith.constant 16 : i32
          %mul3A_843 = arith.muli %scan3A_139, %mul3A_842 : i32
          %add3A_844 = arith.constant 6 : i32
          %add3A_845 = arith.addi %mul3A_843, %add3A_844 : i32
          %get3A_846 = arith.index_cast %add3A_845 : i32 to index
          %get3A_847 = arith.constant 0 : index
          %get3A_848 = tpu.vector_load %arg12[%get3A_846, %get3A_847] {strides = array<i32>} : memref<128x128xf32, #tpu.memory_space<vmem>>, vector<1x16xf32>,
          %get3A_849 = vector.shape_cast %get3A_848 : vector<1x16xf32> to vector<16xf32>
          %mul3A_850 = arith.mulf %get3A_849, %gather3A_841 : vector<16xf32>
          %swap3A_851 = arith.index_cast %add3A_845 : i32 to index
          %swap3A_852 = arith.constant 0 : index
          %swap3A_853 = tpu.vector_load %arg12[%swap3A_851, %swap3A_852] {strides = array<i32>} : memref<128x128xf32, #tpu.memory_space<vmem>>, vector<1x16xf32>,
          %swap3A_854 = vector.shape_cast %swap3A_853 : vector<1x16xf32> to vector<16xf32>
          %swap3A_855 = vector.shape_cast %mul3A_850 : vector<16xf32> to vector<1x16xf32>
          tpu.vector_store %arg12[%swap3A_851, %swap3A_852], %swap3A_855 {strides = array<i32>} : memref<128x128xf32, #tpu.memory_space<vmem>>, vector<1x16xf32>,
          %mul3A_856 = arith.constant 16 : i32
          %mul3A_857 = arith.muli %scan3A_139, %mul3A_856 : i32
          %add3A_858 = arith.constant 6 : i32
          %add3A_859 = arith.addi %mul3A_857, %add3A_858 : i32
          %get3A_860 = arith.index_cast %add3A_859 : i32 to index
          %get3A_861 = arith.constant 16 : index
          %get3A_862 = tpu.vector_load %arg12[%get3A_860, %get3A_861] {strides = array<i32>} : memref<128x128xf32, #tpu.memory_space<vmem>>, vector<1x16xf32>,
          %get3A_863 = vector.shape_cast %get3A_862 : vector<1x16xf32> to vector<16xf32>
          %mul3A_864 = arith.mulf %get3A_863, %gather3A_841 : vector<16xf32>
          %swap3A_865 = arith.index_cast %add3A_859 : i32 to index
          %swap3A_866 = arith.constant 16 : index
          %swap3A_867 = tpu.vector_load %arg12[%swap3A_865, %swap3A_866] {strides = array<i32>} : memref<128x128xf32, #tpu.memory_space<vmem>>, vector<1x16xf32>,
          %swap3A_868 = vector.shape_cast %swap3A_867 : vector<1x16xf32> to vector<16xf32>
          %swap3A_869 = vector.shape_cast %mul3A_864 : vector<16xf32> to vector<1x16xf32>
          tpu.vector_store %arg12[%swap3A_865, %swap3A_866], %swap3A_869 {strides = array<i32>} : memref<128x128xf32, #tpu.memory_space<vmem>>, vector<1x16xf32>,
          %mul3A_870 = arith.constant 16 : i32
          %mul3A_871 = arith.muli %scan3A_139, %mul3A_870 : i32
          %add3A_872 = arith.constant 6 : i32
          %add3A_873 = arith.addi %mul3A_871, %add3A_872 : i32
          %get3A_874 = arith.index_cast %add3A_873 : i32 to index
          %get3A_875 = arith.constant 32 : index
          %get3A_876 = tpu.vector_load %arg12[%get3A_874, %get3A_875] {strides = array<i32>} : memref<128x128xf32, #tpu.memory_space<vmem>>, vector<1x16xf32>,
          %get3A_877 = vector.shape_cast %get3A_876 : vector<1x16xf32> to vector<16xf32>
          %mul3A_878 = arith.mulf %get3A_877, %gather3A_841 : vector<16xf32>
          %swap3A_879 = arith.index_cast %add3A_873 : i32 to index
          %swap3A_880 = arith.constant 32 : index
          %swap3A_881 = tpu.vector_load %arg12[%swap3A_879, %swap3A_880] {strides = array<i32>} : memref<128x128xf32, #tpu.memory_space<vmem>>, vector<1x16xf32>,
          %swap3A_882 = vector.shape_cast %swap3A_881 : vector<1x16xf32> to vector<16xf32>
          %swap3A_883 = vector.shape_cast %mul3A_878 : vector<16xf32> to vector<1x16xf32>
          tpu.vector_store %arg12[%swap3A_879, %swap3A_880], %swap3A_883 {strides = array<i32>} : memref<128x128xf32, #tpu.memory_space<vmem>>, vector<1x16xf32>,
          %mul3A_884 = arith.constant 16 : i32
          %mul3A_885 = arith.muli %scan3A_139, %mul3A_884 : i32
          %add3A_886 = arith.constant 6 : i32
          %add3A_887 = arith.addi %mul3A_885, %add3A_886 : i32
          %get3A_888 = arith.index_cast %add3A_887 : i32 to index
          %get3A_889 = arith.constant 48 : index
          %get3A_890 = tpu.vector_load %arg12[%get3A_888, %get3A_889] {strides = array<i32>} : memref<128x128xf32, #tpu.memory_space<vmem>>, vector<1x16xf32>,
          %get3A_891 = vector.shape_cast %get3A_890 : vector<1x16xf32> to vector<16xf32>
          %mul3A_892 = arith.mulf %get3A_891, %gather3A_841 : vector<16xf32>
          %swap3A_893 = arith.index_cast %add3A_887 : i32 to index
          %swap3A_894 = arith.constant 48 : index
          %swap3A_895 = tpu.vector_load %arg12[%swap3A_893, %swap3A_894] {strides = array<i32>} : memref<128x128xf32, #tpu.memory_space<vmem>>, vector<1x16xf32>,
          %swap3A_896 = vector.shape_cast %swap3A_895 : vector<1x16xf32> to vector<16xf32>
          %swap3A_897 = vector.shape_cast %mul3A_892 : vector<16xf32> to vector<1x16xf32>
          tpu.vector_store %arg12[%swap3A_893, %swap3A_894], %swap3A_897 {strides = array<i32>} : memref<128x128xf32, #tpu.memory_space<vmem>>, vector<1x16xf32>,
          %mul3A_898 = arith.constant 16 : i32
          %mul3A_899 = arith.muli %scan3A_139, %mul3A_898 : i32
          %add3A_900 = arith.constant 6 : i32
          %add3A_901 = arith.addi %mul3A_899, %add3A_900 : i32
          %get3A_902 = arith.index_cast %add3A_901 : i32 to index
          %get3A_903 = arith.constant 64 : index
          %get3A_904 = tpu.vector_load %arg12[%get3A_902, %get3A_903] {strides = array<i32>} : memref<128x128xf32, #tpu.memory_space<vmem>>, vector<1x16xf32>,
          %get3A_905 = vector.shape_cast %get3A_904 : vector<1x16xf32> to vector<16xf32>
          %mul3A_906 = arith.mulf %get3A_905, %gather3A_841 : vector<16xf32>
          %swap3A_907 = arith.index_cast %add3A_901 : i32 to index
          %swap3A_908 = arith.constant 64 : index
          %swap3A_909 = tpu.vector_load %arg12[%swap3A_907, %swap3A_908] {strides = array<i32>} : memref<128x128xf32, #tpu.memory_space<vmem>>, vector<1x16xf32>,
          %swap3A_910 = vector.shape_cast %swap3A_909 : vector<1x16xf32> to vector<16xf32>
          %swap3A_911 = vector.shape_cast %mul3A_906 : vector<16xf32> to vector<1x16xf32>
          tpu.vector_store %arg12[%swap3A_907, %swap3A_908], %swap3A_911 {strides = array<i32>} : memref<128x128xf32, #tpu.memory_space<vmem>>, vector<1x16xf32>,
          %mul3A_912 = arith.constant 16 : i32
          %mul3A_913 = arith.muli %scan3A_139, %mul3A_912 : i32
          %add3A_914 = arith.constant 6 : i32
          %add3A_915 = arith.addi %mul3A_913, %add3A_914 : i32
          %get3A_916 = arith.index_cast %add3A_915 : i32 to index
          %get3A_917 = arith.constant 80 : index
          %get3A_918 = tpu.vector_load %arg12[%get3A_916, %get3A_917] {strides = array<i32>} : memref<128x128xf32, #tpu.memory_space<vmem>>, vector<1x16xf32>,
          %get3A_919 = vector.shape_cast %get3A_918 : vector<1x16xf32> to vector<16xf32>
          %mul3A_920 = arith.mulf %get3A_919, %gather3A_841 : vector<16xf32>
          %swap3A_921 = arith.index_cast %add3A_915 : i32 to index
          %swap3A_922 = arith.constant 80 : index
          %swap3A_923 = tpu.vector_load %arg12[%swap3A_921, %swap3A_922] {strides = array<i32>} : memref<128x128xf32, #tpu.memory_space<vmem>>, vector<1x16xf32>,
          %swap3A_924 = vector.shape_cast %swap3A_923 : vector<1x16xf32> to vector<16xf32>
          %swap3A_925 = vector.shape_cast %mul3A_920 : vector<16xf32> to vector<1x16xf32>
          tpu.vector_store %arg12[%swap3A_921, %swap3A_922], %swap3A_925 {strides = array<i32>} : memref<128x128xf32, #tpu.memory_space<vmem>>, vector<1x16xf32>,
          %mul3A_926 = arith.constant 16 : i32
          %mul3A_927 = arith.muli %scan3A_139, %mul3A_926 : i32
          %add3A_928 = arith.constant 6 : i32
          %add3A_929 = arith.addi %mul3A_927, %add3A_928 : i32
          %get3A_930 = arith.index_cast %add3A_929 : i32 to index
          %get3A_931 = arith.constant 96 : index
          %get3A_932 = tpu.vector_load %arg12[%get3A_930, %get3A_931] {strides = array<i32>} : memref<128x128xf32, #tpu.memory_space<vmem>>, vector<1x16xf32>,
          %get3A_933 = vector.shape_cast %get3A_932 : vector<1x16xf32> to vector<16xf32>
          %mul3A_934 = arith.mulf %get3A_933, %gather3A_841 : vector<16xf32>
          %swap3A_935 = arith.index_cast %add3A_929 : i32 to index
          %swap3A_936 = arith.constant 96 : index
          %swap3A_937 = tpu.vector_load %arg12[%swap3A_935, %swap3A_936] {strides = array<i32>} : memref<128x128xf32, #tpu.memory_space<vmem>>, vector<1x16xf32>,
          %swap3A_938 = vector.shape_cast %swap3A_937 : vector<1x16xf32> to vector<16xf32>
          %swap3A_939 = vector.shape_cast %mul3A_934 : vector<16xf32> to vector<1x16xf32>
          tpu.vector_store %arg12[%swap3A_935, %swap3A_936], %swap3A_939 {strides = array<i32>} : memref<128x128xf32, #tpu.memory_space<vmem>>, vector<1x16xf32>,
          %mul3A_940 = arith.constant 16 : i32
          %mul3A_941 = arith.muli %scan3A_139, %mul3A_940 : i32
          %add3A_942 = arith.constant 6 : i32
          %add3A_943 = arith.addi %mul3A_941, %add3A_942 : i32
          %get3A_944 = arith.index_cast %add3A_943 : i32 to index
          %get3A_945 = arith.constant 112 : index
          %get3A_946 = tpu.vector_load %arg12[%get3A_944, %get3A_945] {strides = array<i32>} : memref<128x128xf32, #tpu.memory_space<vmem>>, vector<1x16xf32>,
          %get3A_947 = vector.shape_cast %get3A_946 : vector<1x16xf32> to vector<16xf32>
          %mul3A_948 = arith.mulf %get3A_947, %gather3A_841 : vector<16xf32>
          %swap3A_949 = arith.index_cast %add3A_943 : i32 to index
          %swap3A_950 = arith.constant 112 : index
          %swap3A_951 = tpu.vector_load %arg12[%swap3A_949, %swap3A_950] {strides = array<i32>} : memref<128x128xf32, #tpu.memory_space<vmem>>, vector<1x16xf32>,
          %swap3A_952 = vector.shape_cast %swap3A_951 : vector<1x16xf32> to vector<16xf32>
          %swap3A_953 = vector.shape_cast %mul3A_948 : vector<16xf32> to vector<1x16xf32>
          tpu.vector_store %arg12[%swap3A_949, %swap3A_950], %swap3A_953 {strides = array<i32>} : memref<128x128xf32, #tpu.memory_space<vmem>>, vector<1x16xf32>,
          %broadcast_in_dim3A_954 = arith.constant 7 : i32
          %broadcast_in_dim3A_955 = vector.broadcast %broadcast_in_dim3A_954 : i32 to vector<16x1xi32>
          %gather3A_956 = vector.shape_cast %broadcast_in_dim3A_955 : vector<16x1xi32> to vector<16xi32>
          %gather3A_957 = tpu.dynamic_gather %get3A_144[%gather3A_956] in [0] : vector<16xf32>, vector<16xi32> -> vector<16xf32>
          %mul3A_958 = arith.constant 16 : i32
          %mul3A_959 = arith.muli %scan3A_139, %mul3A_958 : i32
          %add3A_960 = arith.constant 7 : i32
          %add3A_961 = arith.addi %mul3A_959, %add3A_960 : i32
          %get3A_962 = arith.index_cast %add3A_961 : i32 to index
          %get3A_963 = arith.constant 0 : index
          %get3A_964 = tpu.vector_load %arg12[%get3A_962, %get3A_963] {strides = array<i32>} : memref<128x128xf32, #tpu.memory_space<vmem>>, vector<1x16xf32>,
          %get3A_965 = vector.shape_cast %get3A_964 : vector<1x16xf32> to vector<16xf32>
          %mul3A_966 = arith.mulf %get3A_965, %gather3A_957 : vector<16xf32>
          %swap3A_967 = arith.index_cast %add3A_961 : i32 to index
          %swap3A_968 = arith.constant 0 : index
          %swap3A_969 = tpu.vector_load %arg12[%swap3A_967, %swap3A_968] {strides = array<i32>} : memref<128x128xf32, #tpu.memory_space<vmem>>, vector<1x16xf32>,
          %swap3A_970 = vector.shape_cast %swap3A_969 : vector<1x16xf32> to vector<16xf32>
          %swap3A_971 = vector.shape_cast %mul3A_966 : vector<16xf32> to vector<1x16xf32>
          tpu.vector_store %arg12[%swap3A_967, %swap3A_968], %swap3A_971 {strides = array<i32>} : memref<128x128xf32, #tpu.memory_space<vmem>>, vector<1x16xf32>,
          %mul3A_972 = arith.constant 16 : i32
          %mul3A_973 = arith.muli %scan3A_139, %mul3A_972 : i32
          %add3A_974 = arith.constant 7 : i32
          %add3A_975 = arith.addi %mul3A_973, %add3A_974 : i32
          %get3A_976 = arith.index_cast %add3A_975 : i32 to index
          %get3A_977 = arith.constant 16 : index
          %get3A_978 = tpu.vector_load %arg12[%get3A_976, %get3A_977] {strides = array<i32>} : memref<128x128xf32, #tpu.memory_space<vmem>>, vector<1x16xf32>,
          %get3A_979 = vector.shape_cast %get3A_978 : vector<1x16xf32> to vector<16xf32>
          %mul3A_980 = arith.mulf %get3A_979, %gather3A_957 : vector<16xf32>
          %swap3A_981 = arith.index_cast %add3A_975 : i32 to index
          %swap3A_982 = arith.constant 16 : index
          %swap3A_983 = tpu.vector_load %arg12[%swap3A_981, %swap3A_982] {strides = array<i32>} : memref<128x128xf32, #tpu.memory_space<vmem>>, vector<1x16xf32>,
          %swap3A_984 = vector.shape_cast %swap3A_983 : vector<1x16xf32> to vector<16xf32>
          %swap3A_985 = vector.shape_cast %mul3A_980 : vector<16xf32> to vector<1x16xf32>
          tpu.vector_store %arg12[%swap3A_981, %swap3A_982], %swap3A_985 {strides = array<i32>} : memref<128x128xf32, #tpu.memory_space<vmem>>, vector<1x16xf32>,
          %mul3A_986 = arith.constant 16 : i32
          %mul3A_987 = arith.muli %scan3A_139, %mul3A_986 : i32
          %add3A_988 = arith.constant 7 : i32
          %add3A_989 = arith.addi %mul3A_987, %add3A_988 : i32
          %get3A_990 = arith.index_cast %add3A_989 : i32 to index
          %get3A_991 = arith.constant 32 : index
          %get3A_992 = tpu.vector_load %arg12[%get3A_990, %get3A_991] {strides = array<i32>} : memref<128x128xf32, #tpu.memory_space<vmem>>, vector<1x16xf32>,
          %get3A_993 = vector.shape_cast %get3A_992 : vector<1x16xf32> to vector<16xf32>
          %mul3A_994 = arith.mulf %get3A_993, %gather3A_957 : vector<16xf32>
          %swap3A_995 = arith.index_cast %add3A_989 : i32 to index
          %swap3A_996 = arith.constant 32 : index
          %swap3A_997 = tpu.vector_load %arg12[%swap3A_995, %swap3A_996] {strides = array<i32>} : memref<128x128xf32, #tpu.memory_space<vmem>>, vector<1x16xf32>,
          %swap3A_998 = vector.shape_cast %swap3A_997 : vector<1x16xf32> to vector<16xf32>
          %swap3A_999 = vector.shape_cast %mul3A_994 : vector<16xf32> to vector<1x16xf32>
          tpu.vector_store %arg12[%swap3A_995, %swap3A_996], %swap3A_999 {strides = array<i32>} : memref<128x128xf32, #tpu.memory_space<vmem>>, vector<1x16xf32>,
          %mul3A_1000 = arith.constant 16 : i32
          %mul3A_1001 = arith.muli %scan3A_139, %mul3A_1000 : i32
          %add3A_1002 = arith.constant 7 : i32
          %add3A_1003 = arith.addi %mul3A_1001, %add3A_1002 : i32
          %get3A_1004 = arith.index_cast %add3A_1003 : i32 to index
          %get3A_1005 = arith.constant 48 : index
          %get3A_1006 = tpu.vector_load %arg12[%get3A_1004, %get3A_1005] {strides = array<i32>} : memref<128x128xf32, #tpu.memory_space<vmem>>, vector<1x16xf32>,
          %get3A_1007 = vector.shape_cast %get3A_1006 : vector<1x16xf32> to vector<16xf32>
          %mul3A_1008 = arith.mulf %get3A_1007, %gather3A_957 : vector<16xf32>
          %swap3A_1009 = arith.index_cast %add3A_1003 : i32 to index
          %swap3A_1010 = arith.constant 48 : index
          %swap3A_1011 = tpu.vector_load %arg12[%swap3A_1009, %swap3A_1010] {strides = array<i32>} : memref<128x128xf32, #tpu.memory_space<vmem>>, vector<1x16xf32>,
          %swap3A_1012 = vector.shape_cast %swap3A_1011 : vector<1x16xf32> to vector<16xf32>
          %swap3A_1013 = vector.shape_cast %mul3A_1008 : vector<16xf32> to vector<1x16xf32>
          tpu.vector_store %arg12[%swap3A_1009, %swap3A_1010], %swap3A_1013 {strides = array<i32>} : memref<128x128xf32, #tpu.memory_space<vmem>>, vector<1x16xf32>,
          %mul3A_1014 = arith.constant 16 : i32
          %mul3A_1015 = arith.muli %scan3A_139, %mul3A_1014 : i32
          %add3A_1016 = arith.constant 7 : i32
          %add3A_1017 = arith.addi %mul3A_1015, %add3A_1016 : i32
          %get3A_1018 = arith.index_cast %add3A_1017 : i32 to index
          %get3A_1019 = arith.constant 64 : index
          %get3A_1020 = tpu.vector_load %arg12[%get3A_1018, %get3A_1019] {strides = array<i32>} : memref<128x128xf32, #tpu.memory_space<vmem>>, vector<1x16xf32>,
          %get3A_1021 = vector.shape_cast %get3A_1020 : vector<1x16xf32> to vector<16xf32>
          %mul3A_1022 = arith.mulf %get3A_1021, %gather3A_957 : vector<16xf32>
          %swap3A_1023 = arith.index_cast %add3A_1017 : i32 to index
          %swap3A_1024 = arith.constant 64 : index
          %swap3A_1025 = tpu.vector_load %arg12[%swap3A_1023, %swap3A_1024] {strides = array<i32>} : memref<128x128xf32, #tpu.memory_space<vmem>>, vector<1x16xf32>,
          %swap3A_1026 = vector.shape_cast %swap3A_1025 : vector<1x16xf32> to vector<16xf32>
          %swap3A_1027 = vector.shape_cast %mul3A_1022 : vector<16xf32> to vector<1x16xf32>
          tpu.vector_store %arg12[%swap3A_1023, %swap3A_1024], %swap3A_1027 {strides = array<i32>} : memref<128x128xf32, #tpu.memory_space<vmem>>, vector<1x16xf32>,
          %mul3A_1028 = arith.constant 16 : i32
          %mul3A_1029 = arith.muli %scan3A_139, %mul3A_1028 : i32
          %add3A_1030 = arith.constant 7 : i32
          %add3A_1031 = arith.addi %mul3A_1029, %add3A_1030 : i32
          %get3A_1032 = arith.index_cast %add3A_1031 : i32 to index
          %get3A_1033 = arith.constant 80 : index
          %get3A_1034 = tpu.vector_load %arg12[%get3A_1032, %get3A_1033] {strides = array<i32>} : memref<128x128xf32, #tpu.memory_space<vmem>>, vector<1x16xf32>,
          %get3A_1035 = vector.shape_cast %get3A_1034 : vector<1x16xf32> to vector<16xf32>
          %mul3A_1036 = arith.mulf %get3A_1035, %gather3A_957 : vector<16xf32>
          %swap3A_1037 = arith.index_cast %add3A_1031 : i32 to index
          %swap3A_1038 = arith.constant 80 : index
          %swap3A_1039 = tpu.vector_load %arg12[%swap3A_1037, %swap3A_1038] {strides = array<i32>} : memref<128x128xf32, #tpu.memory_space<vmem>>, vector<1x16xf32>,
          %swap3A_1040 = vector.shape_cast %swap3A_1039 : vector<1x16xf32> to vector<16xf32>
          %swap3A_1041 = vector.shape_cast %mul3A_1036 : vector<16xf32> to vector<1x16xf32>
          tpu.vector_store %arg12[%swap3A_1037, %swap3A_1038], %swap3A_1041 {strides = array<i32>} : memref<128x128xf32, #tpu.memory_space<vmem>>, vector<1x16xf32>,
          %mul3A_1042 = arith.constant 16 : i32
          %mul3A_1043 = arith.muli %scan3A_139, %mul3A_1042 : i32
          %add3A_1044 = arith.constant 7 : i32
          %add3A_1045 = arith.addi %mul3A_1043, %add3A_1044 : i32
          %get3A_1046 = arith.index_cast %add3A_1045 : i32 to index
          %get3A_1047 = arith.constant 96 : index
          %get3A_1048 = tpu.vector_load %arg12[%get3A_1046, %get3A_1047] {strides = array<i32>} : memref<128x128xf32, #tpu.memory_space<vmem>>, vector<1x16xf32>,
          %get3A_1049 = vector.shape_cast %get3A_1048 : vector<1x16xf32> to vector<16xf32>
          %mul3A_1050 = arith.mulf %get3A_1049, %gather3A_957 : vector<16xf32>
          %swap3A_1051 = arith.index_cast %add3A_1045 : i32 to index
          %swap3A_1052 = arith.constant 96 : index
          %swap3A_1053 = tpu.vector_load %arg12[%swap3A_1051, %swap3A_1052] {strides = array<i32>} : memref<128x128xf32, #tpu.memory_space<vmem>>, vector<1x16xf32>,
          %swap3A_1054 = vector.shape_cast %swap3A_1053 : vector<1x16xf32> to vector<16xf32>
          %swap3A_1055 = vector.shape_cast %mul3A_1050 : vector<16xf32> to vector<1x16xf32>
          tpu.vector_store %arg12[%swap3A_1051, %swap3A_1052], %swap3A_1055 {strides = array<i32>} : memref<128x128xf32, #tpu.memory_space<vmem>>, vector<1x16xf32>,
          %mul3A_1056 = arith.constant 16 : i32
          %mul3A_1057 = arith.muli %scan3A_139, %mul3A_1056 : i32
          %add3A_1058 = arith.constant 7 : i32
          %add3A_1059 = arith.addi %mul3A_1057, %add3A_1058 : i32
          %get3A_1060 = arith.index_cast %add3A_1059 : i32 to index
          %get3A_1061 = arith.constant 112 : index
          %get3A_1062 = tpu.vector_load %arg12[%get3A_1060, %get3A_1061] {strides = array<i32>} : memref<128x128xf32, #tpu.memory_space<vmem>>, vector<1x16xf32>,
          %get3A_1063 = vector.shape_cast %get3A_1062 : vector<1x16xf32> to vector<16xf32>
          %mul3A_1064 = arith.mulf %get3A_1063, %gather3A_957 : vector<16xf32>
          %swap3A_1065 = arith.index_cast %add3A_1059 : i32 to index
          %swap3A_1066 = arith.constant 112 : index
          %swap3A_1067 = tpu.vector_load %arg12[%swap3A_1065, %swap3A_1066] {strides = array<i32>} : memref<128x128xf32, #tpu.memory_space<vmem>>, vector<1x16xf32>,
          %swap3A_1068 = vector.shape_cast %swap3A_1067 : vector<1x16xf32> to vector<16xf32>
          %swap3A_1069 = vector.shape_cast %mul3A_1064 : vector<16xf32> to vector<1x16xf32>
          tpu.vector_store %arg12[%swap3A_1065, %swap3A_1066], %swap3A_1069 {strides = array<i32>} : memref<128x128xf32, #tpu.memory_space<vmem>>, vector<1x16xf32>,
          %broadcast_in_dim3A_1070 = arith.constant 8 : i32
          %broadcast_in_dim3A_1071 = vector.broadcast %broadcast_in_dim3A_1070 : i32 to vector<16x1xi32>
          %gather3A_1072 = vector.shape_cast %broadcast_in_dim3A_1071 : vector<16x1xi32> to vector<16xi32>
          %gather3A_1073 = tpu.dynamic_gather %get3A_144[%gather3A_1072] in [0] : vector<16xf32>, vector<16xi32> -> vector<16xf32>
          %mul3A_1074 = arith.constant 16 : i32
          %mul3A_1075 = arith.muli %scan3A_139, %mul3A_1074 : i32
          %add3A_1076 = arith.constant 8 : i32
          %add3A_1077 = arith.addi %mul3A_1075, %add3A_1076 : i32
          %get3A_1078 = arith.index_cast %add3A_1077 : i32 to index
          %get3A_1079 = arith.constant 0 : index
          %get3A_1080 = tpu.vector_load %arg12[%get3A_1078, %get3A_1079] {strides = array<i32>} : memref<128x128xf32, #tpu.memory_space<vmem>>, vector<1x16xf32>,
          %get3A_1081 = vector.shape_cast %get3A_1080 : vector<1x16xf32> to vector<16xf32>
          %mul3A_1082 = arith.mulf %get3A_1081, %gather3A_1073 : vector<16xf32>
          %swap3A_1083 = arith.index_cast %add3A_1077 : i32 to index
          %swap3A_1084 = arith.constant 0 : index
          %swap3A_1085 = tpu.vector_load %arg12[%swap3A_1083, %swap3A_1084] {strides = array<i32>} : memref<128x128xf32, #tpu.memory_space<vmem>>, vector<1x16xf32>,
          %swap3A_1086 = vector.shape_cast %swap3A_1085 : vector<1x16xf32> to vector<16xf32>
          %swap3A_1087 = vector.shape_cast %mul3A_1082 : vector<16xf32> to vector<1x16xf32>
          tpu.vector_store %arg12[%swap3A_1083, %swap3A_1084], %swap3A_1087 {strides = array<i32>} : memref<128x128xf32, #tpu.memory_space<vmem>>, vector<1x16xf32>,
          %mul3A_1088 = arith.constant 16 : i32
          %mul3A_1089 = arith.muli %scan3A_139, %mul3A_1088 : i32
          %add3A_1090 = arith.constant 8 : i32
          %add3A_1091 = arith.addi %mul3A_1089, %add3A_1090 : i32
          %get3A_1092 = arith.index_cast %add3A_1091 : i32 to index
          %get3A_1093 = arith.constant 16 : index
          %get3A_1094 = tpu.vector_load %arg12[%get3A_1092, %get3A_1093] {strides = array<i32>} : memref<128x128xf32, #tpu.memory_space<vmem>>, vector<1x16xf32>,
          %get3A_1095 = vector.shape_cast %get3A_1094 : vector<1x16xf32> to vector<16xf32>
          %mul3A_1096 = arith.mulf %get3A_1095, %gather3A_1073 : vector<16xf32>
          %swap3A_1097 = arith.index_cast %add3A_1091 : i32 to index
          %swap3A_1098 = arith.constant 16 : index
          %swap3A_1099 = tpu.vector_load %arg12[%swap3A_1097, %swap3A_1098] {strides = array<i32>} : memref<128x128xf32, #tpu.memory_space<vmem>>, vector<1x16xf32>,
          %swap3A_1100 = vector.shape_cast %swap3A_1099 : vector<1x16xf32> to vector<16xf32>
          %swap3A_1101 = vector.shape_cast %mul3A_1096 : vector<16xf32> to vector<1x16xf32>
          tpu.vector_store %arg12[%swap3A_1097, %swap3A_1098], %swap3A_1101 {strides = array<i32>} : memref<128x128xf32, #tpu.memory_space<vmem>>, vector<1x16xf32>,
          %mul3A_1102 = arith.constant 16 : i32
          %mul3A_1103 = arith.muli %scan3A_139, %mul3A_1102 : i32
          %add3A_1104 = arith.constant 8 : i32
          %add3A_1105 = arith.addi %mul3A_1103, %add3A_1104 : i32
          %get3A_1106 = arith.index_cast %add3A_1105 : i32 to index
          %get3A_1107 = arith.constant 32 : index
          %get3A_1108 = tpu.vector_load %arg12[%get3A_1106, %get3A_1107] {strides = array<i32>} : memref<128x128xf32, #tpu.memory_space<vmem>>, vector<1x16xf32>,
          %get3A_1109 = vector.shape_cast %get3A_1108 : vector<1x16xf32> to vector<16xf32>
          %mul3A_1110 = arith.mulf %get3A_1109, %gather3A_1073 : vector<16xf32>
          %swap3A_1111 = arith.index_cast %add3A_1105 : i32 to index
          %swap3A_1112 = arith.constant 32 : index
          %swap3A_1113 = tpu.vector_load %arg12[%swap3A_1111, %swap3A_1112] {strides = array<i32>} : memref<128x128xf32, #tpu.memory_space<vmem>>, vector<1x16xf32>,
          %swap3A_1114 = vector.shape_cast %swap3A_1113 : vector<1x16xf32> to vector<16xf32>
          %swap3A_1115 = vector.shape_cast %mul3A_1110 : vector<16xf32> to vector<1x16xf32>
          tpu.vector_store %arg12[%swap3A_1111, %swap3A_1112], %swap3A_1115 {strides = array<i32>} : memref<128x128xf32, #tpu.memory_space<vmem>>, vector<1x16xf32>,
          %mul3A_1116 = arith.constant 16 : i32
          %mul3A_1117 = arith.muli %scan3A_139, %mul3A_1116 : i32
          %add3A_1118 = arith.constant 8 : i32
          %add3A_1119 = arith.addi %mul3A_1117, %add3A_1118 : i32
          %get3A_1120 = arith.index_cast %add3A_1119 : i32 to index
          %get3A_1121 = arith.constant 48 : index
          %get3A_1122 = tpu.vector_load %arg12[%get3A_1120, %get3A_1121] {strides = array<i32>} : memref<128x128xf32, #tpu.memory_space<vmem>>, vector<1x16xf32>,
          %get3A_1123 = vector.shape_cast %get3A_1122 : vector<1x16xf32> to vector<16xf32>
          %mul3A_1124 = arith.mulf %get3A_1123, %gather3A_1073 : vector<16xf32>
          %swap3A_1125 = arith.index_cast %add3A_1119 : i32 to index
          %swap3A_1126 = arith.constant 48 : index
          %swap3A_1127 = tpu.vector_load %arg12[%swap3A_1125, %swap3A_1126] {strides = array<i32>} : memref<128x128xf32, #tpu.memory_space<vmem>>, vector<1x16xf32>,
          %swap3A_1128 = vector.shape_cast %swap3A_1127 : vector<1x16xf32> to vector<16xf32>
          %swap3A_1129 = vector.shape_cast %mul3A_1124 : vector<16xf32> to vector<1x16xf32>
          tpu.vector_store %arg12[%swap3A_1125, %swap3A_1126], %swap3A_1129 {strides = array<i32>} : memref<128x128xf32, #tpu.memory_space<vmem>>, vector<1x16xf32>,
          %mul3A_1130 = arith.constant 16 : i32
          %mul3A_1131 = arith.muli %scan3A_139, %mul3A_1130 : i32
          %add3A_1132 = arith.constant 8 : i32
          %add3A_1133 = arith.addi %mul3A_1131, %add3A_1132 : i32
          %get3A_1134 = arith.index_cast %add3A_1133 : i32 to index
          %get3A_1135 = arith.constant 64 : index
          %get3A_1136 = tpu.vector_load %arg12[%get3A_1134, %get3A_1135] {strides = array<i32>} : memref<128x128xf32, #tpu.memory_space<vmem>>, vector<1x16xf32>,
          %get3A_1137 = vector.shape_cast %get3A_1136 : vector<1x16xf32> to vector<16xf32>
          %mul3A_1138 = arith.mulf %get3A_1137, %gather3A_1073 : vector<16xf32>
          %swap3A_1139 = arith.index_cast %add3A_1133 : i32 to index
          %swap3A_1140 = arith.constant 64 : index
          %swap3A_1141 = tpu.vector_load %arg12[%swap3A_1139, %swap3A_1140] {strides = array<i32>} : memref<128x128xf32, #tpu.memory_space<vmem>>, vector<1x16xf32>,
          %swap3A_1142 = vector.shape_cast %swap3A_1141 : vector<1x16xf32> to vector<16xf32>
          %swap3A_1143 = vector.shape_cast %mul3A_1138 : vector<16xf32> to vector<1x16xf32>
          tpu.vector_store %arg12[%swap3A_1139, %swap3A_1140], %swap3A_1143 {strides = array<i32>} : memref<128x128xf32, #tpu.memory_space<vmem>>, vector<1x16xf32>,
          %mul3A_1144 = arith.constant 16 : i32
          %mul3A_1145 = arith.muli %scan3A_139, %mul3A_1144 : i32
          %add3A_1146 = arith.constant 8 : i32
          %add3A_1147 = arith.addi %mul3A_1145, %add3A_1146 : i32
          %get3A_1148 = arith.index_cast %add3A_1147 : i32 to index
          %get3A_1149 = arith.constant 80 : index
          %get3A_1150 = tpu.vector_load %arg12[%get3A_1148, %get3A_1149] {strides = array<i32>} : memref<128x128xf32, #tpu.memory_space<vmem>>, vector<1x16xf32>,
          %get3A_1151 = vector.shape_cast %get3A_1150 : vector<1x16xf32> to vector<16xf32>
          %mul3A_1152 = arith.mulf %get3A_1151, %gather3A_1073 : vector<16xf32>
          %swap3A_1153 = arith.index_cast %add3A_1147 : i32 to index
          %swap3A_1154 = arith.constant 80 : index
          %swap3A_1155 = tpu.vector_load %arg12[%swap3A_1153, %swap3A_1154] {strides = array<i32>} : memref<128x128xf32, #tpu.memory_space<vmem>>, vector<1x16xf32>,
          %swap3A_1156 = vector.shape_cast %swap3A_1155 : vector<1x16xf32> to vector<16xf32>
          %swap3A_1157 = vector.shape_cast %mul3A_1152 : vector<16xf32> to vector<1x16xf32>
          tpu.vector_store %arg12[%swap3A_1153, %swap3A_1154], %swap3A_1157 {strides = array<i32>} : memref<128x128xf32, #tpu.memory_space<vmem>>, vector<1x16xf32>,
          %mul3A_1158 = arith.constant 16 : i32
          %mul3A_1159 = arith.muli %scan3A_139, %mul3A_1158 : i32
          %add3A_1160 = arith.constant 8 : i32
          %add3A_1161 = arith.addi %mul3A_1159, %add3A_1160 : i32
          %get3A_1162 = arith.index_cast %add3A_1161 : i32 to index
          %get3A_1163 = arith.constant 96 : index
          %get3A_1164 = tpu.vector_load %arg12[%get3A_1162, %get3A_1163] {strides = array<i32>} : memref<128x128xf32, #tpu.memory_space<vmem>>, vector<1x16xf32>,
          %get3A_1165 = vector.shape_cast %get3A_1164 : vector<1x16xf32> to vector<16xf32>
          %mul3A_1166 = arith.mulf %get3A_1165, %gather3A_1073 : vector<16xf32>
          %swap3A_1167 = arith.index_cast %add3A_1161 : i32 to index
          %swap3A_1168 = arith.constant 96 : index
          %swap3A_1169 = tpu.vector_load %arg12[%swap3A_1167, %swap3A_1168] {strides = array<i32>} : memref<128x128xf32, #tpu.memory_space<vmem>>, vector<1x16xf32>,
          %swap3A_1170 = vector.shape_cast %swap3A_1169 : vector<1x16xf32> to vector<16xf32>
          %swap3A_1171 = vector.shape_cast %mul3A_1166 : vector<16xf32> to vector<1x16xf32>
          tpu.vector_store %arg12[%swap3A_1167, %swap3A_1168], %swap3A_1171 {strides = array<i32>} : memref<128x128xf32, #tpu.memory_space<vmem>>, vector<1x16xf32>,
          %mul3A_1172 = arith.constant 16 : i32
          %mul3A_1173 = arith.muli %scan3A_139, %mul3A_1172 : i32
          %add3A_1174 = arith.constant 8 : i32
          %add3A_1175 = arith.addi %mul3A_1173, %add3A_1174 : i32
          %get3A_1176 = arith.index_cast %add3A_1175 : i32 to index
          %get3A_1177 = arith.constant 112 : index
          %get3A_1178 = tpu.vector_load %arg12[%get3A_1176, %get3A_1177] {strides = array<i32>} : memref<128x128xf32, #tpu.memory_space<vmem>>, vector<1x16xf32>,
          %get3A_1179 = vector.shape_cast %get3A_1178 : vector<1x16xf32> to vector<16xf32>
          %mul3A_1180 = arith.mulf %get3A_1179, %gather3A_1073 : vector<16xf32>
          %swap3A_1181 = arith.index_cast %add3A_1175 : i32 to index
          %swap3A_1182 = arith.constant 112 : index
          %swap3A_1183 = tpu.vector_load %arg12[%swap3A_1181, %swap3A_1182] {strides = array<i32>} : memref<128x128xf32, #tpu.memory_space<vmem>>, vector<1x16xf32>,
          %swap3A_1184 = vector.shape_cast %swap3A_1183 : vector<1x16xf32> to vector<16xf32>
          %swap3A_1185 = vector.shape_cast %mul3A_1180 : vector<16xf32> to vector<1x16xf32>
          tpu.vector_store %arg12[%swap3A_1181, %swap3A_1182], %swap3A_1185 {strides = array<i32>} : memref<128x128xf32, #tpu.memory_space<vmem>>, vector<1x16xf32>,
          %broadcast_in_dim3A_1186 = arith.constant 9 : i32
          %broadcast_in_dim3A_1187 = vector.broadcast %broadcast_in_dim3A_1186 : i32 to vector<16x1xi32>
          %gather3A_1188 = vector.shape_cast %broadcast_in_dim3A_1187 : vector<16x1xi32> to vector<16xi32>
          %gather3A_1189 = tpu.dynamic_gather %get3A_144[%gather3A_1188] in [0] : vector<16xf32>, vector<16xi32> -> vector<16xf32>
          %mul3A_1190 = arith.constant 16 : i32
          %mul3A_1191 = arith.muli %scan3A_139, %mul3A_1190 : i32
          %add3A_1192 = arith.constant 9 : i32
          %add3A_1193 = arith.addi %mul3A_1191, %add3A_1192 : i32
          %get3A_1194 = arith.index_cast %add3A_1193 : i32 to index
          %get3A_1195 = arith.constant 0 : index
          %get3A_1196 = tpu.vector_load %arg12[%get3A_1194, %get3A_1195] {strides = array<i32>} : memref<128x128xf32, #tpu.memory_space<vmem>>, vector<1x16xf32>,
          %get3A_1197 = vector.shape_cast %get3A_1196 : vector<1x16xf32> to vector<16xf32>
          %mul3A_1198 = arith.mulf %get3A_1197, %gather3A_1189 : vector<16xf32>
          %swap3A_1199 = arith.index_cast %add3A_1193 : i32 to index
          %swap3A_1200 = arith.constant 0 : index
          %swap3A_1201 = tpu.vector_load %arg12[%swap3A_1199, %swap3A_1200] {strides = array<i32>} : memref<128x128xf32, #tpu.memory_space<vmem>>, vector<1x16xf32>,
          %swap3A_1202 = vector.shape_cast %swap3A_1201 : vector<1x16xf32> to vector<16xf32>
          %swap3A_1203 = vector.shape_cast %mul3A_1198 : vector<16xf32> to vector<1x16xf32>
          tpu.vector_store %arg12[%swap3A_1199, %swap3A_1200], %swap3A_1203 {strides = array<i32>} : memref<128x128xf32, #tpu.memory_space<vmem>>, vector<1x16xf32>,
          %mul3A_1204 = arith.constant 16 : i32
          %mul3A_1205 = arith.muli %scan3A_139, %mul3A_1204 : i32
          %add3A_1206 = arith.constant 9 : i32
          %add3A_1207 = arith.addi %mul3A_1205, %add3A_1206 : i32
          %get3A_1208 = arith.index_cast %add3A_1207 : i32 to index
          %get3A_1209 = arith.constant 16 : index
          %get3A_1210 = tpu.vector_load %arg12[%get3A_1208, %get3A_1209] {strides = array<i32>} : memref<128x128xf32, #tpu.memory_space<vmem>>, vector<1x16xf32>,
          %get3A_1211 = vector.shape_cast %get3A_1210 : vector<1x16xf32> to vector<16xf32>
          %mul3A_1212 = arith.mulf %get3A_1211, %gather3A_1189 : vector<16xf32>
          %swap3A_1213 = arith.index_cast %add3A_1207 : i32 to index
          %swap3A_1214 = arith.constant 16 : index
          %swap3A_1215 = tpu.vector_load %arg12[%swap3A_1213, %swap3A_1214] {strides = array<i32>} : memref<128x128xf32, #tpu.memory_space<vmem>>, vector<1x16xf32>,
          %swap3A_1216 = vector.shape_cast %swap3A_1215 : vector<1x16xf32> to vector<16xf32>
          %swap3A_1217 = vector.shape_cast %mul3A_1212 : vector<16xf32> to vector<1x16xf32>
          tpu.vector_store %arg12[%swap3A_1213, %swap3A_1214], %swap3A_1217 {strides = array<i32>} : memref<128x128xf32, #tpu.memory_space<vmem>>, vector<1x16xf32>,
          %mul3A_1218 = arith.constant 16 : i32
          %mul3A_1219 = arith.muli %scan3A_139, %mul3A_1218 : i32
          %add3A_1220 = arith.constant 9 : i32
          %add3A_1221 = arith.addi %mul3A_1219, %add3A_1220 : i32
          %get3A_1222 = arith.index_cast %add3A_1221 : i32 to index
          %get3A_1223 = arith.constant 32 : index
          %get3A_1224 = tpu.vector_load %arg12[%get3A_1222, %get3A_1223] {strides = array<i32>} : memref<128x128xf32, #tpu.memory_space<vmem>>, vector<1x16xf32>,
          %get3A_1225 = vector.shape_cast %get3A_1224 : vector<1x16xf32> to vector<16xf32>
          %mul3A_1226 = arith.mulf %get3A_1225, %gather3A_1189 : vector<16xf32>
          %swap3A_1227 = arith.index_cast %add3A_1221 : i32 to index
          %swap3A_1228 = arith.constant 32 : index
          %swap3A_1229 = tpu.vector_load %arg12[%swap3A_1227, %swap3A_1228] {strides = array<i32>} : memref<128x128xf32, #tpu.memory_space<vmem>>, vector<1x16xf32>,
          %swap3A_1230 = vector.shape_cast %swap3A_1229 : vector<1x16xf32> to vector<16xf32>
          %swap3A_1231 = vector.shape_cast %mul3A_1226 : vector<16xf32> to vector<1x16xf32>
          tpu.vector_store %arg12[%swap3A_1227, %swap3A_1228], %swap3A_1231 {strides = array<i32>} : memref<128x128xf32, #tpu.memory_space<vmem>>, vector<1x16xf32>,
          %mul3A_1232 = arith.constant 16 : i32
          %mul3A_1233 = arith.muli %scan3A_139, %mul3A_1232 : i32
          %add3A_1234 = arith.constant 9 : i32
          %add3A_1235 = arith.addi %mul3A_1233, %add3A_1234 : i32
          %get3A_1236 = arith.index_cast %add3A_1235 : i32 to index
          %get3A_1237 = arith.constant 48 : index
          %get3A_1238 = tpu.vector_load %arg12[%get3A_1236, %get3A_1237] {strides = array<i32>} : memref<128x128xf32, #tpu.memory_space<vmem>>, vector<1x16xf32>,
          %get3A_1239 = vector.shape_cast %get3A_1238 : vector<1x16xf32> to vector<16xf32>
          %mul3A_1240 = arith.mulf %get3A_1239, %gather3A_1189 : vector<16xf32>
          %swap3A_1241 = arith.index_cast %add3A_1235 : i32 to index
          %swap3A_1242 = arith.constant 48 : index
          %swap3A_1243 = tpu.vector_load %arg12[%swap3A_1241, %swap3A_1242] {strides = array<i32>} : memref<128x128xf32, #tpu.memory_space<vmem>>, vector<1x16xf32>,
          %swap3A_1244 = vector.shape_cast %swap3A_1243 : vector<1x16xf32> to vector<16xf32>
          %swap3A_1245 = vector.shape_cast %mul3A_1240 : vector<16xf32> to vector<1x16xf32>
          tpu.vector_store %arg12[%swap3A_1241, %swap3A_1242], %swap3A_1245 {strides = array<i32>} : memref<128x128xf32, #tpu.memory_space<vmem>>, vector<1x16xf32>,
          %mul3A_1246 = arith.constant 16 : i32
          %mul3A_1247 = arith.muli %scan3A_139, %mul3A_1246 : i32
          %add3A_1248 = arith.constant 9 : i32
          %add3A_1249 = arith.addi %mul3A_1247, %add3A_1248 : i32
          %get3A_1250 = arith.index_cast %add3A_1249 : i32 to index
          %get3A_1251 = arith.constant 64 : index
          %get3A_1252 = tpu.vector_load %arg12[%get3A_1250, %get3A_1251] {strides = array<i32>} : memref<128x128xf32, #tpu.memory_space<vmem>>, vector<1x16xf32>,
          %get3A_1253 = vector.shape_cast %get3A_1252 : vector<1x16xf32> to vector<16xf32>
          %mul3A_1254 = arith.mulf %get3A_1253, %gather3A_1189 : vector<16xf32>
          %swap3A_1255 = arith.index_cast %add3A_1249 : i32 to index
          %swap3A_1256 = arith.constant 64 : index
          %swap3A_1257 = tpu.vector_load %arg12[%swap3A_1255, %swap3A_1256] {strides = array<i32>} : memref<128x128xf32, #tpu.memory_space<vmem>>, vector<1x16xf32>,
          %swap3A_1258 = vector.shape_cast %swap3A_1257 : vector<1x16xf32> to vector<16xf32>
          %swap3A_1259 = vector.shape_cast %mul3A_1254 : vector<16xf32> to vector<1x16xf32>
          tpu.vector_store %arg12[%swap3A_1255, %swap3A_1256], %swap3A_1259 {strides = array<i32>} : memref<128x128xf32, #tpu.memory_space<vmem>>, vector<1x16xf32>,
          %mul3A_1260 = arith.constant 16 : i32
          %mul3A_1261 = arith.muli %scan3A_139, %mul3A_1260 : i32
          %add3A_1262 = arith.constant 9 : i32
          %add3A_1263 = arith.addi %mul3A_1261, %add3A_1262 : i32
          %get3A_1264 = arith.index_cast %add3A_1263 : i32 to index
          %get3A_1265 = arith.constant 80 : index
          %get3A_1266 = tpu.vector_load %arg12[%get3A_1264, %get3A_1265] {strides = array<i32>} : memref<128x128xf32, #tpu.memory_space<vmem>>, vector<1x16xf32>,
          %get3A_1267 = vector.shape_cast %get3A_1266 : vector<1x16xf32> to vector<16xf32>
          %mul3A_1268 = arith.mulf %get3A_1267, %gather3A_1189 : vector<16xf32>
          %swap3A_1269 = arith.index_cast %add3A_1263 : i32 to index
          %swap3A_1270 = arith.constant 80 : index
          %swap3A_1271 = tpu.vector_load %arg12[%swap3A_1269, %swap3A_1270] {strides = array<i32>} : memref<128x128xf32, #tpu.memory_space<vmem>>, vector<1x16xf32>,
          %swap3A_1272 = vector.shape_cast %swap3A_1271 : vector<1x16xf32> to vector<16xf32>
          %swap3A_1273 = vector.shape_cast %mul3A_1268 : vector<16xf32> to vector<1x16xf32>
          tpu.vector_store %arg12[%swap3A_1269, %swap3A_1270], %swap3A_1273 {strides = array<i32>} : memref<128x128xf32, #tpu.memory_space<vmem>>, vector<1x16xf32>,
          %mul3A_1274 = arith.constant 16 : i32
          %mul3A_1275 = arith.muli %scan3A_139, %mul3A_1274 : i32
          %add3A_1276 = arith.constant 9 : i32
          %add3A_1277 = arith.addi %mul3A_1275, %add3A_1276 : i32
          %get3A_1278 = arith.index_cast %add3A_1277 : i32 to index
          %get3A_1279 = arith.constant 96 : index
          %get3A_1280 = tpu.vector_load %arg12[%get3A_1278, %get3A_1279] {strides = array<i32>} : memref<128x128xf32, #tpu.memory_space<vmem>>, vector<1x16xf32>,
          %get3A_1281 = vector.shape_cast %get3A_1280 : vector<1x16xf32> to vector<16xf32>
          %mul3A_1282 = arith.mulf %get3A_1281, %gather3A_1189 : vector<16xf32>
          %swap3A_1283 = arith.index_cast %add3A_1277 : i32 to index
          %swap3A_1284 = arith.constant 96 : index
          %swap3A_1285 = tpu.vector_load %arg12[%swap3A_1283, %swap3A_1284] {strides = array<i32>} : memref<128x128xf32, #tpu.memory_space<vmem>>, vector<1x16xf32>,
          %swap3A_1286 = vector.shape_cast %swap3A_1285 : vector<1x16xf32> to vector<16xf32>
          %swap3A_1287 = vector.shape_cast %mul3A_1282 : vector<16xf32> to vector<1x16xf32>
          tpu.vector_store %arg12[%swap3A_1283, %swap3A_1284], %swap3A_1287 {strides = array<i32>} : memref<128x128xf32, #tpu.memory_space<vmem>>, vector<1x16xf32>,
          %mul3A_1288 = arith.constant 16 : i32
          %mul3A_1289 = arith.muli %scan3A_139, %mul3A_1288 : i32
          %add3A_1290 = arith.constant 9 : i32
          %add3A_1291 = arith.addi %mul3A_1289, %add3A_1290 : i32
          %get3A_1292 = arith.index_cast %add3A_1291 : i32 to index
          %get3A_1293 = arith.constant 112 : index
          %get3A_1294 = tpu.vector_load %arg12[%get3A_1292, %get3A_1293] {strides = array<i32>} : memref<128x128xf32, #tpu.memory_space<vmem>>, vector<1x16xf32>,
          %get3A_1295 = vector.shape_cast %get3A_1294 : vector<1x16xf32> to vector<16xf32>
          %mul3A_1296 = arith.mulf %get3A_1295, %gather3A_1189 : vector<16xf32>
          %swap3A_1297 = arith.index_cast %add3A_1291 : i32 to index
          %swap3A_1298 = arith.constant 112 : index
          %swap3A_1299 = tpu.vector_load %arg12[%swap3A_1297, %swap3A_1298] {strides = array<i32>} : memref<128x128xf32, #tpu.memory_space<vmem>>, vector<1x16xf32>,
          %swap3A_1300 = vector.shape_cast %swap3A_1299 : vector<1x16xf32> to vector<16xf32>
          %swap3A_1301 = vector.shape_cast %mul3A_1296 : vector<16xf32> to vector<1x16xf32>
          tpu.vector_store %arg12[%swap3A_1297, %swap3A_1298], %swap3A_1301 {strides = array<i32>} : memref<128x128xf32, #tpu.memory_space<vmem>>, vector<1x16xf32>,
          %broadcast_in_dim3A_1302 = arith.constant 10 : i32
          %broadcast_in_dim3A_1303 = vector.broadcast %broadcast_in_dim3A_1302 : i32 to vector<16x1xi32>
          %gather3A_1304 = vector.shape_cast %broadcast_in_dim3A_1303 : vector<16x1xi32> to vector<16xi32>
          %gather3A_1305 = tpu.dynamic_gather %get3A_144[%gather3A_1304] in [0] : vector<16xf32>, vector<16xi32> -> vector<16xf32>
          %mul3A_1306 = arith.constant 16 : i32
          %mul3A_1307 = arith.muli %scan3A_139, %mul3A_1306 : i32
          %add3A_1308 = arith.constant 10 : i32
          %add3A_1309 = arith.addi %mul3A_1307, %add3A_1308 : i32
          %get3A_1310 = arith.index_cast %add3A_1309 : i32 to index
          %get3A_1311 = arith.constant 0 : index
          %get3A_1312 = tpu.vector_load %arg12[%get3A_1310, %get3A_1311] {strides = array<i32>} : memref<128x128xf32, #tpu.memory_space<vmem>>, vector<1x16xf32>,
          %get3A_1313 = vector.shape_cast %get3A_1312 : vector<1x16xf32> to vector<16xf32>
          %mul3A_1314 = arith.mulf %get3A_1313, %gather3A_1305 : vector<16xf32>
          %swap3A_1315 = arith.index_cast %add3A_1309 : i32 to index
          %swap3A_1316 = arith.constant 0 : index
          %swap3A_1317 = tpu.vector_load %arg12[%swap3A_1315, %swap3A_1316] {strides = array<i32>} : memref<128x128xf32, #tpu.memory_space<vmem>>, vector<1x16xf32>,
          %swap3A_1318 = vector.shape_cast %swap3A_1317 : vector<1x16xf32> to vector<16xf32>
          %swap3A_1319 = vector.shape_cast %mul3A_1314 : vector<16xf32> to vector<1x16xf32>
          tpu.vector_store %arg12[%swap3A_1315, %swap3A_1316], %swap3A_1319 {strides = array<i32>} : memref<128x128xf32, #tpu.memory_space<vmem>>, vector<1x16xf32>,
          %mul3A_1320 = arith.constant 16 : i32
          %mul3A_1321 = arith.muli %scan3A_139, %mul3A_1320 : i32
          %add3A_1322 = arith.constant 10 : i32
          %add3A_1323 = arith.addi %mul3A_1321, %add3A_1322 : i32
          %get3A_1324 = arith.index_cast %add3A_1323 : i32 to index
          %get3A_1325 = arith.constant 16 : index
          %get3A_1326 = tpu.vector_load %arg12[%get3A_1324, %get3A_1325] {strides = array<i32>} : memref<128x128xf32, #tpu.memory_space<vmem>>, vector<1x16xf32>,
          %get3A_1327 = vector.shape_cast %get3A_1326 : vector<1x16xf32> to vector<16xf32>
          %mul3A_1328 = arith.mulf %get3A_1327, %gather3A_1305 : vector<16xf32>
          %swap3A_1329 = arith.index_cast %add3A_1323 : i32 to index
          %swap3A_1330 = arith.constant 16 : index
          %swap3A_1331 = tpu.vector_load %arg12[%swap3A_1329, %swap3A_1330] {strides = array<i32>} : memref<128x128xf32, #tpu.memory_space<vmem>>, vector<1x16xf32>,
          %swap3A_1332 = vector.shape_cast %swap3A_1331 : vector<1x16xf32> to vector<16xf32>
          %swap3A_1333 = vector.shape_cast %mul3A_1328 : vector<16xf32> to vector<1x16xf32>
          tpu.vector_store %arg12[%swap3A_1329, %swap3A_1330], %swap3A_1333 {strides = array<i32>} : memref<128x128xf32, #tpu.memory_space<vmem>>, vector<1x16xf32>,
          %mul3A_1334 = arith.constant 16 : i32
          %mul3A_1335 = arith.muli %scan3A_139, %mul3A_1334 : i32
          %add3A_1336 = arith.constant 10 : i32
          %add3A_1337 = arith.addi %mul3A_1335, %add3A_1336 : i32
          %get3A_1338 = arith.index_cast %add3A_1337 : i32 to index
          %get3A_1339 = arith.constant 32 : index
          %get3A_1340 = tpu.vector_load %arg12[%get3A_1338, %get3A_1339] {strides = array<i32>} : memref<128x128xf32, #tpu.memory_space<vmem>>, vector<1x16xf32>,
          %get3A_1341 = vector.shape_cast %get3A_1340 : vector<1x16xf32> to vector<16xf32>
          %mul3A_1342 = arith.mulf %get3A_1341, %gather3A_1305 : vector<16xf32>
          %swap3A_1343 = arith.index_cast %add3A_1337 : i32 to index
          %swap3A_1344 = arith.constant 32 : index
          %swap3A_1345 = tpu.vector_load %arg12[%swap3A_1343, %swap3A_1344] {strides = array<i32>} : memref<128x128xf32, #tpu.memory_space<vmem>>, vector<1x16xf32>,
          %swap3A_1346 = vector.shape_cast %swap3A_1345 : vector<1x16xf32> to vector<16xf32>
          %swap3A_1347 = vector.shape_cast %mul3A_1342 : vector<16xf32> to vector<1x16xf32>
          tpu.vector_store %arg12[%swap3A_1343, %swap3A_1344], %swap3A_1347 {strides = array<i32>} : memref<128x128xf32, #tpu.memory_space<vmem>>, vector<1x16xf32>,
          %mul3A_1348 = arith.constant 16 : i32
          %mul3A_1349 = arith.muli %scan3A_139, %mul3A_1348 : i32
          %add3A_1350 = arith.constant 10 : i32
          %add3A_1351 = arith.addi %mul3A_1349, %add3A_1350 : i32
          %get3A_1352 = arith.index_cast %add3A_1351 : i32 to index
          %get3A_1353 = arith.constant 48 : index
          %get3A_1354 = tpu.vector_load %arg12[%get3A_1352, %get3A_1353] {strides = array<i32>} : memref<128x128xf32, #tpu.memory_space<vmem>>, vector<1x16xf32>,
          %get3A_1355 = vector.shape_cast %get3A_1354 : vector<1x16xf32> to vector<16xf32>
          %mul3A_1356 = arith.mulf %get3A_1355, %gather3A_1305 : vector<16xf32>
          %swap3A_1357 = arith.index_cast %add3A_1351 : i32 to index
          %swap3A_1358 = arith.constant 48 : index
          %swap3A_1359 = tpu.vector_load %arg12[%swap3A_1357, %swap3A_1358] {strides = array<i32>} : memref<128x128xf32, #tpu.memory_space<vmem>>, vector<1x16xf32>,
          %swap3A_1360 = vector.shape_cast %swap3A_1359 : vector<1x16xf32> to vector<16xf32>
          %swap3A_1361 = vector.shape_cast %mul3A_1356 : vector<16xf32> to vector<1x16xf32>
          tpu.vector_store %arg12[%swap3A_1357, %swap3A_1358], %swap3A_1361 {strides = array<i32>} : memref<128x128xf32, #tpu.memory_space<vmem>>, vector<1x16xf32>,
          %mul3A_1362 = arith.constant 16 : i32
          %mul3A_1363 = arith.muli %scan3A_139, %mul3A_1362 : i32
          %add3A_1364 = arith.constant 10 : i32
          %add3A_1365 = arith.addi %mul3A_1363, %add3A_1364 : i32
          %get3A_1366 = arith.index_cast %add3A_1365 : i32 to index
          %get3A_1367 = arith.constant 64 : index
          %get3A_1368 = tpu.vector_load %arg12[%get3A_1366, %get3A_1367] {strides = array<i32>} : memref<128x128xf32, #tpu.memory_space<vmem>>, vector<1x16xf32>,
          %get3A_1369 = vector.shape_cast %get3A_1368 : vector<1x16xf32> to vector<16xf32>
          %mul3A_1370 = arith.mulf %get3A_1369, %gather3A_1305 : vector<16xf32>
          %swap3A_1371 = arith.index_cast %add3A_1365 : i32 to index
          %swap3A_1372 = arith.constant 64 : index
          %swap3A_1373 = tpu.vector_load %arg12[%swap3A_1371, %swap3A_1372] {strides = array<i32>} : memref<128x128xf32, #tpu.memory_space<vmem>>, vector<1x16xf32>,
          %swap3A_1374 = vector.shape_cast %swap3A_1373 : vector<1x16xf32> to vector<16xf32>
          %swap3A_1375 = vector.shape_cast %mul3A_1370 : vector<16xf32> to vector<1x16xf32>
          tpu.vector_store %arg12[%swap3A_1371, %swap3A_1372], %swap3A_1375 {strides = array<i32>} : memref<128x128xf32, #tpu.memory_space<vmem>>, vector<1x16xf32>,
          %mul3A_1376 = arith.constant 16 : i32
          %mul3A_1377 = arith.muli %scan3A_139, %mul3A_1376 : i32
          %add3A_1378 = arith.constant 10 : i32
          %add3A_1379 = arith.addi %mul3A_1377, %add3A_1378 : i32
          %get3A_1380 = arith.index_cast %add3A_1379 : i32 to index
          %get3A_1381 = arith.constant 80 : index
          %get3A_1382 = tpu.vector_load %arg12[%get3A_1380, %get3A_1381] {strides = array<i32>} : memref<128x128xf32, #tpu.memory_space<vmem>>, vector<1x16xf32>,
          %get3A_1383 = vector.shape_cast %get3A_1382 : vector<1x16xf32> to vector<16xf32>
          %mul3A_1384 = arith.mulf %get3A_1383, %gather3A_1305 : vector<16xf32>
          %swap3A_1385 = arith.index_cast %add3A_1379 : i32 to index
          %swap3A_1386 = arith.constant 80 : index
          %swap3A_1387 = tpu.vector_load %arg12[%swap3A_1385, %swap3A_1386] {strides = array<i32>} : memref<128x128xf32, #tpu.memory_space<vmem>>, vector<1x16xf32>,
          %swap3A_1388 = vector.shape_cast %swap3A_1387 : vector<1x16xf32> to vector<16xf32>
          %swap3A_1389 = vector.shape_cast %mul3A_1384 : vector<16xf32> to vector<1x16xf32>
          tpu.vector_store %arg12[%swap3A_1385, %swap3A_1386], %swap3A_1389 {strides = array<i32>} : memref<128x128xf32, #tpu.memory_space<vmem>>, vector<1x16xf32>,
          %mul3A_1390 = arith.constant 16 : i32
          %mul3A_1391 = arith.muli %scan3A_139, %mul3A_1390 : i32
          %add3A_1392 = arith.constant 10 : i32
          %add3A_1393 = arith.addi %mul3A_1391, %add3A_1392 : i32
          %get3A_1394 = arith.index_cast %add3A_1393 : i32 to index
          %get3A_1395 = arith.constant 96 : index
          %get3A_1396 = tpu.vector_load %arg12[%get3A_1394, %get3A_1395] {strides = array<i32>} : memref<128x128xf32, #tpu.memory_space<vmem>>, vector<1x16xf32>,
          %get3A_1397 = vector.shape_cast %get3A_1396 : vector<1x16xf32> to vector<16xf32>
          %mul3A_1398 = arith.mulf %get3A_1397, %gather3A_1305 : vector<16xf32>
          %swap3A_1399 = arith.index_cast %add3A_1393 : i32 to index
          %swap3A_1400 = arith.constant 96 : index
          %swap3A_1401 = tpu.vector_load %arg12[%swap3A_1399, %swap3A_1400] {strides = array<i32>} : memref<128x128xf32, #tpu.memory_space<vmem>>, vector<1x16xf32>,
          %swap3A_1402 = vector.shape_cast %swap3A_1401 : vector<1x16xf32> to vector<16xf32>
          %swap3A_1403 = vector.shape_cast %mul3A_1398 : vector<16xf32> to vector<1x16xf32>
          tpu.vector_store %arg12[%swap3A_1399, %swap3A_1400], %swap3A_1403 {strides = array<i32>} : memref<128x128xf32, #tpu.memory_space<vmem>>, vector<1x16xf32>,
          %mul3A_1404 = arith.constant 16 : i32
          %mul3A_1405 = arith.muli %scan3A_139, %mul3A_1404 : i32
          %add3A_1406 = arith.constant 10 : i32
          %add3A_1407 = arith.addi %mul3A_1405, %add3A_1406 : i32
          %get3A_1408 = arith.index_cast %add3A_1407 : i32 to index
          %get3A_1409 = arith.constant 112 : index
          %get3A_1410 = tpu.vector_load %arg12[%get3A_1408, %get3A_1409] {strides = array<i32>} : memref<128x128xf32, #tpu.memory_space<vmem>>, vector<1x16xf32>,
          %get3A_1411 = vector.shape_cast %get3A_1410 : vector<1x16xf32> to vector<16xf32>
          %mul3A_1412 = arith.mulf %get3A_1411, %gather3A_1305 : vector<16xf32>
          %swap3A_1413 = arith.index_cast %add3A_1407 : i32 to index
          %swap3A_1414 = arith.constant 112 : index
          %swap3A_1415 = tpu.vector_load %arg12[%swap3A_1413, %swap3A_1414] {strides = array<i32>} : memref<128x128xf32, #tpu.memory_space<vmem>>, vector<1x16xf32>,
          %swap3A_1416 = vector.shape_cast %swap3A_1415 : vector<1x16xf32> to vector<16xf32>
          %swap3A_1417 = vector.shape_cast %mul3A_1412 : vector<16xf32> to vector<1x16xf32>
          tpu.vector_store %arg12[%swap3A_1413, %swap3A_1414], %swap3A_1417 {strides = array<i32>} : memref<128x128xf32, #tpu.memory_space<vmem>>, vector<1x16xf32>,
          %broadcast_in_dim3A_1418 = arith.constant 11 : i32
          %broadcast_in_dim3A_1419 = vector.broadcast %broadcast_in_dim3A_1418 : i32 to vector<16x1xi32>
          %gather3A_1420 = vector.shape_cast %broadcast_in_dim3A_1419 : vector<16x1xi32> to vector<16xi32>
          %gather3A_1421 = tpu.dynamic_gather %get3A_144[%gather3A_1420] in [0] : vector<16xf32>, vector<16xi32> -> vector<16xf32>
          %mul3A_1422 = arith.constant 16 : i32
          %mul3A_1423 = arith.muli %scan3A_139, %mul3A_1422 : i32
          %add3A_1424 = arith.constant 11 : i32
          %add3A_1425 = arith.addi %mul3A_1423, %add3A_1424 : i32
          %get3A_1426 = arith.index_cast %add3A_1425 : i32 to index
          %get3A_1427 = arith.constant 0 : index
          %get3A_1428 = tpu.vector_load %arg12[%get3A_1426, %get3A_1427] {strides = array<i32>} : memref<128x128xf32, #tpu.memory_space<vmem>>, vector<1x16xf32>,
          %get3A_1429 = vector.shape_cast %get3A_1428 : vector<1x16xf32> to vector<16xf32>
          %mul3A_1430 = arith.mulf %get3A_1429, %gather3A_1421 : vector<16xf32>
          %swap3A_1431 = arith.index_cast %add3A_1425 : i32 to index
          %swap3A_1432 = arith.constant 0 : index
          %swap3A_1433 = tpu.vector_load %arg12[%swap3A_1431, %swap3A_1432] {strides = array<i32>} : memref<128x128xf32, #tpu.memory_space<vmem>>, vector<1x16xf32>,
          %swap3A_1434 = vector.shape_cast %swap3A_1433 : vector<1x16xf32> to vector<16xf32>
          %swap3A_1435 = vector.shape_cast %mul3A_1430 : vector<16xf32> to vector<1x16xf32>
          tpu.vector_store %arg12[%swap3A_1431, %swap3A_1432], %swap3A_1435 {strides = array<i32>} : memref<128x128xf32, #tpu.memory_space<vmem>>, vector<1x16xf32>,
          %mul3A_1436 = arith.constant 16 : i32
          %mul3A_1437 = arith.muli %scan3A_139, %mul3A_1436 : i32
          %add3A_1438 = arith.constant 11 : i32
          %add3A_1439 = arith.addi %mul3A_1437, %add3A_1438 : i32
          %get3A_1440 = arith.index_cast %add3A_1439 : i32 to index
          %get3A_1441 = arith.constant 16 : index
          %get3A_1442 = tpu.vector_load %arg12[%get3A_1440, %get3A_1441] {strides = array<i32>} : memref<128x128xf32, #tpu.memory_space<vmem>>, vector<1x16xf32>,
          %get3A_1443 = vector.shape_cast %get3A_1442 : vector<1x16xf32> to vector<16xf32>
          %mul3A_1444 = arith.mulf %get3A_1443, %gather3A_1421 : vector<16xf32>
          %swap3A_1445 = arith.index_cast %add3A_1439 : i32 to index
          %swap3A_1446 = arith.constant 16 : index
          %swap3A_1447 = tpu.vector_load %arg12[%swap3A_1445, %swap3A_1446] {strides = array<i32>} : memref<128x128xf32, #tpu.memory_space<vmem>>, vector<1x16xf32>,
          %swap3A_1448 = vector.shape_cast %swap3A_1447 : vector<1x16xf32> to vector<16xf32>
          %swap3A_1449 = vector.shape_cast %mul3A_1444 : vector<16xf32> to vector<1x16xf32>
          tpu.vector_store %arg12[%swap3A_1445, %swap3A_1446], %swap3A_1449 {strides = array<i32>} : memref<128x128xf32, #tpu.memory_space<vmem>>, vector<1x16xf32>,
          %mul3A_1450 = arith.constant 16 : i32
          %mul3A_1451 = arith.muli %scan3A_139, %mul3A_1450 : i32
          %add3A_1452 = arith.constant 11 : i32
          %add3A_1453 = arith.addi %mul3A_1451, %add3A_1452 : i32
          %get3A_1454 = arith.index_cast %add3A_1453 : i32 to index
          %get3A_1455 = arith.constant 32 : index
          %get3A_1456 = tpu.vector_load %arg12[%get3A_1454, %get3A_1455] {strides = array<i32>} : memref<128x128xf32, #tpu.memory_space<vmem>>, vector<1x16xf32>,
          %get3A_1457 = vector.shape_cast %get3A_1456 : vector<1x16xf32> to vector<16xf32>
          %mul3A_1458 = arith.mulf %get3A_1457, %gather3A_1421 : vector<16xf32>
          %swap3A_1459 = arith.index_cast %add3A_1453 : i32 to index
          %swap3A_1460 = arith.constant 32 : index
          %swap3A_1461 = tpu.vector_load %arg12[%swap3A_1459, %swap3A_1460] {strides = array<i32>} : memref<128x128xf32, #tpu.memory_space<vmem>>, vector<1x16xf32>,
          %swap3A_1462 = vector.shape_cast %swap3A_1461 : vector<1x16xf32> to vector<16xf32>
          %swap3A_1463 = vector.shape_cast %mul3A_1458 : vector<16xf32> to vector<1x16xf32>
          tpu.vector_store %arg12[%swap3A_1459, %swap3A_1460], %swap3A_1463 {strides = array<i32>} : memref<128x128xf32, #tpu.memory_space<vmem>>, vector<1x16xf32>,
          %mul3A_1464 = arith.constant 16 : i32
          %mul3A_1465 = arith.muli %scan3A_139, %mul3A_1464 : i32
          %add3A_1466 = arith.constant 11 : i32
          %add3A_1467 = arith.addi %mul3A_1465, %add3A_1466 : i32
          %get3A_1468 = arith.index_cast %add3A_1467 : i32 to index
          %get3A_1469 = arith.constant 48 : index
          %get3A_1470 = tpu.vector_load %arg12[%get3A_1468, %get3A_1469] {strides = array<i32>} : memref<128x128xf32, #tpu.memory_space<vmem>>, vector<1x16xf32>,
          %get3A_1471 = vector.shape_cast %get3A_1470 : vector<1x16xf32> to vector<16xf32>
          %mul3A_1472 = arith.mulf %get3A_1471, %gather3A_1421 : vector<16xf32>
          %swap3A_1473 = arith.index_cast %add3A_1467 : i32 to index
          %swap3A_1474 = arith.constant 48 : index
          %swap3A_1475 = tpu.vector_load %arg12[%swap3A_1473, %swap3A_1474] {strides = array<i32>} : memref<128x128xf32, #tpu.memory_space<vmem>>, vector<1x16xf32>,
          %swap3A_1476 = vector.shape_cast %swap3A_1475 : vector<1x16xf32> to vector<16xf32>
          %swap3A_1477 = vector.shape_cast %mul3A_1472 : vector<16xf32> to vector<1x16xf32>
          tpu.vector_store %arg12[%swap3A_1473, %swap3A_1474], %swap3A_1477 {strides = array<i32>} : memref<128x128xf32, #tpu.memory_space<vmem>>, vector<1x16xf32>,
          %mul3A_1478 = arith.constant 16 : i32
          %mul3A_1479 = arith.muli %scan3A_139, %mul3A_1478 : i32
          %add3A_1480 = arith.constant 11 : i32
          %add3A_1481 = arith.addi %mul3A_1479, %add3A_1480 : i32
          %get3A_1482 = arith.index_cast %add3A_1481 : i32 to index
          %get3A_1483 = arith.constant 64 : index
          %get3A_1484 = tpu.vector_load %arg12[%get3A_1482, %get3A_1483] {strides = array<i32>} : memref<128x128xf32, #tpu.memory_space<vmem>>, vector<1x16xf32>,
          %get3A_1485 = vector.shape_cast %get3A_1484 : vector<1x16xf32> to vector<16xf32>
          %mul3A_1486 = arith.mulf %get3A_1485, %gather3A_1421 : vector<16xf32>
          %swap3A_1487 = arith.index_cast %add3A_1481 : i32 to index
          %swap3A_1488 = arith.constant 64 : index
          %swap3A_1489 = tpu.vector_load %arg12[%swap3A_1487, %swap3A_1488] {strides = array<i32>} : memref<128x128xf32, #tpu.memory_space<vmem>>, vector<1x16xf32>,
          %swap3A_1490 = vector.shape_cast %swap3A_1489 : vector<1x16xf32> to vector<16xf32>
          %swap3A_1491 = vector.shape_cast %mul3A_1486 : vector<16xf32> to vector<1x16xf32>
          tpu.vector_store %arg12[%swap3A_1487, %swap3A_1488], %swap3A_1491 {strides = array<i32>} : memref<128x128xf32, #tpu.memory_space<vmem>>, vector<1x16xf32>,
          %mul3A_1492 = arith.constant 16 : i32
          %mul3A_1493 = arith.muli %scan3A_139, %mul3A_1492 : i32
          %add3A_1494 = arith.constant 11 : i32
          %add3A_1495 = arith.addi %mul3A_1493, %add3A_1494 : i32
          %get3A_1496 = arith.index_cast %add3A_1495 : i32 to index
          %get3A_1497 = arith.constant 80 : index
          %get3A_1498 = tpu.vector_load %arg12[%get3A_1496, %get3A_1497] {strides = array<i32>} : memref<128x128xf32, #tpu.memory_space<vmem>>, vector<1x16xf32>,
          %get3A_1499 = vector.shape_cast %get3A_1498 : vector<1x16xf32> to vector<16xf32>
          %mul3A_1500 = arith.mulf %get3A_1499, %gather3A_1421 : vector<16xf32>
          %swap3A_1501 = arith.index_cast %add3A_1495 : i32 to index
          %swap3A_1502 = arith.constant 80 : index
          %swap3A_1503 = tpu.vector_load %arg12[%swap3A_1501, %swap3A_1502] {strides = array<i32>} : memref<128x128xf32, #tpu.memory_space<vmem>>, vector<1x16xf32>,
          %swap3A_1504 = vector.shape_cast %swap3A_1503 : vector<1x16xf32> to vector<16xf32>
          %swap3A_1505 = vector.shape_cast %mul3A_1500 : vector<16xf32> to vector<1x16xf32>
          tpu.vector_store %arg12[%swap3A_1501, %swap3A_1502], %swap3A_1505 {strides = array<i32>} : memref<128x128xf32, #tpu.memory_space<vmem>>, vector<1x16xf32>,
          %mul3A_1506 = arith.constant 16 : i32
          %mul3A_1507 = arith.muli %scan3A_139, %mul3A_1506 : i32
          %add3A_1508 = arith.constant 11 : i32
          %add3A_1509 = arith.addi %mul3A_1507, %add3A_1508 : i32
          %get3A_1510 = arith.index_cast %add3A_1509 : i32 to index
          %get3A_1511 = arith.constant 96 : index
          %get3A_1512 = tpu.vector_load %arg12[%get3A_1510, %get3A_1511] {strides = array<i32>} : memref<128x128xf32, #tpu.memory_space<vmem>>, vector<1x16xf32>,
          %get3A_1513 = vector.shape_cast %get3A_1512 : vector<1x16xf32> to vector<16xf32>
          %mul3A_1514 = arith.mulf %get3A_1513, %gather3A_1421 : vector<16xf32>
          %swap3A_1515 = arith.index_cast %add3A_1509 : i32 to index
          %swap3A_1516 = arith.constant 96 : index
          %swap3A_1517 = tpu.vector_load %arg12[%swap3A_1515, %swap3A_1516] {strides = array<i32>} : memref<128x128xf32, #tpu.memory_space<vmem>>, vector<1x16xf32>,
          %swap3A_1518 = vector.shape_cast %swap3A_1517 : vector<1x16xf32> to vector<16xf32>
          %swap3A_1519 = vector.shape_cast %mul3A_1514 : vector<16xf32> to vector<1x16xf32>
          tpu.vector_store %arg12[%swap3A_1515, %swap3A_1516], %swap3A_1519 {strides = array<i32>} : memref<128x128xf32, #tpu.memory_space<vmem>>, vector<1x16xf32>,
          %mul3A_1520 = arith.constant 16 : i32
          %mul3A_1521 = arith.muli %scan3A_139, %mul3A_1520 : i32
          %add3A_1522 = arith.constant 11 : i32
          %add3A_1523 = arith.addi %mul3A_1521, %add3A_1522 : i32
          %get3A_1524 = arith.index_cast %add3A_1523 : i32 to index
          %get3A_1525 = arith.constant 112 : index
          %get3A_1526 = tpu.vector_load %arg12[%get3A_1524, %get3A_1525] {strides = array<i32>} : memref<128x128xf32, #tpu.memory_space<vmem>>, vector<1x16xf32>,
          %get3A_1527 = vector.shape_cast %get3A_1526 : vector<1x16xf32> to vector<16xf32>
          %mul3A_1528 = arith.mulf %get3A_1527, %gather3A_1421 : vector<16xf32>
          %swap3A_1529 = arith.index_cast %add3A_1523 : i32 to index
          %swap3A_1530 = arith.constant 112 : index
          %swap3A_1531 = tpu.vector_load %arg12[%swap3A_1529, %swap3A_1530] {strides = array<i32>} : memref<128x128xf32, #tpu.memory_space<vmem>>, vector<1x16xf32>,
          %swap3A_1532 = vector.shape_cast %swap3A_1531 : vector<1x16xf32> to vector<16xf32>
          %swap3A_1533 = vector.shape_cast %mul3A_1528 : vector<16xf32> to vector<1x16xf32>
          tpu.vector_store %arg12[%swap3A_1529, %swap3A_1530], %swap3A_1533 {strides = array<i32>} : memref<128x128xf32, #tpu.memory_space<vmem>>, vector<1x16xf32>,
          %broadcast_in_dim3A_1534 = arith.constant 12 : i32
          %broadcast_in_dim3A_1535 = vector.broadcast %broadcast_in_dim3A_1534 : i32 to vector<16x1xi32>
          %gather3A_1536 = vector.shape_cast %broadcast_in_dim3A_1535 : vector<16x1xi32> to vector<16xi32>
          %gather3A_1537 = tpu.dynamic_gather %get3A_144[%gather3A_1536] in [0] : vector<16xf32>, vector<16xi32> -> vector<16xf32>
          %mul3A_1538 = arith.constant 16 : i32
          %mul3A_1539 = arith.muli %scan3A_139, %mul3A_1538 : i32
          %add3A_1540 = arith.constant 12 : i32
          %add3A_1541 = arith.addi %mul3A_1539, %add3A_1540 : i32
          %get3A_1542 = arith.index_cast %add3A_1541 : i32 to index
          %get3A_1543 = arith.constant 0 : index
          %get3A_1544 = tpu.vector_load %arg12[%get3A_1542, %get3A_1543] {strides = array<i32>} : memref<128x128xf32, #tpu.memory_space<vmem>>, vector<1x16xf32>,
          %get3A_1545 = vector.shape_cast %get3A_1544 : vector<1x16xf32> to vector<16xf32>
          %mul3A_1546 = arith.mulf %get3A_1545, %gather3A_1537 : vector<16xf32>
          %swap3A_1547 = arith.index_cast %add3A_1541 : i32 to index
          %swap3A_1548 = arith.constant 0 : index
          %swap3A_1549 = tpu.vector_load %arg12[%swap3A_1547, %swap3A_1548] {strides = array<i32>} : memref<128x128xf32, #tpu.memory_space<vmem>>, vector<1x16xf32>,
          %swap3A_1550 = vector.shape_cast %swap3A_1549 : vector<1x16xf32> to vector<16xf32>
          %swap3A_1551 = vector.shape_cast %mul3A_1546 : vector<16xf32> to vector<1x16xf32>
          tpu.vector_store %arg12[%swap3A_1547, %swap3A_1548], %swap3A_1551 {strides = array<i32>} : memref<128x128xf32, #tpu.memory_space<vmem>>, vector<1x16xf32>,
          %mul3A_1552 = arith.constant 16 : i32
          %mul3A_1553 = arith.muli %scan3A_139, %mul3A_1552 : i32
          %add3A_1554 = arith.constant 12 : i32
          %add3A_1555 = arith.addi %mul3A_1553, %add3A_1554 : i32
          %get3A_1556 = arith.index_cast %add3A_1555 : i32 to index
          %get3A_1557 = arith.constant 16 : index
          %get3A_1558 = tpu.vector_load %arg12[%get3A_1556, %get3A_1557] {strides = array<i32>} : memref<128x128xf32, #tpu.memory_space<vmem>>, vector<1x16xf32>,
          %get3A_1559 = vector.shape_cast %get3A_1558 : vector<1x16xf32> to vector<16xf32>
          %mul3A_1560 = arith.mulf %get3A_1559, %gather3A_1537 : vector<16xf32>
          %swap3A_1561 = arith.index_cast %add3A_1555 : i32 to index
          %swap3A_1562 = arith.constant 16 : index
          %swap3A_1563 = tpu.vector_load %arg12[%swap3A_1561, %swap3A_1562] {strides = array<i32>} : memref<128x128xf32, #tpu.memory_space<vmem>>, vector<1x16xf32>,
          %swap3A_1564 = vector.shape_cast %swap3A_1563 : vector<1x16xf32> to vector<16xf32>
          %swap3A_1565 = vector.shape_cast %mul3A_1560 : vector<16xf32> to vector<1x16xf32>
          tpu.vector_store %arg12[%swap3A_1561, %swap3A_1562], %swap3A_1565 {strides = array<i32>} : memref<128x128xf32, #tpu.memory_space<vmem>>, vector<1x16xf32>,
          %mul3A_1566 = arith.constant 16 : i32
          %mul3A_1567 = arith.muli %scan3A_139, %mul3A_1566 : i32
          %add3A_1568 = arith.constant 12 : i32
          %add3A_1569 = arith.addi %mul3A_1567, %add3A_1568 : i32
          %get3A_1570 = arith.index_cast %add3A_1569 : i32 to index
          %get3A_1571 = arith.constant 32 : index
          %get3A_1572 = tpu.vector_load %arg12[%get3A_1570, %get3A_1571] {strides = array<i32>} : memref<128x128xf32, #tpu.memory_space<vmem>>, vector<1x16xf32>,
          %get3A_1573 = vector.shape_cast %get3A_1572 : vector<1x16xf32> to vector<16xf32>
          %mul3A_1574 = arith.mulf %get3A_1573, %gather3A_1537 : vector<16xf32>
          %swap3A_1575 = arith.index_cast %add3A_1569 : i32 to index
          %swap3A_1576 = arith.constant 32 : index
          %swap3A_1577 = tpu.vector_load %arg12[%swap3A_1575, %swap3A_1576] {strides = array<i32>} : memref<128x128xf32, #tpu.memory_space<vmem>>, vector<1x16xf32>,
          %swap3A_1578 = vector.shape_cast %swap3A_1577 : vector<1x16xf32> to vector<16xf32>
          %swap3A_1579 = vector.shape_cast %mul3A_1574 : vector<16xf32> to vector<1x16xf32>
          tpu.vector_store %arg12[%swap3A_1575, %swap3A_1576], %swap3A_1579 {strides = array<i32>} : memref<128x128xf32, #tpu.memory_space<vmem>>, vector<1x16xf32>,
          %mul3A_1580 = arith.constant 16 : i32
          %mul3A_1581 = arith.muli %scan3A_139, %mul3A_1580 : i32
          %add3A_1582 = arith.constant 12 : i32
          %add3A_1583 = arith.addi %mul3A_1581, %add3A_1582 : i32
          %get3A_1584 = arith.index_cast %add3A_1583 : i32 to index
          %get3A_1585 = arith.constant 48 : index
          %get3A_1586 = tpu.vector_load %arg12[%get3A_1584, %get3A_1585] {strides = array<i32>} : memref<128x128xf32, #tpu.memory_space<vmem>>, vector<1x16xf32>,
          %get3A_1587 = vector.shape_cast %get3A_1586 : vector<1x16xf32> to vector<16xf32>
          %mul3A_1588 = arith.mulf %get3A_1587, %gather3A_1537 : vector<16xf32>
          %swap3A_1589 = arith.index_cast %add3A_1583 : i32 to index
          %swap3A_1590 = arith.constant 48 : index
          %swap3A_1591 = tpu.vector_load %arg12[%swap3A_1589, %swap3A_1590] {strides = array<i32>} : memref<128x128xf32, #tpu.memory_space<vmem>>, vector<1x16xf32>,
          %swap3A_1592 = vector.shape_cast %swap3A_1591 : vector<1x16xf32> to vector<16xf32>
          %swap3A_1593 = vector.shape_cast %mul3A_1588 : vector<16xf32> to vector<1x16xf32>
          tpu.vector_store %arg12[%swap3A_1589, %swap3A_1590], %swap3A_1593 {strides = array<i32>} : memref<128x128xf32, #tpu.memory_space<vmem>>, vector<1x16xf32>,
          %mul3A_1594 = arith.constant 16 : i32
          %mul3A_1595 = arith.muli %scan3A_139, %mul3A_1594 : i32
          %add3A_1596 = arith.constant 12 : i32
          %add3A_1597 = arith.addi %mul3A_1595, %add3A_1596 : i32
          %get3A_1598 = arith.index_cast %add3A_1597 : i32 to index
          %get3A_1599 = arith.constant 64 : index
          %get3A_1600 = tpu.vector_load %arg12[%get3A_1598, %get3A_1599] {strides = array<i32>} : memref<128x128xf32, #tpu.memory_space<vmem>>, vector<1x16xf32>,
          %get3A_1601 = vector.shape_cast %get3A_1600 : vector<1x16xf32> to vector<16xf32>
          %mul3A_1602 = arith.mulf %get3A_1601, %gather3A_1537 : vector<16xf32>
          %swap3A_1603 = arith.index_cast %add3A_1597 : i32 to index
          %swap3A_1604 = arith.constant 64 : index
          %swap3A_1605 = tpu.vector_load %arg12[%swap3A_1603, %swap3A_1604] {strides = array<i32>} : memref<128x128xf32, #tpu.memory_space<vmem>>, vector<1x16xf32>,
          %swap3A_1606 = vector.shape_cast %swap3A_1605 : vector<1x16xf32> to vector<16xf32>
          %swap3A_1607 = vector.shape_cast %mul3A_1602 : vector<16xf32> to vector<1x16xf32>
          tpu.vector_store %arg12[%swap3A_1603, %swap3A_1604], %swap3A_1607 {strides = array<i32>} : memref<128x128xf32, #tpu.memory_space<vmem>>, vector<1x16xf32>,
          %mul3A_1608 = arith.constant 16 : i32
          %mul3A_1609 = arith.muli %scan3A_139, %mul3A_1608 : i32
          %add3A_1610 = arith.constant 12 : i32
          %add3A_1611 = arith.addi %mul3A_1609, %add3A_1610 : i32
          %get3A_1612 = arith.index_cast %add3A_1611 : i32 to index
          %get3A_1613 = arith.constant 80 : index
          %get3A_1614 = tpu.vector_load %arg12[%get3A_1612, %get3A_1613] {strides = array<i32>} : memref<128x128xf32, #tpu.memory_space<vmem>>, vector<1x16xf32>,
          %get3A_1615 = vector.shape_cast %get3A_1614 : vector<1x16xf32> to vector<16xf32>
          %mul3A_1616 = arith.mulf %get3A_1615, %gather3A_1537 : vector<16xf32>
          %swap3A_1617 = arith.index_cast %add3A_1611 : i32 to index
          %swap3A_1618 = arith.constant 80 : index
          %swap3A_1619 = tpu.vector_load %arg12[%swap3A_1617, %swap3A_1618] {strides = array<i32>} : memref<128x128xf32, #tpu.memory_space<vmem>>, vector<1x16xf32>,
          %swap3A_1620 = vector.shape_cast %swap3A_1619 : vector<1x16xf32> to vector<16xf32>
          %swap3A_1621 = vector.shape_cast %mul3A_1616 : vector<16xf32> to vector<1x16xf32>
          tpu.vector_store %arg12[%swap3A_1617, %swap3A_1618], %swap3A_1621 {strides = array<i32>} : memref<128x128xf32, #tpu.memory_space<vmem>>, vector<1x16xf32>,
          %mul3A_1622 = arith.constant 16 : i32
          %mul3A_1623 = arith.muli %scan3A_139, %mul3A_1622 : i32
          %add3A_1624 = arith.constant 12 : i32
          %add3A_1625 = arith.addi %mul3A_1623, %add3A_1624 : i32
          %get3A_1626 = arith.index_cast %add3A_1625 : i32 to index
          %get3A_1627 = arith.constant 96 : index
          %get3A_1628 = tpu.vector_load %arg12[%get3A_1626, %get3A_1627] {strides = array<i32>} : memref<128x128xf32, #tpu.memory_space<vmem>>, vector<1x16xf32>,
          %get3A_1629 = vector.shape_cast %get3A_1628 : vector<1x16xf32> to vector<16xf32>
          %mul3A_1630 = arith.mulf %get3A_1629, %gather3A_1537 : vector<16xf32>
          %swap3A_1631 = arith.index_cast %add3A_1625 : i32 to index
          %swap3A_1632 = arith.constant 96 : index
          %swap3A_1633 = tpu.vector_load %arg12[%swap3A_1631, %swap3A_1632] {strides = array<i32>} : memref<128x128xf32, #tpu.memory_space<vmem>>, vector<1x16xf32>,
          %swap3A_1634 = vector.shape_cast %swap3A_1633 : vector<1x16xf32> to vector<16xf32>
          %swap3A_1635 = vector.shape_cast %mul3A_1630 : vector<16xf32> to vector<1x16xf32>
          tpu.vector_store %arg12[%swap3A_1631, %swap3A_1632], %swap3A_1635 {strides = array<i32>} : memref<128x128xf32, #tpu.memory_space<vmem>>, vector<1x16xf32>,
          %mul3A_1636 = arith.constant 16 : i32
          %mul3A_1637 = arith.muli %scan3A_139, %mul3A_1636 : i32
          %add3A_1638 = arith.constant 12 : i32
          %add3A_1639 = arith.addi %mul3A_1637, %add3A_1638 : i32
          %get3A_1640 = arith.index_cast %add3A_1639 : i32 to index
          %get3A_1641 = arith.constant 112 : index
          %get3A_1642 = tpu.vector_load %arg12[%get3A_1640, %get3A_1641] {strides = array<i32>} : memref<128x128xf32, #tpu.memory_space<vmem>>, vector<1x16xf32>,
          %get3A_1643 = vector.shape_cast %get3A_1642 : vector<1x16xf32> to vector<16xf32>
          %mul3A_1644 = arith.mulf %get3A_1643, %gather3A_1537 : vector<16xf32>
          %swap3A_1645 = arith.index_cast %add3A_1639 : i32 to index
          %swap3A_1646 = arith.constant 112 : index
          %swap3A_1647 = tpu.vector_load %arg12[%swap3A_1645, %swap3A_1646] {strides = array<i32>} : memref<128x128xf32, #tpu.memory_space<vmem>>, vector<1x16xf32>,
          %swap3A_1648 = vector.shape_cast %swap3A_1647 : vector<1x16xf32> to vector<16xf32>
          %swap3A_1649 = vector.shape_cast %mul3A_1644 : vector<16xf32> to vector<1x16xf32>
          tpu.vector_store %arg12[%swap3A_1645, %swap3A_1646], %swap3A_1649 {strides = array<i32>} : memref<128x128xf32, #tpu.memory_space<vmem>>, vector<1x16xf32>,
          %broadcast_in_dim3A_1650 = arith.constant 13 : i32
          %broadcast_in_dim3A_1651 = vector.broadcast %broadcast_in_dim3A_1650 : i32 to vector<16x1xi32>
          %gather3A_1652 = vector.shape_cast %broadcast_in_dim3A_1651 : vector<16x1xi32> to vector<16xi32>
          %gather3A_1653 = tpu.dynamic_gather %get3A_144[%gather3A_1652] in [0] : vector<16xf32>, vector<16xi32> -> vector<16xf32>
          %mul3A_1654 = arith.constant 16 : i32
          %mul3A_1655 = arith.muli %scan3A_139, %mul3A_1654 : i32
          %add3A_1656 = arith.constant 13 : i32
          %add3A_1657 = arith.addi %mul3A_1655, %add3A_1656 : i32
          %get3A_1658 = arith.index_cast %add3A_1657 : i32 to index
          %get3A_1659 = arith.constant 0 : index
          %get3A_1660 = tpu.vector_load %arg12[%get3A_1658, %get3A_1659] {strides = array<i32>} : memref<128x128xf32, #tpu.memory_space<vmem>>, vector<1x16xf32>,
          %get3A_1661 = vector.shape_cast %get3A_1660 : vector<1x16xf32> to vector<16xf32>
          %mul3A_1662 = arith.mulf %get3A_1661, %gather3A_1653 : vector<16xf32>
          %swap3A_1663 = arith.index_cast %add3A_1657 : i32 to index
          %swap3A_1664 = arith.constant 0 : index
          %swap3A_1665 = tpu.vector_load %arg12[%swap3A_1663, %swap3A_1664] {strides = array<i32>} : memref<128x128xf32, #tpu.memory_space<vmem>>, vector<1x16xf32>,
          %swap3A_1666 = vector.shape_cast %swap3A_1665 : vector<1x16xf32> to vector<16xf32>
          %swap3A_1667 = vector.shape_cast %mul3A_1662 : vector<16xf32> to vector<1x16xf32>
          tpu.vector_store %arg12[%swap3A_1663, %swap3A_1664], %swap3A_1667 {strides = array<i32>} : memref<128x128xf32, #tpu.memory_space<vmem>>, vector<1x16xf32>,
          %mul3A_1668 = arith.constant 16 : i32
          %mul3A_1669 = arith.muli %scan3A_139, %mul3A_1668 : i32
          %add3A_1670 = arith.constant 13 : i32
          %add3A_1671 = arith.addi %mul3A_1669, %add3A_1670 : i32
          %get3A_1672 = arith.index_cast %add3A_1671 : i32 to index
          %get3A_1673 = arith.constant 16 : index
          %get3A_1674 = tpu.vector_load %arg12[%get3A_1672, %get3A_1673] {strides = array<i32>} : memref<128x128xf32, #tpu.memory_space<vmem>>, vector<1x16xf32>,
          %get3A_1675 = vector.shape_cast %get3A_1674 : vector<1x16xf32> to vector<16xf32>
          %mul3A_1676 = arith.mulf %get3A_1675, %gather3A_1653 : vector<16xf32>
          %swap3A_1677 = arith.index_cast %add3A_1671 : i32 to index
          %swap3A_1678 = arith.constant 16 : index
          %swap3A_1679 = tpu.vector_load %arg12[%swap3A_1677, %swap3A_1678] {strides = array<i32>} : memref<128x128xf32, #tpu.memory_space<vmem>>, vector<1x16xf32>,
          %swap3A_1680 = vector.shape_cast %swap3A_1679 : vector<1x16xf32> to vector<16xf32>
          %swap3A_1681 = vector.shape_cast %mul3A_1676 : vector<16xf32> to vector<1x16xf32>
          tpu.vector_store %arg12[%swap3A_1677, %swap3A_1678], %swap3A_1681 {strides = array<i32>} : memref<128x128xf32, #tpu.memory_space<vmem>>, vector<1x16xf32>,
          %mul3A_1682 = arith.constant 16 : i32
          %mul3A_1683 = arith.muli %scan3A_139, %mul3A_1682 : i32
          %add3A_1684 = arith.constant 13 : i32
          %add3A_1685 = arith.addi %mul3A_1683, %add3A_1684 : i32
          %get3A_1686 = arith.index_cast %add3A_1685 : i32 to index
          %get3A_1687 = arith.constant 32 : index
          %get3A_1688 = tpu.vector_load %arg12[%get3A_1686, %get3A_1687] {strides = array<i32>} : memref<128x128xf32, #tpu.memory_space<vmem>>, vector<1x16xf32>,
          %get3A_1689 = vector.shape_cast %get3A_1688 : vector<1x16xf32> to vector<16xf32>
          %mul3A_1690 = arith.mulf %get3A_1689, %gather3A_1653 : vector<16xf32>
          %swap3A_1691 = arith.index_cast %add3A_1685 : i32 to index
          %swap3A_1692 = arith.constant 32 : index
          %swap3A_1693 = tpu.vector_load %arg12[%swap3A_1691, %swap3A_1692] {strides = array<i32>} : memref<128x128xf32, #tpu.memory_space<vmem>>, vector<1x16xf32>,
          %swap3A_1694 = vector.shape_cast %swap3A_1693 : vector<1x16xf32> to vector<16xf32>
          %swap3A_1695 = vector.shape_cast %mul3A_1690 : vector<16xf32> to vector<1x16xf32>
          tpu.vector_store %arg12[%swap3A_1691, %swap3A_1692], %swap3A_1695 {strides = array<i32>} : memref<128x128xf32, #tpu.memory_space<vmem>>, vector<1x16xf32>,
          %mul3A_1696 = arith.constant 16 : i32
          %mul3A_1697 = arith.muli %scan3A_139, %mul3A_1696 : i32
          %add3A_1698 = arith.constant 13 : i32
          %add3A_1699 = arith.addi %mul3A_1697, %add3A_1698 : i32
          %get3A_1700 = arith.index_cast %add3A_1699 : i32 to index
          %get3A_1701 = arith.constant 48 : index
          %get3A_1702 = tpu.vector_load %arg12[%get3A_1700, %get3A_1701] {strides = array<i32>} : memref<128x128xf32, #tpu.memory_space<vmem>>, vector<1x16xf32>,
          %get3A_1703 = vector.shape_cast %get3A_1702 : vector<1x16xf32> to vector<16xf32>
          %mul3A_1704 = arith.mulf %get3A_1703, %gather3A_1653 : vector<16xf32>
          %swap3A_1705 = arith.index_cast %add3A_1699 : i32 to index
          %swap3A_1706 = arith.constant 48 : index
          %swap3A_1707 = tpu.vector_load %arg12[%swap3A_1705, %swap3A_1706] {strides = array<i32>} : memref<128x128xf32, #tpu.memory_space<vmem>>, vector<1x16xf32>,
          %swap3A_1708 = vector.shape_cast %swap3A_1707 : vector<1x16xf32> to vector<16xf32>
          %swap3A_1709 = vector.shape_cast %mul3A_1704 : vector<16xf32> to vector<1x16xf32>
          tpu.vector_store %arg12[%swap3A_1705, %swap3A_1706], %swap3A_1709 {strides = array<i32>} : memref<128x128xf32, #tpu.memory_space<vmem>>, vector<1x16xf32>,
          %mul3A_1710 = arith.constant 16 : i32
          %mul3A_1711 = arith.muli %scan3A_139, %mul3A_1710 : i32
          %add3A_1712 = arith.constant 13 : i32
          %add3A_1713 = arith.addi %mul3A_1711, %add3A_1712 : i32
          %get3A_1714 = arith.index_cast %add3A_1713 : i32 to index
          %get3A_1715 = arith.constant 64 : index
          %get3A_1716 = tpu.vector_load %arg12[%get3A_1714, %get3A_1715] {strides = array<i32>} : memref<128x128xf32, #tpu.memory_space<vmem>>, vector<1x16xf32>,
          %get3A_1717 = vector.shape_cast %get3A_1716 : vector<1x16xf32> to vector<16xf32>
          %mul3A_1718 = arith.mulf %get3A_1717, %gather3A_1653 : vector<16xf32>
          %swap3A_1719 = arith.index_cast %add3A_1713 : i32 to index
          %swap3A_1720 = arith.constant 64 : index
          %swap3A_1721 = tpu.vector_load %arg12[%swap3A_1719, %swap3A_1720] {strides = array<i32>} : memref<128x128xf32, #tpu.memory_space<vmem>>, vector<1x16xf32>,
          %swap3A_1722 = vector.shape_cast %swap3A_1721 : vector<1x16xf32> to vector<16xf32>
          %swap3A_1723 = vector.shape_cast %mul3A_1718 : vector<16xf32> to vector<1x16xf32>
          tpu.vector_store %arg12[%swap3A_1719, %swap3A_1720], %swap3A_1723 {strides = array<i32>} : memref<128x128xf32, #tpu.memory_space<vmem>>, vector<1x16xf32>,
          %mul3A_1724 = arith.constant 16 : i32
          %mul3A_1725 = arith.muli %scan3A_139, %mul3A_1724 : i32
          %add3A_1726 = arith.constant 13 : i32
          %add3A_1727 = arith.addi %mul3A_1725, %add3A_1726 : i32
          %get3A_1728 = arith.index_cast %add3A_1727 : i32 to index
          %get3A_1729 = arith.constant 80 : index
          %get3A_1730 = tpu.vector_load %arg12[%get3A_1728, %get3A_1729] {strides = array<i32>} : memref<128x128xf32, #tpu.memory_space<vmem>>, vector<1x16xf32>,
          %get3A_1731 = vector.shape_cast %get3A_1730 : vector<1x16xf32> to vector<16xf32>
          %mul3A_1732 = arith.mulf %get3A_1731, %gather3A_1653 : vector<16xf32>
          %swap3A_1733 = arith.index_cast %add3A_1727 : i32 to index
          %swap3A_1734 = arith.constant 80 : index
          %swap3A_1735 = tpu.vector_load %arg12[%swap3A_1733, %swap3A_1734] {strides = array<i32>} : memref<128x128xf32, #tpu.memory_space<vmem>>, vector<1x16xf32>,
          %swap3A_1736 = vector.shape_cast %swap3A_1735 : vector<1x16xf32> to vector<16xf32>
          %swap3A_1737 = vector.shape_cast %mul3A_1732 : vector<16xf32> to vector<1x16xf32>
          tpu.vector_store %arg12[%swap3A_1733, %swap3A_1734], %swap3A_1737 {strides = array<i32>} : memref<128x128xf32, #tpu.memory_space<vmem>>, vector<1x16xf32>,
          %mul3A_1738 = arith.constant 16 : i32
          %mul3A_1739 = arith.muli %scan3A_139, %mul3A_1738 : i32
          %add3A_1740 = arith.constant 13 : i32
          %add3A_1741 = arith.addi %mul3A_1739, %add3A_1740 : i32
          %get3A_1742 = arith.index_cast %add3A_1741 : i32 to index
          %get3A_1743 = arith.constant 96 : index
          %get3A_1744 = tpu.vector_load %arg12[%get3A_1742, %get3A_1743] {strides = array<i32>} : memref<128x128xf32, #tpu.memory_space<vmem>>, vector<1x16xf32>,
          %get3A_1745 = vector.shape_cast %get3A_1744 : vector<1x16xf32> to vector<16xf32>
          %mul3A_1746 = arith.mulf %get3A_1745, %gather3A_1653 : vector<16xf32>
          %swap3A_1747 = arith.index_cast %add3A_1741 : i32 to index
          %swap3A_1748 = arith.constant 96 : index
          %swap3A_1749 = tpu.vector_load %arg12[%swap3A_1747, %swap3A_1748] {strides = array<i32>} : memref<128x128xf32, #tpu.memory_space<vmem>>, vector<1x16xf32>,
          %swap3A_1750 = vector.shape_cast %swap3A_1749 : vector<1x16xf32> to vector<16xf32>
          %swap3A_1751 = vector.shape_cast %mul3A_1746 : vector<16xf32> to vector<1x16xf32>
          tpu.vector_store %arg12[%swap3A_1747, %swap3A_1748], %swap3A_1751 {strides = array<i32>} : memref<128x128xf32, #tpu.memory_space<vmem>>, vector<1x16xf32>,
          %mul3A_1752 = arith.constant 16 : i32
          %mul3A_1753 = arith.muli %scan3A_139, %mul3A_1752 : i32
          %add3A_1754 = arith.constant 13 : i32
          %add3A_1755 = arith.addi %mul3A_1753, %add3A_1754 : i32
          %get3A_1756 = arith.index_cast %add3A_1755 : i32 to index
          %get3A_1757 = arith.constant 112 : index
          %get3A_1758 = tpu.vector_load %arg12[%get3A_1756, %get3A_1757] {strides = array<i32>} : memref<128x128xf32, #tpu.memory_space<vmem>>, vector<1x16xf32>,
          %get3A_1759 = vector.shape_cast %get3A_1758 : vector<1x16xf32> to vector<16xf32>
          %mul3A_1760 = arith.mulf %get3A_1759, %gather3A_1653 : vector<16xf32>
          %swap3A_1761 = arith.index_cast %add3A_1755 : i32 to index
          %swap3A_1762 = arith.constant 112 : index
          %swap3A_1763 = tpu.vector_load %arg12[%swap3A_1761, %swap3A_1762] {strides = array<i32>} : memref<128x128xf32, #tpu.memory_space<vmem>>, vector<1x16xf32>,
          %swap3A_1764 = vector.shape_cast %swap3A_1763 : vector<1x16xf32> to vector<16xf32>
          %swap3A_1765 = vector.shape_cast %mul3A_1760 : vector<16xf32> to vector<1x16xf32>
          tpu.vector_store %arg12[%swap3A_1761, %swap3A_1762], %swap3A_1765 {strides = array<i32>} : memref<128x128xf32, #tpu.memory_space<vmem>>, vector<1x16xf32>,
          %broadcast_in_dim3A_1766 = arith.constant 14 : i32
          %broadcast_in_dim3A_1767 = vector.broadcast %broadcast_in_dim3A_1766 : i32 to vector<16x1xi32>
          %gather3A_1768 = vector.shape_cast %broadcast_in_dim3A_1767 : vector<16x1xi32> to vector<16xi32>
          %gather3A_1769 = tpu.dynamic_gather %get3A_144[%gather3A_1768] in [0] : vector<16xf32>, vector<16xi32> -> vector<16xf32>
          %mul3A_1770 = arith.constant 16 : i32
          %mul3A_1771 = arith.muli %scan3A_139, %mul3A_1770 : i32
          %add3A_1772 = arith.constant 14 : i32
          %add3A_1773 = arith.addi %mul3A_1771, %add3A_1772 : i32
          %get3A_1774 = arith.index_cast %add3A_1773 : i32 to index
          %get3A_1775 = arith.constant 0 : index
          %get3A_1776 = tpu.vector_load %arg12[%get3A_1774, %get3A_1775] {strides = array<i32>} : memref<128x128xf32, #tpu.memory_space<vmem>>, vector<1x16xf32>,
          %get3A_1777 = vector.shape_cast %get3A_1776 : vector<1x16xf32> to vector<16xf32>
          %mul3A_1778 = arith.mulf %get3A_1777, %gather3A_1769 : vector<16xf32>
          %swap3A_1779 = arith.index_cast %add3A_1773 : i32 to index
          %swap3A_1780 = arith.constant 0 : index
          %swap3A_1781 = tpu.vector_load %arg12[%swap3A_1779, %swap3A_1780] {strides = array<i32>} : memref<128x128xf32, #tpu.memory_space<vmem>>, vector<1x16xf32>,
          %swap3A_1782 = vector.shape_cast %swap3A_1781 : vector<1x16xf32> to vector<16xf32>
          %swap3A_1783 = vector.shape_cast %mul3A_1778 : vector<16xf32> to vector<1x16xf32>
          tpu.vector_store %arg12[%swap3A_1779, %swap3A_1780], %swap3A_1783 {strides = array<i32>} : memref<128x128xf32, #tpu.memory_space<vmem>>, vector<1x16xf32>,
          %mul3A_1784 = arith.constant 16 : i32
          %mul3A_1785 = arith.muli %scan3A_139, %mul3A_1784 : i32
          %add3A_1786 = arith.constant 14 : i32
          %add3A_1787 = arith.addi %mul3A_1785, %add3A_1786 : i32
          %get3A_1788 = arith.index_cast %add3A_1787 : i32 to index
          %get3A_1789 = arith.constant 16 : index
          %get3A_1790 = tpu.vector_load %arg12[%get3A_1788, %get3A_1789] {strides = array<i32>} : memref<128x128xf32, #tpu.memory_space<vmem>>, vector<1x16xf32>,
          %get3A_1791 = vector.shape_cast %get3A_1790 : vector<1x16xf32> to vector<16xf32>
          %mul3A_1792 = arith.mulf %get3A_1791, %gather3A_1769 : vector<16xf32>
          %swap3A_1793 = arith.index_cast %add3A_1787 : i32 to index
          %swap3A_1794 = arith.constant 16 : index
          %swap3A_1795 = tpu.vector_load %arg12[%swap3A_1793, %swap3A_1794] {strides = array<i32>} : memref<128x128xf32, #tpu.memory_space<vmem>>, vector<1x16xf32>,
          %swap3A_1796 = vector.shape_cast %swap3A_1795 : vector<1x16xf32> to vector<16xf32>
          %swap3A_1797 = vector.shape_cast %mul3A_1792 : vector<16xf32> to vector<1x16xf32>
          tpu.vector_store %arg12[%swap3A_1793, %swap3A_1794], %swap3A_1797 {strides = array<i32>} : memref<128x128xf32, #tpu.memory_space<vmem>>, vector<1x16xf32>,
          %mul3A_1798 = arith.constant 16 : i32
          %mul3A_1799 = arith.muli %scan3A_139, %mul3A_1798 : i32
          %add3A_1800 = arith.constant 14 : i32
          %add3A_1801 = arith.addi %mul3A_1799, %add3A_1800 : i32
          %get3A_1802 = arith.index_cast %add3A_1801 : i32 to index
          %get3A_1803 = arith.constant 32 : index
          %get3A_1804 = tpu.vector_load %arg12[%get3A_1802, %get3A_1803] {strides = array<i32>} : memref<128x128xf32, #tpu.memory_space<vmem>>, vector<1x16xf32>,
          %get3A_1805 = vector.shape_cast %get3A_1804 : vector<1x16xf32> to vector<16xf32>
          %mul3A_1806 = arith.mulf %get3A_1805, %gather3A_1769 : vector<16xf32>
          %swap3A_1807 = arith.index_cast %add3A_1801 : i32 to index
          %swap3A_1808 = arith.constant 32 : index
          %swap3A_1809 = tpu.vector_load %arg12[%swap3A_1807, %swap3A_1808] {strides = array<i32>} : memref<128x128xf32, #tpu.memory_space<vmem>>, vector<1x16xf32>,
          %swap3A_1810 = vector.shape_cast %swap3A_1809 : vector<1x16xf32> to vector<16xf32>
          %swap3A_1811 = vector.shape_cast %mul3A_1806 : vector<16xf32> to vector<1x16xf32>
          tpu.vector_store %arg12[%swap3A_1807, %swap3A_1808], %swap3A_1811 {strides = array<i32>} : memref<128x128xf32, #tpu.memory_space<vmem>>, vector<1x16xf32>,
          %mul3A_1812 = arith.constant 16 : i32
          %mul3A_1813 = arith.muli %scan3A_139, %mul3A_1812 : i32
          %add3A_1814 = arith.constant 14 : i32
          %add3A_1815 = arith.addi %mul3A_1813, %add3A_1814 : i32
          %get3A_1816 = arith.index_cast %add3A_1815 : i32 to index
          %get3A_1817 = arith.constant 48 : index
          %get3A_1818 = tpu.vector_load %arg12[%get3A_1816, %get3A_1817] {strides = array<i32>} : memref<128x128xf32, #tpu.memory_space<vmem>>, vector<1x16xf32>,
          %get3A_1819 = vector.shape_cast %get3A_1818 : vector<1x16xf32> to vector<16xf32>
          %mul3A_1820 = arith.mulf %get3A_1819, %gather3A_1769 : vector<16xf32>
          %swap3A_1821 = arith.index_cast %add3A_1815 : i32 to index
          %swap3A_1822 = arith.constant 48 : index
          %swap3A_1823 = tpu.vector_load %arg12[%swap3A_1821, %swap3A_1822] {strides = array<i32>} : memref<128x128xf32, #tpu.memory_space<vmem>>, vector<1x16xf32>,
          %swap3A_1824 = vector.shape_cast %swap3A_1823 : vector<1x16xf32> to vector<16xf32>
          %swap3A_1825 = vector.shape_cast %mul3A_1820 : vector<16xf32> to vector<1x16xf32>
          tpu.vector_store %arg12[%swap3A_1821, %swap3A_1822], %swap3A_1825 {strides = array<i32>} : memref<128x128xf32, #tpu.memory_space<vmem>>, vector<1x16xf32>,
          %mul3A_1826 = arith.constant 16 : i32
          %mul3A_1827 = arith.muli %scan3A_139, %mul3A_1826 : i32
          %add3A_1828 = arith.constant 14 : i32
          %add3A_1829 = arith.addi %mul3A_1827, %add3A_1828 : i32
          %get3A_1830 = arith.index_cast %add3A_1829 : i32 to index
          %get3A_1831 = arith.constant 64 : index
          %get3A_1832 = tpu.vector_load %arg12[%get3A_1830, %get3A_1831] {strides = array<i32>} : memref<128x128xf32, #tpu.memory_space<vmem>>, vector<1x16xf32>,
          %get3A_1833 = vector.shape_cast %get3A_1832 : vector<1x16xf32> to vector<16xf32>
          %mul3A_1834 = arith.mulf %get3A_1833, %gather3A_1769 : vector<16xf32>
          %swap3A_1835 = arith.index_cast %add3A_1829 : i32 to index
          %swap3A_1836 = arith.constant 64 : index
          %swap3A_1837 = tpu.vector_load %arg12[%swap3A_1835, %swap3A_1836] {strides = array<i32>} : memref<128x128xf32, #tpu.memory_space<vmem>>, vector<1x16xf32>,
          %swap3A_1838 = vector.shape_cast %swap3A_1837 : vector<1x16xf32> to vector<16xf32>
          %swap3A_1839 = vector.shape_cast %mul3A_1834 : vector<16xf32> to vector<1x16xf32>
          tpu.vector_store %arg12[%swap3A_1835, %swap3A_1836], %swap3A_1839 {strides = array<i32>} : memref<128x128xf32, #tpu.memory_space<vmem>>, vector<1x16xf32>,
          %mul3A_1840 = arith.constant 16 : i32
          %mul3A_1841 = arith.muli %scan3A_139, %mul3A_1840 : i32
          %add3A_1842 = arith.constant 14 : i32
          %add3A_1843 = arith.addi %mul3A_1841, %add3A_1842 : i32
          %get3A_1844 = arith.index_cast %add3A_1843 : i32 to index
          %get3A_1845 = arith.constant 80 : index
          %get3A_1846 = tpu.vector_load %arg12[%get3A_1844, %get3A_1845] {strides = array<i32>} : memref<128x128xf32, #tpu.memory_space<vmem>>, vector<1x16xf32>,
          %get3A_1847 = vector.shape_cast %get3A_1846 : vector<1x16xf32> to vector<16xf32>
          %mul3A_1848 = arith.mulf %get3A_1847, %gather3A_1769 : vector<16xf32>
          %swap3A_1849 = arith.index_cast %add3A_1843 : i32 to index
          %swap3A_1850 = arith.constant 80 : index
          %swap3A_1851 = tpu.vector_load %arg12[%swap3A_1849, %swap3A_1850] {strides = array<i32>} : memref<128x128xf32, #tpu.memory_space<vmem>>, vector<1x16xf32>,
          %swap3A_1852 = vector.shape_cast %swap3A_1851 : vector<1x16xf32> to vector<16xf32>
          %swap3A_1853 = vector.shape_cast %mul3A_1848 : vector<16xf32> to vector<1x16xf32>
          tpu.vector_store %arg12[%swap3A_1849, %swap3A_1850], %swap3A_1853 {strides = array<i32>} : memref<128x128xf32, #tpu.memory_space<vmem>>, vector<1x16xf32>,
          %mul3A_1854 = arith.constant 16 : i32
          %mul3A_1855 = arith.muli %scan3A_139, %mul3A_1854 : i32
          %add3A_1856 = arith.constant 14 : i32
          %add3A_1857 = arith.addi %mul3A_1855, %add3A_1856 : i32
          %get3A_1858 = arith.index_cast %add3A_1857 : i32 to index
          %get3A_1859 = arith.constant 96 : index
          %get3A_1860 = tpu.vector_load %arg12[%get3A_1858, %get3A_1859] {strides = array<i32>} : memref<128x128xf32, #tpu.memory_space<vmem>>, vector<1x16xf32>,
          %get3A_1861 = vector.shape_cast %get3A_1860 : vector<1x16xf32> to vector<16xf32>
          %mul3A_1862 = arith.mulf %get3A_1861, %gather3A_1769 : vector<16xf32>
          %swap3A_1863 = arith.index_cast %add3A_1857 : i32 to index
          %swap3A_1864 = arith.constant 96 : index
          %swap3A_1865 = tpu.vector_load %arg12[%swap3A_1863, %swap3A_1864] {strides = array<i32>} : memref<128x128xf32, #tpu.memory_space<vmem>>, vector<1x16xf32>,
          %swap3A_1866 = vector.shape_cast %swap3A_1865 : vector<1x16xf32> to vector<16xf32>
          %swap3A_1867 = vector.shape_cast %mul3A_1862 : vector<16xf32> to vector<1x16xf32>
          tpu.vector_store %arg12[%swap3A_1863, %swap3A_1864], %swap3A_1867 {strides = array<i32>} : memref<128x128xf32, #tpu.memory_space<vmem>>, vector<1x16xf32>,
          %mul3A_1868 = arith.constant 16 : i32
          %mul3A_1869 = arith.muli %scan3A_139, %mul3A_1868 : i32
          %add3A_1870 = arith.constant 14 : i32
          %add3A_1871 = arith.addi %mul3A_1869, %add3A_1870 : i32
          %get3A_1872 = arith.index_cast %add3A_1871 : i32 to index
          %get3A_1873 = arith.constant 112 : index
          %get3A_1874 = tpu.vector_load %arg12[%get3A_1872, %get3A_1873] {strides = array<i32>} : memref<128x128xf32, #tpu.memory_space<vmem>>, vector<1x16xf32>,
          %get3A_1875 = vector.shape_cast %get3A_1874 : vector<1x16xf32> to vector<16xf32>
          %mul3A_1876 = arith.mulf %get3A_1875, %gather3A_1769 : vector<16xf32>
          %swap3A_1877 = arith.index_cast %add3A_1871 : i32 to index
          %swap3A_1878 = arith.constant 112 : index
          %swap3A_1879 = tpu.vector_load %arg12[%swap3A_1877, %swap3A_1878] {strides = array<i32>} : memref<128x128xf32, #tpu.memory_space<vmem>>, vector<1x16xf32>,
          %swap3A_1880 = vector.shape_cast %swap3A_1879 : vector<1x16xf32> to vector<16xf32>
          %swap3A_1881 = vector.shape_cast %mul3A_1876 : vector<16xf32> to vector<1x16xf32>
          tpu.vector_store %arg12[%swap3A_1877, %swap3A_1878], %swap3A_1881 {strides = array<i32>} : memref<128x128xf32, #tpu.memory_space<vmem>>, vector<1x16xf32>,
          %broadcast_in_dim3A_1882 = arith.constant 15 : i32
          %broadcast_in_dim3A_1883 = vector.broadcast %broadcast_in_dim3A_1882 : i32 to vector<16x1xi32>
          %gather3A_1884 = vector.shape_cast %broadcast_in_dim3A_1883 : vector<16x1xi32> to vector<16xi32>
          %gather3A_1885 = tpu.dynamic_gather %get3A_144[%gather3A_1884] in [0] : vector<16xf32>, vector<16xi32> -> vector<16xf32>
          %mul3A_1886 = arith.constant 16 : i32
          %mul3A_1887 = arith.muli %scan3A_139, %mul3A_1886 : i32
          %add3A_1888 = arith.constant 15 : i32
          %add3A_1889 = arith.addi %mul3A_1887, %add3A_1888 : i32
          %get3A_1890 = arith.index_cast %add3A_1889 : i32 to index
          %get3A_1891 = arith.constant 0 : index
          %get3A_1892 = tpu.vector_load %arg12[%get3A_1890, %get3A_1891] {strides = array<i32>} : memref<128x128xf32, #tpu.memory_space<vmem>>, vector<1x16xf32>,
          %get3A_1893 = vector.shape_cast %get3A_1892 : vector<1x16xf32> to vector<16xf32>
          %mul3A_1894 = arith.mulf %get3A_1893, %gather3A_1885 : vector<16xf32>
          %swap3A_1895 = arith.index_cast %add3A_1889 : i32 to index
          %swap3A_1896 = arith.constant 0 : index
          %swap3A_1897 = tpu.vector_load %arg12[%swap3A_1895, %swap3A_1896] {strides = array<i32>} : memref<128x128xf32, #tpu.memory_space<vmem>>, vector<1x16xf32>,
          %swap3A_1898 = vector.shape_cast %swap3A_1897 : vector<1x16xf32> to vector<16xf32>
          %swap3A_1899 = vector.shape_cast %mul3A_1894 : vector<16xf32> to vector<1x16xf32>
          tpu.vector_store %arg12[%swap3A_1895, %swap3A_1896], %swap3A_1899 {strides = array<i32>} : memref<128x128xf32, #tpu.memory_space<vmem>>, vector<1x16xf32>,
          %mul3A_1900 = arith.constant 16 : i32
          %mul3A_1901 = arith.muli %scan3A_139, %mul3A_1900 : i32
          %add3A_1902 = arith.constant 15 : i32
          %add3A_1903 = arith.addi %mul3A_1901, %add3A_1902 : i32
          %get3A_1904 = arith.index_cast %add3A_1903 : i32 to index
          %get3A_1905 = arith.constant 16 : index
          %get3A_1906 = tpu.vector_load %arg12[%get3A_1904, %get3A_1905] {strides = array<i32>} : memref<128x128xf32, #tpu.memory_space<vmem>>, vector<1x16xf32>,
          %get3A_1907 = vector.shape_cast %get3A_1906 : vector<1x16xf32> to vector<16xf32>
          %mul3A_1908 = arith.mulf %get3A_1907, %gather3A_1885 : vector<16xf32>
          %swap3A_1909 = arith.index_cast %add3A_1903 : i32 to index
          %swap3A_1910 = arith.constant 16 : index
          %swap3A_1911 = tpu.vector_load %arg12[%swap3A_1909, %swap3A_1910] {strides = array<i32>} : memref<128x128xf32, #tpu.memory_space<vmem>>, vector<1x16xf32>,
          %swap3A_1912 = vector.shape_cast %swap3A_1911 : vector<1x16xf32> to vector<16xf32>
          %swap3A_1913 = vector.shape_cast %mul3A_1908 : vector<16xf32> to vector<1x16xf32>
          tpu.vector_store %arg12[%swap3A_1909, %swap3A_1910], %swap3A_1913 {strides = array<i32>} : memref<128x128xf32, #tpu.memory_space<vmem>>, vector<1x16xf32>,
          %mul3A_1914 = arith.constant 16 : i32
          %mul3A_1915 = arith.muli %scan3A_139, %mul3A_1914 : i32
          %add3A_1916 = arith.constant 15 : i32
          %add3A_1917 = arith.addi %mul3A_1915, %add3A_1916 : i32
          %get3A_1918 = arith.index_cast %add3A_1917 : i32 to index
          %get3A_1919 = arith.constant 32 : index
          %get3A_1920 = tpu.vector_load %arg12[%get3A_1918, %get3A_1919] {strides = array<i32>} : memref<128x128xf32, #tpu.memory_space<vmem>>, vector<1x16xf32>,
          %get3A_1921 = vector.shape_cast %get3A_1920 : vector<1x16xf32> to vector<16xf32>
          %mul3A_1922 = arith.mulf %get3A_1921, %gather3A_1885 : vector<16xf32>
          %swap3A_1923 = arith.index_cast %add3A_1917 : i32 to index
          %swap3A_1924 = arith.constant 32 : index
          %swap3A_1925 = tpu.vector_load %arg12[%swap3A_1923, %swap3A_1924] {strides = array<i32>} : memref<128x128xf32, #tpu.memory_space<vmem>>, vector<1x16xf32>,
          %swap3A_1926 = vector.shape_cast %swap3A_1925 : vector<1x16xf32> to vector<16xf32>
          %swap3A_1927 = vector.shape_cast %mul3A_1922 : vector<16xf32> to vector<1x16xf32>
          tpu.vector_store %arg12[%swap3A_1923, %swap3A_1924], %swap3A_1927 {strides = array<i32>} : memref<128x128xf32, #tpu.memory_space<vmem>>, vector<1x16xf32>,
          %mul3A_1928 = arith.constant 16 : i32
          %mul3A_1929 = arith.muli %scan3A_139, %mul3A_1928 : i32
          %add3A_1930 = arith.constant 15 : i32
          %add3A_1931 = arith.addi %mul3A_1929, %add3A_1930 : i32
          %get3A_1932 = arith.index_cast %add3A_1931 : i32 to index
          %get3A_1933 = arith.constant 48 : index
          %get3A_1934 = tpu.vector_load %arg12[%get3A_1932, %get3A_1933] {strides = array<i32>} : memref<128x128xf32, #tpu.memory_space<vmem>>, vector<1x16xf32>,
          %get3A_1935 = vector.shape_cast %get3A_1934 : vector<1x16xf32> to vector<16xf32>
          %mul3A_1936 = arith.mulf %get3A_1935, %gather3A_1885 : vector<16xf32>
          %swap3A_1937 = arith.index_cast %add3A_1931 : i32 to index
          %swap3A_1938 = arith.constant 48 : index
          %swap3A_1939 = tpu.vector_load %arg12[%swap3A_1937, %swap3A_1938] {strides = array<i32>} : memref<128x128xf32, #tpu.memory_space<vmem>>, vector<1x16xf32>,
          %swap3A_1940 = vector.shape_cast %swap3A_1939 : vector<1x16xf32> to vector<16xf32>
          %swap3A_1941 = vector.shape_cast %mul3A_1936 : vector<16xf32> to vector<1x16xf32>
          tpu.vector_store %arg12[%swap3A_1937, %swap3A_1938], %swap3A_1941 {strides = array<i32>} : memref<128x128xf32, #tpu.memory_space<vmem>>, vector<1x16xf32>,
          %mul3A_1942 = arith.constant 16 : i32
          %mul3A_1943 = arith.muli %scan3A_139, %mul3A_1942 : i32
          %add3A_1944 = arith.constant 15 : i32
          %add3A_1945 = arith.addi %mul3A_1943, %add3A_1944 : i32
          %get3A_1946 = arith.index_cast %add3A_1945 : i32 to index
          %get3A_1947 = arith.constant 64 : index
          %get3A_1948 = tpu.vector_load %arg12[%get3A_1946, %get3A_1947] {strides = array<i32>} : memref<128x128xf32, #tpu.memory_space<vmem>>, vector<1x16xf32>,
          %get3A_1949 = vector.shape_cast %get3A_1948 : vector<1x16xf32> to vector<16xf32>
          %mul3A_1950 = arith.mulf %get3A_1949, %gather3A_1885 : vector<16xf32>
          %swap3A_1951 = arith.index_cast %add3A_1945 : i32 to index
          %swap3A_1952 = arith.constant 64 : index
          %swap3A_1953 = tpu.vector_load %arg12[%swap3A_1951, %swap3A_1952] {strides = array<i32>} : memref<128x128xf32, #tpu.memory_space<vmem>>, vector<1x16xf32>,
          %swap3A_1954 = vector.shape_cast %swap3A_1953 : vector<1x16xf32> to vector<16xf32>
          %swap3A_1955 = vector.shape_cast %mul3A_1950 : vector<16xf32> to vector<1x16xf32>
          tpu.vector_store %arg12[%swap3A_1951, %swap3A_1952], %swap3A_1955 {strides = array<i32>} : memref<128x128xf32, #tpu.memory_space<vmem>>, vector<1x16xf32>,
          %mul3A_1956 = arith.constant 16 : i32
          %mul3A_1957 = arith.muli %scan3A_139, %mul3A_1956 : i32
          %add3A_1958 = arith.constant 15 : i32
          %add3A_1959 = arith.addi %mul3A_1957, %add3A_1958 : i32
          %get3A_1960 = arith.index_cast %add3A_1959 : i32 to index
          %get3A_1961 = arith.constant 80 : index
          %get3A_1962 = tpu.vector_load %arg12[%get3A_1960, %get3A_1961] {strides = array<i32>} : memref<128x128xf32, #tpu.memory_space<vmem>>, vector<1x16xf32>,
          %get3A_1963 = vector.shape_cast %get3A_1962 : vector<1x16xf32> to vector<16xf32>
          %mul3A_1964 = arith.mulf %get3A_1963, %gather3A_1885 : vector<16xf32>
          %swap3A_1965 = arith.index_cast %add3A_1959 : i32 to index
          %swap3A_1966 = arith.constant 80 : index
          %swap3A_1967 = tpu.vector_load %arg12[%swap3A_1965, %swap3A_1966] {strides = array<i32>} : memref<128x128xf32, #tpu.memory_space<vmem>>, vector<1x16xf32>,
          %swap3A_1968 = vector.shape_cast %swap3A_1967 : vector<1x16xf32> to vector<16xf32>
          %swap3A_1969 = vector.shape_cast %mul3A_1964 : vector<16xf32> to vector<1x16xf32>
          tpu.vector_store %arg12[%swap3A_1965, %swap3A_1966], %swap3A_1969 {strides = array<i32>} : memref<128x128xf32, #tpu.memory_space<vmem>>, vector<1x16xf32>,
          %mul3A_1970 = arith.constant 16 : i32
          %mul3A_1971 = arith.muli %scan3A_139, %mul3A_1970 : i32
          %add3A_1972 = arith.constant 15 : i32
          %add3A_1973 = arith.addi %mul3A_1971, %add3A_1972 : i32
          %get3A_1974 = arith.index_cast %add3A_1973 : i32 to index
          %get3A_1975 = arith.constant 96 : index
          %get3A_1976 = tpu.vector_load %arg12[%get3A_1974, %get3A_1975] {strides = array<i32>} : memref<128x128xf32, #tpu.memory_space<vmem>>, vector<1x16xf32>,
          %get3A_1977 = vector.shape_cast %get3A_1976 : vector<1x16xf32> to vector<16xf32>
          %mul3A_1978 = arith.mulf %get3A_1977, %gather3A_1885 : vector<16xf32>
          %swap3A_1979 = arith.index_cast %add3A_1973 : i32 to index
          %swap3A_1980 = arith.constant 96 : index
          %swap3A_1981 = tpu.vector_load %arg12[%swap3A_1979, %swap3A_1980] {strides = array<i32>} : memref<128x128xf32, #tpu.memory_space<vmem>>, vector<1x16xf32>,
          %swap3A_1982 = vector.shape_cast %swap3A_1981 : vector<1x16xf32> to vector<16xf32>
          %swap3A_1983 = vector.shape_cast %mul3A_1978 : vector<16xf32> to vector<1x16xf32>
          tpu.vector_store %arg12[%swap3A_1979, %swap3A_1980], %swap3A_1983 {strides = array<i32>} : memref<128x128xf32, #tpu.memory_space<vmem>>, vector<1x16xf32>,
          %mul3A_1984 = arith.constant 16 : i32
          %mul3A_1985 = arith.muli %scan3A_139, %mul3A_1984 : i32
          %add3A_1986 = arith.constant 15 : i32
          %add3A_1987 = arith.addi %mul3A_1985, %add3A_1986 : i32
          %get3A_1988 = arith.index_cast %add3A_1987 : i32 to index
          %get3A_1989 = arith.constant 112 : index
          %get3A_1990 = tpu.vector_load %arg12[%get3A_1988, %get3A_1989] {strides = array<i32>} : memref<128x128xf32, #tpu.memory_space<vmem>>, vector<1x16xf32>,
          %get3A_1991 = vector.shape_cast %get3A_1990 : vector<1x16xf32> to vector<16xf32>
          %mul3A_1992 = arith.mulf %get3A_1991, %gather3A_1885 : vector<16xf32>
          %swap3A_1993 = arith.index_cast %add3A_1987 : i32 to index
          %swap3A_1994 = arith.constant 112 : index
          %swap3A_1995 = tpu.vector_load %arg12[%swap3A_1993, %swap3A_1994] {strides = array<i32>} : memref<128x128xf32, #tpu.memory_space<vmem>>, vector<1x16xf32>,
          %swap3A_1996 = vector.shape_cast %swap3A_1995 : vector<1x16xf32> to vector<16xf32>
          %swap3A_1997 = vector.shape_cast %mul3A_1992 : vector<16xf32> to vector<1x16xf32>
          tpu.vector_store %arg12[%swap3A_1993, %swap3A_1994], %swap3A_1997 {strides = array<i32>} : memref<128x128xf32, #tpu.memory_space<vmem>>, vector<1x16xf32>,
        }
        %scan3A_80 = arith.constant 8 : i32
        %dma_start3A_81 = arith.constant 0 : i32
        %dma_start3A_82 = tpu.memref_slice %arg10[%mul3A_65, %dma_start3A_81] : memref<16x128xi32, #tpu.memory_space<vmem>> -> memref<1x128xi32, #tpu.memory_space<vmem>>
        %dma_start3A_83 = tpu.memref_squeeze %dma_start3A_82 : memref<1x128xi32, #tpu.memory_space<vmem>> -> memref<128xi32, #tpu.memory_space<vmem>>
        %dma_start3A_84 = arith.constant 0 : i32
        %dma_start3A_85 = arith.constant 0 : i32
        %dma_start3A_86 = tpu.memref_slice %arg8[%dma_start3A_84, %dma_start3A_85] : memref<10000x128xf32, #tpu.memory_space<vmem_shared>> -> memref<10000x128xf32, #tpu.memory_space<vmem_shared>>
        tpu.enqueue_indirect_dma source(%arg12 : memref<128x128xf32, #tpu.memory_space<vmem>>) target(%dma_start3A_86 : memref<10000x128xf32, #tpu.memory_space<vmem_shared>>) offsets(%dma_start3A_83 : memref<128xi32, #tpu.memory_space<vmem>>) semaphore(%arg16 : memref<!tpu.dma_semaphore, #tpu.memory_space<semaphore_mem>>) {add = true}
        %dma_wait3A_87 = arith.constant 0 : i32
        %dma_wait3A_88 = arith.constant 0 : i32
        %dma_wait3A_89 = tpu.memref_slice %arg10[%dma_wait3A_87, %dma_wait3A_88] : memref<16x128xi32, #tpu.memory_space<vmem>> -> memref<1x128xi32, #tpu.memory_space<vmem>>
        %dma_wait3A_90 = tpu.memref_squeeze %dma_wait3A_89 : memref<1x128xi32, #tpu.memory_space<vmem>> -> memref<128xi32, #tpu.memory_space<vmem>>
        %dma_wait3A_91 = arith.constant 0 : i32
        %dma_wait3A_92 = arith.constant 0 : i32
        %dma_wait3A_93 = tpu.memref_slice %arg8[%dma_wait3A_91, %dma_wait3A_92] : memref<10000x128xf32, #tpu.memory_space<vmem_shared>> -> memref<10000x128xf32, #tpu.memory_space<vmem_shared>>
        tpu.wait_indirect_dma semaphore(%arg16 : memref<!tpu.dma_semaphore, #tpu.memory_space<semaphore_mem>>) src(%arg12 : memref<128x128xf32, #tpu.memory_space<vmem>>) dst(%dma_wait3A_93 : memref<10000x128xf32, #tpu.memory_space<vmem_shared>>)
        %add3A_94 = arith.constant 2 : i32
        %add3A_95 = arith.addi %mul3A_65, %add3A_94 : i32
        %min3A = arith.constant 15 : i32
        %min3A_96 = arith.minsi %add3A_95, %min3A : i32
        %mul3A_97 = arith.constant 128 : i32
        %mul3A_98 = arith.muli %min3A_96, %mul3A_97 : i32
        %dma_start3A_99 = tpu.memref_slice %arg9[%mul3A_98] : memref<2048xi32, #tpu.memory_space<vmem>> -> memref<128xi32, #tpu.memory_space<vmem>>
        %dma_start3A_100 = arith.constant 0 : i32
        %dma_start3A_101 = arith.constant 0 : i32
        %dma_start3A_102 = tpu.memref_slice %arg5[%dma_start3A_100, %dma_start3A_101] : memref<10000x128xf32, #tpu.memory_space<hbm>> -> memref<10000x128xf32, #tpu.memory_space<hbm>>
        tpu.enqueue_indirect_dma source(%dma_start3A_102 : memref<10000x128xf32, #tpu.memory_space<hbm>>) target(%arg12 : memref<128x128xf32, #tpu.memory_space<vmem>>) offsets(%dma_start3A_99 : memref<128xi32, #tpu.memory_space<vmem>>) semaphore(%arg14 : memref<!tpu.dma_semaphore, #tpu.memory_space<semaphore_mem>>)
        %dma_wait3A_103 = arith.constant 0 : i32
        %dma_wait3A_104 = tpu.memref_slice %arg9[%dma_wait3A_103] : memref<2048xi32, #tpu.memory_space<vmem>> -> memref<128xi32, #tpu.memory_space<vmem>>
        %dma_wait3A_105 = arith.constant 0 : i32
        %dma_wait3A_106 = arith.constant 0 : i32
        %dma_wait3A_107 = tpu.memref_slice %arg5[%dma_wait3A_105, %dma_wait3A_106] : memref<10000x128xf32, #tpu.memory_space<hbm>> -> memref<10000x128xf32, #tpu.memory_space<hbm>>
        tpu.wait_indirect_dma semaphore(%arg15 : memref<!tpu.dma_semaphore, #tpu.memory_space<semaphore_mem>>) src(%dma_wait3A_107 : memref<10000x128xf32, #tpu.memory_space<hbm>>) dst(%arg13 : memref<128x128xf32, #tpu.memory_space<vmem>>)
        %mul3A_108 = arith.constant 128 : i32
        %mul3A_109 = arith.muli %add3A_67, %mul3A_108 : i32
        %scan3A_110 = arith.constant 0 : i32
        %scan3A_111 = arith.constant 0 : i32
        %scan3A_112 = arith.constant 8 : i32
        %scan3A_113 = arith.addi %scan3A_111, %scan3A_112 : i32
        %scan3A_114 = arith.constant 1 : i32
        scf.for %scan3A_139 = %scan3A_111 to %scan3A_113 step %scan3A_114  : i32 {
          %mul3A_140 = arith.constant 16 : i32
          %mul3A_141 = arith.muli %scan3A_139, %mul3A_140 : i32
          %add3A_142 = arith.addi %mul3A_109, %mul3A_141 : i32
          %get3A = arith.index_cast %add3A_142 : i32 to index
          %get3A_143 = tpu.vector_load %arg11[%get3A] {strides = array<i32>} : memref<2048xf32, #tpu.memory_space<vmem>>, vector<16xf32>,
          %get3A_144 = vector.shape_cast %get3A_143 : vector<16xf32> to vector<16xf32>
          %broadcast_in_dim3A = arith.constant 0 : i32
          %broadcast_in_dim3A_145 = vector.broadcast %broadcast_in_dim3A : i32 to vector<16x1xi32>
          %gather3A = vector.shape_cast %broadcast_in_dim3A_145 : vector<16x1xi32> to vector<16xi32>
          %gather3A_146 = tpu.dynamic_gather %get3A_144[%gather3A] in [0] : vector<16xf32>, vector<16xi32> -> vector<16xf32>
          %mul3A_147 = arith.constant 16 : i32
          %mul3A_148 = arith.muli %scan3A_139, %mul3A_147 : i32
          %add3A_149 = arith.constant 0 : i32
          %add3A_150 = arith.addi %mul3A_148, %add3A_149 : i32
          %get3A_151 = arith.index_cast %add3A_150 : i32 to index
          %get3A_152 = arith.constant 0 : index
          %get3A_153 = tpu.vector_load %arg13[%get3A_151, %get3A_152] {strides = array<i32>} : memref<128x128xf32, #tpu.memory_space<vmem>>, vector<1x16xf32>,
          %get3A_154 = vector.shape_cast %get3A_153 : vector<1x16xf32> to vector<16xf32>
          %mul3A_155 = arith.mulf %get3A_154, %gather3A_146 : vector<16xf32>
          %swap3A = arith.index_cast %add3A_150 : i32 to index
          %swap3A_156 = arith.constant 0 : index
          %swap3A_157 = tpu.vector_load %arg13[%swap3A, %swap3A_156] {strides = array<i32>} : memref<128x128xf32, #tpu.memory_space<vmem>>, vector<1x16xf32>,
          %swap3A_158 = vector.shape_cast %swap3A_157 : vector<1x16xf32> to vector<16xf32>
          %swap3A_159 = vector.shape_cast %mul3A_155 : vector<16xf32> to vector<1x16xf32>
          tpu.vector_store %arg13[%swap3A, %swap3A_156], %swap3A_159 {strides = array<i32>} : memref<128x128xf32, #tpu.memory_space<vmem>>, vector<1x16xf32>,
          %mul3A_160 = arith.constant 16 : i32
          %mul3A_161 = arith.muli %scan3A_139, %mul3A_160 : i32
          %add3A_162 = arith.constant 0 : i32
          %add3A_163 = arith.addi %mul3A_161, %add3A_162 : i32
          %get3A_164 = arith.index_cast %add3A_163 : i32 to index
          %get3A_165 = arith.constant 16 : index
          %get3A_166 = tpu.vector_load %arg13[%get3A_164, %get3A_165] {strides = array<i32>} : memref<128x128xf32, #tpu.memory_space<vmem>>, vector<1x16xf32>,
          %get3A_167 = vector.shape_cast %get3A_166 : vector<1x16xf32> to vector<16xf32>
          %mul3A_168 = arith.mulf %get3A_167, %gather3A_146 : vector<16xf32>
          %swap3A_169 = arith.index_cast %add3A_163 : i32 to index
          %swap3A_170 = arith.constant 16 : index
          %swap3A_171 = tpu.vector_load %arg13[%swap3A_169, %swap3A_170] {strides = array<i32>} : memref<128x128xf32, #tpu.memory_space<vmem>>, vector<1x16xf32>,
          %swap3A_172 = vector.shape_cast %swap3A_171 : vector<1x16xf32> to vector<16xf32>
          %swap3A_173 = vector.shape_cast %mul3A_168 : vector<16xf32> to vector<1x16xf32>
          tpu.vector_store %arg13[%swap3A_169, %swap3A_170], %swap3A_173 {strides = array<i32>} : memref<128x128xf32, #tpu.memory_space<vmem>>, vector<1x16xf32>,
          %mul3A_174 = arith.constant 16 : i32
          %mul3A_175 = arith.muli %scan3A_139, %mul3A_174 : i32
          %add3A_176 = arith.constant 0 : i32
          %add3A_177 = arith.addi %mul3A_175, %add3A_176 : i32
          %get3A_178 = arith.index_cast %add3A_177 : i32 to index
          %get3A_179 = arith.constant 32 : index
          %get3A_180 = tpu.vector_load %arg13[%get3A_178, %get3A_179] {strides = array<i32>} : memref<128x128xf32, #tpu.memory_space<vmem>>, vector<1x16xf32>,
          %get3A_181 = vector.shape_cast %get3A_180 : vector<1x16xf32> to vector<16xf32>
          %mul3A_182 = arith.mulf %get3A_181, %gather3A_146 : vector<16xf32>
          %swap3A_183 = arith.index_cast %add3A_177 : i32 to index
          %swap3A_184 = arith.constant 32 : index
          %swap3A_185 = tpu.vector_load %arg13[%swap3A_183, %swap3A_184] {strides = array<i32>} : memref<128x128xf32, #tpu.memory_space<vmem>>, vector<1x16xf32>,
          %swap3A_186 = vector.shape_cast %swap3A_185 : vector<1x16xf32> to vector<16xf32>
          %swap3A_187 = vector.shape_cast %mul3A_182 : vector<16xf32> to vector<1x16xf32>
          tpu.vector_store %arg13[%swap3A_183, %swap3A_184], %swap3A_187 {strides = array<i32>} : memref<128x128xf32, #tpu.memory_space<vmem>>, vector<1x16xf32>,
          %mul3A_188 = arith.constant 16 : i32
          %mul3A_189 = arith.muli %scan3A_139, %mul3A_188 : i32
          %add3A_190 = arith.constant 0 : i32
          %add3A_191 = arith.addi %mul3A_189, %add3A_190 : i32
          %get3A_192 = arith.index_cast %add3A_191 : i32 to index
          %get3A_193 = arith.constant 48 : index
          %get3A_194 = tpu.vector_load %arg13[%get3A_192, %get3A_193] {strides = array<i32>} : memref<128x128xf32, #tpu.memory_space<vmem>>, vector<1x16xf32>,
          %get3A_195 = vector.shape_cast %get3A_194 : vector<1x16xf32> to vector<16xf32>
          %mul3A_196 = arith.mulf %get3A_195, %gather3A_146 : vector<16xf32>
          %swap3A_197 = arith.index_cast %add3A_191 : i32 to index
          %swap3A_198 = arith.constant 48 : index
          %swap3A_199 = tpu.vector_load %arg13[%swap3A_197, %swap3A_198] {strides = array<i32>} : memref<128x128xf32, #tpu.memory_space<vmem>>, vector<1x16xf32>,
          %swap3A_200 = vector.shape_cast %swap3A_199 : vector<1x16xf32> to vector<16xf32>
          %swap3A_201 = vector.shape_cast %mul3A_196 : vector<16xf32> to vector<1x16xf32>
          tpu.vector_store %arg13[%swap3A_197, %swap3A_198], %swap3A_201 {strides = array<i32>} : memref<128x128xf32, #tpu.memory_space<vmem>>, vector<1x16xf32>,
          %mul3A_202 = arith.constant 16 : i32
          %mul3A_203 = arith.muli %scan3A_139, %mul3A_202 : i32
          %add3A_204 = arith.constant 0 : i32
          %add3A_205 = arith.addi %mul3A_203, %add3A_204 : i32
          %get3A_206 = arith.index_cast %add3A_205 : i32 to index
          %get3A_207 = arith.constant 64 : index
          %get3A_208 = tpu.vector_load %arg13[%get3A_206, %get3A_207] {strides = array<i32>} : memref<128x128xf32, #tpu.memory_space<vmem>>, vector<1x16xf32>,
          %get3A_209 = vector.shape_cast %get3A_208 : vector<1x16xf32> to vector<16xf32>
          %mul3A_210 = arith.mulf %get3A_209, %gather3A_146 : vector<16xf32>
          %swap3A_211 = arith.index_cast %add3A_205 : i32 to index
          %swap3A_212 = arith.constant 64 : index
          %swap3A_213 = tpu.vector_load %arg13[%swap3A_211, %swap3A_212] {strides = array<i32>} : memref<128x128xf32, #tpu.memory_space<vmem>>, vector<1x16xf32>,
          %swap3A_214 = vector.shape_cast %swap3A_213 : vector<1x16xf32> to vector<16xf32>
          %swap3A_215 = vector.shape_cast %mul3A_210 : vector<16xf32> to vector<1x16xf32>
          tpu.vector_store %arg13[%swap3A_211, %swap3A_212], %swap3A_215 {strides = array<i32>} : memref<128x128xf32, #tpu.memory_space<vmem>>, vector<1x16xf32>,
          %mul3A_216 = arith.constant 16 : i32
          %mul3A_217 = arith.muli %scan3A_139, %mul3A_216 : i32
          %add3A_218 = arith.constant 0 : i32
          %add3A_219 = arith.addi %mul3A_217, %add3A_218 : i32
          %get3A_220 = arith.index_cast %add3A_219 : i32 to index
          %get3A_221 = arith.constant 80 : index
          %get3A_222 = tpu.vector_load %arg13[%get3A_220, %get3A_221] {strides = array<i32>} : memref<128x128xf32, #tpu.memory_space<vmem>>, vector<1x16xf32>,
          %get3A_223 = vector.shape_cast %get3A_222 : vector<1x16xf32> to vector<16xf32>
          %mul3A_224 = arith.mulf %get3A_223, %gather3A_146 : vector<16xf32>
          %swap3A_225 = arith.index_cast %add3A_219 : i32 to index
          %swap3A_226 = arith.constant 80 : index
          %swap3A_227 = tpu.vector_load %arg13[%swap3A_225, %swap3A_226] {strides = array<i32>} : memref<128x128xf32, #tpu.memory_space<vmem>>, vector<1x16xf32>,
          %swap3A_228 = vector.shape_cast %swap3A_227 : vector<1x16xf32> to vector<16xf32>
          %swap3A_229 = vector.shape_cast %mul3A_224 : vector<16xf32> to vector<1x16xf32>
          tpu.vector_store %arg13[%swap3A_225, %swap3A_226], %swap3A_229 {strides = array<i32>} : memref<128x128xf32, #tpu.memory_space<vmem>>, vector<1x16xf32>,
          %mul3A_230 = arith.constant 16 : i32
          %mul3A_231 = arith.muli %scan3A_139, %mul3A_230 : i32
          %add3A_232 = arith.constant 0 : i32
          %add3A_233 = arith.addi %mul3A_231, %add3A_232 : i32
          %get3A_234 = arith.index_cast %add3A_233 : i32 to index
          %get3A_235 = arith.constant 96 : index
          %get3A_236 = tpu.vector_load %arg13[%get3A_234, %get3A_235] {strides = array<i32>} : memref<128x128xf32, #tpu.memory_space<vmem>>, vector<1x16xf32>,
          %get3A_237 = vector.shape_cast %get3A_236 : vector<1x16xf32> to vector<16xf32>
          %mul3A_238 = arith.mulf %get3A_237, %gather3A_146 : vector<16xf32>
          %swap3A_239 = arith.index_cast %add3A_233 : i32 to index
          %swap3A_240 = arith.constant 96 : index
          %swap3A_241 = tpu.vector_load %arg13[%swap3A_239, %swap3A_240] {strides = array<i32>} : memref<128x128xf32, #tpu.memory_space<vmem>>, vector<1x16xf32>,
          %swap3A_242 = vector.shape_cast %swap3A_241 : vector<1x16xf32> to vector<16xf32>
          %swap3A_243 = vector.shape_cast %mul3A_238 : vector<16xf32> to vector<1x16xf32>
          tpu.vector_store %arg13[%swap3A_239, %swap3A_240], %swap3A_243 {strides = array<i32>} : memref<128x128xf32, #tpu.memory_space<vmem>>, vector<1x16xf32>,
          %mul3A_244 = arith.constant 16 : i32
          %mul3A_245 = arith.muli %scan3A_139, %mul3A_244 : i32
          %add3A_246 = arith.constant 0 : i32
          %add3A_247 = arith.addi %mul3A_245, %add3A_246 : i32
          %get3A_248 = arith.index_cast %add3A_247 : i32 to index
          %get3A_249 = arith.constant 112 : index
          %get3A_250 = tpu.vector_load %arg13[%get3A_248, %get3A_249] {strides = array<i32>} : memref<128x128xf32, #tpu.memory_space<vmem>>, vector<1x16xf32>,
          %get3A_251 = vector.shape_cast %get3A_250 : vector<1x16xf32> to vector<16xf32>
          %mul3A_252 = arith.mulf %get3A_251, %gather3A_146 : vector<16xf32>
          %swap3A_253 = arith.index_cast %add3A_247 : i32 to index
          %swap3A_254 = arith.constant 112 : index
          %swap3A_255 = tpu.vector_load %arg13[%swap3A_253, %swap3A_254] {strides = array<i32>} : memref<128x128xf32, #tpu.memory_space<vmem>>, vector<1x16xf32>,
          %swap3A_256 = vector.shape_cast %swap3A_255 : vector<1x16xf32> to vector<16xf32>
          %swap3A_257 = vector.shape_cast %mul3A_252 : vector<16xf32> to vector<1x16xf32>
          tpu.vector_store %arg13[%swap3A_253, %swap3A_254], %swap3A_257 {strides = array<i32>} : memref<128x128xf32, #tpu.memory_space<vmem>>, vector<1x16xf32>,
          %broadcast_in_dim3A_258 = arith.constant 1 : i32
          %broadcast_in_dim3A_259 = vector.broadcast %broadcast_in_dim3A_258 : i32 to vector<16x1xi32>
          %gather3A_260 = vector.shape_cast %broadcast_in_dim3A_259 : vector<16x1xi32> to vector<16xi32>
          %gather3A_261 = tpu.dynamic_gather %get3A_144[%gather3A_260] in [0] : vector<16xf32>, vector<16xi32> -> vector<16xf32>
          %mul3A_262 = arith.constant 16 : i32
          %mul3A_263 = arith.muli %scan3A_139, %mul3A_262 : i32
          %add3A_264 = arith.constant 1 : i32
          %add3A_265 = arith.addi %mul3A_263, %add3A_264 : i32
          %get3A_266 = arith.index_cast %add3A_265 : i32 to index
          %get3A_267 = arith.constant 0 : index
          %get3A_268 = tpu.vector_load %arg13[%get3A_266, %get3A_267] {strides = array<i32>} : memref<128x128xf32, #tpu.memory_space<vmem>>, vector<1x16xf32>,
          %get3A_269 = vector.shape_cast %get3A_268 : vector<1x16xf32> to vector<16xf32>
          %mul3A_270 = arith.mulf %get3A_269, %gather3A_261 : vector<16xf32>
          %swap3A_271 = arith.index_cast %add3A_265 : i32 to index
          %swap3A_272 = arith.constant 0 : index
          %swap3A_273 = tpu.vector_load %arg13[%swap3A_271, %swap3A_272] {strides = array<i32>} : memref<128x128xf32, #tpu.memory_space<vmem>>, vector<1x16xf32>,
          %swap3A_274 = vector.shape_cast %swap3A_273 : vector<1x16xf32> to vector<16xf32>
          %swap3A_275 = vector.shape_cast %mul3A_270 : vector<16xf32> to vector<1x16xf32>
          tpu.vector_store %arg13[%swap3A_271, %swap3A_272], %swap3A_275 {strides = array<i32>} : memref<128x128xf32, #tpu.memory_space<vmem>>, vector<1x16xf32>,
          %mul3A_276 = arith.constant 16 : i32
          %mul3A_277 = arith.muli %scan3A_139, %mul3A_276 : i32
          %add3A_278 = arith.constant 1 : i32
          %add3A_279 = arith.addi %mul3A_277, %add3A_278 : i32
          %get3A_280 = arith.index_cast %add3A_279 : i32 to index
          %get3A_281 = arith.constant 16 : index
          %get3A_282 = tpu.vector_load %arg13[%get3A_280, %get3A_281] {strides = array<i32>} : memref<128x128xf32, #tpu.memory_space<vmem>>, vector<1x16xf32>,
          %get3A_283 = vector.shape_cast %get3A_282 : vector<1x16xf32> to vector<16xf32>
          %mul3A_284 = arith.mulf %get3A_283, %gather3A_261 : vector<16xf32>
          %swap3A_285 = arith.index_cast %add3A_279 : i32 to index
          %swap3A_286 = arith.constant 16 : index
          %swap3A_287 = tpu.vector_load %arg13[%swap3A_285, %swap3A_286] {strides = array<i32>} : memref<128x128xf32, #tpu.memory_space<vmem>>, vector<1x16xf32>,
          %swap3A_288 = vector.shape_cast %swap3A_287 : vector<1x16xf32> to vector<16xf32>
          %swap3A_289 = vector.shape_cast %mul3A_284 : vector<16xf32> to vector<1x16xf32>
          tpu.vector_store %arg13[%swap3A_285, %swap3A_286], %swap3A_289 {strides = array<i32>} : memref<128x128xf32, #tpu.memory_space<vmem>>, vector<1x16xf32>,
          %mul3A_290 = arith.constant 16 : i32
          %mul3A_291 = arith.muli %scan3A_139, %mul3A_290 : i32
          %add3A_292 = arith.constant 1 : i32
          %add3A_293 = arith.addi %mul3A_291, %add3A_292 : i32
          %get3A_294 = arith.index_cast %add3A_293 : i32 to index
          %get3A_295 = arith.constant 32 : index
          %get3A_296 = tpu.vector_load %arg13[%get3A_294, %get3A_295] {strides = array<i32>} : memref<128x128xf32, #tpu.memory_space<vmem>>, vector<1x16xf32>,
          %get3A_297 = vector.shape_cast %get3A_296 : vector<1x16xf32> to vector<16xf32>
          %mul3A_298 = arith.mulf %get3A_297, %gather3A_261 : vector<16xf32>
          %swap3A_299 = arith.index_cast %add3A_293 : i32 to index
          %swap3A_300 = arith.constant 32 : index
          %swap3A_301 = tpu.vector_load %arg13[%swap3A_299, %swap3A_300] {strides = array<i32>} : memref<128x128xf32, #tpu.memory_space<vmem>>, vector<1x16xf32>,
          %swap3A_302 = vector.shape_cast %swap3A_301 : vector<1x16xf32> to vector<16xf32>
          %swap3A_303 = vector.shape_cast %mul3A_298 : vector<16xf32> to vector<1x16xf32>
          tpu.vector_store %arg13[%swap3A_299, %swap3A_300], %swap3A_303 {strides = array<i32>} : memref<128x128xf32, #tpu.memory_space<vmem>>, vector<1x16xf32>,
          %mul3A_304 = arith.constant 16 : i32
          %mul3A_305 = arith.muli %scan3A_139, %mul3A_304 : i32
          %add3A_306 = arith.constant 1 : i32
          %add3A_307 = arith.addi %mul3A_305, %add3A_306 : i32
          %get3A_308 = arith.index_cast %add3A_307 : i32 to index
          %get3A_309 = arith.constant 48 : index
          %get3A_310 = tpu.vector_load %arg13[%get3A_308, %get3A_309] {strides = array<i32>} : memref<128x128xf32, #tpu.memory_space<vmem>>, vector<1x16xf32>,
          %get3A_311 = vector.shape_cast %get3A_310 : vector<1x16xf32> to vector<16xf32>
          %mul3A_312 = arith.mulf %get3A_311, %gather3A_261 : vector<16xf32>
          %swap3A_313 = arith.index_cast %add3A_307 : i32 to index
          %swap3A_314 = arith.constant 48 : index
          %swap3A_315 = tpu.vector_load %arg13[%swap3A_313, %swap3A_314] {strides = array<i32>} : memref<128x128xf32, #tpu.memory_space<vmem>>, vector<1x16xf32>,
          %swap3A_316 = vector.shape_cast %swap3A_315 : vector<1x16xf32> to vector<16xf32>
          %swap3A_317 = vector.shape_cast %mul3A_312 : vector<16xf32> to vector<1x16xf32>
          tpu.vector_store %arg13[%swap3A_313, %swap3A_314], %swap3A_317 {strides = array<i32>} : memref<128x128xf32, #tpu.memory_space<vmem>>, vector<1x16xf32>,
          %mul3A_318 = arith.constant 16 : i32
          %mul3A_319 = arith.muli %scan3A_139, %mul3A_318 : i32
          %add3A_320 = arith.constant 1 : i32
          %add3A_321 = arith.addi %mul3A_319, %add3A_320 : i32
          %get3A_322 = arith.index_cast %add3A_321 : i32 to index
          %get3A_323 = arith.constant 64 : index
          %get3A_324 = tpu.vector_load %arg13[%get3A_322, %get3A_323] {strides = array<i32>} : memref<128x128xf32, #tpu.memory_space<vmem>>, vector<1x16xf32>,
          %get3A_325 = vector.shape_cast %get3A_324 : vector<1x16xf32> to vector<16xf32>
          %mul3A_326 = arith.mulf %get3A_325, %gather3A_261 : vector<16xf32>
          %swap3A_327 = arith.index_cast %add3A_321 : i32 to index
          %swap3A_328 = arith.constant 64 : index
          %swap3A_329 = tpu.vector_load %arg13[%swap3A_327, %swap3A_328] {strides = array<i32>} : memref<128x128xf32, #tpu.memory_space<vmem>>, vector<1x16xf32>,
          %swap3A_330 = vector.shape_cast %swap3A_329 : vector<1x16xf32> to vector<16xf32>
          %swap3A_331 = vector.shape_cast %mul3A_326 : vector<16xf32> to vector<1x16xf32>
          tpu.vector_store %arg13[%swap3A_327, %swap3A_328], %swap3A_331 {strides = array<i32>} : memref<128x128xf32, #tpu.memory_space<vmem>>, vector<1x16xf32>,
          %mul3A_332 = arith.constant 16 : i32
          %mul3A_333 = arith.muli %scan3A_139, %mul3A_332 : i32
          %add3A_334 = arith.constant 1 : i32
          %add3A_335 = arith.addi %mul3A_333, %add3A_334 : i32
          %get3A_336 = arith.index_cast %add3A_335 : i32 to index
          %get3A_337 = arith.constant 80 : index
          %get3A_338 = tpu.vector_load %arg13[%get3A_336, %get3A_337] {strides = array<i32>} : memref<128x128xf32, #tpu.memory_space<vmem>>, vector<1x16xf32>,
          %get3A_339 = vector.shape_cast %get3A_338 : vector<1x16xf32> to vector<16xf32>
          %mul3A_340 = arith.mulf %get3A_339, %gather3A_261 : vector<16xf32>
          %swap3A_341 = arith.index_cast %add3A_335 : i32 to index
          %swap3A_342 = arith.constant 80 : index
          %swap3A_343 = tpu.vector_load %arg13[%swap3A_341, %swap3A_342] {strides = array<i32>} : memref<128x128xf32, #tpu.memory_space<vmem>>, vector<1x16xf32>,
          %swap3A_344 = vector.shape_cast %swap3A_343 : vector<1x16xf32> to vector<16xf32>
          %swap3A_345 = vector.shape_cast %mul3A_340 : vector<16xf32> to vector<1x16xf32>
          tpu.vector_store %arg13[%swap3A_341, %swap3A_342], %swap3A_345 {strides = array<i32>} : memref<128x128xf32, #tpu.memory_space<vmem>>, vector<1x16xf32>,
          %mul3A_346 = arith.constant 16 : i32
          %mul3A_347 = arith.muli %scan3A_139, %mul3A_346 : i32
          %add3A_348 = arith.constant 1 : i32
          %add3A_349 = arith.addi %mul3A_347, %add3A_348 : i32
          %get3A_350 = arith.index_cast %add3A_349 : i32 to index
          %get3A_351 = arith.constant 96 : index
          %get3A_352 = tpu.vector_load %arg13[%get3A_350, %get3A_351] {strides = array<i32>} : memref<128x128xf32, #tpu.memory_space<vmem>>, vector<1x16xf32>,
          %get3A_353 = vector.shape_cast %get3A_352 : vector<1x16xf32> to vector<16xf32>
          %mul3A_354 = arith.mulf %get3A_353, %gather3A_261 : vector<16xf32>
          %swap3A_355 = arith.index_cast %add3A_349 : i32 to index
          %swap3A_356 = arith.constant 96 : index
          %swap3A_357 = tpu.vector_load %arg13[%swap3A_355, %swap3A_356] {strides = array<i32>} : memref<128x128xf32, #tpu.memory_space<vmem>>, vector<1x16xf32>,
          %swap3A_358 = vector.shape_cast %swap3A_357 : vector<1x16xf32> to vector<16xf32>
          %swap3A_359 = vector.shape_cast %mul3A_354 : vector<16xf32> to vector<1x16xf32>
          tpu.vector_store %arg13[%swap3A_355, %swap3A_356], %swap3A_359 {strides = array<i32>} : memref<128x128xf32, #tpu.memory_space<vmem>>, vector<1x16xf32>,
          %mul3A_360 = arith.constant 16 : i32
          %mul3A_361 = arith.muli %scan3A_139, %mul3A_360 : i32
          %add3A_362 = arith.constant 1 : i32
          %add3A_363 = arith.addi %mul3A_361, %add3A_362 : i32
          %get3A_364 = arith.index_cast %add3A_363 : i32 to index
          %get3A_365 = arith.constant 112 : index
          %get3A_366 = tpu.vector_load %arg13[%get3A_364, %get3A_365] {strides = array<i32>} : memref<128x128xf32, #tpu.memory_space<vmem>>, vector<1x16xf32>,
          %get3A_367 = vector.shape_cast %get3A_366 : vector<1x16xf32> to vector<16xf32>
          %mul3A_368 = arith.mulf %get3A_367, %gather3A_261 : vector<16xf32>
          %swap3A_369 = arith.index_cast %add3A_363 : i32 to index
          %swap3A_370 = arith.constant 112 : index
          %swap3A_371 = tpu.vector_load %arg13[%swap3A_369, %swap3A_370] {strides = array<i32>} : memref<128x128xf32, #tpu.memory_space<vmem>>, vector<1x16xf32>,
          %swap3A_372 = vector.shape_cast %swap3A_371 : vector<1x16xf32> to vector<16xf32>
          %swap3A_373 = vector.shape_cast %mul3A_368 : vector<16xf32> to vector<1x16xf32>
          tpu.vector_store %arg13[%swap3A_369, %swap3A_370], %swap3A_373 {strides = array<i32>} : memref<128x128xf32, #tpu.memory_space<vmem>>, vector<1x16xf32>,
          %broadcast_in_dim3A_374 = arith.constant 2 : i32
          %broadcast_in_dim3A_375 = vector.broadcast %broadcast_in_dim3A_374 : i32 to vector<16x1xi32>
          %gather3A_376 = vector.shape_cast %broadcast_in_dim3A_375 : vector<16x1xi32> to vector<16xi32>
          %gather3A_377 = tpu.dynamic_gather %get3A_144[%gather3A_376] in [0] : vector<16xf32>, vector<16xi32> -> vector<16xf32>
          %mul3A_378 = arith.constant 16 : i32
          %mul3A_379 = arith.muli %scan3A_139, %mul3A_378 : i32
          %add3A_380 = arith.constant 2 : i32
          %add3A_381 = arith.addi %mul3A_379, %add3A_380 : i32
          %get3A_382 = arith.index_cast %add3A_381 : i32 to index
          %get3A_383 = arith.constant 0 : index
          %get3A_384 = tpu.vector_load %arg13[%get3A_382, %get3A_383] {strides = array<i32>} : memref<128x128xf32, #tpu.memory_space<vmem>>, vector<1x16xf32>,
          %get3A_385 = vector.shape_cast %get3A_384 : vector<1x16xf32> to vector<16xf32>
          %mul3A_386 = arith.mulf %get3A_385, %gather3A_377 : vector<16xf32>
          %swap3A_387 = arith.index_cast %add3A_381 : i32 to index
          %swap3A_388 = arith.constant 0 : index
          %swap3A_389 = tpu.vector_load %arg13[%swap3A_387, %swap3A_388] {strides = array<i32>} : memref<128x128xf32, #tpu.memory_space<vmem>>, vector<1x16xf32>,
          %swap3A_390 = vector.shape_cast %swap3A_389 : vector<1x16xf32> to vector<16xf32>
          %swap3A_391 = vector.shape_cast %mul3A_386 : vector<16xf32> to vector<1x16xf32>
          tpu.vector_store %arg13[%swap3A_387, %swap3A_388], %swap3A_391 {strides = array<i32>} : memref<128x128xf32, #tpu.memory_space<vmem>>, vector<1x16xf32>,
          %mul3A_392 = arith.constant 16 : i32
          %mul3A_393 = arith.muli %scan3A_139, %mul3A_392 : i32
          %add3A_394 = arith.constant 2 : i32
          %add3A_395 = arith.addi %mul3A_393, %add3A_394 : i32
          %get3A_396 = arith.index_cast %add3A_395 : i32 to index
          %get3A_397 = arith.constant 16 : index
          %get3A_398 = tpu.vector_load %arg13[%get3A_396, %get3A_397] {strides = array<i32>} : memref<128x128xf32, #tpu.memory_space<vmem>>, vector<1x16xf32>,
          %get3A_399 = vector.shape_cast %get3A_398 : vector<1x16xf32> to vector<16xf32>
          %mul3A_400 = arith.mulf %get3A_399, %gather3A_377 : vector<16xf32>
          %swap3A_401 = arith.index_cast %add3A_395 : i32 to index
          %swap3A_402 = arith.constant 16 : index
          %swap3A_403 = tpu.vector_load %arg13[%swap3A_401, %swap3A_402] {strides = array<i32>} : memref<128x128xf32, #tpu.memory_space<vmem>>, vector<1x16xf32>,
          %swap3A_404 = vector.shape_cast %swap3A_403 : vector<1x16xf32> to vector<16xf32>
          %swap3A_405 = vector.shape_cast %mul3A_400 : vector<16xf32> to vector<1x16xf32>
          tpu.vector_store %arg13[%swap3A_401, %swap3A_402], %swap3A_405 {strides = array<i32>} : memref<128x128xf32, #tpu.memory_space<vmem>>, vector<1x16xf32>,
          %mul3A_406 = arith.constant 16 : i32
          %mul3A_407 = arith.muli %scan3A_139, %mul3A_406 : i32
          %add3A_408 = arith.constant 2 : i32
          %add3A_409 = arith.addi %mul3A_407, %add3A_408 : i32
          %get3A_410 = arith.index_cast %add3A_409 : i32 to index
          %get3A_411 = arith.constant 32 : index
          %get3A_412 = tpu.vector_load %arg13[%get3A_410, %get3A_411] {strides = array<i32>} : memref<128x128xf32, #tpu.memory_space<vmem>>, vector<1x16xf32>,
          %get3A_413 = vector.shape_cast %get3A_412 : vector<1x16xf32> to vector<16xf32>
          %mul3A_414 = arith.mulf %get3A_413, %gather3A_377 : vector<16xf32>
          %swap3A_415 = arith.index_cast %add3A_409 : i32 to index
          %swap3A_416 = arith.constant 32 : index
          %swap3A_417 = tpu.vector_load %arg13[%swap3A_415, %swap3A_416] {strides = array<i32>} : memref<128x128xf32, #tpu.memory_space<vmem>>, vector<1x16xf32>,
          %swap3A_418 = vector.shape_cast %swap3A_417 : vector<1x16xf32> to vector<16xf32>
          %swap3A_419 = vector.shape_cast %mul3A_414 : vector<16xf32> to vector<1x16xf32>
          tpu.vector_store %arg13[%swap3A_415, %swap3A_416], %swap3A_419 {strides = array<i32>} : memref<128x128xf32, #tpu.memory_space<vmem>>, vector<1x16xf32>,
          %mul3A_420 = arith.constant 16 : i32
          %mul3A_421 = arith.muli %scan3A_139, %mul3A_420 : i32
          %add3A_422 = arith.constant 2 : i32
          %add3A_423 = arith.addi %mul3A_421, %add3A_422 : i32
          %get3A_424 = arith.index_cast %add3A_423 : i32 to index
          %get3A_425 = arith.constant 48 : index
          %get3A_426 = tpu.vector_load %arg13[%get3A_424, %get3A_425] {strides = array<i32>} : memref<128x128xf32, #tpu.memory_space<vmem>>, vector<1x16xf32>,
          %get3A_427 = vector.shape_cast %get3A_426 : vector<1x16xf32> to vector<16xf32>
          %mul3A_428 = arith.mulf %get3A_427, %gather3A_377 : vector<16xf32>
          %swap3A_429 = arith.index_cast %add3A_423 : i32 to index
          %swap3A_430 = arith.constant 48 : index
          %swap3A_431 = tpu.vector_load %arg13[%swap3A_429, %swap3A_430] {strides = array<i32>} : memref<128x128xf32, #tpu.memory_space<vmem>>, vector<1x16xf32>,
          %swap3A_432 = vector.shape_cast %swap3A_431 : vector<1x16xf32> to vector<16xf32>
          %swap3A_433 = vector.shape_cast %mul3A_428 : vector<16xf32> to vector<1x16xf32>
          tpu.vector_store %arg13[%swap3A_429, %swap3A_430], %swap3A_433 {strides = array<i32>} : memref<128x128xf32, #tpu.memory_space<vmem>>, vector<1x16xf32>,
          %mul3A_434 = arith.constant 16 : i32
          %mul3A_435 = arith.muli %scan3A_139, %mul3A_434 : i32
          %add3A_436 = arith.constant 2 : i32
          %add3A_437 = arith.addi %mul3A_435, %add3A_436 : i32
          %get3A_438 = arith.index_cast %add3A_437 : i32 to index
          %get3A_439 = arith.constant 64 : index
          %get3A_440 = tpu.vector_load %arg13[%get3A_438, %get3A_439] {strides = array<i32>} : memref<128x128xf32, #tpu.memory_space<vmem>>, vector<1x16xf32>,
          %get3A_441 = vector.shape_cast %get3A_440 : vector<1x16xf32> to vector<16xf32>
          %mul3A_442 = arith.mulf %get3A_441, %gather3A_377 : vector<16xf32>
          %swap3A_443 = arith.index_cast %add3A_437 : i32 to index
          %swap3A_444 = arith.constant 64 : index
          %swap3A_445 = tpu.vector_load %arg13[%swap3A_443, %swap3A_444] {strides = array<i32>} : memref<128x128xf32, #tpu.memory_space<vmem>>, vector<1x16xf32>,
          %swap3A_446 = vector.shape_cast %swap3A_445 : vector<1x16xf32> to vector<16xf32>
          %swap3A_447 = vector.shape_cast %mul3A_442 : vector<16xf32> to vector<1x16xf32>
          tpu.vector_store %arg13[%swap3A_443, %swap3A_444], %swap3A_447 {strides = array<i32>} : memref<128x128xf32, #tpu.memory_space<vmem>>, vector<1x16xf32>,
          %mul3A_448 = arith.constant 16 : i32
          %mul3A_449 = arith.muli %scan3A_139, %mul3A_448 : i32
          %add3A_450 = arith.constant 2 : i32
          %add3A_451 = arith.addi %mul3A_449, %add3A_450 : i32
          %get3A_452 = arith.index_cast %add3A_451 : i32 to index
          %get3A_453 = arith.constant 80 : index
          %get3A_454 = tpu.vector_load %arg13[%get3A_452, %get3A_453] {strides = array<i32>} : memref<128x128xf32, #tpu.memory_space<vmem>>, vector<1x16xf32>,
          %get3A_455 = vector.shape_cast %get3A_454 : vector<1x16xf32> to vector<16xf32>
          %mul3A_456 = arith.mulf %get3A_455, %gather3A_377 : vector<16xf32>
          %swap3A_457 = arith.index_cast %add3A_451 : i32 to index
          %swap3A_458 = arith.constant 80 : index
          %swap3A_459 = tpu.vector_load %arg13[%swap3A_457, %swap3A_458] {strides = array<i32>} : memref<128x128xf32, #tpu.memory_space<vmem>>, vector<1x16xf32>,
          %swap3A_460 = vector.shape_cast %swap3A_459 : vector<1x16xf32> to vector<16xf32>
          %swap3A_461 = vector.shape_cast %mul3A_456 : vector<16xf32> to vector<1x16xf32>
          tpu.vector_store %arg13[%swap3A_457, %swap3A_458], %swap3A_461 {strides = array<i32>} : memref<128x128xf32, #tpu.memory_space<vmem>>, vector<1x16xf32>,
          %mul3A_462 = arith.constant 16 : i32
          %mul3A_463 = arith.muli %scan3A_139, %mul3A_462 : i32
          %add3A_464 = arith.constant 2 : i32
          %add3A_465 = arith.addi %mul3A_463, %add3A_464 : i32
          %get3A_466 = arith.index_cast %add3A_465 : i32 to index
          %get3A_467 = arith.constant 96 : index
          %get3A_468 = tpu.vector_load %arg13[%get3A_466, %get3A_467] {strides = array<i32>} : memref<128x128xf32, #tpu.memory_space<vmem>>, vector<1x16xf32>,
          %get3A_469 = vector.shape_cast %get3A_468 : vector<1x16xf32> to vector<16xf32>
          %mul3A_470 = arith.mulf %get3A_469, %gather3A_377 : vector<16xf32>
          %swap3A_471 = arith.index_cast %add3A_465 : i32 to index
          %swap3A_472 = arith.constant 96 : index
          %swap3A_473 = tpu.vector_load %arg13[%swap3A_471, %swap3A_472] {strides = array<i32>} : memref<128x128xf32, #tpu.memory_space<vmem>>, vector<1x16xf32>,
          %swap3A_474 = vector.shape_cast %swap3A_473 : vector<1x16xf32> to vector<16xf32>
          %swap3A_475 = vector.shape_cast %mul3A_470 : vector<16xf32> to vector<1x16xf32>
          tpu.vector_store %arg13[%swap3A_471, %swap3A_472], %swap3A_475 {strides = array<i32>} : memref<128x128xf32, #tpu.memory_space<vmem>>, vector<1x16xf32>,
          %mul3A_476 = arith.constant 16 : i32
          %mul3A_477 = arith.muli %scan3A_139, %mul3A_476 : i32
          %add3A_478 = arith.constant 2 : i32
          %add3A_479 = arith.addi %mul3A_477, %add3A_478 : i32
          %get3A_480 = arith.index_cast %add3A_479 : i32 to index
          %get3A_481 = arith.constant 112 : index
          %get3A_482 = tpu.vector_load %arg13[%get3A_480, %get3A_481] {strides = array<i32>} : memref<128x128xf32, #tpu.memory_space<vmem>>, vector<1x16xf32>,
          %get3A_483 = vector.shape_cast %get3A_482 : vector<1x16xf32> to vector<16xf32>
          %mul3A_484 = arith.mulf %get3A_483, %gather3A_377 : vector<16xf32>
          %swap3A_485 = arith.index_cast %add3A_479 : i32 to index
          %swap3A_486 = arith.constant 112 : index
          %swap3A_487 = tpu.vector_load %arg13[%swap3A_485, %swap3A_486] {strides = array<i32>} : memref<128x128xf32, #tpu.memory_space<vmem>>, vector<1x16xf32>,
          %swap3A_488 = vector.shape_cast %swap3A_487 : vector<1x16xf32> to vector<16xf32>
          %swap3A_489 = vector.shape_cast %mul3A_484 : vector<16xf32> to vector<1x16xf32>
          tpu.vector_store %arg13[%swap3A_485, %swap3A_486], %swap3A_489 {strides = array<i32>} : memref<128x128xf32, #tpu.memory_space<vmem>>, vector<1x16xf32>,
          %broadcast_in_dim3A_490 = arith.constant 3 : i32
          %broadcast_in_dim3A_491 = vector.broadcast %broadcast_in_dim3A_490 : i32 to vector<16x1xi32>
          %gather3A_492 = vector.shape_cast %broadcast_in_dim3A_491 : vector<16x1xi32> to vector<16xi32>
          %gather3A_493 = tpu.dynamic_gather %get3A_144[%gather3A_492] in [0] : vector<16xf32>, vector<16xi32> -> vector<16xf32>
          %mul3A_494 = arith.constant 16 : i32
          %mul3A_495 = arith.muli %scan3A_139, %mul3A_494 : i32
          %add3A_496 = arith.constant 3 : i32
          %add3A_497 = arith.addi %mul3A_495, %add3A_496 : i32
          %get3A_498 = arith.index_cast %add3A_497 : i32 to index
          %get3A_499 = arith.constant 0 : index
          %get3A_500 = tpu.vector_load %arg13[%get3A_498, %get3A_499] {strides = array<i32>} : memref<128x128xf32, #tpu.memory_space<vmem>>, vector<1x16xf32>,
          %get3A_501 = vector.shape_cast %get3A_500 : vector<1x16xf32> to vector<16xf32>
          %mul3A_502 = arith.mulf %get3A_501, %gather3A_493 : vector<16xf32>
          %swap3A_503 = arith.index_cast %add3A_497 : i32 to index
          %swap3A_504 = arith.constant 0 : index
          %swap3A_505 = tpu.vector_load %arg13[%swap3A_503, %swap3A_504] {strides = array<i32>} : memref<128x128xf32, #tpu.memory_space<vmem>>, vector<1x16xf32>,
          %swap3A_506 = vector.shape_cast %swap3A_505 : vector<1x16xf32> to vector<16xf32>
          %swap3A_507 = vector.shape_cast %mul3A_502 : vector<16xf32> to vector<1x16xf32>
          tpu.vector_store %arg13[%swap3A_503, %swap3A_504], %swap3A_507 {strides = array<i32>} : memref<128x128xf32, #tpu.memory_space<vmem>>, vector<1x16xf32>,
          %mul3A_508 = arith.constant 16 : i32
          %mul3A_509 = arith.muli %scan3A_139, %mul3A_508 : i32
          %add3A_510 = arith.constant 3 : i32
          %add3A_511 = arith.addi %mul3A_509, %add3A_510 : i32
          %get3A_512 = arith.index_cast %add3A_511 : i32 to index
          %get3A_513 = arith.constant 16 : index
          %get3A_514 = tpu.vector_load %arg13[%get3A_512, %get3A_513] {strides = array<i32>} : memref<128x128xf32, #tpu.memory_space<vmem>>, vector<1x16xf32>,
          %get3A_515 = vector.shape_cast %get3A_514 : vector<1x16xf32> to vector<16xf32>
          %mul3A_516 = arith.mulf %get3A_515, %gather3A_493 : vector<16xf32>
          %swap3A_517 = arith.index_cast %add3A_511 : i32 to index
          %swap3A_518 = arith.constant 16 : index
          %swap3A_519 = tpu.vector_load %arg13[%swap3A_517, %swap3A_518] {strides = array<i32>} : memref<128x128xf32, #tpu.memory_space<vmem>>, vector<1x16xf32>,
          %swap3A_520 = vector.shape_cast %swap3A_519 : vector<1x16xf32> to vector<16xf32>
          %swap3A_521 = vector.shape_cast %mul3A_516 : vector<16xf32> to vector<1x16xf32>
          tpu.vector_store %arg13[%swap3A_517, %swap3A_518], %swap3A_521 {strides = array<i32>} : memref<128x128xf32, #tpu.memory_space<vmem>>, vector<1x16xf32>,
          %mul3A_522 = arith.constant 16 : i32
          %mul3A_523 = arith.muli %scan3A_139, %mul3A_522 : i32
          %add3A_524 = arith.constant 3 : i32
          %add3A_525 = arith.addi %mul3A_523, %add3A_524 : i32
          %get3A_526 = arith.index_cast %add3A_525 : i32 to index
          %get3A_527 = arith.constant 32 : index
          %get3A_528 = tpu.vector_load %arg13[%get3A_526, %get3A_527] {strides = array<i32>} : memref<128x128xf32, #tpu.memory_space<vmem>>, vector<1x16xf32>,
          %get3A_529 = vector.shape_cast %get3A_528 : vector<1x16xf32> to vector<16xf32>
          %mul3A_530 = arith.mulf %get3A_529, %gather3A_493 : vector<16xf32>
          %swap3A_531 = arith.index_cast %add3A_525 : i32 to index
          %swap3A_532 = arith.constant 32 : index
          %swap3A_533 = tpu.vector_load %arg13[%swap3A_531, %swap3A_532] {strides = array<i32>} : memref<128x128xf32, #tpu.memory_space<vmem>>, vector<1x16xf32>,
          %swap3A_534 = vector.shape_cast %swap3A_533 : vector<1x16xf32> to vector<16xf32>
          %swap3A_535 = vector.shape_cast %mul3A_530 : vector<16xf32> to vector<1x16xf32>
          tpu.vector_store %arg13[%swap3A_531, %swap3A_532], %swap3A_535 {strides = array<i32>} : memref<128x128xf32, #tpu.memory_space<vmem>>, vector<1x16xf32>,
          %mul3A_536 = arith.constant 16 : i32
          %mul3A_537 = arith.muli %scan3A_139, %mul3A_536 : i32
          %add3A_538 = arith.constant 3 : i32
          %add3A_539 = arith.addi %mul3A_537, %add3A_538 : i32
          %get3A_540 = arith.index_cast %add3A_539 : i32 to index
          %get3A_541 = arith.constant 48 : index
          %get3A_542 = tpu.vector_load %arg13[%get3A_540, %get3A_541] {strides = array<i32>} : memref<128x128xf32, #tpu.memory_space<vmem>>, vector<1x16xf32>,
          %get3A_543 = vector.shape_cast %get3A_542 : vector<1x16xf32> to vector<16xf32>
          %mul3A_544 = arith.mulf %get3A_543, %gather3A_493 : vector<16xf32>
          %swap3A_545 = arith.index_cast %add3A_539 : i32 to index
          %swap3A_546 = arith.constant 48 : index
          %swap3A_547 = tpu.vector_load %arg13[%swap3A_545, %swap3A_546] {strides = array<i32>} : memref<128x128xf32, #tpu.memory_space<vmem>>, vector<1x16xf32>,
          %swap3A_548 = vector.shape_cast %swap3A_547 : vector<1x16xf32> to vector<16xf32>
          %swap3A_549 = vector.shape_cast %mul3A_544 : vector<16xf32> to vector<1x16xf32>
          tpu.vector_store %arg13[%swap3A_545, %swap3A_546], %swap3A_549 {strides = array<i32>} : memref<128x128xf32, #tpu.memory_space<vmem>>, vector<1x16xf32>,
          %mul3A_550 = arith.constant 16 : i32
          %mul3A_551 = arith.muli %scan3A_139, %mul3A_550 : i32
          %add3A_552 = arith.constant 3 : i32
          %add3A_553 = arith.addi %mul3A_551, %add3A_552 : i32
          %get3A_554 = arith.index_cast %add3A_553 : i32 to index
          %get3A_555 = arith.constant 64 : index
          %get3A_556 = tpu.vector_load %arg13[%get3A_554, %get3A_555] {strides = array<i32>} : memref<128x128xf32, #tpu.memory_space<vmem>>, vector<1x16xf32>,
          %get3A_557 = vector.shape_cast %get3A_556 : vector<1x16xf32> to vector<16xf32>
          %mul3A_558 = arith.mulf %get3A_557, %gather3A_493 : vector<16xf32>
          %swap3A_559 = arith.index_cast %add3A_553 : i32 to index
          %swap3A_560 = arith.constant 64 : index
          %swap3A_561 = tpu.vector_load %arg13[%swap3A_559, %swap3A_560] {strides = array<i32>} : memref<128x128xf32, #tpu.memory_space<vmem>>, vector<1x16xf32>,
          %swap3A_562 = vector.shape_cast %swap3A_561 : vector<1x16xf32> to vector<16xf32>
          %swap3A_563 = vector.shape_cast %mul3A_558 : vector<16xf32> to vector<1x16xf32>
          tpu.vector_store %arg13[%swap3A_559, %swap3A_560], %swap3A_563 {strides = array<i32>} : memref<128x128xf32, #tpu.memory_space<vmem>>, vector<1x16xf32>,
          %mul3A_564 = arith.constant 16 : i32
          %mul3A_565 = arith.muli %scan3A_139, %mul3A_564 : i32
          %add3A_566 = arith.constant 3 : i32
          %add3A_567 = arith.addi %mul3A_565, %add3A_566 : i32
          %get3A_568 = arith.index_cast %add3A_567 : i32 to index
          %get3A_569 = arith.constant 80 : index
          %get3A_570 = tpu.vector_load %arg13[%get3A_568, %get3A_569] {strides = array<i32>} : memref<128x128xf32, #tpu.memory_space<vmem>>, vector<1x16xf32>,
          %get3A_571 = vector.shape_cast %get3A_570 : vector<1x16xf32> to vector<16xf32>
          %mul3A_572 = arith.mulf %get3A_571, %gather3A_493 : vector<16xf32>
          %swap3A_573 = arith.index_cast %add3A_567 : i32 to index
          %swap3A_574 = arith.constant 80 : index
          %swap3A_575 = tpu.vector_load %arg13[%swap3A_573, %swap3A_574] {strides = array<i32>} : memref<128x128xf32, #tpu.memory_space<vmem>>, vector<1x16xf32>,
          %swap3A_576 = vector.shape_cast %swap3A_575 : vector<1x16xf32> to vector<16xf32>
          %swap3A_577 = vector.shape_cast %mul3A_572 : vector<16xf32> to vector<1x16xf32>
          tpu.vector_store %arg13[%swap3A_573, %swap3A_574], %swap3A_577 {strides = array<i32>} : memref<128x128xf32, #tpu.memory_space<vmem>>, vector<1x16xf32>,
          %mul3A_578 = arith.constant 16 : i32
          %mul3A_579 = arith.muli %scan3A_139, %mul3A_578 : i32
          %add3A_580 = arith.constant 3 : i32
          %add3A_581 = arith.addi %mul3A_579, %add3A_580 : i32
          %get3A_582 = arith.index_cast %add3A_581 : i32 to index
          %get3A_583 = arith.constant 96 : index
          %get3A_584 = tpu.vector_load %arg13[%get3A_582, %get3A_583] {strides = array<i32>} : memref<128x128xf32, #tpu.memory_space<vmem>>, vector<1x16xf32>,
          %get3A_585 = vector.shape_cast %get3A_584 : vector<1x16xf32> to vector<16xf32>
          %mul3A_586 = arith.mulf %get3A_585, %gather3A_493 : vector<16xf32>
          %swap3A_587 = arith.index_cast %add3A_581 : i32 to index
          %swap3A_588 = arith.constant 96 : index
          %swap3A_589 = tpu.vector_load %arg13[%swap3A_587, %swap3A_588] {strides = array<i32>} : memref<128x128xf32, #tpu.memory_space<vmem>>, vector<1x16xf32>,
          %swap3A_590 = vector.shape_cast %swap3A_589 : vector<1x16xf32> to vector<16xf32>
          %swap3A_591 = vector.shape_cast %mul3A_586 : vector<16xf32> to vector<1x16xf32>
          tpu.vector_store %arg13[%swap3A_587, %swap3A_588], %swap3A_591 {strides = array<i32>} : memref<128x128xf32, #tpu.memory_space<vmem>>, vector<1x16xf32>,
          %mul3A_592 = arith.constant 16 : i32
          %mul3A_593 = arith.muli %scan3A_139, %mul3A_592 : i32
          %add3A_594 = arith.constant 3 : i32
          %add3A_595 = arith.addi %mul3A_593, %add3A_594 : i32
          %get3A_596 = arith.index_cast %add3A_595 : i32 to index
          %get3A_597 = arith.constant 112 : index
          %get3A_598 = tpu.vector_load %arg13[%get3A_596, %get3A_597] {strides = array<i32>} : memref<128x128xf32, #tpu.memory_space<vmem>>, vector<1x16xf32>,
          %get3A_599 = vector.shape_cast %get3A_598 : vector<1x16xf32> to vector<16xf32>
          %mul3A_600 = arith.mulf %get3A_599, %gather3A_493 : vector<16xf32>
          %swap3A_601 = arith.index_cast %add3A_595 : i32 to index
          %swap3A_602 = arith.constant 112 : index
          %swap3A_603 = tpu.vector_load %arg13[%swap3A_601, %swap3A_602] {strides = array<i32>} : memref<128x128xf32, #tpu.memory_space<vmem>>, vector<1x16xf32>,
          %swap3A_604 = vector.shape_cast %swap3A_603 : vector<1x16xf32> to vector<16xf32>
          %swap3A_605 = vector.shape_cast %mul3A_600 : vector<16xf32> to vector<1x16xf32>
          tpu.vector_store %arg13[%swap3A_601, %swap3A_602], %swap3A_605 {strides = array<i32>} : memref<128x128xf32, #tpu.memory_space<vmem>>, vector<1x16xf32>,
          %broadcast_in_dim3A_606 = arith.constant 4 : i32
          %broadcast_in_dim3A_607 = vector.broadcast %broadcast_in_dim3A_606 : i32 to vector<16x1xi32>
          %gather3A_608 = vector.shape_cast %broadcast_in_dim3A_607 : vector<16x1xi32> to vector<16xi32>
          %gather3A_609 = tpu.dynamic_gather %get3A_144[%gather3A_608] in [0] : vector<16xf32>, vector<16xi32> -> vector<16xf32>
          %mul3A_610 = arith.constant 16 : i32
          %mul3A_611 = arith.muli %scan3A_139, %mul3A_610 : i32
          %add3A_612 = arith.constant 4 : i32
          %add3A_613 = arith.addi %mul3A_611, %add3A_612 : i32
          %get3A_614 = arith.index_cast %add3A_613 : i32 to index
          %get3A_615 = arith.constant 0 : index
          %get3A_616 = tpu.vector_load %arg13[%get3A_614, %get3A_615] {strides = array<i32>} : memref<128x128xf32, #tpu.memory_space<vmem>>, vector<1x16xf32>,
          %get3A_617 = vector.shape_cast %get3A_616 : vector<1x16xf32> to vector<16xf32>
          %mul3A_618 = arith.mulf %get3A_617, %gather3A_609 : vector<16xf32>
          %swap3A_619 = arith.index_cast %add3A_613 : i32 to index
          %swap3A_620 = arith.constant 0 : index
          %swap3A_621 = tpu.vector_load %arg13[%swap3A_619, %swap3A_620] {strides = array<i32>} : memref<128x128xf32, #tpu.memory_space<vmem>>, vector<1x16xf32>,
          %swap3A_622 = vector.shape_cast %swap3A_621 : vector<1x16xf32> to vector<16xf32>
          %swap3A_623 = vector.shape_cast %mul3A_618 : vector<16xf32> to vector<1x16xf32>
          tpu.vector_store %arg13[%swap3A_619, %swap3A_620], %swap3A_623 {strides = array<i32>} : memref<128x128xf32, #tpu.memory_space<vmem>>, vector<1x16xf32>,
          %mul3A_624 = arith.constant 16 : i32
          %mul3A_625 = arith.muli %scan3A_139, %mul3A_624 : i32
          %add3A_626 = arith.constant 4 : i32
          %add3A_627 = arith.addi %mul3A_625, %add3A_626 : i32
          %get3A_628 = arith.index_cast %add3A_627 : i32 to index
          %get3A_629 = arith.constant 16 : index
          %get3A_630 = tpu.vector_load %arg13[%get3A_628, %get3A_629] {strides = array<i32>} : memref<128x128xf32, #tpu.memory_space<vmem>>, vector<1x16xf32>,
          %get3A_631 = vector.shape_cast %get3A_630 : vector<1x16xf32> to vector<16xf32>
          %mul3A_632 = arith.mulf %get3A_631, %gather3A_609 : vector<16xf32>
          %swap3A_633 = arith.index_cast %add3A_627 : i32 to index
          %swap3A_634 = arith.constant 16 : index
          %swap3A_635 = tpu.vector_load %arg13[%swap3A_633, %swap3A_634] {strides = array<i32>} : memref<128x128xf32, #tpu.memory_space<vmem>>, vector<1x16xf32>,
          %swap3A_636 = vector.shape_cast %swap3A_635 : vector<1x16xf32> to vector<16xf32>
          %swap3A_637 = vector.shape_cast %mul3A_632 : vector<16xf32> to vector<1x16xf32>
          tpu.vector_store %arg13[%swap3A_633, %swap3A_634], %swap3A_637 {strides = array<i32>} : memref<128x128xf32, #tpu.memory_space<vmem>>, vector<1x16xf32>,
          %mul3A_638 = arith.constant 16 : i32
          %mul3A_639 = arith.muli %scan3A_139, %mul3A_638 : i32
          %add3A_640 = arith.constant 4 : i32
          %add3A_641 = arith.addi %mul3A_639, %add3A_640 : i32
          %get3A_642 = arith.index_cast %add3A_641 : i32 to index
          %get3A_643 = arith.constant 32 : index
          %get3A_644 = tpu.vector_load %arg13[%get3A_642, %get3A_643] {strides = array<i32>} : memref<128x128xf32, #tpu.memory_space<vmem>>, vector<1x16xf32>,
          %get3A_645 = vector.shape_cast %get3A_644 : vector<1x16xf32> to vector<16xf32>
          %mul3A_646 = arith.mulf %get3A_645, %gather3A_609 : vector<16xf32>
          %swap3A_647 = arith.index_cast %add3A_641 : i32 to index
          %swap3A_648 = arith.constant 32 : index
          %swap3A_649 = tpu.vector_load %arg13[%swap3A_647, %swap3A_648] {strides = array<i32>} : memref<128x128xf32, #tpu.memory_space<vmem>>, vector<1x16xf32>,
          %swap3A_650 = vector.shape_cast %swap3A_649 : vector<1x16xf32> to vector<16xf32>
          %swap3A_651 = vector.shape_cast %mul3A_646 : vector<16xf32> to vector<1x16xf32>
          tpu.vector_store %arg13[%swap3A_647, %swap3A_648], %swap3A_651 {strides = array<i32>} : memref<128x128xf32, #tpu.memory_space<vmem>>, vector<1x16xf32>,
          %mul3A_652 = arith.constant 16 : i32
          %mul3A_653 = arith.muli %scan3A_139, %mul3A_652 : i32
          %add3A_654 = arith.constant 4 : i32
          %add3A_655 = arith.addi %mul3A_653, %add3A_654 : i32
          %get3A_656 = arith.index_cast %add3A_655 : i32 to index
          %get3A_657 = arith.constant 48 : index
          %get3A_658 = tpu.vector_load %arg13[%get3A_656, %get3A_657] {strides = array<i32>} : memref<128x128xf32, #tpu.memory_space<vmem>>, vector<1x16xf32>,
          %get3A_659 = vector.shape_cast %get3A_658 : vector<1x16xf32> to vector<16xf32>
          %mul3A_660 = arith.mulf %get3A_659, %gather3A_609 : vector<16xf32>
          %swap3A_661 = arith.index_cast %add3A_655 : i32 to index
          %swap3A_662 = arith.constant 48 : index
          %swap3A_663 = tpu.vector_load %arg13[%swap3A_661, %swap3A_662] {strides = array<i32>} : memref<128x128xf32, #tpu.memory_space<vmem>>, vector<1x16xf32>,
          %swap3A_664 = vector.shape_cast %swap3A_663 : vector<1x16xf32> to vector<16xf32>
          %swap3A_665 = vector.shape_cast %mul3A_660 : vector<16xf32> to vector<1x16xf32>
          tpu.vector_store %arg13[%swap3A_661, %swap3A_662], %swap3A_665 {strides = array<i32>} : memref<128x128xf32, #tpu.memory_space<vmem>>, vector<1x16xf32>,
          %mul3A_666 = arith.constant 16 : i32
          %mul3A_667 = arith.muli %scan3A_139, %mul3A_666 : i32
          %add3A_668 = arith.constant 4 : i32
          %add3A_669 = arith.addi %mul3A_667, %add3A_668 : i32
          %get3A_670 = arith.index_cast %add3A_669 : i32 to index
          %get3A_671 = arith.constant 64 : index
          %get3A_672 = tpu.vector_load %arg13[%get3A_670, %get3A_671] {strides = array<i32>} : memref<128x128xf32, #tpu.memory_space<vmem>>, vector<1x16xf32>,
          %get3A_673 = vector.shape_cast %get3A_672 : vector<1x16xf32> to vector<16xf32>
          %mul3A_674 = arith.mulf %get3A_673, %gather3A_609 : vector<16xf32>
          %swap3A_675 = arith.index_cast %add3A_669 : i32 to index
          %swap3A_676 = arith.constant 64 : index
          %swap3A_677 = tpu.vector_load %arg13[%swap3A_675, %swap3A_676] {strides = array<i32>} : memref<128x128xf32, #tpu.memory_space<vmem>>, vector<1x16xf32>,
          %swap3A_678 = vector.shape_cast %swap3A_677 : vector<1x16xf32> to vector<16xf32>
          %swap3A_679 = vector.shape_cast %mul3A_674 : vector<16xf32> to vector<1x16xf32>
          tpu.vector_store %arg13[%swap3A_675, %swap3A_676], %swap3A_679 {strides = array<i32>} : memref<128x128xf32, #tpu.memory_space<vmem>>, vector<1x16xf32>,
          %mul3A_680 = arith.constant 16 : i32
          %mul3A_681 = arith.muli %scan3A_139, %mul3A_680 : i32
          %add3A_682 = arith.constant 4 : i32
          %add3A_683 = arith.addi %mul3A_681, %add3A_682 : i32
          %get3A_684 = arith.index_cast %add3A_683 : i32 to index
          %get3A_685 = arith.constant 80 : index
          %get3A_686 = tpu.vector_load %arg13[%get3A_684, %get3A_685] {strides = array<i32>} : memref<128x128xf32, #tpu.memory_space<vmem>>, vector<1x16xf32>,
          %get3A_687 = vector.shape_cast %get3A_686 : vector<1x16xf32> to vector<16xf32>
          %mul3A_688 = arith.mulf %get3A_687, %gather3A_609 : vector<16xf32>
          %swap3A_689 = arith.index_cast %add3A_683 : i32 to index
          %swap3A_690 = arith.constant 80 : index
          %swap3A_691 = tpu.vector_load %arg13[%swap3A_689, %swap3A_690] {strides = array<i32>} : memref<128x128xf32, #tpu.memory_space<vmem>>, vector<1x16xf32>,
          %swap3A_692 = vector.shape_cast %swap3A_691 : vector<1x16xf32> to vector<16xf32>
          %swap3A_693 = vector.shape_cast %mul3A_688 : vector<16xf32> to vector<1x16xf32>
          tpu.vector_store %arg13[%swap3A_689, %swap3A_690], %swap3A_693 {strides = array<i32>} : memref<128x128xf32, #tpu.memory_space<vmem>>, vector<1x16xf32>,
          %mul3A_694 = arith.constant 16 : i32
          %mul3A_695 = arith.muli %scan3A_139, %mul3A_694 : i32
          %add3A_696 = arith.constant 4 : i32
          %add3A_697 = arith.addi %mul3A_695, %add3A_696 : i32
          %get3A_698 = arith.index_cast %add3A_697 : i32 to index
          %get3A_699 = arith.constant 96 : index
          %get3A_700 = tpu.vector_load %arg13[%get3A_698, %get3A_699] {strides = array<i32>} : memref<128x128xf32, #tpu.memory_space<vmem>>, vector<1x16xf32>,
          %get3A_701 = vector.shape_cast %get3A_700 : vector<1x16xf32> to vector<16xf32>
          %mul3A_702 = arith.mulf %get3A_701, %gather3A_609 : vector<16xf32>
          %swap3A_703 = arith.index_cast %add3A_697 : i32 to index
          %swap3A_704 = arith.constant 96 : index
          %swap3A_705 = tpu.vector_load %arg13[%swap3A_703, %swap3A_704] {strides = array<i32>} : memref<128x128xf32, #tpu.memory_space<vmem>>, vector<1x16xf32>,
          %swap3A_706 = vector.shape_cast %swap3A_705 : vector<1x16xf32> to vector<16xf32>
          %swap3A_707 = vector.shape_cast %mul3A_702 : vector<16xf32> to vector<1x16xf32>
          tpu.vector_store %arg13[%swap3A_703, %swap3A_704], %swap3A_707 {strides = array<i32>} : memref<128x128xf32, #tpu.memory_space<vmem>>, vector<1x16xf32>,
          %mul3A_708 = arith.constant 16 : i32
          %mul3A_709 = arith.muli %scan3A_139, %mul3A_708 : i32
          %add3A_710 = arith.constant 4 : i32
          %add3A_711 = arith.addi %mul3A_709, %add3A_710 : i32
          %get3A_712 = arith.index_cast %add3A_711 : i32 to index
          %get3A_713 = arith.constant 112 : index
          %get3A_714 = tpu.vector_load %arg13[%get3A_712, %get3A_713] {strides = array<i32>} : memref<128x128xf32, #tpu.memory_space<vmem>>, vector<1x16xf32>,
          %get3A_715 = vector.shape_cast %get3A_714 : vector<1x16xf32> to vector<16xf32>
          %mul3A_716 = arith.mulf %get3A_715, %gather3A_609 : vector<16xf32>
          %swap3A_717 = arith.index_cast %add3A_711 : i32 to index
          %swap3A_718 = arith.constant 112 : index
          %swap3A_719 = tpu.vector_load %arg13[%swap3A_717, %swap3A_718] {strides = array<i32>} : memref<128x128xf32, #tpu.memory_space<vmem>>, vector<1x16xf32>,
          %swap3A_720 = vector.shape_cast %swap3A_719 : vector<1x16xf32> to vector<16xf32>
          %swap3A_721 = vector.shape_cast %mul3A_716 : vector<16xf32> to vector<1x16xf32>
          tpu.vector_store %arg13[%swap3A_717, %swap3A_718], %swap3A_721 {strides = array<i32>} : memref<128x128xf32, #tpu.memory_space<vmem>>, vector<1x16xf32>,
          %broadcast_in_dim3A_722 = arith.constant 5 : i32
          %broadcast_in_dim3A_723 = vector.broadcast %broadcast_in_dim3A_722 : i32 to vector<16x1xi32>
          %gather3A_724 = vector.shape_cast %broadcast_in_dim3A_723 : vector<16x1xi32> to vector<16xi32>
          %gather3A_725 = tpu.dynamic_gather %get3A_144[%gather3A_724] in [0] : vector<16xf32>, vector<16xi32> -> vector<16xf32>
          %mul3A_726 = arith.constant 16 : i32
          %mul3A_727 = arith.muli %scan3A_139, %mul3A_726 : i32
          %add3A_728 = arith.constant 5 : i32
          %add3A_729 = arith.addi %mul3A_727, %add3A_728 : i32
          %get3A_730 = arith.index_cast %add3A_729 : i32 to index
          %get3A_731 = arith.constant 0 : index
          %get3A_732 = tpu.vector_load %arg13[%get3A_730, %get3A_731] {strides = array<i32>} : memref<128x128xf32, #tpu.memory_space<vmem>>, vector<1x16xf32>,
          %get3A_733 = vector.shape_cast %get3A_732 : vector<1x16xf32> to vector<16xf32>
          %mul3A_734 = arith.mulf %get3A_733, %gather3A_725 : vector<16xf32>
          %swap3A_735 = arith.index_cast %add3A_729 : i32 to index
          %swap3A_736 = arith.constant 0 : index
          %swap3A_737 = tpu.vector_load %arg13[%swap3A_735, %swap3A_736] {strides = array<i32>} : memref<128x128xf32, #tpu.memory_space<vmem>>, vector<1x16xf32>,
          %swap3A_738 = vector.shape_cast %swap3A_737 : vector<1x16xf32> to vector<16xf32>
          %swap3A_739 = vector.shape_cast %mul3A_734 : vector<16xf32> to vector<1x16xf32>
          tpu.vector_store %arg13[%swap3A_735, %swap3A_736], %swap3A_739 {strides = array<i32>} : memref<128x128xf32, #tpu.memory_space<vmem>>, vector<1x16xf32>,
          %mul3A_740 = arith.constant 16 : i32
          %mul3A_741 = arith.muli %scan3A_139, %mul3A_740 : i32
          %add3A_742 = arith.constant 5 : i32
          %add3A_743 = arith.addi %mul3A_741, %add3A_742 : i32
          %get3A_744 = arith.index_cast %add3A_743 : i32 to index
          %get3A_745 = arith.constant 16 : index
          %get3A_746 = tpu.vector_load %arg13[%get3A_744, %get3A_745] {strides = array<i32>} : memref<128x128xf32, #tpu.memory_space<vmem>>, vector<1x16xf32>,
          %get3A_747 = vector.shape_cast %get3A_746 : vector<1x16xf32> to vector<16xf32>
          %mul3A_748 = arith.mulf %get3A_747, %gather3A_725 : vector<16xf32>
          %swap3A_749 = arith.index_cast %add3A_743 : i32 to index
          %swap3A_750 = arith.constant 16 : index
          %swap3A_751 = tpu.vector_load %arg13[%swap3A_749, %swap3A_750] {strides = array<i32>} : memref<128x128xf32, #tpu.memory_space<vmem>>, vector<1x16xf32>,
          %swap3A_752 = vector.shape_cast %swap3A_751 : vector<1x16xf32> to vector<16xf32>
          %swap3A_753 = vector.shape_cast %mul3A_748 : vector<16xf32> to vector<1x16xf32>
          tpu.vector_store %arg13[%swap3A_749, %swap3A_750], %swap3A_753 {strides = array<i32>} : memref<128x128xf32, #tpu.memory_space<vmem>>, vector<1x16xf32>,
          %mul3A_754 = arith.constant 16 : i32
          %mul3A_755 = arith.muli %scan3A_139, %mul3A_754 : i32
          %add3A_756 = arith.constant 5 : i32
          %add3A_757 = arith.addi %mul3A_755, %add3A_756 : i32
          %get3A_758 = arith.index_cast %add3A_757 : i32 to index
          %get3A_759 = arith.constant 32 : index
          %get3A_760 = tpu.vector_load %arg13[%get3A_758, %get3A_759] {strides = array<i32>} : memref<128x128xf32, #tpu.memory_space<vmem>>, vector<1x16xf32>,
          %get3A_761 = vector.shape_cast %get3A_760 : vector<1x16xf32> to vector<16xf32>
          %mul3A_762 = arith.mulf %get3A_761, %gather3A_725 : vector<16xf32>
          %swap3A_763 = arith.index_cast %add3A_757 : i32 to index
          %swap3A_764 = arith.constant 32 : index
          %swap3A_765 = tpu.vector_load %arg13[%swap3A_763, %swap3A_764] {strides = array<i32>} : memref<128x128xf32, #tpu.memory_space<vmem>>, vector<1x16xf32>,
          %swap3A_766 = vector.shape_cast %swap3A_765 : vector<1x16xf32> to vector<16xf32>
          %swap3A_767 = vector.shape_cast %mul3A_762 : vector<16xf32> to vector<1x16xf32>
          tpu.vector_store %arg13[%swap3A_763, %swap3A_764], %swap3A_767 {strides = array<i32>} : memref<128x128xf32, #tpu.memory_space<vmem>>, vector<1x16xf32>,
          %mul3A_768 = arith.constant 16 : i32
          %mul3A_769 = arith.muli %scan3A_139, %mul3A_768 : i32
          %add3A_770 = arith.constant 5 : i32
          %add3A_771 = arith.addi %mul3A_769, %add3A_770 : i32
          %get3A_772 = arith.index_cast %add3A_771 : i32 to index
          %get3A_773 = arith.constant 48 : index
          %get3A_774 = tpu.vector_load %arg13[%get3A_772, %get3A_773] {strides = array<i32>} : memref<128x128xf32, #tpu.memory_space<vmem>>, vector<1x16xf32>,
          %get3A_775 = vector.shape_cast %get3A_774 : vector<1x16xf32> to vector<16xf32>
          %mul3A_776 = arith.mulf %get3A_775, %gather3A_725 : vector<16xf32>
          %swap3A_777 = arith.index_cast %add3A_771 : i32 to index
          %swap3A_778 = arith.constant 48 : index
          %swap3A_779 = tpu.vector_load %arg13[%swap3A_777, %swap3A_778] {strides = array<i32>} : memref<128x128xf32, #tpu.memory_space<vmem>>, vector<1x16xf32>,
          %swap3A_780 = vector.shape_cast %swap3A_779 : vector<1x16xf32> to vector<16xf32>
          %swap3A_781 = vector.shape_cast %mul3A_776 : vector<16xf32> to vector<1x16xf32>
          tpu.vector_store %arg13[%swap3A_777, %swap3A_778], %swap3A_781 {strides = array<i32>} : memref<128x128xf32, #tpu.memory_space<vmem>>, vector<1x16xf32>,
          %mul3A_782 = arith.constant 16 : i32
          %mul3A_783 = arith.muli %scan3A_139, %mul3A_782 : i32
          %add3A_784 = arith.constant 5 : i32
          %add3A_785 = arith.addi %mul3A_783, %add3A_784 : i32
          %get3A_786 = arith.index_cast %add3A_785 : i32 to index
          %get3A_787 = arith.constant 64 : index
          %get3A_788 = tpu.vector_load %arg13[%get3A_786, %get3A_787] {strides = array<i32>} : memref<128x128xf32, #tpu.memory_space<vmem>>, vector<1x16xf32>,
          %get3A_789 = vector.shape_cast %get3A_788 : vector<1x16xf32> to vector<16xf32>
          %mul3A_790 = arith.mulf %get3A_789, %gather3A_725 : vector<16xf32>
          %swap3A_791 = arith.index_cast %add3A_785 : i32 to index
          %swap3A_792 = arith.constant 64 : index
          %swap3A_793 = tpu.vector_load %arg13[%swap3A_791, %swap3A_792] {strides = array<i32>} : memref<128x128xf32, #tpu.memory_space<vmem>>, vector<1x16xf32>,
          %swap3A_794 = vector.shape_cast %swap3A_793 : vector<1x16xf32> to vector<16xf32>
          %swap3A_795 = vector.shape_cast %mul3A_790 : vector<16xf32> to vector<1x16xf32>
          tpu.vector_store %arg13[%swap3A_791, %swap3A_792], %swap3A_795 {strides = array<i32>} : memref<128x128xf32, #tpu.memory_space<vmem>>, vector<1x16xf32>,
          %mul3A_796 = arith.constant 16 : i32
          %mul3A_797 = arith.muli %scan3A_139, %mul3A_796 : i32
          %add3A_798 = arith.constant 5 : i32
          %add3A_799 = arith.addi %mul3A_797, %add3A_798 : i32
          %get3A_800 = arith.index_cast %add3A_799 : i32 to index
          %get3A_801 = arith.constant 80 : index
          %get3A_802 = tpu.vector_load %arg13[%get3A_800, %get3A_801] {strides = array<i32>} : memref<128x128xf32, #tpu.memory_space<vmem>>, vector<1x16xf32>,
          %get3A_803 = vector.shape_cast %get3A_802 : vector<1x16xf32> to vector<16xf32>
          %mul3A_804 = arith.mulf %get3A_803, %gather3A_725 : vector<16xf32>
          %swap3A_805 = arith.index_cast %add3A_799 : i32 to index
          %swap3A_806 = arith.constant 80 : index
          %swap3A_807 = tpu.vector_load %arg13[%swap3A_805, %swap3A_806] {strides = array<i32>} : memref<128x128xf32, #tpu.memory_space<vmem>>, vector<1x16xf32>,
          %swap3A_808 = vector.shape_cast %swap3A_807 : vector<1x16xf32> to vector<16xf32>
          %swap3A_809 = vector.shape_cast %mul3A_804 : vector<16xf32> to vector<1x16xf32>
          tpu.vector_store %arg13[%swap3A_805, %swap3A_806], %swap3A_809 {strides = array<i32>} : memref<128x128xf32, #tpu.memory_space<vmem>>, vector<1x16xf32>,
          %mul3A_810 = arith.constant 16 : i32
          %mul3A_811 = arith.muli %scan3A_139, %mul3A_810 : i32
          %add3A_812 = arith.constant 5 : i32
          %add3A_813 = arith.addi %mul3A_811, %add3A_812 : i32
          %get3A_814 = arith.index_cast %add3A_813 : i32 to index
          %get3A_815 = arith.constant 96 : index
          %get3A_816 = tpu.vector_load %arg13[%get3A_814, %get3A_815] {strides = array<i32>} : memref<128x128xf32, #tpu.memory_space<vmem>>, vector<1x16xf32>,
          %get3A_817 = vector.shape_cast %get3A_816 : vector<1x16xf32> to vector<16xf32>
          %mul3A_818 = arith.mulf %get3A_817, %gather3A_725 : vector<16xf32>
          %swap3A_819 = arith.index_cast %add3A_813 : i32 to index
          %swap3A_820 = arith.constant 96 : index
          %swap3A_821 = tpu.vector_load %arg13[%swap3A_819, %swap3A_820] {strides = array<i32>} : memref<128x128xf32, #tpu.memory_space<vmem>>, vector<1x16xf32>,
          %swap3A_822 = vector.shape_cast %swap3A_821 : vector<1x16xf32> to vector<16xf32>
          %swap3A_823 = vector.shape_cast %mul3A_818 : vector<16xf32> to vector<1x16xf32>
          tpu.vector_store %arg13[%swap3A_819, %swap3A_820], %swap3A_823 {strides = array<i32>} : memref<128x128xf32, #tpu.memory_space<vmem>>, vector<1x16xf32>,
          %mul3A_824 = arith.constant 16 : i32
          %mul3A_825 = arith.muli %scan3A_139, %mul3A_824 : i32
          %add3A_826 = arith.constant 5 : i32
          %add3A_827 = arith.addi %mul3A_825, %add3A_826 : i32
          %get3A_828 = arith.index_cast %add3A_827 : i32 to index
          %get3A_829 = arith.constant 112 : index
          %get3A_830 = tpu.vector_load %arg13[%get3A_828, %get3A_829] {strides = array<i32>} : memref<128x128xf32, #tpu.memory_space<vmem>>, vector<1x16xf32>,
          %get3A_831 = vector.shape_cast %get3A_830 : vector<1x16xf32> to vector<16xf32>
          %mul3A_832 = arith.mulf %get3A_831, %gather3A_725 : vector<16xf32>
          %swap3A_833 = arith.index_cast %add3A_827 : i32 to index
          %swap3A_834 = arith.constant 112 : index
          %swap3A_835 = tpu.vector_load %arg13[%swap3A_833, %swap3A_834] {strides = array<i32>} : memref<128x128xf32, #tpu.memory_space<vmem>>, vector<1x16xf32>,
          %swap3A_836 = vector.shape_cast %swap3A_835 : vector<1x16xf32> to vector<16xf32>
          %swap3A_837 = vector.shape_cast %mul3A_832 : vector<16xf32> to vector<1x16xf32>
          tpu.vector_store %arg13[%swap3A_833, %swap3A_834], %swap3A_837 {strides = array<i32>} : memref<128x128xf32, #tpu.memory_space<vmem>>, vector<1x16xf32>,
          %broadcast_in_dim3A_838 = arith.constant 6 : i32
          %broadcast_in_dim3A_839 = vector.broadcast %broadcast_in_dim3A_838 : i32 to vector<16x1xi32>
          %gather3A_840 = vector.shape_cast %broadcast_in_dim3A_839 : vector<16x1xi32> to vector<16xi32>
          %gather3A_841 = tpu.dynamic_gather %get3A_144[%gather3A_840] in [0] : vector<16xf32>, vector<16xi32> -> vector<16xf32>
          %mul3A_842 = arith.constant 16 : i32
          %mul3A_843 = arith.muli %scan3A_139, %mul3A_842 : i32
          %add3A_844 = arith.constant 6 : i32
          %add3A_845 = arith.addi %mul3A_843, %add3A_844 : i32
          %get3A_846 = arith.index_cast %add3A_845 : i32 to index
          %get3A_847 = arith.constant 0 : index
          %get3A_848 = tpu.vector_load %arg13[%get3A_846, %get3A_847] {strides = array<i32>} : memref<128x128xf32, #tpu.memory_space<vmem>>, vector<1x16xf32>,
          %get3A_849 = vector.shape_cast %get3A_848 : vector<1x16xf32> to vector<16xf32>
          %mul3A_850 = arith.mulf %get3A_849, %gather3A_841 : vector<16xf32>
          %swap3A_851 = arith.index_cast %add3A_845 : i32 to index
          %swap3A_852 = arith.constant 0 : index
          %swap3A_853 = tpu.vector_load %arg13[%swap3A_851, %swap3A_852] {strides = array<i32>} : memref<128x128xf32, #tpu.memory_space<vmem>>, vector<1x16xf32>,
          %swap3A_854 = vector.shape_cast %swap3A_853 : vector<1x16xf32> to vector<16xf32>
          %swap3A_855 = vector.shape_cast %mul3A_850 : vector<16xf32> to vector<1x16xf32>
          tpu.vector_store %arg13[%swap3A_851, %swap3A_852], %swap3A_855 {strides = array<i32>} : memref<128x128xf32, #tpu.memory_space<vmem>>, vector<1x16xf32>,
          %mul3A_856 = arith.constant 16 : i32
          %mul3A_857 = arith.muli %scan3A_139, %mul3A_856 : i32
          %add3A_858 = arith.constant 6 : i32
          %add3A_859 = arith.addi %mul3A_857, %add3A_858 : i32
          %get3A_860 = arith.index_cast %add3A_859 : i32 to index
          %get3A_861 = arith.constant 16 : index
          %get3A_862 = tpu.vector_load %arg13[%get3A_860, %get3A_861] {strides = array<i32>} : memref<128x128xf32, #tpu.memory_space<vmem>>, vector<1x16xf32>,
          %get3A_863 = vector.shape_cast %get3A_862 : vector<1x16xf32> to vector<16xf32>
          %mul3A_864 = arith.mulf %get3A_863, %gather3A_841 : vector<16xf32>
          %swap3A_865 = arith.index_cast %add3A_859 : i32 to index
          %swap3A_866 = arith.constant 16 : index
          %swap3A_867 = tpu.vector_load %arg13[%swap3A_865, %swap3A_866] {strides = array<i32>} : memref<128x128xf32, #tpu.memory_space<vmem>>, vector<1x16xf32>,
          %swap3A_868 = vector.shape_cast %swap3A_867 : vector<1x16xf32> to vector<16xf32>
          %swap3A_869 = vector.shape_cast %mul3A_864 : vector<16xf32> to vector<1x16xf32>
          tpu.vector_store %arg13[%swap3A_865, %swap3A_866], %swap3A_869 {strides = array<i32>} : memref<128x128xf32, #tpu.memory_space<vmem>>, vector<1x16xf32>,
          %mul3A_870 = arith.constant 16 : i32
          %mul3A_871 = arith.muli %scan3A_139, %mul3A_870 : i32
          %add3A_872 = arith.constant 6 : i32
          %add3A_873 = arith.addi %mul3A_871, %add3A_872 : i32
          %get3A_874 = arith.index_cast %add3A_873 : i32 to index
          %get3A_875 = arith.constant 32 : index
          %get3A_876 = tpu.vector_load %arg13[%get3A_874, %get3A_875] {strides = array<i32>} : memref<128x128xf32, #tpu.memory_space<vmem>>, vector<1x16xf32>,
          %get3A_877 = vector.shape_cast %get3A_876 : vector<1x16xf32> to vector<16xf32>
          %mul3A_878 = arith.mulf %get3A_877, %gather3A_841 : vector<16xf32>
          %swap3A_879 = arith.index_cast %add3A_873 : i32 to index
          %swap3A_880 = arith.constant 32 : index
          %swap3A_881 = tpu.vector_load %arg13[%swap3A_879, %swap3A_880] {strides = array<i32>} : memref<128x128xf32, #tpu.memory_space<vmem>>, vector<1x16xf32>,
          %swap3A_882 = vector.shape_cast %swap3A_881 : vector<1x16xf32> to vector<16xf32>
          %swap3A_883 = vector.shape_cast %mul3A_878 : vector<16xf32> to vector<1x16xf32>
          tpu.vector_store %arg13[%swap3A_879, %swap3A_880], %swap3A_883 {strides = array<i32>} : memref<128x128xf32, #tpu.memory_space<vmem>>, vector<1x16xf32>,
          %mul3A_884 = arith.constant 16 : i32
          %mul3A_885 = arith.muli %scan3A_139, %mul3A_884 : i32
          %add3A_886 = arith.constant 6 : i32
          %add3A_887 = arith.addi %mul3A_885, %add3A_886 : i32
          %get3A_888 = arith.index_cast %add3A_887 : i32 to index
          %get3A_889 = arith.constant 48 : index
          %get3A_890 = tpu.vector_load %arg13[%get3A_888, %get3A_889] {strides = array<i32>} : memref<128x128xf32, #tpu.memory_space<vmem>>, vector<1x16xf32>,
          %get3A_891 = vector.shape_cast %get3A_890 : vector<1x16xf32> to vector<16xf32>
          %mul3A_892 = arith.mulf %get3A_891, %gather3A_841 : vector<16xf32>
          %swap3A_893 = arith.index_cast %add3A_887 : i32 to index
          %swap3A_894 = arith.constant 48 : index
          %swap3A_895 = tpu.vector_load %arg13[%swap3A_893, %swap3A_894] {strides = array<i32>} : memref<128x128xf32, #tpu.memory_space<vmem>>, vector<1x16xf32>,
          %swap3A_896 = vector.shape_cast %swap3A_895 : vector<1x16xf32> to vector<16xf32>
          %swap3A_897 = vector.shape_cast %mul3A_892 : vector<16xf32> to vector<1x16xf32>
          tpu.vector_store %arg13[%swap3A_893, %swap3A_894], %swap3A_897 {strides = array<i32>} : memref<128x128xf32, #tpu.memory_space<vmem>>, vector<1x16xf32>,
          %mul3A_898 = arith.constant 16 : i32
          %mul3A_899 = arith.muli %scan3A_139, %mul3A_898 : i32
          %add3A_900 = arith.constant 6 : i32
          %add3A_901 = arith.addi %mul3A_899, %add3A_900 : i32
          %get3A_902 = arith.index_cast %add3A_901 : i32 to index
          %get3A_903 = arith.constant 64 : index
          %get3A_904 = tpu.vector_load %arg13[%get3A_902, %get3A_903] {strides = array<i32>} : memref<128x128xf32, #tpu.memory_space<vmem>>, vector<1x16xf32>,
          %get3A_905 = vector.shape_cast %get3A_904 : vector<1x16xf32> to vector<16xf32>
          %mul3A_906 = arith.mulf %get3A_905, %gather3A_841 : vector<16xf32>
          %swap3A_907 = arith.index_cast %add3A_901 : i32 to index
          %swap3A_908 = arith.constant 64 : index
          %swap3A_909 = tpu.vector_load %arg13[%swap3A_907, %swap3A_908] {strides = array<i32>} : memref<128x128xf32, #tpu.memory_space<vmem>>, vector<1x16xf32>,
          %swap3A_910 = vector.shape_cast %swap3A_909 : vector<1x16xf32> to vector<16xf32>
          %swap3A_911 = vector.shape_cast %mul3A_906 : vector<16xf32> to vector<1x16xf32>
          tpu.vector_store %arg13[%swap3A_907, %swap3A_908], %swap3A_911 {strides = array<i32>} : memref<128x128xf32, #tpu.memory_space<vmem>>, vector<1x16xf32>,
          %mul3A_912 = arith.constant 16 : i32
          %mul3A_913 = arith.muli %scan3A_139, %mul3A_912 : i32
          %add3A_914 = arith.constant 6 : i32
          %add3A_915 = arith.addi %mul3A_913, %add3A_914 : i32
          %get3A_916 = arith.index_cast %add3A_915 : i32 to index
          %get3A_917 = arith.constant 80 : index
          %get3A_918 = tpu.vector_load %arg13[%get3A_916, %get3A_917] {strides = array<i32>} : memref<128x128xf32, #tpu.memory_space<vmem>>, vector<1x16xf32>,
          %get3A_919 = vector.shape_cast %get3A_918 : vector<1x16xf32> to vector<16xf32>
          %mul3A_920 = arith.mulf %get3A_919, %gather3A_841 : vector<16xf32>
          %swap3A_921 = arith.index_cast %add3A_915 : i32 to index
          %swap3A_922 = arith.constant 80 : index
          %swap3A_923 = tpu.vector_load %arg13[%swap3A_921, %swap3A_922] {strides = array<i32>} : memref<128x128xf32, #tpu.memory_space<vmem>>, vector<1x16xf32>,
          %swap3A_924 = vector.shape_cast %swap3A_923 : vector<1x16xf32> to vector<16xf32>
          %swap3A_925 = vector.shape_cast %mul3A_920 : vector<16xf32> to vector<1x16xf32>
          tpu.vector_store %arg13[%swap3A_921, %swap3A_922], %swap3A_925 {strides = array<i32>} : memref<128x128xf32, #tpu.memory_space<vmem>>, vector<1x16xf32>,
          %mul3A_926 = arith.constant 16 : i32
          %mul3A_927 = arith.muli %scan3A_139, %mul3A_926 : i32
          %add3A_928 = arith.constant 6 : i32
          %add3A_929 = arith.addi %mul3A_927, %add3A_928 : i32
          %get3A_930 = arith.index_cast %add3A_929 : i32 to index
          %get3A_931 = arith.constant 96 : index
          %get3A_932 = tpu.vector_load %arg13[%get3A_930, %get3A_931] {strides = array<i32>} : memref<128x128xf32, #tpu.memory_space<vmem>>, vector<1x16xf32>,
          %get3A_933 = vector.shape_cast %get3A_932 : vector<1x16xf32> to vector<16xf32>
          %mul3A_934 = arith.mulf %get3A_933, %gather3A_841 : vector<16xf32>
          %swap3A_935 = arith.index_cast %add3A_929 : i32 to index
          %swap3A_936 = arith.constant 96 : index
          %swap3A_937 = tpu.vector_load %arg13[%swap3A_935, %swap3A_936] {strides = array<i32>} : memref<128x128xf32, #tpu.memory_space<vmem>>, vector<1x16xf32>,
          %swap3A_938 = vector.shape_cast %swap3A_937 : vector<1x16xf32> to vector<16xf32>
          %swap3A_939 = vector.shape_cast %mul3A_934 : vector<16xf32> to vector<1x16xf32>
          tpu.vector_store %arg13[%swap3A_935, %swap3A_936], %swap3A_939 {strides = array<i32>} : memref<128x128xf32, #tpu.memory_space<vmem>>, vector<1x16xf32>,
          %mul3A_940 = arith.constant 16 : i32
          %mul3A_941 = arith.muli %scan3A_139, %mul3A_940 : i32
          %add3A_942 = arith.constant 6 : i32
          %add3A_943 = arith.addi %mul3A_941, %add3A_942 : i32
          %get3A_944 = arith.index_cast %add3A_943 : i32 to index
          %get3A_945 = arith.constant 112 : index
          %get3A_946 = tpu.vector_load %arg13[%get3A_944, %get3A_945] {strides = array<i32>} : memref<128x128xf32, #tpu.memory_space<vmem>>, vector<1x16xf32>,
          %get3A_947 = vector.shape_cast %get3A_946 : vector<1x16xf32> to vector<16xf32>
          %mul3A_948 = arith.mulf %get3A_947, %gather3A_841 : vector<16xf32>
          %swap3A_949 = arith.index_cast %add3A_943 : i32 to index
          %swap3A_950 = arith.constant 112 : index
          %swap3A_951 = tpu.vector_load %arg13[%swap3A_949, %swap3A_950] {strides = array<i32>} : memref<128x128xf32, #tpu.memory_space<vmem>>, vector<1x16xf32>,
          %swap3A_952 = vector.shape_cast %swap3A_951 : vector<1x16xf32> to vector<16xf32>
          %swap3A_953 = vector.shape_cast %mul3A_948 : vector<16xf32> to vector<1x16xf32>
          tpu.vector_store %arg13[%swap3A_949, %swap3A_950], %swap3A_953 {strides = array<i32>} : memref<128x128xf32, #tpu.memory_space<vmem>>, vector<1x16xf32>,
          %broadcast_in_dim3A_954 = arith.constant 7 : i32
          %broadcast_in_dim3A_955 = vector.broadcast %broadcast_in_dim3A_954 : i32 to vector<16x1xi32>
          %gather3A_956 = vector.shape_cast %broadcast_in_dim3A_955 : vector<16x1xi32> to vector<16xi32>
          %gather3A_957 = tpu.dynamic_gather %get3A_144[%gather3A_956] in [0] : vector<16xf32>, vector<16xi32> -> vector<16xf32>
          %mul3A_958 = arith.constant 16 : i32
          %mul3A_959 = arith.muli %scan3A_139, %mul3A_958 : i32
          %add3A_960 = arith.constant 7 : i32
          %add3A_961 = arith.addi %mul3A_959, %add3A_960 : i32
          %get3A_962 = arith.index_cast %add3A_961 : i32 to index
          %get3A_963 = arith.constant 0 : index
          %get3A_964 = tpu.vector_load %arg13[%get3A_962, %get3A_963] {strides = array<i32>} : memref<128x128xf32, #tpu.memory_space<vmem>>, vector<1x16xf32>,
          %get3A_965 = vector.shape_cast %get3A_964 : vector<1x16xf32> to vector<16xf32>
          %mul3A_966 = arith.mulf %get3A_965, %gather3A_957 : vector<16xf32>
          %swap3A_967 = arith.index_cast %add3A_961 : i32 to index
          %swap3A_968 = arith.constant 0 : index
          %swap3A_969 = tpu.vector_load %arg13[%swap3A_967, %swap3A_968] {strides = array<i32>} : memref<128x128xf32, #tpu.memory_space<vmem>>, vector<1x16xf32>,
          %swap3A_970 = vector.shape_cast %swap3A_969 : vector<1x16xf32> to vector<16xf32>
          %swap3A_971 = vector.shape_cast %mul3A_966 : vector<16xf32> to vector<1x16xf32>
          tpu.vector_store %arg13[%swap3A_967, %swap3A_968], %swap3A_971 {strides = array<i32>} : memref<128x128xf32, #tpu.memory_space<vmem>>, vector<1x16xf32>,
          %mul3A_972 = arith.constant 16 : i32
          %mul3A_973 = arith.muli %scan3A_139, %mul3A_972 : i32
          %add3A_974 = arith.constant 7 : i32
          %add3A_975 = arith.addi %mul3A_973, %add3A_974 : i32
          %get3A_976 = arith.index_cast %add3A_975 : i32 to index
          %get3A_977 = arith.constant 16 : index
          %get3A_978 = tpu.vector_load %arg13[%get3A_976, %get3A_977] {strides = array<i32>} : memref<128x128xf32, #tpu.memory_space<vmem>>, vector<1x16xf32>,
          %get3A_979 = vector.shape_cast %get3A_978 : vector<1x16xf32> to vector<16xf32>
          %mul3A_980 = arith.mulf %get3A_979, %gather3A_957 : vector<16xf32>
          %swap3A_981 = arith.index_cast %add3A_975 : i32 to index
          %swap3A_982 = arith.constant 16 : index
          %swap3A_983 = tpu.vector_load %arg13[%swap3A_981, %swap3A_982] {strides = array<i32>} : memref<128x128xf32, #tpu.memory_space<vmem>>, vector<1x16xf32>,
          %swap3A_984 = vector.shape_cast %swap3A_983 : vector<1x16xf32> to vector<16xf32>
          %swap3A_985 = vector.shape_cast %mul3A_980 : vector<16xf32> to vector<1x16xf32>
          tpu.vector_store %arg13[%swap3A_981, %swap3A_982], %swap3A_985 {strides = array<i32>} : memref<128x128xf32, #tpu.memory_space<vmem>>, vector<1x16xf32>,
          %mul3A_986 = arith.constant 16 : i32
          %mul3A_987 = arith.muli %scan3A_139, %mul3A_986 : i32
          %add3A_988 = arith.constant 7 : i32
          %add3A_989 = arith.addi %mul3A_987, %add3A_988 : i32
          %get3A_990 = arith.index_cast %add3A_989 : i32 to index
          %get3A_991 = arith.constant 32 : index
          %get3A_992 = tpu.vector_load %arg13[%get3A_990, %get3A_991] {strides = array<i32>} : memref<128x128xf32, #tpu.memory_space<vmem>>, vector<1x16xf32>,
          %get3A_993 = vector.shape_cast %get3A_992 : vector<1x16xf32> to vector<16xf32>
          %mul3A_994 = arith.mulf %get3A_993, %gather3A_957 : vector<16xf32>
          %swap3A_995 = arith.index_cast %add3A_989 : i32 to index
          %swap3A_996 = arith.constant 32 : index
          %swap3A_997 = tpu.vector_load %arg13[%swap3A_995, %swap3A_996] {strides = array<i32>} : memref<128x128xf32, #tpu.memory_space<vmem>>, vector<1x16xf32>,
          %swap3A_998 = vector.shape_cast %swap3A_997 : vector<1x16xf32> to vector<16xf32>
          %swap3A_999 = vector.shape_cast %mul3A_994 : vector<16xf32> to vector<1x16xf32>
          tpu.vector_store %arg13[%swap3A_995, %swap3A_996], %swap3A_999 {strides = array<i32>} : memref<128x128xf32, #tpu.memory_space<vmem>>, vector<1x16xf32>,
          %mul3A_1000 = arith.constant 16 : i32
          %mul3A_1001 = arith.muli %scan3A_139, %mul3A_1000 : i32
          %add3A_1002 = arith.constant 7 : i32
          %add3A_1003 = arith.addi %mul3A_1001, %add3A_1002 : i32
          %get3A_1004 = arith.index_cast %add3A_1003 : i32 to index
          %get3A_1005 = arith.constant 48 : index
          %get3A_1006 = tpu.vector_load %arg13[%get3A_1004, %get3A_1005] {strides = array<i32>} : memref<128x128xf32, #tpu.memory_space<vmem>>, vector<1x16xf32>,
          %get3A_1007 = vector.shape_cast %get3A_1006 : vector<1x16xf32> to vector<16xf32>
          %mul3A_1008 = arith.mulf %get3A_1007, %gather3A_957 : vector<16xf32>
          %swap3A_1009 = arith.index_cast %add3A_1003 : i32 to index
          %swap3A_1010 = arith.constant 48 : index
          %swap3A_1011 = tpu.vector_load %arg13[%swap3A_1009, %swap3A_1010] {strides = array<i32>} : memref<128x128xf32, #tpu.memory_space<vmem>>, vector<1x16xf32>,
          %swap3A_1012 = vector.shape_cast %swap3A_1011 : vector<1x16xf32> to vector<16xf32>
          %swap3A_1013 = vector.shape_cast %mul3A_1008 : vector<16xf32> to vector<1x16xf32>
          tpu.vector_store %arg13[%swap3A_1009, %swap3A_1010], %swap3A_1013 {strides = array<i32>} : memref<128x128xf32, #tpu.memory_space<vmem>>, vector<1x16xf32>,
          %mul3A_1014 = arith.constant 16 : i32
          %mul3A_1015 = arith.muli %scan3A_139, %mul3A_1014 : i32
          %add3A_1016 = arith.constant 7 : i32
          %add3A_1017 = arith.addi %mul3A_1015, %add3A_1016 : i32
          %get3A_1018 = arith.index_cast %add3A_1017 : i32 to index
          %get3A_1019 = arith.constant 64 : index
          %get3A_1020 = tpu.vector_load %arg13[%get3A_1018, %get3A_1019] {strides = array<i32>} : memref<128x128xf32, #tpu.memory_space<vmem>>, vector<1x16xf32>,
          %get3A_1021 = vector.shape_cast %get3A_1020 : vector<1x16xf32> to vector<16xf32>
          %mul3A_1022 = arith.mulf %get3A_1021, %gather3A_957 : vector<16xf32>
          %swap3A_1023 = arith.index_cast %add3A_1017 : i32 to index
          %swap3A_1024 = arith.constant 64 : index
          %swap3A_1025 = tpu.vector_load %arg13[%swap3A_1023, %swap3A_1024] {strides = array<i32>} : memref<128x128xf32, #tpu.memory_space<vmem>>, vector<1x16xf32>,
          %swap3A_1026 = vector.shape_cast %swap3A_1025 : vector<1x16xf32> to vector<16xf32>
          %swap3A_1027 = vector.shape_cast %mul3A_1022 : vector<16xf32> to vector<1x16xf32>
          tpu.vector_store %arg13[%swap3A_1023, %swap3A_1024], %swap3A_1027 {strides = array<i32>} : memref<128x128xf32, #tpu.memory_space<vmem>>, vector<1x16xf32>,
          %mul3A_1028 = arith.constant 16 : i32
          %mul3A_1029 = arith.muli %scan3A_139, %mul3A_1028 : i32
          %add3A_1030 = arith.constant 7 : i32
          %add3A_1031 = arith.addi %mul3A_1029, %add3A_1030 : i32
          %get3A_1032 = arith.index_cast %add3A_1031 : i32 to index
          %get3A_1033 = arith.constant 80 : index
          %get3A_1034 = tpu.vector_load %arg13[%get3A_1032, %get3A_1033] {strides = array<i32>} : memref<128x128xf32, #tpu.memory_space<vmem>>, vector<1x16xf32>,
          %get3A_1035 = vector.shape_cast %get3A_1034 : vector<1x16xf32> to vector<16xf32>
          %mul3A_1036 = arith.mulf %get3A_1035, %gather3A_957 : vector<16xf32>
          %swap3A_1037 = arith.index_cast %add3A_1031 : i32 to index
          %swap3A_1038 = arith.constant 80 : index
          %swap3A_1039 = tpu.vector_load %arg13[%swap3A_1037, %swap3A_1038] {strides = array<i32>} : memref<128x128xf32, #tpu.memory_space<vmem>>, vector<1x16xf32>,
          %swap3A_1040 = vector.shape_cast %swap3A_1039 : vector<1x16xf32> to vector<16xf32>
          %swap3A_1041 = vector.shape_cast %mul3A_1036 : vector<16xf32> to vector<1x16xf32>
          tpu.vector_store %arg13[%swap3A_1037, %swap3A_1038], %swap3A_1041 {strides = array<i32>} : memref<128x128xf32, #tpu.memory_space<vmem>>, vector<1x16xf32>,
          %mul3A_1042 = arith.constant 16 : i32
          %mul3A_1043 = arith.muli %scan3A_139, %mul3A_1042 : i32
          %add3A_1044 = arith.constant 7 : i32
          %add3A_1045 = arith.addi %mul3A_1043, %add3A_1044 : i32
          %get3A_1046 = arith.index_cast %add3A_1045 : i32 to index
          %get3A_1047 = arith.constant 96 : index
          %get3A_1048 = tpu.vector_load %arg13[%get3A_1046, %get3A_1047] {strides = array<i32>} : memref<128x128xf32, #tpu.memory_space<vmem>>, vector<1x16xf32>,
          %get3A_1049 = vector.shape_cast %get3A_1048 : vector<1x16xf32> to vector<16xf32>
          %mul3A_1050 = arith.mulf %get3A_1049, %gather3A_957 : vector<16xf32>
          %swap3A_1051 = arith.index_cast %add3A_1045 : i32 to index
          %swap3A_1052 = arith.constant 96 : index
          %swap3A_1053 = tpu.vector_load %arg13[%swap3A_1051, %swap3A_1052] {strides = array<i32>} : memref<128x128xf32, #tpu.memory_space<vmem>>, vector<1x16xf32>,
          %swap3A_1054 = vector.shape_cast %swap3A_1053 : vector<1x16xf32> to vector<16xf32>
          %swap3A_1055 = vector.shape_cast %mul3A_1050 : vector<16xf32> to vector<1x16xf32>
          tpu.vector_store %arg13[%swap3A_1051, %swap3A_1052], %swap3A_1055 {strides = array<i32>} : memref<128x128xf32, #tpu.memory_space<vmem>>, vector<1x16xf32>,
          %mul3A_1056 = arith.constant 16 : i32
          %mul3A_1057 = arith.muli %scan3A_139, %mul3A_1056 : i32
          %add3A_1058 = arith.constant 7 : i32
          %add3A_1059 = arith.addi %mul3A_1057, %add3A_1058 : i32
          %get3A_1060 = arith.index_cast %add3A_1059 : i32 to index
          %get3A_1061 = arith.constant 112 : index
          %get3A_1062 = tpu.vector_load %arg13[%get3A_1060, %get3A_1061] {strides = array<i32>} : memref<128x128xf32, #tpu.memory_space<vmem>>, vector<1x16xf32>,
          %get3A_1063 = vector.shape_cast %get3A_1062 : vector<1x16xf32> to vector<16xf32>
          %mul3A_1064 = arith.mulf %get3A_1063, %gather3A_957 : vector<16xf32>
          %swap3A_1065 = arith.index_cast %add3A_1059 : i32 to index
          %swap3A_1066 = arith.constant 112 : index
          %swap3A_1067 = tpu.vector_load %arg13[%swap3A_1065, %swap3A_1066] {strides = array<i32>} : memref<128x128xf32, #tpu.memory_space<vmem>>, vector<1x16xf32>,
          %swap3A_1068 = vector.shape_cast %swap3A_1067 : vector<1x16xf32> to vector<16xf32>
          %swap3A_1069 = vector.shape_cast %mul3A_1064 : vector<16xf32> to vector<1x16xf32>
          tpu.vector_store %arg13[%swap3A_1065, %swap3A_1066], %swap3A_1069 {strides = array<i32>} : memref<128x128xf32, #tpu.memory_space<vmem>>, vector<1x16xf32>,
          %broadcast_in_dim3A_1070 = arith.constant 8 : i32
          %broadcast_in_dim3A_1071 = vector.broadcast %broadcast_in_dim3A_1070 : i32 to vector<16x1xi32>
          %gather3A_1072 = vector.shape_cast %broadcast_in_dim3A_1071 : vector<16x1xi32> to vector<16xi32>
          %gather3A_1073 = tpu.dynamic_gather %get3A_144[%gather3A_1072] in [0] : vector<16xf32>, vector<16xi32> -> vector<16xf32>
          %mul3A_1074 = arith.constant 16 : i32
          %mul3A_1075 = arith.muli %scan3A_139, %mul3A_1074 : i32
          %add3A_1076 = arith.constant 8 : i32
          %add3A_1077 = arith.addi %mul3A_1075, %add3A_1076 : i32
          %get3A_1078 = arith.index_cast %add3A_1077 : i32 to index
          %get3A_1079 = arith.constant 0 : index
          %get3A_1080 = tpu.vector_load %arg13[%get3A_1078, %get3A_1079] {strides = array<i32>} : memref<128x128xf32, #tpu.memory_space<vmem>>, vector<1x16xf32>,
          %get3A_1081 = vector.shape_cast %get3A_1080 : vector<1x16xf32> to vector<16xf32>
          %mul3A_1082 = arith.mulf %get3A_1081, %gather3A_1073 : vector<16xf32>
          %swap3A_1083 = arith.index_cast %add3A_1077 : i32 to index
          %swap3A_1084 = arith.constant 0 : index
          %swap3A_1085 = tpu.vector_load %arg13[%swap3A_1083, %swap3A_1084] {strides = array<i32>} : memref<128x128xf32, #tpu.memory_space<vmem>>, vector<1x16xf32>,
          %swap3A_1086 = vector.shape_cast %swap3A_1085 : vector<1x16xf32> to vector<16xf32>
          %swap3A_1087 = vector.shape_cast %mul3A_1082 : vector<16xf32> to vector<1x16xf32>
          tpu.vector_store %arg13[%swap3A_1083, %swap3A_1084], %swap3A_1087 {strides = array<i32>} : memref<128x128xf32, #tpu.memory_space<vmem>>, vector<1x16xf32>,
          %mul3A_1088 = arith.constant 16 : i32
          %mul3A_1089 = arith.muli %scan3A_139, %mul3A_1088 : i32
          %add3A_1090 = arith.constant 8 : i32
          %add3A_1091 = arith.addi %mul3A_1089, %add3A_1090 : i32
          %get3A_1092 = arith.index_cast %add3A_1091 : i32 to index
          %get3A_1093 = arith.constant 16 : index
          %get3A_1094 = tpu.vector_load %arg13[%get3A_1092, %get3A_1093] {strides = array<i32>} : memref<128x128xf32, #tpu.memory_space<vmem>>, vector<1x16xf32>,
          %get3A_1095 = vector.shape_cast %get3A_1094 : vector<1x16xf32> to vector<16xf32>
          %mul3A_1096 = arith.mulf %get3A_1095, %gather3A_1073 : vector<16xf32>
          %swap3A_1097 = arith.index_cast %add3A_1091 : i32 to index
          %swap3A_1098 = arith.constant 16 : index
          %swap3A_1099 = tpu.vector_load %arg13[%swap3A_1097, %swap3A_1098] {strides = array<i32>} : memref<128x128xf32, #tpu.memory_space<vmem>>, vector<1x16xf32>,
          %swap3A_1100 = vector.shape_cast %swap3A_1099 : vector<1x16xf32> to vector<16xf32>
          %swap3A_1101 = vector.shape_cast %mul3A_1096 : vector<16xf32> to vector<1x16xf32>
          tpu.vector_store %arg13[%swap3A_1097, %swap3A_1098], %swap3A_1101 {strides = array<i32>} : memref<128x128xf32, #tpu.memory_space<vmem>>, vector<1x16xf32>,
          %mul3A_1102 = arith.constant 16 : i32
          %mul3A_1103 = arith.muli %scan3A_139, %mul3A_1102 : i32
          %add3A_1104 = arith.constant 8 : i32
          %add3A_1105 = arith.addi %mul3A_1103, %add3A_1104 : i32
          %get3A_1106 = arith.index_cast %add3A_1105 : i32 to index
          %get3A_1107 = arith.constant 32 : index
          %get3A_1108 = tpu.vector_load %arg13[%get3A_1106, %get3A_1107] {strides = array<i32>} : memref<128x128xf32, #tpu.memory_space<vmem>>, vector<1x16xf32>,
          %get3A_1109 = vector.shape_cast %get3A_1108 : vector<1x16xf32> to vector<16xf32>
          %mul3A_1110 = arith.mulf %get3A_1109, %gather3A_1073 : vector<16xf32>
          %swap3A_1111 = arith.index_cast %add3A_1105 : i32 to index
          %swap3A_1112 = arith.constant 32 : index
          %swap3A_1113 = tpu.vector_load %arg13[%swap3A_1111, %swap3A_1112] {strides = array<i32>} : memref<128x128xf32, #tpu.memory_space<vmem>>, vector<1x16xf32>,
          %swap3A_1114 = vector.shape_cast %swap3A_1113 : vector<1x16xf32> to vector<16xf32>
          %swap3A_1115 = vector.shape_cast %mul3A_1110 : vector<16xf32> to vector<1x16xf32>
          tpu.vector_store %arg13[%swap3A_1111, %swap3A_1112], %swap3A_1115 {strides = array<i32>} : memref<128x128xf32, #tpu.memory_space<vmem>>, vector<1x16xf32>,
          %mul3A_1116 = arith.constant 16 : i32
          %mul3A_1117 = arith.muli %scan3A_139, %mul3A_1116 : i32
          %add3A_1118 = arith.constant 8 : i32
          %add3A_1119 = arith.addi %mul3A_1117, %add3A_1118 : i32
          %get3A_1120 = arith.index_cast %add3A_1119 : i32 to index
          %get3A_1121 = arith.constant 48 : index
          %get3A_1122 = tpu.vector_load %arg13[%get3A_1120, %get3A_1121] {strides = array<i32>} : memref<128x128xf32, #tpu.memory_space<vmem>>, vector<1x16xf32>,
          %get3A_1123 = vector.shape_cast %get3A_1122 : vector<1x16xf32> to vector<16xf32>
          %mul3A_1124 = arith.mulf %get3A_1123, %gather3A_1073 : vector<16xf32>
          %swap3A_1125 = arith.index_cast %add3A_1119 : i32 to index
          %swap3A_1126 = arith.constant 48 : index
          %swap3A_1127 = tpu.vector_load %arg13[%swap3A_1125, %swap3A_1126] {strides = array<i32>} : memref<128x128xf32, #tpu.memory_space<vmem>>, vector<1x16xf32>,
          %swap3A_1128 = vector.shape_cast %swap3A_1127 : vector<1x16xf32> to vector<16xf32>
          %swap3A_1129 = vector.shape_cast %mul3A_1124 : vector<16xf32> to vector<1x16xf32>
          tpu.vector_store %arg13[%swap3A_1125, %swap3A_1126], %swap3A_1129 {strides = array<i32>} : memref<128x128xf32, #tpu.memory_space<vmem>>, vector<1x16xf32>,
          %mul3A_1130 = arith.constant 16 : i32
          %mul3A_1131 = arith.muli %scan3A_139, %mul3A_1130 : i32
          %add3A_1132 = arith.constant 8 : i32
          %add3A_1133 = arith.addi %mul3A_1131, %add3A_1132 : i32
          %get3A_1134 = arith.index_cast %add3A_1133 : i32 to index
          %get3A_1135 = arith.constant 64 : index
          %get3A_1136 = tpu.vector_load %arg13[%get3A_1134, %get3A_1135] {strides = array<i32>} : memref<128x128xf32, #tpu.memory_space<vmem>>, vector<1x16xf32>,
          %get3A_1137 = vector.shape_cast %get3A_1136 : vector<1x16xf32> to vector<16xf32>
          %mul3A_1138 = arith.mulf %get3A_1137, %gather3A_1073 : vector<16xf32>
          %swap3A_1139 = arith.index_cast %add3A_1133 : i32 to index
          %swap3A_1140 = arith.constant 64 : index
          %swap3A_1141 = tpu.vector_load %arg13[%swap3A_1139, %swap3A_1140] {strides = array<i32>} : memref<128x128xf32, #tpu.memory_space<vmem>>, vector<1x16xf32>,
          %swap3A_1142 = vector.shape_cast %swap3A_1141 : vector<1x16xf32> to vector<16xf32>
          %swap3A_1143 = vector.shape_cast %mul3A_1138 : vector<16xf32> to vector<1x16xf32>
          tpu.vector_store %arg13[%swap3A_1139, %swap3A_1140], %swap3A_1143 {strides = array<i32>} : memref<128x128xf32, #tpu.memory_space<vmem>>, vector<1x16xf32>,
          %mul3A_1144 = arith.constant 16 : i32
          %mul3A_1145 = arith.muli %scan3A_139, %mul3A_1144 : i32
          %add3A_1146 = arith.constant 8 : i32
          %add3A_1147 = arith.addi %mul3A_1145, %add3A_1146 : i32
          %get3A_1148 = arith.index_cast %add3A_1147 : i32 to index
          %get3A_1149 = arith.constant 80 : index
          %get3A_1150 = tpu.vector_load %arg13[%get3A_1148, %get3A_1149] {strides = array<i32>} : memref<128x128xf32, #tpu.memory_space<vmem>>, vector<1x16xf32>,
          %get3A_1151 = vector.shape_cast %get3A_1150 : vector<1x16xf32> to vector<16xf32>
          %mul3A_1152 = arith.mulf %get3A_1151, %gather3A_1073 : vector<16xf32>
          %swap3A_1153 = arith.index_cast %add3A_1147 : i32 to index
          %swap3A_1154 = arith.constant 80 : index
          %swap3A_1155 = tpu.vector_load %arg13[%swap3A_1153, %swap3A_1154] {strides = array<i32>} : memref<128x128xf32, #tpu.memory_space<vmem>>, vector<1x16xf32>,
          %swap3A_1156 = vector.shape_cast %swap3A_1155 : vector<1x16xf32> to vector<16xf32>
          %swap3A_1157 = vector.shape_cast %mul3A_1152 : vector<16xf32> to vector<1x16xf32>
          tpu.vector_store %arg13[%swap3A_1153, %swap3A_1154], %swap3A_1157 {strides = array<i32>} : memref<128x128xf32, #tpu.memory_space<vmem>>, vector<1x16xf32>,
          %mul3A_1158 = arith.constant 16 : i32
          %mul3A_1159 = arith.muli %scan3A_139, %mul3A_1158 : i32
          %add3A_1160 = arith.constant 8 : i32
          %add3A_1161 = arith.addi %mul3A_1159, %add3A_1160 : i32
          %get3A_1162 = arith.index_cast %add3A_1161 : i32 to index
          %get3A_1163 = arith.constant 96 : index
          %get3A_1164 = tpu.vector_load %arg13[%get3A_1162, %get3A_1163] {strides = array<i32>} : memref<128x128xf32, #tpu.memory_space<vmem>>, vector<1x16xf32>,
          %get3A_1165 = vector.shape_cast %get3A_1164 : vector<1x16xf32> to vector<16xf32>
          %mul3A_1166 = arith.mulf %get3A_1165, %gather3A_1073 : vector<16xf32>
          %swap3A_1167 = arith.index_cast %add3A_1161 : i32 to index
          %swap3A_1168 = arith.constant 96 : index
          %swap3A_1169 = tpu.vector_load %arg13[%swap3A_1167, %swap3A_1168] {strides = array<i32>} : memref<128x128xf32, #tpu.memory_space<vmem>>, vector<1x16xf32>,
          %swap3A_1170 = vector.shape_cast %swap3A_1169 : vector<1x16xf32> to vector<16xf32>
          %swap3A_1171 = vector.shape_cast %mul3A_1166 : vector<16xf32> to vector<1x16xf32>
          tpu.vector_store %arg13[%swap3A_1167, %swap3A_1168], %swap3A_1171 {strides = array<i32>} : memref<128x128xf32, #tpu.memory_space<vmem>>, vector<1x16xf32>,
          %mul3A_1172 = arith.constant 16 : i32
          %mul3A_1173 = arith.muli %scan3A_139, %mul3A_1172 : i32
          %add3A_1174 = arith.constant 8 : i32
          %add3A_1175 = arith.addi %mul3A_1173, %add3A_1174 : i32
          %get3A_1176 = arith.index_cast %add3A_1175 : i32 to index
          %get3A_1177 = arith.constant 112 : index
          %get3A_1178 = tpu.vector_load %arg13[%get3A_1176, %get3A_1177] {strides = array<i32>} : memref<128x128xf32, #tpu.memory_space<vmem>>, vector<1x16xf32>,
          %get3A_1179 = vector.shape_cast %get3A_1178 : vector<1x16xf32> to vector<16xf32>
          %mul3A_1180 = arith.mulf %get3A_1179, %gather3A_1073 : vector<16xf32>
          %swap3A_1181 = arith.index_cast %add3A_1175 : i32 to index
          %swap3A_1182 = arith.constant 112 : index
          %swap3A_1183 = tpu.vector_load %arg13[%swap3A_1181, %swap3A_1182] {strides = array<i32>} : memref<128x128xf32, #tpu.memory_space<vmem>>, vector<1x16xf32>,
          %swap3A_1184 = vector.shape_cast %swap3A_1183 : vector<1x16xf32> to vector<16xf32>
          %swap3A_1185 = vector.shape_cast %mul3A_1180 : vector<16xf32> to vector<1x16xf32>
          tpu.vector_store %arg13[%swap3A_1181, %swap3A_1182], %swap3A_1185 {strides = array<i32>} : memref<128x128xf32, #tpu.memory_space<vmem>>, vector<1x16xf32>,
          %broadcast_in_dim3A_1186 = arith.constant 9 : i32
          %broadcast_in_dim3A_1187 = vector.broadcast %broadcast_in_dim3A_1186 : i32 to vector<16x1xi32>
          %gather3A_1188 = vector.shape_cast %broadcast_in_dim3A_1187 : vector<16x1xi32> to vector<16xi32>
          %gather3A_1189 = tpu.dynamic_gather %get3A_144[%gather3A_1188] in [0] : vector<16xf32>, vector<16xi32> -> vector<16xf32>
          %mul3A_1190 = arith.constant 16 : i32
          %mul3A_1191 = arith.muli %scan3A_139, %mul3A_1190 : i32
          %add3A_1192 = arith.constant 9 : i32
          %add3A_1193 = arith.addi %mul3A_1191, %add3A_1192 : i32
          %get3A_1194 = arith.index_cast %add3A_1193 : i32 to index
          %get3A_1195 = arith.constant 0 : index
          %get3A_1196 = tpu.vector_load %arg13[%get3A_1194, %get3A_1195] {strides = array<i32>} : memref<128x128xf32, #tpu.memory_space<vmem>>, vector<1x16xf32>,
          %get3A_1197 = vector.shape_cast %get3A_1196 : vector<1x16xf32> to vector<16xf32>
          %mul3A_1198 = arith.mulf %get3A_1197, %gather3A_1189 : vector<16xf32>
          %swap3A_1199 = arith.index_cast %add3A_1193 : i32 to index
          %swap3A_1200 = arith.constant 0 : index
          %swap3A_1201 = tpu.vector_load %arg13[%swap3A_1199, %swap3A_1200] {strides = array<i32>} : memref<128x128xf32, #tpu.memory_space<vmem>>, vector<1x16xf32>,
          %swap3A_1202 = vector.shape_cast %swap3A_1201 : vector<1x16xf32> to vector<16xf32>
          %swap3A_1203 = vector.shape_cast %mul3A_1198 : vector<16xf32> to vector<1x16xf32>
          tpu.vector_store %arg13[%swap3A_1199, %swap3A_1200], %swap3A_1203 {strides = array<i32>} : memref<128x128xf32, #tpu.memory_space<vmem>>, vector<1x16xf32>,
          %mul3A_1204 = arith.constant 16 : i32
          %mul3A_1205 = arith.muli %scan3A_139, %mul3A_1204 : i32
          %add3A_1206 = arith.constant 9 : i32
          %add3A_1207 = arith.addi %mul3A_1205, %add3A_1206 : i32
          %get3A_1208 = arith.index_cast %add3A_1207 : i32 to index
          %get3A_1209 = arith.constant 16 : index
          %get3A_1210 = tpu.vector_load %arg13[%get3A_1208, %get3A_1209] {strides = array<i32>} : memref<128x128xf32, #tpu.memory_space<vmem>>, vector<1x16xf32>,
          %get3A_1211 = vector.shape_cast %get3A_1210 : vector<1x16xf32> to vector<16xf32>
          %mul3A_1212 = arith.mulf %get3A_1211, %gather3A_1189 : vector<16xf32>
          %swap3A_1213 = arith.index_cast %add3A_1207 : i32 to index
          %swap3A_1214 = arith.constant 16 : index
          %swap3A_1215 = tpu.vector_load %arg13[%swap3A_1213, %swap3A_1214] {strides = array<i32>} : memref<128x128xf32, #tpu.memory_space<vmem>>, vector<1x16xf32>,
          %swap3A_1216 = vector.shape_cast %swap3A_1215 : vector<1x16xf32> to vector<16xf32>
          %swap3A_1217 = vector.shape_cast %mul3A_1212 : vector<16xf32> to vector<1x16xf32>
          tpu.vector_store %arg13[%swap3A_1213, %swap3A_1214], %swap3A_1217 {strides = array<i32>} : memref<128x128xf32, #tpu.memory_space<vmem>>, vector<1x16xf32>,
          %mul3A_1218 = arith.constant 16 : i32
          %mul3A_1219 = arith.muli %scan3A_139, %mul3A_1218 : i32
          %add3A_1220 = arith.constant 9 : i32
          %add3A_1221 = arith.addi %mul3A_1219, %add3A_1220 : i32
          %get3A_1222 = arith.index_cast %add3A_1221 : i32 to index
          %get3A_1223 = arith.constant 32 : index
          %get3A_1224 = tpu.vector_load %arg13[%get3A_1222, %get3A_1223] {strides = array<i32>} : memref<128x128xf32, #tpu.memory_space<vmem>>, vector<1x16xf32>,
          %get3A_1225 = vector.shape_cast %get3A_1224 : vector<1x16xf32> to vector<16xf32>
          %mul3A_1226 = arith.mulf %get3A_1225, %gather3A_1189 : vector<16xf32>
          %swap3A_1227 = arith.index_cast %add3A_1221 : i32 to index
          %swap3A_1228 = arith.constant 32 : index
          %swap3A_1229 = tpu.vector_load %arg13[%swap3A_1227, %swap3A_1228] {strides = array<i32>} : memref<128x128xf32, #tpu.memory_space<vmem>>, vector<1x16xf32>,
          %swap3A_1230 = vector.shape_cast %swap3A_1229 : vector<1x16xf32> to vector<16xf32>
          %swap3A_1231 = vector.shape_cast %mul3A_1226 : vector<16xf32> to vector<1x16xf32>
          tpu.vector_store %arg13[%swap3A_1227, %swap3A_1228], %swap3A_1231 {strides = array<i32>} : memref<128x128xf32, #tpu.memory_space<vmem>>, vector<1x16xf32>,
          %mul3A_1232 = arith.constant 16 : i32
          %mul3A_1233 = arith.muli %scan3A_139, %mul3A_1232 : i32
          %add3A_1234 = arith.constant 9 : i32
          %add3A_1235 = arith.addi %mul3A_1233, %add3A_1234 : i32
          %get3A_1236 = arith.index_cast %add3A_1235 : i32 to index
          %get3A_1237 = arith.constant 48 : index
          %get3A_1238 = tpu.vector_load %arg13[%get3A_1236, %get3A_1237] {strides = array<i32>} : memref<128x128xf32, #tpu.memory_space<vmem>>, vector<1x16xf32>,
          %get3A_1239 = vector.shape_cast %get3A_1238 : vector<1x16xf32> to vector<16xf32>
          %mul3A_1240 = arith.mulf %get3A_1239, %gather3A_1189 : vector<16xf32>
          %swap3A_1241 = arith.index_cast %add3A_1235 : i32 to index
          %swap3A_1242 = arith.constant 48 : index
          %swap3A_1243 = tpu.vector_load %arg13[%swap3A_1241, %swap3A_1242] {strides = array<i32>} : memref<128x128xf32, #tpu.memory_space<vmem>>, vector<1x16xf32>,
          %swap3A_1244 = vector.shape_cast %swap3A_1243 : vector<1x16xf32> to vector<16xf32>
          %swap3A_1245 = vector.shape_cast %mul3A_1240 : vector<16xf32> to vector<1x16xf32>
          tpu.vector_store %arg13[%swap3A_1241, %swap3A_1242], %swap3A_1245 {strides = array<i32>} : memref<128x128xf32, #tpu.memory_space<vmem>>, vector<1x16xf32>,
          %mul3A_1246 = arith.constant 16 : i32
          %mul3A_1247 = arith.muli %scan3A_139, %mul3A_1246 : i32
          %add3A_1248 = arith.constant 9 : i32
          %add3A_1249 = arith.addi %mul3A_1247, %add3A_1248 : i32
          %get3A_1250 = arith.index_cast %add3A_1249 : i32 to index
          %get3A_1251 = arith.constant 64 : index
          %get3A_1252 = tpu.vector_load %arg13[%get3A_1250, %get3A_1251] {strides = array<i32>} : memref<128x128xf32, #tpu.memory_space<vmem>>, vector<1x16xf32>,
          %get3A_1253 = vector.shape_cast %get3A_1252 : vector<1x16xf32> to vector<16xf32>
          %mul3A_1254 = arith.mulf %get3A_1253, %gather3A_1189 : vector<16xf32>
          %swap3A_1255 = arith.index_cast %add3A_1249 : i32 to index
          %swap3A_1256 = arith.constant 64 : index
          %swap3A_1257 = tpu.vector_load %arg13[%swap3A_1255, %swap3A_1256] {strides = array<i32>} : memref<128x128xf32, #tpu.memory_space<vmem>>, vector<1x16xf32>,
          %swap3A_1258 = vector.shape_cast %swap3A_1257 : vector<1x16xf32> to vector<16xf32>
          %swap3A_1259 = vector.shape_cast %mul3A_1254 : vector<16xf32> to vector<1x16xf32>
          tpu.vector_store %arg13[%swap3A_1255, %swap3A_1256], %swap3A_1259 {strides = array<i32>} : memref<128x128xf32, #tpu.memory_space<vmem>>, vector<1x16xf32>,
          %mul3A_1260 = arith.constant 16 : i32
          %mul3A_1261 = arith.muli %scan3A_139, %mul3A_1260 : i32
          %add3A_1262 = arith.constant 9 : i32
          %add3A_1263 = arith.addi %mul3A_1261, %add3A_1262 : i32
          %get3A_1264 = arith.index_cast %add3A_1263 : i32 to index
          %get3A_1265 = arith.constant 80 : index
          %get3A_1266 = tpu.vector_load %arg13[%get3A_1264, %get3A_1265] {strides = array<i32>} : memref<128x128xf32, #tpu.memory_space<vmem>>, vector<1x16xf32>,
          %get3A_1267 = vector.shape_cast %get3A_1266 : vector<1x16xf32> to vector<16xf32>
          %mul3A_1268 = arith.mulf %get3A_1267, %gather3A_1189 : vector<16xf32>
          %swap3A_1269 = arith.index_cast %add3A_1263 : i32 to index
          %swap3A_1270 = arith.constant 80 : index
          %swap3A_1271 = tpu.vector_load %arg13[%swap3A_1269, %swap3A_1270] {strides = array<i32>} : memref<128x128xf32, #tpu.memory_space<vmem>>, vector<1x16xf32>,
          %swap3A_1272 = vector.shape_cast %swap3A_1271 : vector<1x16xf32> to vector<16xf32>
          %swap3A_1273 = vector.shape_cast %mul3A_1268 : vector<16xf32> to vector<1x16xf32>
          tpu.vector_store %arg13[%swap3A_1269, %swap3A_1270], %swap3A_1273 {strides = array<i32>} : memref<128x128xf32, #tpu.memory_space<vmem>>, vector<1x16xf32>,
          %mul3A_1274 = arith.constant 16 : i32
          %mul3A_1275 = arith.muli %scan3A_139, %mul3A_1274 : i32
          %add3A_1276 = arith.constant 9 : i32
          %add3A_1277 = arith.addi %mul3A_1275, %add3A_1276 : i32
          %get3A_1278 = arith.index_cast %add3A_1277 : i32 to index
          %get3A_1279 = arith.constant 96 : index
          %get3A_1280 = tpu.vector_load %arg13[%get3A_1278, %get3A_1279] {strides = array<i32>} : memref<128x128xf32, #tpu.memory_space<vmem>>, vector<1x16xf32>,
          %get3A_1281 = vector.shape_cast %get3A_1280 : vector<1x16xf32> to vector<16xf32>
          %mul3A_1282 = arith.mulf %get3A_1281, %gather3A_1189 : vector<16xf32>
          %swap3A_1283 = arith.index_cast %add3A_1277 : i32 to index
          %swap3A_1284 = arith.constant 96 : index
          %swap3A_1285 = tpu.vector_load %arg13[%swap3A_1283, %swap3A_1284] {strides = array<i32>} : memref<128x128xf32, #tpu.memory_space<vmem>>, vector<1x16xf32>,
          %swap3A_1286 = vector.shape_cast %swap3A_1285 : vector<1x16xf32> to vector<16xf32>
          %swap3A_1287 = vector.shape_cast %mul3A_1282 : vector<16xf32> to vector<1x16xf32>
          tpu.vector_store %arg13[%swap3A_1283, %swap3A_1284], %swap3A_1287 {strides = array<i32>} : memref<128x128xf32, #tpu.memory_space<vmem>>, vector<1x16xf32>,
          %mul3A_1288 = arith.constant 16 : i32
          %mul3A_1289 = arith.muli %scan3A_139, %mul3A_1288 : i32
          %add3A_1290 = arith.constant 9 : i32
          %add3A_1291 = arith.addi %mul3A_1289, %add3A_1290 : i32
          %get3A_1292 = arith.index_cast %add3A_1291 : i32 to index
          %get3A_1293 = arith.constant 112 : index
          %get3A_1294 = tpu.vector_load %arg13[%get3A_1292, %get3A_1293] {strides = array<i32>} : memref<128x128xf32, #tpu.memory_space<vmem>>, vector<1x16xf32>,
          %get3A_1295 = vector.shape_cast %get3A_1294 : vector<1x16xf32> to vector<16xf32>
          %mul3A_1296 = arith.mulf %get3A_1295, %gather3A_1189 : vector<16xf32>
          %swap3A_1297 = arith.index_cast %add3A_1291 : i32 to index
          %swap3A_1298 = arith.constant 112 : index
          %swap3A_1299 = tpu.vector_load %arg13[%swap3A_1297, %swap3A_1298] {strides = array<i32>} : memref<128x128xf32, #tpu.memory_space<vmem>>, vector<1x16xf32>,
          %swap3A_1300 = vector.shape_cast %swap3A_1299 : vector<1x16xf32> to vector<16xf32>
          %swap3A_1301 = vector.shape_cast %mul3A_1296 : vector<16xf32> to vector<1x16xf32>
          tpu.vector_store %arg13[%swap3A_1297, %swap3A_1298], %swap3A_1301 {strides = array<i32>} : memref<128x128xf32, #tpu.memory_space<vmem>>, vector<1x16xf32>,
          %broadcast_in_dim3A_1302 = arith.constant 10 : i32
          %broadcast_in_dim3A_1303 = vector.broadcast %broadcast_in_dim3A_1302 : i32 to vector<16x1xi32>
          %gather3A_1304 = vector.shape_cast %broadcast_in_dim3A_1303 : vector<16x1xi32> to vector<16xi32>
          %gather3A_1305 = tpu.dynamic_gather %get3A_144[%gather3A_1304] in [0] : vector<16xf32>, vector<16xi32> -> vector<16xf32>
          %mul3A_1306 = arith.constant 16 : i32
          %mul3A_1307 = arith.muli %scan3A_139, %mul3A_1306 : i32
          %add3A_1308 = arith.constant 10 : i32
          %add3A_1309 = arith.addi %mul3A_1307, %add3A_1308 : i32
          %get3A_1310 = arith.index_cast %add3A_1309 : i32 to index
          %get3A_1311 = arith.constant 0 : index
          %get3A_1312 = tpu.vector_load %arg13[%get3A_1310, %get3A_1311] {strides = array<i32>} : memref<128x128xf32, #tpu.memory_space<vmem>>, vector<1x16xf32>,
          %get3A_1313 = vector.shape_cast %get3A_1312 : vector<1x16xf32> to vector<16xf32>
          %mul3A_1314 = arith.mulf %get3A_1313, %gather3A_1305 : vector<16xf32>
          %swap3A_1315 = arith.index_cast %add3A_1309 : i32 to index
          %swap3A_1316 = arith.constant 0 : index
          %swap3A_1317 = tpu.vector_load %arg13[%swap3A_1315, %swap3A_1316] {strides = array<i32>} : memref<128x128xf32, #tpu.memory_space<vmem>>, vector<1x16xf32>,
          %swap3A_1318 = vector.shape_cast %swap3A_1317 : vector<1x16xf32> to vector<16xf32>
          %swap3A_1319 = vector.shape_cast %mul3A_1314 : vector<16xf32> to vector<1x16xf32>
          tpu.vector_store %arg13[%swap3A_1315, %swap3A_1316], %swap3A_1319 {strides = array<i32>} : memref<128x128xf32, #tpu.memory_space<vmem>>, vector<1x16xf32>,
          %mul3A_1320 = arith.constant 16 : i32
          %mul3A_1321 = arith.muli %scan3A_139, %mul3A_1320 : i32
          %add3A_1322 = arith.constant 10 : i32
          %add3A_1323 = arith.addi %mul3A_1321, %add3A_1322 : i32
          %get3A_1324 = arith.index_cast %add3A_1323 : i32 to index
          %get3A_1325 = arith.constant 16 : index
          %get3A_1326 = tpu.vector_load %arg13[%get3A_1324, %get3A_1325] {strides = array<i32>} : memref<128x128xf32, #tpu.memory_space<vmem>>, vector<1x16xf32>,
          %get3A_1327 = vector.shape_cast %get3A_1326 : vector<1x16xf32> to vector<16xf32>
          %mul3A_1328 = arith.mulf %get3A_1327, %gather3A_1305 : vector<16xf32>
          %swap3A_1329 = arith.index_cast %add3A_1323 : i32 to index
          %swap3A_1330 = arith.constant 16 : index
          %swap3A_1331 = tpu.vector_load %arg13[%swap3A_1329, %swap3A_1330] {strides = array<i32>} : memref<128x128xf32, #tpu.memory_space<vmem>>, vector<1x16xf32>,
          %swap3A_1332 = vector.shape_cast %swap3A_1331 : vector<1x16xf32> to vector<16xf32>
          %swap3A_1333 = vector.shape_cast %mul3A_1328 : vector<16xf32> to vector<1x16xf32>
          tpu.vector_store %arg13[%swap3A_1329, %swap3A_1330], %swap3A_1333 {strides = array<i32>} : memref<128x128xf32, #tpu.memory_space<vmem>>, vector<1x16xf32>,
          %mul3A_1334 = arith.constant 16 : i32
          %mul3A_1335 = arith.muli %scan3A_139, %mul3A_1334 : i32
          %add3A_1336 = arith.constant 10 : i32
          %add3A_1337 = arith.addi %mul3A_1335, %add3A_1336 : i32
          %get3A_1338 = arith.index_cast %add3A_1337 : i32 to index
          %get3A_1339 = arith.constant 32 : index
          %get3A_1340 = tpu.vector_load %arg13[%get3A_1338, %get3A_1339] {strides = array<i32>} : memref<128x128xf32, #tpu.memory_space<vmem>>, vector<1x16xf32>,
          %get3A_1341 = vector.shape_cast %get3A_1340 : vector<1x16xf32> to vector<16xf32>
          %mul3A_1342 = arith.mulf %get3A_1341, %gather3A_1305 : vector<16xf32>
          %swap3A_1343 = arith.index_cast %add3A_1337 : i32 to index
          %swap3A_1344 = arith.constant 32 : index
          %swap3A_1345 = tpu.vector_load %arg13[%swap3A_1343, %swap3A_1344] {strides = array<i32>} : memref<128x128xf32, #tpu.memory_space<vmem>>, vector<1x16xf32>,
          %swap3A_1346 = vector.shape_cast %swap3A_1345 : vector<1x16xf32> to vector<16xf32>
          %swap3A_1347 = vector.shape_cast %mul3A_1342 : vector<16xf32> to vector<1x16xf32>
          tpu.vector_store %arg13[%swap3A_1343, %swap3A_1344], %swap3A_1347 {strides = array<i32>} : memref<128x128xf32, #tpu.memory_space<vmem>>, vector<1x16xf32>,
          %mul3A_1348 = arith.constant 16 : i32
          %mul3A_1349 = arith.muli %scan3A_139, %mul3A_1348 : i32
          %add3A_1350 = arith.constant 10 : i32
          %add3A_1351 = arith.addi %mul3A_1349, %add3A_1350 : i32
          %get3A_1352 = arith.index_cast %add3A_1351 : i32 to index
          %get3A_1353 = arith.constant 48 : index
          %get3A_1354 = tpu.vector_load %arg13[%get3A_1352, %get3A_1353] {strides = array<i32>} : memref<128x128xf32, #tpu.memory_space<vmem>>, vector<1x16xf32>,
          %get3A_1355 = vector.shape_cast %get3A_1354 : vector<1x16xf32> to vector<16xf32>
          %mul3A_1356 = arith.mulf %get3A_1355, %gather3A_1305 : vector<16xf32>
          %swap3A_1357 = arith.index_cast %add3A_1351 : i32 to index
          %swap3A_1358 = arith.constant 48 : index
          %swap3A_1359 = tpu.vector_load %arg13[%swap3A_1357, %swap3A_1358] {strides = array<i32>} : memref<128x128xf32, #tpu.memory_space<vmem>>, vector<1x16xf32>,
          %swap3A_1360 = vector.shape_cast %swap3A_1359 : vector<1x16xf32> to vector<16xf32>
          %swap3A_1361 = vector.shape_cast %mul3A_1356 : vector<16xf32> to vector<1x16xf32>
          tpu.vector_store %arg13[%swap3A_1357, %swap3A_1358], %swap3A_1361 {strides = array<i32>} : memref<128x128xf32, #tpu.memory_space<vmem>>, vector<1x16xf32>,
          %mul3A_1362 = arith.constant 16 : i32
          %mul3A_1363 = arith.muli %scan3A_139, %mul3A_1362 : i32
          %add3A_1364 = arith.constant 10 : i32
          %add3A_1365 = arith.addi %mul3A_1363, %add3A_1364 : i32
          %get3A_1366 = arith.index_cast %add3A_1365 : i32 to index
          %get3A_1367 = arith.constant 64 : index
          %get3A_1368 = tpu.vector_load %arg13[%get3A_1366, %get3A_1367] {strides = array<i32>} : memref<128x128xf32, #tpu.memory_space<vmem>>, vector<1x16xf32>,
          %get3A_1369 = vector.shape_cast %get3A_1368 : vector<1x16xf32> to vector<16xf32>
          %mul3A_1370 = arith.mulf %get3A_1369, %gather3A_1305 : vector<16xf32>
          %swap3A_1371 = arith.index_cast %add3A_1365 : i32 to index
          %swap3A_1372 = arith.constant 64 : index
          %swap3A_1373 = tpu.vector_load %arg13[%swap3A_1371, %swap3A_1372] {strides = array<i32>} : memref<128x128xf32, #tpu.memory_space<vmem>>, vector<1x16xf32>,
          %swap3A_1374 = vector.shape_cast %swap3A_1373 : vector<1x16xf32> to vector<16xf32>
          %swap3A_1375 = vector.shape_cast %mul3A_1370 : vector<16xf32> to vector<1x16xf32>
          tpu.vector_store %arg13[%swap3A_1371, %swap3A_1372], %swap3A_1375 {strides = array<i32>} : memref<128x128xf32, #tpu.memory_space<vmem>>, vector<1x16xf32>,
          %mul3A_1376 = arith.constant 16 : i32
          %mul3A_1377 = arith.muli %scan3A_139, %mul3A_1376 : i32
          %add3A_1378 = arith.constant 10 : i32
          %add3A_1379 = arith.addi %mul3A_1377, %add3A_1378 : i32
          %get3A_1380 = arith.index_cast %add3A_1379 : i32 to index
          %get3A_1381 = arith.constant 80 : index
          %get3A_1382 = tpu.vector_load %arg13[%get3A_1380, %get3A_1381] {strides = array<i32>} : memref<128x128xf32, #tpu.memory_space<vmem>>, vector<1x16xf32>,
          %get3A_1383 = vector.shape_cast %get3A_1382 : vector<1x16xf32> to vector<16xf32>
          %mul3A_1384 = arith.mulf %get3A_1383, %gather3A_1305 : vector<16xf32>
          %swap3A_1385 = arith.index_cast %add3A_1379 : i32 to index
          %swap3A_1386 = arith.constant 80 : index
          %swap3A_1387 = tpu.vector_load %arg13[%swap3A_1385, %swap3A_1386] {strides = array<i32>} : memref<128x128xf32, #tpu.memory_space<vmem>>, vector<1x16xf32>,
          %swap3A_1388 = vector.shape_cast %swap3A_1387 : vector<1x16xf32> to vector<16xf32>
          %swap3A_1389 = vector.shape_cast %mul3A_1384 : vector<16xf32> to vector<1x16xf32>
          tpu.vector_store %arg13[%swap3A_1385, %swap3A_1386], %swap3A_1389 {strides = array<i32>} : memref<128x128xf32, #tpu.memory_space<vmem>>, vector<1x16xf32>,
          %mul3A_1390 = arith.constant 16 : i32
          %mul3A_1391 = arith.muli %scan3A_139, %mul3A_1390 : i32
          %add3A_1392 = arith.constant 10 : i32
          %add3A_1393 = arith.addi %mul3A_1391, %add3A_1392 : i32
          %get3A_1394 = arith.index_cast %add3A_1393 : i32 to index
          %get3A_1395 = arith.constant 96 : index
          %get3A_1396 = tpu.vector_load %arg13[%get3A_1394, %get3A_1395] {strides = array<i32>} : memref<128x128xf32, #tpu.memory_space<vmem>>, vector<1x16xf32>,
          %get3A_1397 = vector.shape_cast %get3A_1396 : vector<1x16xf32> to vector<16xf32>
          %mul3A_1398 = arith.mulf %get3A_1397, %gather3A_1305 : vector<16xf32>
          %swap3A_1399 = arith.index_cast %add3A_1393 : i32 to index
          %swap3A_1400 = arith.constant 96 : index
          %swap3A_1401 = tpu.vector_load %arg13[%swap3A_1399, %swap3A_1400] {strides = array<i32>} : memref<128x128xf32, #tpu.memory_space<vmem>>, vector<1x16xf32>,
          %swap3A_1402 = vector.shape_cast %swap3A_1401 : vector<1x16xf32> to vector<16xf32>
          %swap3A_1403 = vector.shape_cast %mul3A_1398 : vector<16xf32> to vector<1x16xf32>
          tpu.vector_store %arg13[%swap3A_1399, %swap3A_1400], %swap3A_1403 {strides = array<i32>} : memref<128x128xf32, #tpu.memory_space<vmem>>, vector<1x16xf32>,
          %mul3A_1404 = arith.constant 16 : i32
          %mul3A_1405 = arith.muli %scan3A_139, %mul3A_1404 : i32
          %add3A_1406 = arith.constant 10 : i32
          %add3A_1407 = arith.addi %mul3A_1405, %add3A_1406 : i32
          %get3A_1408 = arith.index_cast %add3A_1407 : i32 to index
          %get3A_1409 = arith.constant 112 : index
          %get3A_1410 = tpu.vector_load %arg13[%get3A_1408, %get3A_1409] {strides = array<i32>} : memref<128x128xf32, #tpu.memory_space<vmem>>, vector<1x16xf32>,
          %get3A_1411 = vector.shape_cast %get3A_1410 : vector<1x16xf32> to vector<16xf32>
          %mul3A_1412 = arith.mulf %get3A_1411, %gather3A_1305 : vector<16xf32>
          %swap3A_1413 = arith.index_cast %add3A_1407 : i32 to index
          %swap3A_1414 = arith.constant 112 : index
          %swap3A_1415 = tpu.vector_load %arg13[%swap3A_1413, %swap3A_1414] {strides = array<i32>} : memref<128x128xf32, #tpu.memory_space<vmem>>, vector<1x16xf32>,
          %swap3A_1416 = vector.shape_cast %swap3A_1415 : vector<1x16xf32> to vector<16xf32>
          %swap3A_1417 = vector.shape_cast %mul3A_1412 : vector<16xf32> to vector<1x16xf32>
          tpu.vector_store %arg13[%swap3A_1413, %swap3A_1414], %swap3A_1417 {strides = array<i32>} : memref<128x128xf32, #tpu.memory_space<vmem>>, vector<1x16xf32>,
          %broadcast_in_dim3A_1418 = arith.constant 11 : i32
          %broadcast_in_dim3A_1419 = vector.broadcast %broadcast_in_dim3A_1418 : i32 to vector<16x1xi32>
          %gather3A_1420 = vector.shape_cast %broadcast_in_dim3A_1419 : vector<16x1xi32> to vector<16xi32>
          %gather3A_1421 = tpu.dynamic_gather %get3A_144[%gather3A_1420] in [0] : vector<16xf32>, vector<16xi32> -> vector<16xf32>
          %mul3A_1422 = arith.constant 16 : i32
          %mul3A_1423 = arith.muli %scan3A_139, %mul3A_1422 : i32
          %add3A_1424 = arith.constant 11 : i32
          %add3A_1425 = arith.addi %mul3A_1423, %add3A_1424 : i32
          %get3A_1426 = arith.index_cast %add3A_1425 : i32 to index
          %get3A_1427 = arith.constant 0 : index
          %get3A_1428 = tpu.vector_load %arg13[%get3A_1426, %get3A_1427] {strides = array<i32>} : memref<128x128xf32, #tpu.memory_space<vmem>>, vector<1x16xf32>,
          %get3A_1429 = vector.shape_cast %get3A_1428 : vector<1x16xf32> to vector<16xf32>
          %mul3A_1430 = arith.mulf %get3A_1429, %gather3A_1421 : vector<16xf32>
          %swap3A_1431 = arith.index_cast %add3A_1425 : i32 to index
          %swap3A_1432 = arith.constant 0 : index
          %swap3A_1433 = tpu.vector_load %arg13[%swap3A_1431, %swap3A_1432] {strides = array<i32>} : memref<128x128xf32, #tpu.memory_space<vmem>>, vector<1x16xf32>,
          %swap3A_1434 = vector.shape_cast %swap3A_1433 : vector<1x16xf32> to vector<16xf32>
          %swap3A_1435 = vector.shape_cast %mul3A_1430 : vector<16xf32> to vector<1x16xf32>
          tpu.vector_store %arg13[%swap3A_1431, %swap3A_1432], %swap3A_1435 {strides = array<i32>} : memref<128x128xf32, #tpu.memory_space<vmem>>, vector<1x16xf32>,
          %mul3A_1436 = arith.constant 16 : i32
          %mul3A_1437 = arith.muli %scan3A_139, %mul3A_1436 : i32
          %add3A_1438 = arith.constant 11 : i32
          %add3A_1439 = arith.addi %mul3A_1437, %add3A_1438 : i32
          %get3A_1440 = arith.index_cast %add3A_1439 : i32 to index
          %get3A_1441 = arith.constant 16 : index
          %get3A_1442 = tpu.vector_load %arg13[%get3A_1440, %get3A_1441] {strides = array<i32>} : memref<128x128xf32, #tpu.memory_space<vmem>>, vector<1x16xf32>,
          %get3A_1443 = vector.shape_cast %get3A_1442 : vector<1x16xf32> to vector<16xf32>
          %mul3A_1444 = arith.mulf %get3A_1443, %gather3A_1421 : vector<16xf32>
          %swap3A_1445 = arith.index_cast %add3A_1439 : i32 to index
          %swap3A_1446 = arith.constant 16 : index
          %swap3A_1447 = tpu.vector_load %arg13[%swap3A_1445, %swap3A_1446] {strides = array<i32>} : memref<128x128xf32, #tpu.memory_space<vmem>>, vector<1x16xf32>,
          %swap3A_1448 = vector.shape_cast %swap3A_1447 : vector<1x16xf32> to vector<16xf32>
          %swap3A_1449 = vector.shape_cast %mul3A_1444 : vector<16xf32> to vector<1x16xf32>
          tpu.vector_store %arg13[%swap3A_1445, %swap3A_1446], %swap3A_1449 {strides = array<i32>} : memref<128x128xf32, #tpu.memory_space<vmem>>, vector<1x16xf32>,
          %mul3A_1450 = arith.constant 16 : i32
          %mul3A_1451 = arith.muli %scan3A_139, %mul3A_1450 : i32
          %add3A_1452 = arith.constant 11 : i32
          %add3A_1453 = arith.addi %mul3A_1451, %add3A_1452 : i32
          %get3A_1454 = arith.index_cast %add3A_1453 : i32 to index
          %get3A_1455 = arith.constant 32 : index
          %get3A_1456 = tpu.vector_load %arg13[%get3A_1454, %get3A_1455] {strides = array<i32>} : memref<128x128xf32, #tpu.memory_space<vmem>>, vector<1x16xf32>,
          %get3A_1457 = vector.shape_cast %get3A_1456 : vector<1x16xf32> to vector<16xf32>
          %mul3A_1458 = arith.mulf %get3A_1457, %gather3A_1421 : vector<16xf32>
          %swap3A_1459 = arith.index_cast %add3A_1453 : i32 to index
          %swap3A_1460 = arith.constant 32 : index
          %swap3A_1461 = tpu.vector_load %arg13[%swap3A_1459, %swap3A_1460] {strides = array<i32>} : memref<128x128xf32, #tpu.memory_space<vmem>>, vector<1x16xf32>,
          %swap3A_1462 = vector.shape_cast %swap3A_1461 : vector<1x16xf32> to vector<16xf32>
          %swap3A_1463 = vector.shape_cast %mul3A_1458 : vector<16xf32> to vector<1x16xf32>
          tpu.vector_store %arg13[%swap3A_1459, %swap3A_1460], %swap3A_1463 {strides = array<i32>} : memref<128x128xf32, #tpu.memory_space<vmem>>, vector<1x16xf32>,
          %mul3A_1464 = arith.constant 16 : i32
          %mul3A_1465 = arith.muli %scan3A_139, %mul3A_1464 : i32
          %add3A_1466 = arith.constant 11 : i32
          %add3A_1467 = arith.addi %mul3A_1465, %add3A_1466 : i32
          %get3A_1468 = arith.index_cast %add3A_1467 : i32 to index
          %get3A_1469 = arith.constant 48 : index
          %get3A_1470 = tpu.vector_load %arg13[%get3A_1468, %get3A_1469] {strides = array<i32>} : memref<128x128xf32, #tpu.memory_space<vmem>>, vector<1x16xf32>,
          %get3A_1471 = vector.shape_cast %get3A_1470 : vector<1x16xf32> to vector<16xf32>
          %mul3A_1472 = arith.mulf %get3A_1471, %gather3A_1421 : vector<16xf32>
          %swap3A_1473 = arith.index_cast %add3A_1467 : i32 to index
          %swap3A_1474 = arith.constant 48 : index
          %swap3A_1475 = tpu.vector_load %arg13[%swap3A_1473, %swap3A_1474] {strides = array<i32>} : memref<128x128xf32, #tpu.memory_space<vmem>>, vector<1x16xf32>,
          %swap3A_1476 = vector.shape_cast %swap3A_1475 : vector<1x16xf32> to vector<16xf32>
          %swap3A_1477 = vector.shape_cast %mul3A_1472 : vector<16xf32> to vector<1x16xf32>
          tpu.vector_store %arg13[%swap3A_1473, %swap3A_1474], %swap3A_1477 {strides = array<i32>} : memref<128x128xf32, #tpu.memory_space<vmem>>, vector<1x16xf32>,
          %mul3A_1478 = arith.constant 16 : i32
          %mul3A_1479 = arith.muli %scan3A_139, %mul3A_1478 : i32
          %add3A_1480 = arith.constant 11 : i32
          %add3A_1481 = arith.addi %mul3A_1479, %add3A_1480 : i32
          %get3A_1482 = arith.index_cast %add3A_1481 : i32 to index
          %get3A_1483 = arith.constant 64 : index
          %get3A_1484 = tpu.vector_load %arg13[%get3A_1482, %get3A_1483] {strides = array<i32>} : memref<128x128xf32, #tpu.memory_space<vmem>>, vector<1x16xf32>,
          %get3A_1485 = vector.shape_cast %get3A_1484 : vector<1x16xf32> to vector<16xf32>
          %mul3A_1486 = arith.mulf %get3A_1485, %gather3A_1421 : vector<16xf32>
          %swap3A_1487 = arith.index_cast %add3A_1481 : i32 to index
          %swap3A_1488 = arith.constant 64 : index
          %swap3A_1489 = tpu.vector_load %arg13[%swap3A_1487, %swap3A_1488] {strides = array<i32>} : memref<128x128xf32, #tpu.memory_space<vmem>>, vector<1x16xf32>,
          %swap3A_1490 = vector.shape_cast %swap3A_1489 : vector<1x16xf32> to vector<16xf32>
          %swap3A_1491 = vector.shape_cast %mul3A_1486 : vector<16xf32> to vector<1x16xf32>
          tpu.vector_store %arg13[%swap3A_1487, %swap3A_1488], %swap3A_1491 {strides = array<i32>} : memref<128x128xf32, #tpu.memory_space<vmem>>, vector<1x16xf32>,
          %mul3A_1492 = arith.constant 16 : i32
          %mul3A_1493 = arith.muli %scan3A_139, %mul3A_1492 : i32
          %add3A_1494 = arith.constant 11 : i32
          %add3A_1495 = arith.addi %mul3A_1493, %add3A_1494 : i32
          %get3A_1496 = arith.index_cast %add3A_1495 : i32 to index
          %get3A_1497 = arith.constant 80 : index
          %get3A_1498 = tpu.vector_load %arg13[%get3A_1496, %get3A_1497] {strides = array<i32>} : memref<128x128xf32, #tpu.memory_space<vmem>>, vector<1x16xf32>,
          %get3A_1499 = vector.shape_cast %get3A_1498 : vector<1x16xf32> to vector<16xf32>
          %mul3A_1500 = arith.mulf %get3A_1499, %gather3A_1421 : vector<16xf32>
          %swap3A_1501 = arith.index_cast %add3A_1495 : i32 to index
          %swap3A_1502 = arith.constant 80 : index
          %swap3A_1503 = tpu.vector_load %arg13[%swap3A_1501, %swap3A_1502] {strides = array<i32>} : memref<128x128xf32, #tpu.memory_space<vmem>>, vector<1x16xf32>,
          %swap3A_1504 = vector.shape_cast %swap3A_1503 : vector<1x16xf32> to vector<16xf32>
          %swap3A_1505 = vector.shape_cast %mul3A_1500 : vector<16xf32> to vector<1x16xf32>
          tpu.vector_store %arg13[%swap3A_1501, %swap3A_1502], %swap3A_1505 {strides = array<i32>} : memref<128x128xf32, #tpu.memory_space<vmem>>, vector<1x16xf32>,
          %mul3A_1506 = arith.constant 16 : i32
          %mul3A_1507 = arith.muli %scan3A_139, %mul3A_1506 : i32
          %add3A_1508 = arith.constant 11 : i32
          %add3A_1509 = arith.addi %mul3A_1507, %add3A_1508 : i32
          %get3A_1510 = arith.index_cast %add3A_1509 : i32 to index
          %get3A_1511 = arith.constant 96 : index
          %get3A_1512 = tpu.vector_load %arg13[%get3A_1510, %get3A_1511] {strides = array<i32>} : memref<128x128xf32, #tpu.memory_space<vmem>>, vector<1x16xf32>,
          %get3A_1513 = vector.shape_cast %get3A_1512 : vector<1x16xf32> to vector<16xf32>
          %mul3A_1514 = arith.mulf %get3A_1513, %gather3A_1421 : vector<16xf32>
          %swap3A_1515 = arith.index_cast %add3A_1509 : i32 to index
          %swap3A_1516 = arith.constant 96 : index
          %swap3A_1517 = tpu.vector_load %arg13[%swap3A_1515, %swap3A_1516] {strides = array<i32>} : memref<128x128xf32, #tpu.memory_space<vmem>>, vector<1x16xf32>,
          %swap3A_1518 = vector.shape_cast %swap3A_1517 : vector<1x16xf32> to vector<16xf32>
          %swap3A_1519 = vector.shape_cast %mul3A_1514 : vector<16xf32> to vector<1x16xf32>
          tpu.vector_store %arg13[%swap3A_1515, %swap3A_1516], %swap3A_1519 {strides = array<i32>} : memref<128x128xf32, #tpu.memory_space<vmem>>, vector<1x16xf32>,
          %mul3A_1520 = arith.constant 16 : i32
          %mul3A_1521 = arith.muli %scan3A_139, %mul3A_1520 : i32
          %add3A_1522 = arith.constant 11 : i32
          %add3A_1523 = arith.addi %mul3A_1521, %add3A_1522 : i32
          %get3A_1524 = arith.index_cast %add3A_1523 : i32 to index
          %get3A_1525 = arith.constant 112 : index
          %get3A_1526 = tpu.vector_load %arg13[%get3A_1524, %get3A_1525] {strides = array<i32>} : memref<128x128xf32, #tpu.memory_space<vmem>>, vector<1x16xf32>,
          %get3A_1527 = vector.shape_cast %get3A_1526 : vector<1x16xf32> to vector<16xf32>
          %mul3A_1528 = arith.mulf %get3A_1527, %gather3A_1421 : vector<16xf32>
          %swap3A_1529 = arith.index_cast %add3A_1523 : i32 to index
          %swap3A_1530 = arith.constant 112 : index
          %swap3A_1531 = tpu.vector_load %arg13[%swap3A_1529, %swap3A_1530] {strides = array<i32>} : memref<128x128xf32, #tpu.memory_space<vmem>>, vector<1x16xf32>,
          %swap3A_1532 = vector.shape_cast %swap3A_1531 : vector<1x16xf32> to vector<16xf32>
          %swap3A_1533 = vector.shape_cast %mul3A_1528 : vector<16xf32> to vector<1x16xf32>
          tpu.vector_store %arg13[%swap3A_1529, %swap3A_1530], %swap3A_1533 {strides = array<i32>} : memref<128x128xf32, #tpu.memory_space<vmem>>, vector<1x16xf32>,
          %broadcast_in_dim3A_1534 = arith.constant 12 : i32
          %broadcast_in_dim3A_1535 = vector.broadcast %broadcast_in_dim3A_1534 : i32 to vector<16x1xi32>
          %gather3A_1536 = vector.shape_cast %broadcast_in_dim3A_1535 : vector<16x1xi32> to vector<16xi32>
          %gather3A_1537 = tpu.dynamic_gather %get3A_144[%gather3A_1536] in [0] : vector<16xf32>, vector<16xi32> -> vector<16xf32>
          %mul3A_1538 = arith.constant 16 : i32
          %mul3A_1539 = arith.muli %scan3A_139, %mul3A_1538 : i32
          %add3A_1540 = arith.constant 12 : i32
          %add3A_1541 = arith.addi %mul3A_1539, %add3A_1540 : i32
          %get3A_1542 = arith.index_cast %add3A_1541 : i32 to index
          %get3A_1543 = arith.constant 0 : index
          %get3A_1544 = tpu.vector_load %arg13[%get3A_1542, %get3A_1543] {strides = array<i32>} : memref<128x128xf32, #tpu.memory_space<vmem>>, vector<1x16xf32>,
          %get3A_1545 = vector.shape_cast %get3A_1544 : vector<1x16xf32> to vector<16xf32>
          %mul3A_1546 = arith.mulf %get3A_1545, %gather3A_1537 : vector<16xf32>
          %swap3A_1547 = arith.index_cast %add3A_1541 : i32 to index
          %swap3A_1548 = arith.constant 0 : index
          %swap3A_1549 = tpu.vector_load %arg13[%swap3A_1547, %swap3A_1548] {strides = array<i32>} : memref<128x128xf32, #tpu.memory_space<vmem>>, vector<1x16xf32>,
          %swap3A_1550 = vector.shape_cast %swap3A_1549 : vector<1x16xf32> to vector<16xf32>
          %swap3A_1551 = vector.shape_cast %mul3A_1546 : vector<16xf32> to vector<1x16xf32>
          tpu.vector_store %arg13[%swap3A_1547, %swap3A_1548], %swap3A_1551 {strides = array<i32>} : memref<128x128xf32, #tpu.memory_space<vmem>>, vector<1x16xf32>,
          %mul3A_1552 = arith.constant 16 : i32
          %mul3A_1553 = arith.muli %scan3A_139, %mul3A_1552 : i32
          %add3A_1554 = arith.constant 12 : i32
          %add3A_1555 = arith.addi %mul3A_1553, %add3A_1554 : i32
          %get3A_1556 = arith.index_cast %add3A_1555 : i32 to index
          %get3A_1557 = arith.constant 16 : index
          %get3A_1558 = tpu.vector_load %arg13[%get3A_1556, %get3A_1557] {strides = array<i32>} : memref<128x128xf32, #tpu.memory_space<vmem>>, vector<1x16xf32>,
          %get3A_1559 = vector.shape_cast %get3A_1558 : vector<1x16xf32> to vector<16xf32>
          %mul3A_1560 = arith.mulf %get3A_1559, %gather3A_1537 : vector<16xf32>
          %swap3A_1561 = arith.index_cast %add3A_1555 : i32 to index
          %swap3A_1562 = arith.constant 16 : index
          %swap3A_1563 = tpu.vector_load %arg13[%swap3A_1561, %swap3A_1562] {strides = array<i32>} : memref<128x128xf32, #tpu.memory_space<vmem>>, vector<1x16xf32>,
          %swap3A_1564 = vector.shape_cast %swap3A_1563 : vector<1x16xf32> to vector<16xf32>
          %swap3A_1565 = vector.shape_cast %mul3A_1560 : vector<16xf32> to vector<1x16xf32>
          tpu.vector_store %arg13[%swap3A_1561, %swap3A_1562], %swap3A_1565 {strides = array<i32>} : memref<128x128xf32, #tpu.memory_space<vmem>>, vector<1x16xf32>,
          %mul3A_1566 = arith.constant 16 : i32
          %mul3A_1567 = arith.muli %scan3A_139, %mul3A_1566 : i32
          %add3A_1568 = arith.constant 12 : i32
          %add3A_1569 = arith.addi %mul3A_1567, %add3A_1568 : i32
          %get3A_1570 = arith.index_cast %add3A_1569 : i32 to index
          %get3A_1571 = arith.constant 32 : index
          %get3A_1572 = tpu.vector_load %arg13[%get3A_1570, %get3A_1571] {strides = array<i32>} : memref<128x128xf32, #tpu.memory_space<vmem>>, vector<1x16xf32>,
          %get3A_1573 = vector.shape_cast %get3A_1572 : vector<1x16xf32> to vector<16xf32>
          %mul3A_1574 = arith.mulf %get3A_1573, %gather3A_1537 : vector<16xf32>
          %swap3A_1575 = arith.index_cast %add3A_1569 : i32 to index
          %swap3A_1576 = arith.constant 32 : index
          %swap3A_1577 = tpu.vector_load %arg13[%swap3A_1575, %swap3A_1576] {strides = array<i32>} : memref<128x128xf32, #tpu.memory_space<vmem>>, vector<1x16xf32>,
          %swap3A_1578 = vector.shape_cast %swap3A_1577 : vector<1x16xf32> to vector<16xf32>
          %swap3A_1579 = vector.shape_cast %mul3A_1574 : vector<16xf32> to vector<1x16xf32>
          tpu.vector_store %arg13[%swap3A_1575, %swap3A_1576], %swap3A_1579 {strides = array<i32>} : memref<128x128xf32, #tpu.memory_space<vmem>>, vector<1x16xf32>,
          %mul3A_1580 = arith.constant 16 : i32
          %mul3A_1581 = arith.muli %scan3A_139, %mul3A_1580 : i32
          %add3A_1582 = arith.constant 12 : i32
          %add3A_1583 = arith.addi %mul3A_1581, %add3A_1582 : i32
          %get3A_1584 = arith.index_cast %add3A_1583 : i32 to index
          %get3A_1585 = arith.constant 48 : index
          %get3A_1586 = tpu.vector_load %arg13[%get3A_1584, %get3A_1585] {strides = array<i32>} : memref<128x128xf32, #tpu.memory_space<vmem>>, vector<1x16xf32>,
          %get3A_1587 = vector.shape_cast %get3A_1586 : vector<1x16xf32> to vector<16xf32>
          %mul3A_1588 = arith.mulf %get3A_1587, %gather3A_1537 : vector<16xf32>
          %swap3A_1589 = arith.index_cast %add3A_1583 : i32 to index
          %swap3A_1590 = arith.constant 48 : index
          %swap3A_1591 = tpu.vector_load %arg13[%swap3A_1589, %swap3A_1590] {strides = array<i32>} : memref<128x128xf32, #tpu.memory_space<vmem>>, vector<1x16xf32>,
          %swap3A_1592 = vector.shape_cast %swap3A_1591 : vector<1x16xf32> to vector<16xf32>
          %swap3A_1593 = vector.shape_cast %mul3A_1588 : vector<16xf32> to vector<1x16xf32>
          tpu.vector_store %arg13[%swap3A_1589, %swap3A_1590], %swap3A_1593 {strides = array<i32>} : memref<128x128xf32, #tpu.memory_space<vmem>>, vector<1x16xf32>,
          %mul3A_1594 = arith.constant 16 : i32
          %mul3A_1595 = arith.muli %scan3A_139, %mul3A_1594 : i32
          %add3A_1596 = arith.constant 12 : i32
          %add3A_1597 = arith.addi %mul3A_1595, %add3A_1596 : i32
          %get3A_1598 = arith.index_cast %add3A_1597 : i32 to index
          %get3A_1599 = arith.constant 64 : index
          %get3A_1600 = tpu.vector_load %arg13[%get3A_1598, %get3A_1599] {strides = array<i32>} : memref<128x128xf32, #tpu.memory_space<vmem>>, vector<1x16xf32>,
          %get3A_1601 = vector.shape_cast %get3A_1600 : vector<1x16xf32> to vector<16xf32>
          %mul3A_1602 = arith.mulf %get3A_1601, %gather3A_1537 : vector<16xf32>
          %swap3A_1603 = arith.index_cast %add3A_1597 : i32 to index
          %swap3A_1604 = arith.constant 64 : index
          %swap3A_1605 = tpu.vector_load %arg13[%swap3A_1603, %swap3A_1604] {strides = array<i32>} : memref<128x128xf32, #tpu.memory_space<vmem>>, vector<1x16xf32>,
          %swap3A_1606 = vector.shape_cast %swap3A_1605 : vector<1x16xf32> to vector<16xf32>
          %swap3A_1607 = vector.shape_cast %mul3A_1602 : vector<16xf32> to vector<1x16xf32>
          tpu.vector_store %arg13[%swap3A_1603, %swap3A_1604], %swap3A_1607 {strides = array<i32>} : memref<128x128xf32, #tpu.memory_space<vmem>>, vector<1x16xf32>,
          %mul3A_1608 = arith.constant 16 : i32
          %mul3A_1609 = arith.muli %scan3A_139, %mul3A_1608 : i32
          %add3A_1610 = arith.constant 12 : i32
          %add3A_1611 = arith.addi %mul3A_1609, %add3A_1610 : i32
          %get3A_1612 = arith.index_cast %add3A_1611 : i32 to index
          %get3A_1613 = arith.constant 80 : index
          %get3A_1614 = tpu.vector_load %arg13[%get3A_1612, %get3A_1613] {strides = array<i32>} : memref<128x128xf32, #tpu.memory_space<vmem>>, vector<1x16xf32>,
          %get3A_1615 = vector.shape_cast %get3A_1614 : vector<1x16xf32> to vector<16xf32>
          %mul3A_1616 = arith.mulf %get3A_1615, %gather3A_1537 : vector<16xf32>
          %swap3A_1617 = arith.index_cast %add3A_1611 : i32 to index
          %swap3A_1618 = arith.constant 80 : index
          %swap3A_1619 = tpu.vector_load %arg13[%swap3A_1617, %swap3A_1618] {strides = array<i32>} : memref<128x128xf32, #tpu.memory_space<vmem>>, vector<1x16xf32>,
          %swap3A_1620 = vector.shape_cast %swap3A_1619 : vector<1x16xf32> to vector<16xf32>
          %swap3A_1621 = vector.shape_cast %mul3A_1616 : vector<16xf32> to vector<1x16xf32>
          tpu.vector_store %arg13[%swap3A_1617, %swap3A_1618], %swap3A_1621 {strides = array<i32>} : memref<128x128xf32, #tpu.memory_space<vmem>>, vector<1x16xf32>,
          %mul3A_1622 = arith.constant 16 : i32
          %mul3A_1623 = arith.muli %scan3A_139, %mul3A_1622 : i32
          %add3A_1624 = arith.constant 12 : i32
          %add3A_1625 = arith.addi %mul3A_1623, %add3A_1624 : i32
          %get3A_1626 = arith.index_cast %add3A_1625 : i32 to index
          %get3A_1627 = arith.constant 96 : index
          %get3A_1628 = tpu.vector_load %arg13[%get3A_1626, %get3A_1627] {strides = array<i32>} : memref<128x128xf32, #tpu.memory_space<vmem>>, vector<1x16xf32>,
          %get3A_1629 = vector.shape_cast %get3A_1628 : vector<1x16xf32> to vector<16xf32>
          %mul3A_1630 = arith.mulf %get3A_1629, %gather3A_1537 : vector<16xf32>
          %swap3A_1631 = arith.index_cast %add3A_1625 : i32 to index
          %swap3A_1632 = arith.constant 96 : index
          %swap3A_1633 = tpu.vector_load %arg13[%swap3A_1631, %swap3A_1632] {strides = array<i32>} : memref<128x128xf32, #tpu.memory_space<vmem>>, vector<1x16xf32>,
          %swap3A_1634 = vector.shape_cast %swap3A_1633 : vector<1x16xf32> to vector<16xf32>
          %swap3A_1635 = vector.shape_cast %mul3A_1630 : vector<16xf32> to vector<1x16xf32>
          tpu.vector_store %arg13[%swap3A_1631, %swap3A_1632], %swap3A_1635 {strides = array<i32>} : memref<128x128xf32, #tpu.memory_space<vmem>>, vector<1x16xf32>,
          %mul3A_1636 = arith.constant 16 : i32
          %mul3A_1637 = arith.muli %scan3A_139, %mul3A_1636 : i32
          %add3A_1638 = arith.constant 12 : i32
          %add3A_1639 = arith.addi %mul3A_1637, %add3A_1638 : i32
          %get3A_1640 = arith.index_cast %add3A_1639 : i32 to index
          %get3A_1641 = arith.constant 112 : index
          %get3A_1642 = tpu.vector_load %arg13[%get3A_1640, %get3A_1641] {strides = array<i32>} : memref<128x128xf32, #tpu.memory_space<vmem>>, vector<1x16xf32>,
          %get3A_1643 = vector.shape_cast %get3A_1642 : vector<1x16xf32> to vector<16xf32>
          %mul3A_1644 = arith.mulf %get3A_1643, %gather3A_1537 : vector<16xf32>
          %swap3A_1645 = arith.index_cast %add3A_1639 : i32 to index
          %swap3A_1646 = arith.constant 112 : index
          %swap3A_1647 = tpu.vector_load %arg13[%swap3A_1645, %swap3A_1646] {strides = array<i32>} : memref<128x128xf32, #tpu.memory_space<vmem>>, vector<1x16xf32>,
          %swap3A_1648 = vector.shape_cast %swap3A_1647 : vector<1x16xf32> to vector<16xf32>
          %swap3A_1649 = vector.shape_cast %mul3A_1644 : vector<16xf32> to vector<1x16xf32>
          tpu.vector_store %arg13[%swap3A_1645, %swap3A_1646], %swap3A_1649 {strides = array<i32>} : memref<128x128xf32, #tpu.memory_space<vmem>>, vector<1x16xf32>,
          %broadcast_in_dim3A_1650 = arith.constant 13 : i32
          %broadcast_in_dim3A_1651 = vector.broadcast %broadcast_in_dim3A_1650 : i32 to vector<16x1xi32>
          %gather3A_1652 = vector.shape_cast %broadcast_in_dim3A_1651 : vector<16x1xi32> to vector<16xi32>
          %gather3A_1653 = tpu.dynamic_gather %get3A_144[%gather3A_1652] in [0] : vector<16xf32>, vector<16xi32> -> vector<16xf32>
          %mul3A_1654 = arith.constant 16 : i32
          %mul3A_1655 = arith.muli %scan3A_139, %mul3A_1654 : i32
          %add3A_1656 = arith.constant 13 : i32
          %add3A_1657 = arith.addi %mul3A_1655, %add3A_1656 : i32
          %get3A_1658 = arith.index_cast %add3A_1657 : i32 to index
          %get3A_1659 = arith.constant 0 : index
          %get3A_1660 = tpu.vector_load %arg13[%get3A_1658, %get3A_1659] {strides = array<i32>} : memref<128x128xf32, #tpu.memory_space<vmem>>, vector<1x16xf32>,
          %get3A_1661 = vector.shape_cast %get3A_1660 : vector<1x16xf32> to vector<16xf32>
          %mul3A_1662 = arith.mulf %get3A_1661, %gather3A_1653 : vector<16xf32>
          %swap3A_1663 = arith.index_cast %add3A_1657 : i32 to index
          %swap3A_1664 = arith.constant 0 : index
          %swap3A_1665 = tpu.vector_load %arg13[%swap3A_1663, %swap3A_1664] {strides = array<i32>} : memref<128x128xf32, #tpu.memory_space<vmem>>, vector<1x16xf32>,
          %swap3A_1666 = vector.shape_cast %swap3A_1665 : vector<1x16xf32> to vector<16xf32>
          %swap3A_1667 = vector.shape_cast %mul3A_1662 : vector<16xf32> to vector<1x16xf32>
          tpu.vector_store %arg13[%swap3A_1663, %swap3A_1664], %swap3A_1667 {strides = array<i32>} : memref<128x128xf32, #tpu.memory_space<vmem>>, vector<1x16xf32>,
          %mul3A_1668 = arith.constant 16 : i32
          %mul3A_1669 = arith.muli %scan3A_139, %mul3A_1668 : i32
          %add3A_1670 = arith.constant 13 : i32
          %add3A_1671 = arith.addi %mul3A_1669, %add3A_1670 : i32
          %get3A_1672 = arith.index_cast %add3A_1671 : i32 to index
          %get3A_1673 = arith.constant 16 : index
          %get3A_1674 = tpu.vector_load %arg13[%get3A_1672, %get3A_1673] {strides = array<i32>} : memref<128x128xf32, #tpu.memory_space<vmem>>, vector<1x16xf32>,
          %get3A_1675 = vector.shape_cast %get3A_1674 : vector<1x16xf32> to vector<16xf32>
          %mul3A_1676 = arith.mulf %get3A_1675, %gather3A_1653 : vector<16xf32>
          %swap3A_1677 = arith.index_cast %add3A_1671 : i32 to index
          %swap3A_1678 = arith.constant 16 : index
          %swap3A_1679 = tpu.vector_load %arg13[%swap3A_1677, %swap3A_1678] {strides = array<i32>} : memref<128x128xf32, #tpu.memory_space<vmem>>, vector<1x16xf32>,
          %swap3A_1680 = vector.shape_cast %swap3A_1679 : vector<1x16xf32> to vector<16xf32>
          %swap3A_1681 = vector.shape_cast %mul3A_1676 : vector<16xf32> to vector<1x16xf32>
          tpu.vector_store %arg13[%swap3A_1677, %swap3A_1678], %swap3A_1681 {strides = array<i32>} : memref<128x128xf32, #tpu.memory_space<vmem>>, vector<1x16xf32>,
          %mul3A_1682 = arith.constant 16 : i32
          %mul3A_1683 = arith.muli %scan3A_139, %mul3A_1682 : i32
          %add3A_1684 = arith.constant 13 : i32
          %add3A_1685 = arith.addi %mul3A_1683, %add3A_1684 : i32
          %get3A_1686 = arith.index_cast %add3A_1685 : i32 to index
          %get3A_1687 = arith.constant 32 : index
          %get3A_1688 = tpu.vector_load %arg13[%get3A_1686, %get3A_1687] {strides = array<i32>} : memref<128x128xf32, #tpu.memory_space<vmem>>, vector<1x16xf32>,
          %get3A_1689 = vector.shape_cast %get3A_1688 : vector<1x16xf32> to vector<16xf32>
          %mul3A_1690 = arith.mulf %get3A_1689, %gather3A_1653 : vector<16xf32>
          %swap3A_1691 = arith.index_cast %add3A_1685 : i32 to index
          %swap3A_1692 = arith.constant 32 : index
          %swap3A_1693 = tpu.vector_load %arg13[%swap3A_1691, %swap3A_1692] {strides = array<i32>} : memref<128x128xf32, #tpu.memory_space<vmem>>, vector<1x16xf32>,
          %swap3A_1694 = vector.shape_cast %swap3A_1693 : vector<1x16xf32> to vector<16xf32>
          %swap3A_1695 = vector.shape_cast %mul3A_1690 : vector<16xf32> to vector<1x16xf32>
          tpu.vector_store %arg13[%swap3A_1691, %swap3A_1692], %swap3A_1695 {strides = array<i32>} : memref<128x128xf32, #tpu.memory_space<vmem>>, vector<1x16xf32>,
          %mul3A_1696 = arith.constant 16 : i32
          %mul3A_1697 = arith.muli %scan3A_139, %mul3A_1696 : i32
          %add3A_1698 = arith.constant 13 : i32
          %add3A_1699 = arith.addi %mul3A_1697, %add3A_1698 : i32
          %get3A_1700 = arith.index_cast %add3A_1699 : i32 to index
          %get3A_1701 = arith.constant 48 : index
          %get3A_1702 = tpu.vector_load %arg13[%get3A_1700, %get3A_1701] {strides = array<i32>} : memref<128x128xf32, #tpu.memory_space<vmem>>, vector<1x16xf32>,
          %get3A_1703 = vector.shape_cast %get3A_1702 : vector<1x16xf32> to vector<16xf32>
          %mul3A_1704 = arith.mulf %get3A_1703, %gather3A_1653 : vector<16xf32>
          %swap3A_1705 = arith.index_cast %add3A_1699 : i32 to index
          %swap3A_1706 = arith.constant 48 : index
          %swap3A_1707 = tpu.vector_load %arg13[%swap3A_1705, %swap3A_1706] {strides = array<i32>} : memref<128x128xf32, #tpu.memory_space<vmem>>, vector<1x16xf32>,
          %swap3A_1708 = vector.shape_cast %swap3A_1707 : vector<1x16xf32> to vector<16xf32>
          %swap3A_1709 = vector.shape_cast %mul3A_1704 : vector<16xf32> to vector<1x16xf32>
          tpu.vector_store %arg13[%swap3A_1705, %swap3A_1706], %swap3A_1709 {strides = array<i32>} : memref<128x128xf32, #tpu.memory_space<vmem>>, vector<1x16xf32>,
          %mul3A_1710 = arith.constant 16 : i32
          %mul3A_1711 = arith.muli %scan3A_139, %mul3A_1710 : i32
          %add3A_1712 = arith.constant 13 : i32
          %add3A_1713 = arith.addi %mul3A_1711, %add3A_1712 : i32
          %get3A_1714 = arith.index_cast %add3A_1713 : i32 to index
          %get3A_1715 = arith.constant 64 : index
          %get3A_1716 = tpu.vector_load %arg13[%get3A_1714, %get3A_1715] {strides = array<i32>} : memref<128x128xf32, #tpu.memory_space<vmem>>, vector<1x16xf32>,
          %get3A_1717 = vector.shape_cast %get3A_1716 : vector<1x16xf32> to vector<16xf32>
          %mul3A_1718 = arith.mulf %get3A_1717, %gather3A_1653 : vector<16xf32>
          %swap3A_1719 = arith.index_cast %add3A_1713 : i32 to index
          %swap3A_1720 = arith.constant 64 : index
          %swap3A_1721 = tpu.vector_load %arg13[%swap3A_1719, %swap3A_1720] {strides = array<i32>} : memref<128x128xf32, #tpu.memory_space<vmem>>, vector<1x16xf32>,
          %swap3A_1722 = vector.shape_cast %swap3A_1721 : vector<1x16xf32> to vector<16xf32>
          %swap3A_1723 = vector.shape_cast %mul3A_1718 : vector<16xf32> to vector<1x16xf32>
          tpu.vector_store %arg13[%swap3A_1719, %swap3A_1720], %swap3A_1723 {strides = array<i32>} : memref<128x128xf32, #tpu.memory_space<vmem>>, vector<1x16xf32>,
          %mul3A_1724 = arith.constant 16 : i32
          %mul3A_1725 = arith.muli %scan3A_139, %mul3A_1724 : i32
          %add3A_1726 = arith.constant 13 : i32
          %add3A_1727 = arith.addi %mul3A_1725, %add3A_1726 : i32
          %get3A_1728 = arith.index_cast %add3A_1727 : i32 to index
          %get3A_1729 = arith.constant 80 : index
          %get3A_1730 = tpu.vector_load %arg13[%get3A_1728, %get3A_1729] {strides = array<i32>} : memref<128x128xf32, #tpu.memory_space<vmem>>, vector<1x16xf32>,
          %get3A_1731 = vector.shape_cast %get3A_1730 : vector<1x16xf32> to vector<16xf32>
          %mul3A_1732 = arith.mulf %get3A_1731, %gather3A_1653 : vector<16xf32>
          %swap3A_1733 = arith.index_cast %add3A_1727 : i32 to index
          %swap3A_1734 = arith.constant 80 : index
          %swap3A_1735 = tpu.vector_load %arg13[%swap3A_1733, %swap3A_1734] {strides = array<i32>} : memref<128x128xf32, #tpu.memory_space<vmem>>, vector<1x16xf32>,
          %swap3A_1736 = vector.shape_cast %swap3A_1735 : vector<1x16xf32> to vector<16xf32>
          %swap3A_1737 = vector.shape_cast %mul3A_1732 : vector<16xf32> to vector<1x16xf32>
          tpu.vector_store %arg13[%swap3A_1733, %swap3A_1734], %swap3A_1737 {strides = array<i32>} : memref<128x128xf32, #tpu.memory_space<vmem>>, vector<1x16xf32>,
          %mul3A_1738 = arith.constant 16 : i32
          %mul3A_1739 = arith.muli %scan3A_139, %mul3A_1738 : i32
          %add3A_1740 = arith.constant 13 : i32
          %add3A_1741 = arith.addi %mul3A_1739, %add3A_1740 : i32
          %get3A_1742 = arith.index_cast %add3A_1741 : i32 to index
          %get3A_1743 = arith.constant 96 : index
          %get3A_1744 = tpu.vector_load %arg13[%get3A_1742, %get3A_1743] {strides = array<i32>} : memref<128x128xf32, #tpu.memory_space<vmem>>, vector<1x16xf32>,
          %get3A_1745 = vector.shape_cast %get3A_1744 : vector<1x16xf32> to vector<16xf32>
          %mul3A_1746 = arith.mulf %get3A_1745, %gather3A_1653 : vector<16xf32>
          %swap3A_1747 = arith.index_cast %add3A_1741 : i32 to index
          %swap3A_1748 = arith.constant 96 : index
          %swap3A_1749 = tpu.vector_load %arg13[%swap3A_1747, %swap3A_1748] {strides = array<i32>} : memref<128x128xf32, #tpu.memory_space<vmem>>, vector<1x16xf32>,
          %swap3A_1750 = vector.shape_cast %swap3A_1749 : vector<1x16xf32> to vector<16xf32>
          %swap3A_1751 = vector.shape_cast %mul3A_1746 : vector<16xf32> to vector<1x16xf32>
          tpu.vector_store %arg13[%swap3A_1747, %swap3A_1748], %swap3A_1751 {strides = array<i32>} : memref<128x128xf32, #tpu.memory_space<vmem>>, vector<1x16xf32>,
          %mul3A_1752 = arith.constant 16 : i32
          %mul3A_1753 = arith.muli %scan3A_139, %mul3A_1752 : i32
          %add3A_1754 = arith.constant 13 : i32
          %add3A_1755 = arith.addi %mul3A_1753, %add3A_1754 : i32
          %get3A_1756 = arith.index_cast %add3A_1755 : i32 to index
          %get3A_1757 = arith.constant 112 : index
          %get3A_1758 = tpu.vector_load %arg13[%get3A_1756, %get3A_1757] {strides = array<i32>} : memref<128x128xf32, #tpu.memory_space<vmem>>, vector<1x16xf32>,
          %get3A_1759 = vector.shape_cast %get3A_1758 : vector<1x16xf32> to vector<16xf32>
          %mul3A_1760 = arith.mulf %get3A_1759, %gather3A_1653 : vector<16xf32>
          %swap3A_1761 = arith.index_cast %add3A_1755 : i32 to index
          %swap3A_1762 = arith.constant 112 : index
          %swap3A_1763 = tpu.vector_load %arg13[%swap3A_1761, %swap3A_1762] {strides = array<i32>} : memref<128x128xf32, #tpu.memory_space<vmem>>, vector<1x16xf32>,
          %swap3A_1764 = vector.shape_cast %swap3A_1763 : vector<1x16xf32> to vector<16xf32>
          %swap3A_1765 = vector.shape_cast %mul3A_1760 : vector<16xf32> to vector<1x16xf32>
          tpu.vector_store %arg13[%swap3A_1761, %swap3A_1762], %swap3A_1765 {strides = array<i32>} : memref<128x128xf32, #tpu.memory_space<vmem>>, vector<1x16xf32>,
          %broadcast_in_dim3A_1766 = arith.constant 14 : i32
          %broadcast_in_dim3A_1767 = vector.broadcast %broadcast_in_dim3A_1766 : i32 to vector<16x1xi32>
          %gather3A_1768 = vector.shape_cast %broadcast_in_dim3A_1767 : vector<16x1xi32> to vector<16xi32>
          %gather3A_1769 = tpu.dynamic_gather %get3A_144[%gather3A_1768] in [0] : vector<16xf32>, vector<16xi32> -> vector<16xf32>
          %mul3A_1770 = arith.constant 16 : i32
          %mul3A_1771 = arith.muli %scan3A_139, %mul3A_1770 : i32
          %add3A_1772 = arith.constant 14 : i32
          %add3A_1773 = arith.addi %mul3A_1771, %add3A_1772 : i32
          %get3A_1774 = arith.index_cast %add3A_1773 : i32 to index
          %get3A_1775 = arith.constant 0 : index
          %get3A_1776 = tpu.vector_load %arg13[%get3A_1774, %get3A_1775] {strides = array<i32>} : memref<128x128xf32, #tpu.memory_space<vmem>>, vector<1x16xf32>,
          %get3A_1777 = vector.shape_cast %get3A_1776 : vector<1x16xf32> to vector<16xf32>
          %mul3A_1778 = arith.mulf %get3A_1777, %gather3A_1769 : vector<16xf32>
          %swap3A_1779 = arith.index_cast %add3A_1773 : i32 to index
          %swap3A_1780 = arith.constant 0 : index
          %swap3A_1781 = tpu.vector_load %arg13[%swap3A_1779, %swap3A_1780] {strides = array<i32>} : memref<128x128xf32, #tpu.memory_space<vmem>>, vector<1x16xf32>,
          %swap3A_1782 = vector.shape_cast %swap3A_1781 : vector<1x16xf32> to vector<16xf32>
          %swap3A_1783 = vector.shape_cast %mul3A_1778 : vector<16xf32> to vector<1x16xf32>
          tpu.vector_store %arg13[%swap3A_1779, %swap3A_1780], %swap3A_1783 {strides = array<i32>} : memref<128x128xf32, #tpu.memory_space<vmem>>, vector<1x16xf32>,
          %mul3A_1784 = arith.constant 16 : i32
          %mul3A_1785 = arith.muli %scan3A_139, %mul3A_1784 : i32
          %add3A_1786 = arith.constant 14 : i32
          %add3A_1787 = arith.addi %mul3A_1785, %add3A_1786 : i32
          %get3A_1788 = arith.index_cast %add3A_1787 : i32 to index
          %get3A_1789 = arith.constant 16 : index
          %get3A_1790 = tpu.vector_load %arg13[%get3A_1788, %get3A_1789] {strides = array<i32>} : memref<128x128xf32, #tpu.memory_space<vmem>>, vector<1x16xf32>,
          %get3A_1791 = vector.shape_cast %get3A_1790 : vector<1x16xf32> to vector<16xf32>
          %mul3A_1792 = arith.mulf %get3A_1791, %gather3A_1769 : vector<16xf32>
          %swap3A_1793 = arith.index_cast %add3A_1787 : i32 to index
          %swap3A_1794 = arith.constant 16 : index
          %swap3A_1795 = tpu.vector_load %arg13[%swap3A_1793, %swap3A_1794] {strides = array<i32>} : memref<128x128xf32, #tpu.memory_space<vmem>>, vector<1x16xf32>,
          %swap3A_1796 = vector.shape_cast %swap3A_1795 : vector<1x16xf32> to vector<16xf32>
          %swap3A_1797 = vector.shape_cast %mul3A_1792 : vector<16xf32> to vector<1x16xf32>
          tpu.vector_store %arg13[%swap3A_1793, %swap3A_1794], %swap3A_1797 {strides = array<i32>} : memref<128x128xf32, #tpu.memory_space<vmem>>, vector<1x16xf32>,
          %mul3A_1798 = arith.constant 16 : i32
          %mul3A_1799 = arith.muli %scan3A_139, %mul3A_1798 : i32
          %add3A_1800 = arith.constant 14 : i32
          %add3A_1801 = arith.addi %mul3A_1799, %add3A_1800 : i32
          %get3A_1802 = arith.index_cast %add3A_1801 : i32 to index
          %get3A_1803 = arith.constant 32 : index
          %get3A_1804 = tpu.vector_load %arg13[%get3A_1802, %get3A_1803] {strides = array<i32>} : memref<128x128xf32, #tpu.memory_space<vmem>>, vector<1x16xf32>,
          %get3A_1805 = vector.shape_cast %get3A_1804 : vector<1x16xf32> to vector<16xf32>
          %mul3A_1806 = arith.mulf %get3A_1805, %gather3A_1769 : vector<16xf32>
          %swap3A_1807 = arith.index_cast %add3A_1801 : i32 to index
          %swap3A_1808 = arith.constant 32 : index
          %swap3A_1809 = tpu.vector_load %arg13[%swap3A_1807, %swap3A_1808] {strides = array<i32>} : memref<128x128xf32, #tpu.memory_space<vmem>>, vector<1x16xf32>,
          %swap3A_1810 = vector.shape_cast %swap3A_1809 : vector<1x16xf32> to vector<16xf32>
          %swap3A_1811 = vector.shape_cast %mul3A_1806 : vector<16xf32> to vector<1x16xf32>
          tpu.vector_store %arg13[%swap3A_1807, %swap3A_1808], %swap3A_1811 {strides = array<i32>} : memref<128x128xf32, #tpu.memory_space<vmem>>, vector<1x16xf32>,
          %mul3A_1812 = arith.constant 16 : i32
          %mul3A_1813 = arith.muli %scan3A_139, %mul3A_1812 : i32
          %add3A_1814 = arith.constant 14 : i32
          %add3A_1815 = arith.addi %mul3A_1813, %add3A_1814 : i32
          %get3A_1816 = arith.index_cast %add3A_1815 : i32 to index
          %get3A_1817 = arith.constant 48 : index
          %get3A_1818 = tpu.vector_load %arg13[%get3A_1816, %get3A_1817] {strides = array<i32>} : memref<128x128xf32, #tpu.memory_space<vmem>>, vector<1x16xf32>,
          %get3A_1819 = vector.shape_cast %get3A_1818 : vector<1x16xf32> to vector<16xf32>
          %mul3A_1820 = arith.mulf %get3A_1819, %gather3A_1769 : vector<16xf32>
          %swap3A_1821 = arith.index_cast %add3A_1815 : i32 to index
          %swap3A_1822 = arith.constant 48 : index
          %swap3A_1823 = tpu.vector_load %arg13[%swap3A_1821, %swap3A_1822] {strides = array<i32>} : memref<128x128xf32, #tpu.memory_space<vmem>>, vector<1x16xf32>,
          %swap3A_1824 = vector.shape_cast %swap3A_1823 : vector<1x16xf32> to vector<16xf32>
          %swap3A_1825 = vector.shape_cast %mul3A_1820 : vector<16xf32> to vector<1x16xf32>
          tpu.vector_store %arg13[%swap3A_1821, %swap3A_1822], %swap3A_1825 {strides = array<i32>} : memref<128x128xf32, #tpu.memory_space<vmem>>, vector<1x16xf32>,
          %mul3A_1826 = arith.constant 16 : i32
          %mul3A_1827 = arith.muli %scan3A_139, %mul3A_1826 : i32
          %add3A_1828 = arith.constant 14 : i32
          %add3A_1829 = arith.addi %mul3A_1827, %add3A_1828 : i32
          %get3A_1830 = arith.index_cast %add3A_1829 : i32 to index
          %get3A_1831 = arith.constant 64 : index
          %get3A_1832 = tpu.vector_load %arg13[%get3A_1830, %get3A_1831] {strides = array<i32>} : memref<128x128xf32, #tpu.memory_space<vmem>>, vector<1x16xf32>,
          %get3A_1833 = vector.shape_cast %get3A_1832 : vector<1x16xf32> to vector<16xf32>
          %mul3A_1834 = arith.mulf %get3A_1833, %gather3A_1769 : vector<16xf32>
          %swap3A_1835 = arith.index_cast %add3A_1829 : i32 to index
          %swap3A_1836 = arith.constant 64 : index
          %swap3A_1837 = tpu.vector_load %arg13[%swap3A_1835, %swap3A_1836] {strides = array<i32>} : memref<128x128xf32, #tpu.memory_space<vmem>>, vector<1x16xf32>,
          %swap3A_1838 = vector.shape_cast %swap3A_1837 : vector<1x16xf32> to vector<16xf32>
          %swap3A_1839 = vector.shape_cast %mul3A_1834 : vector<16xf32> to vector<1x16xf32>
          tpu.vector_store %arg13[%swap3A_1835, %swap3A_1836], %swap3A_1839 {strides = array<i32>} : memref<128x128xf32, #tpu.memory_space<vmem>>, vector<1x16xf32>,
          %mul3A_1840 = arith.constant 16 : i32
          %mul3A_1841 = arith.muli %scan3A_139, %mul3A_1840 : i32
          %add3A_1842 = arith.constant 14 : i32
          %add3A_1843 = arith.addi %mul3A_1841, %add3A_1842 : i32
          %get3A_1844 = arith.index_cast %add3A_1843 : i32 to index
          %get3A_1845 = arith.constant 80 : index
          %get3A_1846 = tpu.vector_load %arg13[%get3A_1844, %get3A_1845] {strides = array<i32>} : memref<128x128xf32, #tpu.memory_space<vmem>>, vector<1x16xf32>,
          %get3A_1847 = vector.shape_cast %get3A_1846 : vector<1x16xf32> to vector<16xf32>
          %mul3A_1848 = arith.mulf %get3A_1847, %gather3A_1769 : vector<16xf32>
          %swap3A_1849 = arith.index_cast %add3A_1843 : i32 to index
          %swap3A_1850 = arith.constant 80 : index
          %swap3A_1851 = tpu.vector_load %arg13[%swap3A_1849, %swap3A_1850] {strides = array<i32>} : memref<128x128xf32, #tpu.memory_space<vmem>>, vector<1x16xf32>,
          %swap3A_1852 = vector.shape_cast %swap3A_1851 : vector<1x16xf32> to vector<16xf32>
          %swap3A_1853 = vector.shape_cast %mul3A_1848 : vector<16xf32> to vector<1x16xf32>
          tpu.vector_store %arg13[%swap3A_1849, %swap3A_1850], %swap3A_1853 {strides = array<i32>} : memref<128x128xf32, #tpu.memory_space<vmem>>, vector<1x16xf32>,
          %mul3A_1854 = arith.constant 16 : i32
          %mul3A_1855 = arith.muli %scan3A_139, %mul3A_1854 : i32
          %add3A_1856 = arith.constant 14 : i32
          %add3A_1857 = arith.addi %mul3A_1855, %add3A_1856 : i32
          %get3A_1858 = arith.index_cast %add3A_1857 : i32 to index
          %get3A_1859 = arith.constant 96 : index
          %get3A_1860 = tpu.vector_load %arg13[%get3A_1858, %get3A_1859] {strides = array<i32>} : memref<128x128xf32, #tpu.memory_space<vmem>>, vector<1x16xf32>,
          %get3A_1861 = vector.shape_cast %get3A_1860 : vector<1x16xf32> to vector<16xf32>
          %mul3A_1862 = arith.mulf %get3A_1861, %gather3A_1769 : vector<16xf32>
          %swap3A_1863 = arith.index_cast %add3A_1857 : i32 to index
          %swap3A_1864 = arith.constant 96 : index
          %swap3A_1865 = tpu.vector_load %arg13[%swap3A_1863, %swap3A_1864] {strides = array<i32>} : memref<128x128xf32, #tpu.memory_space<vmem>>, vector<1x16xf32>,
          %swap3A_1866 = vector.shape_cast %swap3A_1865 : vector<1x16xf32> to vector<16xf32>
          %swap3A_1867 = vector.shape_cast %mul3A_1862 : vector<16xf32> to vector<1x16xf32>
          tpu.vector_store %arg13[%swap3A_1863, %swap3A_1864], %swap3A_1867 {strides = array<i32>} : memref<128x128xf32, #tpu.memory_space<vmem>>, vector<1x16xf32>,
          %mul3A_1868 = arith.constant 16 : i32
          %mul3A_1869 = arith.muli %scan3A_139, %mul3A_1868 : i32
          %add3A_1870 = arith.constant 14 : i32
          %add3A_1871 = arith.addi %mul3A_1869, %add3A_1870 : i32
          %get3A_1872 = arith.index_cast %add3A_1871 : i32 to index
          %get3A_1873 = arith.constant 112 : index
          %get3A_1874 = tpu.vector_load %arg13[%get3A_1872, %get3A_1873] {strides = array<i32>} : memref<128x128xf32, #tpu.memory_space<vmem>>, vector<1x16xf32>,
          %get3A_1875 = vector.shape_cast %get3A_1874 : vector<1x16xf32> to vector<16xf32>
          %mul3A_1876 = arith.mulf %get3A_1875, %gather3A_1769 : vector<16xf32>
          %swap3A_1877 = arith.index_cast %add3A_1871 : i32 to index
          %swap3A_1878 = arith.constant 112 : index
          %swap3A_1879 = tpu.vector_load %arg13[%swap3A_1877, %swap3A_1878] {strides = array<i32>} : memref<128x128xf32, #tpu.memory_space<vmem>>, vector<1x16xf32>,
          %swap3A_1880 = vector.shape_cast %swap3A_1879 : vector<1x16xf32> to vector<16xf32>
          %swap3A_1881 = vector.shape_cast %mul3A_1876 : vector<16xf32> to vector<1x16xf32>
          tpu.vector_store %arg13[%swap3A_1877, %swap3A_1878], %swap3A_1881 {strides = array<i32>} : memref<128x128xf32, #tpu.memory_space<vmem>>, vector<1x16xf32>,
          %broadcast_in_dim3A_1882 = arith.constant 15 : i32
          %broadcast_in_dim3A_1883 = vector.broadcast %broadcast_in_dim3A_1882 : i32 to vector<16x1xi32>
          %gather3A_1884 = vector.shape_cast %broadcast_in_dim3A_1883 : vector<16x1xi32> to vector<16xi32>
          %gather3A_1885 = tpu.dynamic_gather %get3A_144[%gather3A_1884] in [0] : vector<16xf32>, vector<16xi32> -> vector<16xf32>
          %mul3A_1886 = arith.constant 16 : i32
          %mul3A_1887 = arith.muli %scan3A_139, %mul3A_1886 : i32
          %add3A_1888 = arith.constant 15 : i32
          %add3A_1889 = arith.addi %mul3A_1887, %add3A_1888 : i32
          %get3A_1890 = arith.index_cast %add3A_1889 : i32 to index
          %get3A_1891 = arith.constant 0 : index
          %get3A_1892 = tpu.vector_load %arg13[%get3A_1890, %get3A_1891] {strides = array<i32>} : memref<128x128xf32, #tpu.memory_space<vmem>>, vector<1x16xf32>,
          %get3A_1893 = vector.shape_cast %get3A_1892 : vector<1x16xf32> to vector<16xf32>
          %mul3A_1894 = arith.mulf %get3A_1893, %gather3A_1885 : vector<16xf32>
          %swap3A_1895 = arith.index_cast %add3A_1889 : i32 to index
          %swap3A_1896 = arith.constant 0 : index
          %swap3A_1897 = tpu.vector_load %arg13[%swap3A_1895, %swap3A_1896] {strides = array<i32>} : memref<128x128xf32, #tpu.memory_space<vmem>>, vector<1x16xf32>,
          %swap3A_1898 = vector.shape_cast %swap3A_1897 : vector<1x16xf32> to vector<16xf32>
          %swap3A_1899 = vector.shape_cast %mul3A_1894 : vector<16xf32> to vector<1x16xf32>
          tpu.vector_store %arg13[%swap3A_1895, %swap3A_1896], %swap3A_1899 {strides = array<i32>} : memref<128x128xf32, #tpu.memory_space<vmem>>, vector<1x16xf32>,
          %mul3A_1900 = arith.constant 16 : i32
          %mul3A_1901 = arith.muli %scan3A_139, %mul3A_1900 : i32
          %add3A_1902 = arith.constant 15 : i32
          %add3A_1903 = arith.addi %mul3A_1901, %add3A_1902 : i32
          %get3A_1904 = arith.index_cast %add3A_1903 : i32 to index
          %get3A_1905 = arith.constant 16 : index
          %get3A_1906 = tpu.vector_load %arg13[%get3A_1904, %get3A_1905] {strides = array<i32>} : memref<128x128xf32, #tpu.memory_space<vmem>>, vector<1x16xf32>,
          %get3A_1907 = vector.shape_cast %get3A_1906 : vector<1x16xf32> to vector<16xf32>
          %mul3A_1908 = arith.mulf %get3A_1907, %gather3A_1885 : vector<16xf32>
          %swap3A_1909 = arith.index_cast %add3A_1903 : i32 to index
          %swap3A_1910 = arith.constant 16 : index
          %swap3A_1911 = tpu.vector_load %arg13[%swap3A_1909, %swap3A_1910] {strides = array<i32>} : memref<128x128xf32, #tpu.memory_space<vmem>>, vector<1x16xf32>,
          %swap3A_1912 = vector.shape_cast %swap3A_1911 : vector<1x16xf32> to vector<16xf32>
          %swap3A_1913 = vector.shape_cast %mul3A_1908 : vector<16xf32> to vector<1x16xf32>
          tpu.vector_store %arg13[%swap3A_1909, %swap3A_1910], %swap3A_1913 {strides = array<i32>} : memref<128x128xf32, #tpu.memory_space<vmem>>, vector<1x16xf32>,
          %mul3A_1914 = arith.constant 16 : i32
          %mul3A_1915 = arith.muli %scan3A_139, %mul3A_1914 : i32
          %add3A_1916 = arith.constant 15 : i32
          %add3A_1917 = arith.addi %mul3A_1915, %add3A_1916 : i32
          %get3A_1918 = arith.index_cast %add3A_1917 : i32 to index
          %get3A_1919 = arith.constant 32 : index
          %get3A_1920 = tpu.vector_load %arg13[%get3A_1918, %get3A_1919] {strides = array<i32>} : memref<128x128xf32, #tpu.memory_space<vmem>>, vector<1x16xf32>,
          %get3A_1921 = vector.shape_cast %get3A_1920 : vector<1x16xf32> to vector<16xf32>
          %mul3A_1922 = arith.mulf %get3A_1921, %gather3A_1885 : vector<16xf32>
          %swap3A_1923 = arith.index_cast %add3A_1917 : i32 to index
          %swap3A_1924 = arith.constant 32 : index
          %swap3A_1925 = tpu.vector_load %arg13[%swap3A_1923, %swap3A_1924] {strides = array<i32>} : memref<128x128xf32, #tpu.memory_space<vmem>>, vector<1x16xf32>,
          %swap3A_1926 = vector.shape_cast %swap3A_1925 : vector<1x16xf32> to vector<16xf32>
          %swap3A_1927 = vector.shape_cast %mul3A_1922 : vector<16xf32> to vector<1x16xf32>
          tpu.vector_store %arg13[%swap3A_1923, %swap3A_1924], %swap3A_1927 {strides = array<i32>} : memref<128x128xf32, #tpu.memory_space<vmem>>, vector<1x16xf32>,
          %mul3A_1928 = arith.constant 16 : i32
          %mul3A_1929 = arith.muli %scan3A_139, %mul3A_1928 : i32
          %add3A_1930 = arith.constant 15 : i32
          %add3A_1931 = arith.addi %mul3A_1929, %add3A_1930 : i32
          %get3A_1932 = arith.index_cast %add3A_1931 : i32 to index
          %get3A_1933 = arith.constant 48 : index
          %get3A_1934 = tpu.vector_load %arg13[%get3A_1932, %get3A_1933] {strides = array<i32>} : memref<128x128xf32, #tpu.memory_space<vmem>>, vector<1x16xf32>,
          %get3A_1935 = vector.shape_cast %get3A_1934 : vector<1x16xf32> to vector<16xf32>
          %mul3A_1936 = arith.mulf %get3A_1935, %gather3A_1885 : vector<16xf32>
          %swap3A_1937 = arith.index_cast %add3A_1931 : i32 to index
          %swap3A_1938 = arith.constant 48 : index
          %swap3A_1939 = tpu.vector_load %arg13[%swap3A_1937, %swap3A_1938] {strides = array<i32>} : memref<128x128xf32, #tpu.memory_space<vmem>>, vector<1x16xf32>,
          %swap3A_1940 = vector.shape_cast %swap3A_1939 : vector<1x16xf32> to vector<16xf32>
          %swap3A_1941 = vector.shape_cast %mul3A_1936 : vector<16xf32> to vector<1x16xf32>
          tpu.vector_store %arg13[%swap3A_1937, %swap3A_1938], %swap3A_1941 {strides = array<i32>} : memref<128x128xf32, #tpu.memory_space<vmem>>, vector<1x16xf32>,
          %mul3A_1942 = arith.constant 16 : i32
          %mul3A_1943 = arith.muli %scan3A_139, %mul3A_1942 : i32
          %add3A_1944 = arith.constant 15 : i32
          %add3A_1945 = arith.addi %mul3A_1943, %add3A_1944 : i32
          %get3A_1946 = arith.index_cast %add3A_1945 : i32 to index
          %get3A_1947 = arith.constant 64 : index
          %get3A_1948 = tpu.vector_load %arg13[%get3A_1946, %get3A_1947] {strides = array<i32>} : memref<128x128xf32, #tpu.memory_space<vmem>>, vector<1x16xf32>,
          %get3A_1949 = vector.shape_cast %get3A_1948 : vector<1x16xf32> to vector<16xf32>
          %mul3A_1950 = arith.mulf %get3A_1949, %gather3A_1885 : vector<16xf32>
          %swap3A_1951 = arith.index_cast %add3A_1945 : i32 to index
          %swap3A_1952 = arith.constant 64 : index
          %swap3A_1953 = tpu.vector_load %arg13[%swap3A_1951, %swap3A_1952] {strides = array<i32>} : memref<128x128xf32, #tpu.memory_space<vmem>>, vector<1x16xf32>,
          %swap3A_1954 = vector.shape_cast %swap3A_1953 : vector<1x16xf32> to vector<16xf32>
          %swap3A_1955 = vector.shape_cast %mul3A_1950 : vector<16xf32> to vector<1x16xf32>
          tpu.vector_store %arg13[%swap3A_1951, %swap3A_1952], %swap3A_1955 {strides = array<i32>} : memref<128x128xf32, #tpu.memory_space<vmem>>, vector<1x16xf32>,
          %mul3A_1956 = arith.constant 16 : i32
          %mul3A_1957 = arith.muli %scan3A_139, %mul3A_1956 : i32
          %add3A_1958 = arith.constant 15 : i32
          %add3A_1959 = arith.addi %mul3A_1957, %add3A_1958 : i32
          %get3A_1960 = arith.index_cast %add3A_1959 : i32 to index
          %get3A_1961 = arith.constant 80 : index
          %get3A_1962 = tpu.vector_load %arg13[%get3A_1960, %get3A_1961] {strides = array<i32>} : memref<128x128xf32, #tpu.memory_space<vmem>>, vector<1x16xf32>,
          %get3A_1963 = vector.shape_cast %get3A_1962 : vector<1x16xf32> to vector<16xf32>
          %mul3A_1964 = arith.mulf %get3A_1963, %gather3A_1885 : vector<16xf32>
          %swap3A_1965 = arith.index_cast %add3A_1959 : i32 to index
          %swap3A_1966 = arith.constant 80 : index
          %swap3A_1967 = tpu.vector_load %arg13[%swap3A_1965, %swap3A_1966] {strides = array<i32>} : memref<128x128xf32, #tpu.memory_space<vmem>>, vector<1x16xf32>,
          %swap3A_1968 = vector.shape_cast %swap3A_1967 : vector<1x16xf32> to vector<16xf32>
          %swap3A_1969 = vector.shape_cast %mul3A_1964 : vector<16xf32> to vector<1x16xf32>
          tpu.vector_store %arg13[%swap3A_1965, %swap3A_1966], %swap3A_1969 {strides = array<i32>} : memref<128x128xf32, #tpu.memory_space<vmem>>, vector<1x16xf32>,
          %mul3A_1970 = arith.constant 16 : i32
          %mul3A_1971 = arith.muli %scan3A_139, %mul3A_1970 : i32
          %add3A_1972 = arith.constant 15 : i32
          %add3A_1973 = arith.addi %mul3A_1971, %add3A_1972 : i32
          %get3A_1974 = arith.index_cast %add3A_1973 : i32 to index
          %get3A_1975 = arith.constant 96 : index
          %get3A_1976 = tpu.vector_load %arg13[%get3A_1974, %get3A_1975] {strides = array<i32>} : memref<128x128xf32, #tpu.memory_space<vmem>>, vector<1x16xf32>,
          %get3A_1977 = vector.shape_cast %get3A_1976 : vector<1x16xf32> to vector<16xf32>
          %mul3A_1978 = arith.mulf %get3A_1977, %gather3A_1885 : vector<16xf32>
          %swap3A_1979 = arith.index_cast %add3A_1973 : i32 to index
          %swap3A_1980 = arith.constant 96 : index
          %swap3A_1981 = tpu.vector_load %arg13[%swap3A_1979, %swap3A_1980] {strides = array<i32>} : memref<128x128xf32, #tpu.memory_space<vmem>>, vector<1x16xf32>,
          %swap3A_1982 = vector.shape_cast %swap3A_1981 : vector<1x16xf32> to vector<16xf32>
          %swap3A_1983 = vector.shape_cast %mul3A_1978 : vector<16xf32> to vector<1x16xf32>
          tpu.vector_store %arg13[%swap3A_1979, %swap3A_1980], %swap3A_1983 {strides = array<i32>} : memref<128x128xf32, #tpu.memory_space<vmem>>, vector<1x16xf32>,
          %mul3A_1984 = arith.constant 16 : i32
          %mul3A_1985 = arith.muli %scan3A_139, %mul3A_1984 : i32
          %add3A_1986 = arith.constant 15 : i32
          %add3A_1987 = arith.addi %mul3A_1985, %add3A_1986 : i32
          %get3A_1988 = arith.index_cast %add3A_1987 : i32 to index
          %get3A_1989 = arith.constant 112 : index
          %get3A_1990 = tpu.vector_load %arg13[%get3A_1988, %get3A_1989] {strides = array<i32>} : memref<128x128xf32, #tpu.memory_space<vmem>>, vector<1x16xf32>,
          %get3A_1991 = vector.shape_cast %get3A_1990 : vector<1x16xf32> to vector<16xf32>
          %mul3A_1992 = arith.mulf %get3A_1991, %gather3A_1885 : vector<16xf32>
          %swap3A_1993 = arith.index_cast %add3A_1987 : i32 to index
          %swap3A_1994 = arith.constant 112 : index
          %swap3A_1995 = tpu.vector_load %arg13[%swap3A_1993, %swap3A_1994] {strides = array<i32>} : memref<128x128xf32, #tpu.memory_space<vmem>>, vector<1x16xf32>,
          %swap3A_1996 = vector.shape_cast %swap3A_1995 : vector<1x16xf32> to vector<16xf32>
          %swap3A_1997 = vector.shape_cast %mul3A_1992 : vector<16xf32> to vector<1x16xf32>
          tpu.vector_store %arg13[%swap3A_1993, %swap3A_1994], %swap3A_1997 {strides = array<i32>} : memref<128x128xf32, #tpu.memory_space<vmem>>, vector<1x16xf32>,
        }
        %scan3A_115 = arith.constant 8 : i32
        %dma_start3A_116 = arith.constant 0 : i32
        %dma_start3A_117 = tpu.memref_slice %arg10[%add3A_67, %dma_start3A_116] : memref<16x128xi32, #tpu.memory_space<vmem>> -> memref<1x128xi32, #tpu.memory_space<vmem>>
        %dma_start3A_118 = tpu.memref_squeeze %dma_start3A_117 : memref<1x128xi32, #tpu.memory_space<vmem>> -> memref<128xi32, #tpu.memory_space<vmem>>
        %dma_start3A_119 = arith.constant 0 : i32
        %dma_start3A_120 = arith.constant 0 : i32
        %dma_start3A_121 = tpu.memref_slice %arg8[%dma_start3A_119, %dma_start3A_120] : memref<10000x128xf32, #tpu.memory_space<vmem_shared>> -> memref<10000x128xf32, #tpu.memory_space<vmem_shared>>
        tpu.enqueue_indirect_dma source(%arg13 : memref<128x128xf32, #tpu.memory_space<vmem>>) target(%dma_start3A_121 : memref<10000x128xf32, #tpu.memory_space<vmem_shared>>) offsets(%dma_start3A_118 : memref<128xi32, #tpu.memory_space<vmem>>) semaphore(%arg17 : memref<!tpu.dma_semaphore, #tpu.memory_space<semaphore_mem>>) {add = true}
        %dma_wait3A_122 = arith.constant 0 : i32
        %dma_wait3A_123 = arith.constant 0 : i32
        %dma_wait3A_124 = tpu.memref_slice %arg10[%dma_wait3A_122, %dma_wait3A_123] : memref<16x128xi32, #tpu.memory_space<vmem>> -> memref<1x128xi32, #tpu.memory_space<vmem>>
        %dma_wait3A_125 = tpu.memref_squeeze %dma_wait3A_124 : memref<1x128xi32, #tpu.memory_space<vmem>> -> memref<128xi32, #tpu.memory_space<vmem>>
        %dma_wait3A_126 = arith.constant 0 : i32
        %dma_wait3A_127 = arith.constant 0 : i32
        %dma_wait3A_128 = tpu.memref_slice %arg8[%dma_wait3A_126, %dma_wait3A_127] : memref<10000x128xf32, #tpu.memory_space<vmem_shared>> -> memref<10000x128xf32, #tpu.memory_space<vmem_shared>>
        tpu.wait_indirect_dma semaphore(%arg17 : memref<!tpu.dma_semaphore, #tpu.memory_space<semaphore_mem>>) src(%arg13 : memref<128x128xf32, #tpu.memory_space<vmem>>) dst(%dma_wait3A_128 : memref<10000x128xf32, #tpu.memory_space<vmem_shared>>)
        %add3A_129 = arith.constant 2 : i32
        %add3A_130 = arith.addi %add3A_67, %add3A_129 : i32
        %min3A_131 = arith.constant 15 : i32
        %min3A_132 = arith.minsi %add3A_130, %min3A_131 : i32
        %mul3A_133 = arith.constant 128 : i32
        %mul3A_134 = arith.muli %min3A_132, %mul3A_133 : i32
        %dma_start3A_135 = tpu.memref_slice %arg9[%mul3A_134] : memref<2048xi32, #tpu.memory_space<vmem>> -> memref<128xi32, #tpu.memory_space<vmem>>
        %dma_start3A_136 = arith.constant 0 : i32
        %dma_start3A_137 = arith.constant 0 : i32
        %dma_start3A_138 = tpu.memref_slice %arg5[%dma_start3A_136, %dma_start3A_137] : memref<10000x128xf32, #tpu.memory_space<hbm>> -> memref<10000x128xf32, #tpu.memory_space<hbm>>
        tpu.enqueue_indirect_dma source(%dma_start3A_138 : memref<10000x128xf32, #tpu.memory_space<hbm>>) target(%arg13 : memref<128x128xf32, #tpu.memory_space<vmem>>) offsets(%dma_start3A_135 : memref<128xi32, #tpu.memory_space<vmem>>) semaphore(%arg15 : memref<!tpu.dma_semaphore, #tpu.memory_space<semaphore_mem>>)
      }
      %scan3A_53 = arith.constant 8 : i32
      %dma_wait3A = arith.constant 0 : i32
      %dma_wait3A_54 = tpu.memref_slice %arg9[%dma_wait3A] : memref<2048xi32, #tpu.memory_space<vmem>> -> memref<128xi32, #tpu.memory_space<vmem>>
      %dma_wait3A_55 = arith.constant 0 : i32
      %dma_wait3A_56 = arith.constant 0 : i32
      %dma_wait3A_57 = tpu.memref_slice %arg5[%dma_wait3A_55, %dma_wait3A_56] : memref<10000x128xf32, #tpu.memory_space<hbm>> -> memref<10000x128xf32, #tpu.memory_space<hbm>>
      tpu.wait_indirect_dma semaphore(%arg14 : memref<!tpu.dma_semaphore, #tpu.memory_space<semaphore_mem>>) src(%dma_wait3A_57 : memref<10000x128xf32, #tpu.memory_space<hbm>>) dst(%arg12 : memref<128x128xf32, #tpu.memory_space<vmem>>)
      %dma_wait3A_58 = arith.constant 0 : i32
      %dma_wait3A_59 = tpu.memref_slice %arg9[%dma_wait3A_58] : memref<2048xi32, #tpu.memory_space<vmem>> -> memref<128xi32, #tpu.memory_space<vmem>>
      %dma_wait3A_60 = arith.constant 0 : i32
      %dma_wait3A_61 = arith.constant 0 : i32
      %dma_wait3A_62 = tpu.memref_slice %arg5[%dma_wait3A_60, %dma_wait3A_61] : memref<10000x128xf32, #tpu.memory_space<hbm>> -> memref<10000x128xf32, #tpu.memory_space<hbm>>
      tpu.wait_indirect_dma semaphore(%arg15 : memref<!tpu.dma_semaphore, #tpu.memory_space<semaphore_mem>>) src(%dma_wait3A_62 : memref<10000x128xf32, #tpu.memory_space<hbm>>) dst(%arg13 : memref<128x128xf32, #tpu.memory_space<vmem>>)
    }
    %scan3A_9 = arith.constant 5 : i32
    %barrier3A_10 = arith.constant 0 : index
    tpu.barrier barrier_id(%barrier3A_10)
    %mul3A_11 = arith.constant 624 : i32
    %mul3A_12 = arith.muli %arg1, %mul3A_11 : i32
    %mul3A_13 = arith.constant 10000 : i32
    %mul3A_14 = arith.muli %arg0, %mul3A_13 : i32
    %mul3A_15 = arith.constant 624 : i32
    %mul3A_16 = arith.muli %arg1, %mul3A_15 : i32
    %add3A = arith.addi %mul3A_14, %mul3A_16 : i32
    "tpu.region"() ({
      %run_scoped3A = tpu.sem_alloc : memref<!tpu.dma_semaphore, #tpu.memory_space<semaphore_mem>>
      %dma_start3A = arith.constant 0 : i32
      %dma_start3A_22 = tpu.memref_slice %arg7[%add3A, %dma_start3A] : memref<20000x128xf32, #tpu.memory_space<hbm>> -> memref<624x128xf32, #tpu.memory_space<hbm>>
      %dma_start3A_23 = arith.constant 0 : i32
      %dma_start3A_24 = tpu.memref_slice %arg8[%mul3A_12, %dma_start3A_23] : memref<10000x128xf32, #tpu.memory_space<vmem_shared>> -> memref<624x128xf32, #tpu.memory_space<vmem_shared>>
      tpu.enqueue_dma source(%dma_start3A_24 : memref<624x128xf32, #tpu.memory_space<vmem_shared>>) target(%dma_start3A_22 : memref<624x128xf32, #tpu.memory_space<hbm>>) target_semaphore(%run_scoped3A : memref<!tpu.dma_semaphore, #tpu.memory_space<semaphore_mem>>)
      %dma_wait3A = arith.constant 0 : i32
      %dma_wait3A_25 = tpu.memref_slice %arg7[%add3A, %dma_wait3A] : memref<20000x128xf32, #tpu.memory_space<hbm>> -> memref<624x128xf32, #tpu.memory_space<hbm>>
      %dma_wait3A_26 = arith.constant 0 : i32
      %dma_wait3A_27 = tpu.memref_slice %arg8[%mul3A_12, %dma_wait3A_26] : memref<10000x128xf32, #tpu.memory_space<vmem_shared>> -> memref<624x128xf32, #tpu.memory_space<vmem_shared>>
      tpu.wait_dma2 semaphore(%run_scoped3A : memref<!tpu.dma_semaphore, #tpu.memory_space<semaphore_mem>>) src(%dma_wait3A_27 : memref<624x128xf32, #tpu.memory_space<vmem_shared>>) dst(%dma_wait3A_25 : memref<624x128xf32, #tpu.memory_space<hbm>>)
      tpu.yield
    }) : () -> ()
    %eq3A_17 = arith.constant 0 : i32
    %eq3A_18 = arith.cmpi eq, %arg1, %eq3A_17 : i32
    %convert_element_type3A_19 = arith.extui %eq3A_18 : i1 to i32
    %cond3A_20 = arith.constant 0 : i32
    %cond3A_21 = arith.cmpi ne, %convert_element_type3A_19, %cond3A_20 : i32
    scf.if %cond3A_21 {
      %mul3A_22 = arith.constant 10000 : i32
      %mul3A_23 = arith.muli %arg0, %mul3A_22 : i32
      %add3A_24 = arith.constant 9984 : i32
      %add3A_25 = arith.addi %mul3A_23, %add3A_24 : i32
      "tpu.region"() ({
        %run_scoped3A = tpu.sem_alloc : memref<!tpu.dma_semaphore, #tpu.memory_space<semaphore_mem>>
        %dma_start3A = arith.constant 0 : i32
        %dma_start3A_26 = tpu.memref_slice %arg7[%add3A_25, %dma_start3A] : memref<20000x128xf32, #tpu.memory_space<hbm>> -> memref<16x128xf32, #tpu.memory_space<hbm>>
        %dma_start3A_27 = arith.constant 9984 : i32
        %dma_start3A_28 = arith.constant 0 : i32
        %dma_start3A_29 = tpu.memref_slice %arg8[%dma_start3A_27, %dma_start3A_28] : memref<10000x128xf32, #tpu.memory_space<vmem_shared>> -> memref<16x128xf32, #tpu.memory_space<vmem_shared>>
        tpu.enqueue_dma source(%dma_start3A_29 : memref<16x128xf32, #tpu.memory_space<vmem_shared>>) target(%dma_start3A_26 : memref<16x128xf32, #tpu.memory_space<hbm>>) target_semaphore(%run_scoped3A : memref<!tpu.dma_semaphore, #tpu.memory_space<semaphore_mem>>)
        %dma_wait3A = arith.constant 0 : i32
        %dma_wait3A_30 = tpu.memref_slice %arg7[%add3A_25, %dma_wait3A] : memref<20000x128xf32, #tpu.memory_space<hbm>> -> memref<16x128xf32, #tpu.memory_space<hbm>>
        %dma_wait3A_31 = arith.constant 9984 : i32
        %dma_wait3A_32 = arith.constant 0 : i32
        %dma_wait3A_33 = tpu.memref_slice %arg8[%dma_wait3A_31, %dma_wait3A_32] : memref<10000x128xf32, #tpu.memory_space<vmem_shared>> -> memref<16x128xf32, #tpu.memory_space<vmem_shared>>
        tpu.wait_dma2 semaphore(%run_scoped3A : memref<!tpu.dma_semaphore, #tpu.memory_space<semaphore_mem>>) src(%dma_wait3A_33 : memref<16x128xf32, #tpu.memory_space<vmem_shared>>) dst(%dma_wait3A_30 : memref<16x128xf32, #tpu.memory_space<hbm>>)
        tpu.yield
      }) : () -> ()
    } else {
    }
    return
  }
}

module attributes {stable_mosaic.version = 14 : i64} {
  func.func @_tc_finish_body(%arg0: i32, %arg1: memref<1xf32, #tpu.memory_space<smem>>, %arg2: memref<2x1000x128xf32, #tpu.memory_space<vmem>>, %arg3: memref<1000x128xf32, #tpu.memory_space<vmem>>, %arg4: memref<128x128xf32, #tpu.memory_space<vmem>>, %arg5: memref<1000x128xf32, #tpu.memory_space<vmem>>) attributes {dimension_semantics = [#tpu.dimension_semantics<arbitrary>], iteration_bounds = array<i64: 10>, scalar_prefetch = 0 : i64, scratch_operands = 0 : i64, tpu.core_type = #tpu.core_type<tc>, window_params = [{transform_indices = @transform_0, window_bounds = array<i64: 1>}, {transform_indices = @transform_1, window_bounds = array<i64: 2, 1000, 128>}, {transform_indices = @transform_2, window_bounds = array<i64: 1000, 128>}, {pipeline_mode = #tpu.pipeline_mode<synchronous>, transform_indices = @transform_3, window_bounds = array<i64: 128, 128>}, {transform_indices = @transform_4, window_bounds = array<i64: 1000, 128>}]} {
    %get3A = arith.constant 0 : index
    %get3A_0 = memref.load %arg1[%get3A] : memref<1xf32, #tpu.memory_space<smem>>
    %sub3A = arith.constant 1.000000e+00 : f32
    %sub3A_1 = arith.subf %sub3A, %get3A_0 : f32
    %get3A_2 = arith.constant 0 : index
    %get3A_3 = arith.constant 0 : index
    %get3A_4 = arith.constant 0 : index
    %get3A_5 = vector.load %arg2[%get3A_2, %get3A_3, %get3A_4] : memref<2x1000x128xf32, #tpu.memory_space<vmem>>, vector<1x1000x128xf32>
    %get3A_6 = vector.shape_cast %get3A_5 : vector<1x1000x128xf32> to vector<1000x128xf32>
    %get3A_7 = arith.constant 1 : index
    %get3A_8 = arith.constant 0 : index
    %get3A_9 = arith.constant 0 : index
    %get3A_10 = vector.load %arg2[%get3A_7, %get3A_8, %get3A_9] : memref<2x1000x128xf32, #tpu.memory_space<vmem>>, vector<1x1000x128xf32>
    %get3A_11 = vector.shape_cast %get3A_10 : vector<1x1000x128xf32> to vector<1000x128xf32>
    %add3A = arith.addf %get3A_6, %get3A_11 : vector<1000x128xf32>
    %mul3A = vector.broadcast %sub3A_1 : f32 to vector<1000x128xf32>
    %mul3A_12 = arith.mulf %mul3A, %add3A : vector<1000x128xf32>
    %get3A_13 = arith.constant 0 : index
    %get3A_14 = arith.constant 0 : index
    %get3A_15 = vector.load %arg3[%get3A_13, %get3A_14] : memref<1000x128xf32, #tpu.memory_space<vmem>>, vector<1000x128xf32>
    %mul3A_16 = vector.broadcast %get3A_0 : f32 to vector<1000x128xf32>
    %mul3A_17 = arith.mulf %mul3A_16, %get3A_15 : vector<1000x128xf32>
    %add3A_18 = arith.addf %mul3A_12, %mul3A_17 : vector<1000x128xf32>
    %get3A_19 = arith.constant 0 : index
    %get3A_20 = arith.constant 0 : index
    %get3A_21 = vector.load %arg4[%get3A_19, %get3A_20] : memref<128x128xf32, #tpu.memory_space<vmem>>, vector<128x128xf32>
    %dot_general3A = arith.constant dense<0.000000e+00> : vector<1000x128xf32>
    %dot_general3A_22 = tpu.matmul %add3A_18, %get3A_21, %dot_general3A {dimension_numbers = #tpu.dot_dimension_numbers<[1], [0], [0], [1], [0, 0, 1, 1], [], []>, transpose_lhs_hint = false} : vector<1000x128xf32>, vector<128x128xf32>, vector<1000x128xf32> -> vector<1000x128xf32>
    %swap3A = arith.constant 0 : index
    %swap3A_23 = arith.constant 0 : index
    %swap3A_24 = vector.load %arg5[%swap3A, %swap3A_23] : memref<1000x128xf32, #tpu.memory_space<vmem>>, vector<1000x128xf32>
    tpu.vector_store %arg5[%swap3A, %swap3A_23], %dot_general3A_22 {strides = array<i32>} : memref<1000x128xf32, #tpu.memory_space<vmem>>, vector<1000x128xf32>,
    return
  }
  func.func @transform_0(%arg0: i32) -> i32 {
    %c0_i32 = arith.constant 0 : i32
    %c0_i32_0 = arith.constant 0 : i32
    return %c0_i32 : i32
  }
  func.func @transform_1(%arg0: i32) -> (i32, i32, i32) {
    %c0_i32 = arith.constant 0 : i32
    %c0_i32_0 = arith.constant 0 : i32
    %c0_i32_1 = arith.constant 0 : i32
    return %c0_i32, %arg0, %c0_i32_0 : i32, i32, i32
  }
  func.func @transform_2(%arg0: i32) -> (i32, i32) {
    %c0_i32 = arith.constant 0 : i32
    %c0_i32_0 = arith.constant 0 : i32
    return %arg0, %c0_i32 : i32, i32
  }
  func.func @transform_3(%arg0: i32) -> (i32, i32) {
    %c0_i32 = arith.constant 0 : i32
    %c0_i32_0 = arith.constant 0 : i32
    %c0_i32_1 = arith.constant 0 : i32
    return %c0_i32, %c0_i32_0 : i32, i32
  }
  func.func @transform_4(%arg0: i32) -> (i32, i32) {
    %c0_i32 = arith.constant 0 : i32
    %c0_i32_0 = arith.constant 0 : i32
    return %arg0, %c0_i32 : i32, i32
  }
}

</mosaic_0001>

<sc_bundles>
// kernel: kernel.4.cloned.1.call-start
scs
__scs_entry_jumppad:
0x0: {  	(pc) =	sbr.rel $0x88, $3  }
0x1: {  	(tag) =	ssettag $0x0;
	lr =	simm.s32 $0x1  }
0x2: {  	[smem:$0x3F9C] =	sst lr;
	_ =	strace $0xD0000000  }
0x3: {  	_ = 	snop  }
0x4: {  	_ = 	snop  }
0x5: {  	_ = 	snop  }
0x6: {  	_ = 	snop  }
0x7: {  	_ = 	snop  }
__scs_overlays_trampoline_lowered:
0x8: {  	[smem:$0x3FAB] =	sst s0  }
0x9: {  	[smem:$0x3FAC] =	sst s1  }
0xa: {  	[smem:$0x3FAD] =	sst s2  }
0xb: {  	[smem:$0x3FAE] =	sst s3  }
0xc: {  	[smem:$0x3FAF] =	sst s4  }
0xd: {  	[smem:$0x3FB0] =	sst s5  }
0xe: {  	[smem:$0x3FB1] =	sst s6  }
0xf: {  	[smem:$0x3FB2] =	sst s7  }
0x10: {  	[smem:$0x3FB3] =	sst s8  }
0x11: {  	[smem:$0x3FB4] =	sst s9;
	s0 =	simm.s32 @!p0 $0x0  }
0x12: {  	s1 =	sld [smem:$0x3F9A];
	s0 =	simm.s32 @p0 $0x1  }
0x13: {  	[smem:$0x3FB5] =	sst s0;
	s0 =	simm.s32 @!p1 $0x0  }
0x14: {  	s2 =	sld [smem:$0x3F99];
	s0 =	simm.s32 @p1 $0x1  }
0x15: {  	[smem:$0x3FB6] =	sst s0;
	s0 =	simm.s32 @!p2 $0x0  }
0x16: {  	s3 =	sld [smem:$0x3FDB];
	s0 =	simm.s32 @p2 $0x1  }
0x17: {  	s4 =	simm.s32 $0x1BF5;
	[smem:$0x3FB8] =	sst s0  }
0x18: {  	s0 =	sld [smem:$0x3F9B];
	_ =	swait.ge [sflag:s4], $0x0  }
0x19: {  	s7 =	sld [smem:$0x3F9C]  }
0x1a: {  	s8 =	sadd.s32 $0xFFFFE003, lr  }
0x1b: {  	s9 =	sadd.s32 $0xFFFFFEF7, lr;
	s5 =	simm.s32 $0xFFFFFFFF;
	p2 =	slt.u32 s8, $0xFFFFF086  }
0x1c: {  	p1 =	slt.u32 s9, $0xF7A;
	s5 =	simm.s32 @!p2 $0x0  }
0x1d: {  	s5 =	simm.s32 @p1 $0x1;
	p0 =	seq.s32 s7, s2  }
0x1e: {  	s7 =	smul.u32 @!p0 $0xF7A, s2;
	p2 =	seq.s32 @!p0 s5, $0x0  }
0x1f: {  	s9 =	smul.u32 $0xF7A, s1;
	s8 =	simm.s32 @!p0 $0x1BF5;
	p2 =	por !p2, p0  }
0x20: {  	[sflag:s8] =	ssyncset.s32 @!p0 $0xFFFFF086;
	s6 =	sadd.s32 @!p0 s3, s7;
	s7 =	simm.s32 @!p0 $0x108  }
0x21: {  	s3 =	sadd.s32 s3, s9;
	s6 =	sadd.s32 @!p0 $0x88, s6;
	s7 =	simm.s32 @p2 $0x1082  }
0x22: {  	[simem:s7], [sflag:s8] =	dma.local @!p0 [hbm:s6], $0xF7A  }
0x23: {  	s9 =	sor.u32 $0xD0000000, s2;
	s6 =	simm.s32 $0x108;
	_ =	swait.ge @!p0 [sflag:s8], $0x0  }
0x24: {  	s3 =	sadd.s32 $0x88, s3;
	s6 =	simm.s32 @!p1 $0x1082;
	[sflag:s4] =	ssyncset.s32 $0xFFFFF086  }
0x25: {  	[simem:s6], [sflag:s4] =	dma.local [hbm:s3], $0xF7A  }
0x26: {  	[smem:$0x3F9C] =	sst s1;
	(tag) =	ssettag s2;
	_ =	strace s9  }
0x27: {  	s1 =	sld [smem:$0x3FAC]  }
0x28: {  	s2 =	sld [smem:$0x3FAD]  }
0x29: {  	s4 =	sld [smem:$0x3FAF]  }
0x2a: {  	p0 =	seq.s32 s5, $0x0;
	s5 =	sld [smem:$0x3FB0]  }
0x2b: {  	s6 =	sld [smem:$0x3FB1]  }
0x2c: {  	s7 =	sld [smem:$0x3FB2]  }
0x2d: {  	s3 =	simm.s32 $0x108;
	s8 =	sld [smem:$0x3FB3]  }
0x2e: {  	s3 =	simm.s32 @!p0 $0x1082;
	s9 =	sld [smem:$0x3FB4]  }
0x2f: {  	lr =	sadd.s32 s0, s3;
	s0 =	sld [smem:$0x3FAB]  }
0x30: {  	s3 =	sld [smem:$0x3FAE]  }
0x31: {  	[smem:$0x3FB7] =	sst s10  }
0x32: {  	s10 =	sld [smem:$0x3FB5];
	_ =	sdelay $0x3  }
0x33: {  	p0 =	seq.s32 s10, $0x1;
	s10 =	sld [smem:$0x3FB7];
	_ =	sdelay $0x3  }
0x34: {  	[smem:$0x3FB7] =	sst s10  }
0x35: {  	s10 =	sld [smem:$0x3FB6];
	_ =	sdelay $0x3  }
0x36: {  	p1 =	seq.s32 s10, $0x1;
	s10 =	sld [smem:$0x3FB7];
	_ =	sdelay $0x3  }
0x37: {  	[smem:$0x3FB7] =	sst s10  }
0x38: {  	s10 =	sld [smem:$0x3FB8]  }
0x39: {  	_ = 	snop;
	(pc) =	sbr.ind lr, $3  }
0x3a: {  	_ = 	snop  }
0x3b: {  	_ = 	snop  }
0x3c: {  	p2 =	seq.s32 s10, $0x1;
	s10 =	sld [smem:$0x3FB7]  }
0x3d: {  	_ =	shalt  }
0x3e: {  	_ =	shalt  }
0x3f: {  	_ =	shalt  }
0x40: {  	_ =	shalt  }
0x41: {  	_ =	shalt  }
0x42: {  	_ =	shalt  }
0x43: {  	_ =	shalt  }
0x44: {  	_ =	shalt  }
0x45: {  	_ =	shalt  }
0x46: {  	_ =	shalt  }
0x47: {  	_ =	shalt  }
0x48: {  	_ =	shalt  }
0x49: {  	_ =	shalt  }
0x4a: {  	_ =	shalt  }
0x4b: {  	_ =	shalt  }
0x4c: {  	_ =	shalt  }
0x4d: {  	_ =	shalt  }
0x4e: {  	_ =	shalt  }
0x4f: {  	_ =	shalt  }
0x50: {  	_ =	shalt  }
0x51: {  	_ =	shalt  }
0x52: {  	_ =	shalt  }
0x53: {  	_ =	shalt  }
0x54: {  	_ =	shalt  }
0x55: {  	_ =	shalt  }
0x56: {  	_ =	shalt  }
0x57: {  	_ =	shalt  }
0x58: {  	_ =	shalt  }
0x59: {  	_ =	shalt  }
0x5a: {  	_ =	shalt  }
0x5b: {  	_ =	shalt  }
0x5c: {  	_ =	shalt  }
0x5d: {  	_ =	shalt  }
0x5e: {  	_ =	shalt  }
0x5f: {  	_ =	shalt  }
0x60: {  	_ =	shalt  }
0x61: {  	_ =	shalt  }
0x62: {  	_ =	shalt  }
0x63: {  	_ =	shalt  }
0x64: {  	_ =	shalt  }
0x65: {  	_ =	shalt  }
0x66: {  	_ =	shalt  }
0x67: {  	_ =	shalt  }
0x68: {  	_ =	shalt  }
0x69: {  	_ =	shalt  }
0x6a: {  	_ =	shalt  }
0x6b: {  	_ =	shalt  }
0x6c: {  	_ =	shalt  }
0x6d: {  	_ =	shalt  }
0x6e: {  	_ =	shalt  }
0x6f: {  	_ =	shalt  }
0x70: {  	_ =	shalt  }
0x71: {  	_ =	shalt  }
0x72: {  	_ =	shalt  }
0x73: {  	_ =	shalt  }
0x74: {  	_ =	shalt  }
0x75: {  	_ =	shalt  }
0x76: {  	_ =	shalt  }
0x77: {  	_ =	shalt  }
0x78: {  	_ =	shalt  }
0x79: {  	_ =	shalt  }
0x7a: {  	_ =	shalt  }
0x7b: {  	_ =	shalt  }
0x7c: {  	_ =	shalt  }
0x7d: {  	_ =	shalt  }
0x7e: {  	_ =	shalt  }
0x7f: {  	_ =	shalt  }
0x80: {  	_ =	shalt  }
0x81: {  	_ =	shalt  }
0x82: {  	_ =	shalt  }
0x83: {  	_ =	shalt  }
0x84: {  	_ =	shalt  }
0x85: {  	_ =	shalt  }
0x86: {  	_ =	shalt  }
0x87: {  	_ =	shalt  }
.Lfunc_end0:
.L_simem_size_0:
called_computation_lowered:
.L_overlay_start_0:
0x88: {  	s2 =	sld [smem:$0x3FD9]  }
0x89: {  	s3 =	sld [smem:$0x3FFE];
	_ =	sdelay $0x1  }
0x8a: {  	s1 =	srdreg.scid  }
0x8b: {  	s0 =	sand.u32 $0x1, s1  }
0x8c: {  	s17 =	sshll.u32 s0, $0xA;
	s2 =	sadd.s32 s3, s2  }
0x8d: {  	s2 =	sadd.s32 s2, s17  }
0x8e: {  	[smem:$0x3FC3] =	sst s2  }
0x8f: {  	_ = 	snop  }
0x90: {  	s2 =	sld [smem:$0x3FC7]  }
0x91: {  	s18 =	sld [smem:$0x3FD0];
	(tm) =	ssettm $0x1  }
0x92: {  	s4 =	sld [smem:$0x3FFB];
	_ =	sdelay $0x3  }
0x93: {  	_ =	strace s4  }
0x94: {  	s4 =	sld [smem:$0x3FFC];
	_ =	sdelay $0x3  }
0x95: {  	_ =	strace s4  }
0x96: {  	s4 =	sld [smem:$0x3FFD];
	_ =	sdelay $0x3  }
0x97: {  	_ =	strace s4  }
0x98: {  	_ =	strace $0x8FFFFFFF  }
0x99: {  	s19 =	sld [smem:$0x3FDB];
	_ =	sdelay $0x1  }
0x9a: {  	s5 =	simm.s32 $_scs_section_size  }
0x9b: {  	s6 =	simm.s32 $_size__tile_overlayer_lowered;
	s7 =	simm.s32 $_tile_overlayer_lowered  }
0x9c: {  	s22 =	simm.s32 $0x1BFF;
	s21 =	sshll.u32 s7, $0x1;
	s4 =	sadd.s32 s5, s19  }
0x9d: {  	s8 =	simm.s32 $0x0;
	s20 =	sshll.u32 s6, $0x1;
	s6 =	sadd.s32 s21, s4  }
0x9e: {  	[timem:s8], [sflag:s22] =	dma.local [hbm:s6], s20  }
0x9f: {  	_ =	swait.ge [sflag:s22], s20  }
0xa0: {  	s5 =	ssub.s32 $0x0, s20;
	[sflag:s22] =	ssyncset.done $0x0  }
0xa1: {  	[sflag:s22] =	ssyncadd.s32 s5;
	_ =	sdelay $0x1  }
0xa2: {  	s23 =	simm.s32 $0x1B8B  }
0xa3: {  	_ =	swait.ge [sflag:s23], $0x1  }
0xa4: {  	[sflag:s23] =	ssyncset.done $0x0  }
0xa5: {  	s25 =	simm.s32 $0x1B8E;
	s24 =	sld [smem:$0x3FFE];
	[sflag:s23] =	ssyncadd.s32 $0xFFFFFFFF  }
0xa6: {  	s26 =	simm.s32 $execute0_lowered;
	[smem:$0x3FD2] =	sst s25  }
0xa7: {  	s6 =	sshll.u32 s26, $0x1;
	_ =	strace $0x80000046;
	[dreg:$0x1] =	wrdreg $0xFFFFFFFF  }
0xa8: {  	s28 =	simm.s32 $_size_execute0_lowered;
	s4 =	sadd.s32 s4, s6;
	[dreg:$0x0] =	wrdreg $0x0  }
0xa9: {  	s6 =	sshll.u32 s28, $0x1;
	[dreg:$0x2] =	wrdreg s4  }
0xaa: {  	[dreg:$0x3] =	wrdreg s6  }
0xab: {  	[dreg:$0x4] =	wrdreg $0xC0  }
0xac: {  	_ =	task [dreg:s8], $0x5FFFF  }
0xad: {  	[dreg:$0x1] =	wrdreg $0xFFFFFFFF  }
0xae: {  	[dreg:$0x0] =	wrdreg $0x60  }
0xaf: {  	[dreg:$0x2] =	wrdreg s24  }
0xb0: {  	[dreg:$0x3] =	wrdreg s2  }
0xb1: {  	[dreg:$0x4] =	wrdreg s18  }
0xb2: {  	[dreg:$0x5] =	wrdreg $0x0  }
0xb3: {  	[dreg:$0x6] =	wrdreg $0x9  }
0xb4: {  	_ =	task.clear_ibuf [dreg:s8], $0x7FFFF;
	_ =	strace $0x90000046  }
0xb5: {  	s29 =	simm.s32 $0x9;
	_ =	strace $0x80000048  }
0xb6: {  	_ =	swait.ge [sflag:s29], $0x1  }
0xb7: {  	[sflag:s29] =	ssyncadd.s32 $0xFFFFFFFF  }
0xb8: {  	_ =	strace $0x90000048  }
0xb9: {  	_ =	sfence  }
0xba: {  	s30 =	sld [smem:$0x0];
	_ =	sdelay $0x2  }
0xbb: {  	s31 =	sshll.u32 s1, $0xD;
	s1 =	sshrl.u32 s1, $0x2  }
0xbc: {  	s3 =	sand.u32 $0x4000, s31;
	s1 =	sadd.s32 s1, s30  }
0xbd: {  	s0 =	sor.u32 s3, s0;
	s1 =	sshll.u32 s1, $0x11  }
0xbe: {  	s0 =	sor.u32 s1, s0  }
0xbf: {  	s0 =	sadd.s32 $0x8F2B, s0  }
0xc0: {  	[sflag:s0] =	ssyncadd.remote.s32 $0x1  }
0xc1: {  	_ =	sfence.sel $0xFFFF  }
0xc2: {  	[dreg:$0x0] =	wrdreg $0xFFFFFFFF;
	(pc) =	sbr.abs _section_cstart, $3  }
0xc3: {  	[dreg:$0x1] =	wrdreg $0xFFFFFFFF  }
0xc4: {  	_ =	task.clear_ibuf [dreg:s8], $0x2FFFF;
	_ =	strace $0x9FFFFFFF  }
0xc5: {  	(tm) =	ssettm $0x7FFFFFFF  }
tec
execute0_lowered:
.L_overlay_start_1:
0x0: {  	(tag) =	ssettag $0x1  }
0x1: {  	s0 =	rddreg [dreg:$0x0]  }
0x2: {  	s1 =	rddreg [dreg:$0x1]  }
0x3: {  	s7 =	rddreg [dreg:$0x2]  }
0x4: {  	s2 =	rddreg [dreg:$0x3];
	s3 =	simm.s32 $0x0;
	s6 =	srdreg.scid  }
0x5: {  	s9 =	stileid.u32;
	s18 =	simm.s32 $0x14880;
	s19 =	simm.s32 $0x14080  }
0x6: {  	s20 =	simm.s32 $0x80;
	s21 =	simm.s32 $0x15080;
	s22 =	simm.s32 $0x13900  }
0x7: {  	s28 =	simm.s32 $0x4;
	[smem:$0x7FF] =	sst s3;
	s4 =	sadd.s32 $0x14C00, s0  }
0x8: {  	s5 =	sadd.s32 $0xAC00, s0;
	s10 =	sand.u32 $0x1, s6;
	s8 =	smul.u32 $0x4E000, s9  }
0x9: {  	s6 =	sadd.s32 $0xC00, s0;
	s0 =	sadd.s32 $0x1EC00, s0;
	s13 =	smul.u32 $0x2700, s9  }
0xa: {  	s23 =	sshll.u32 s9, $0x6;
	s16 =	sadd.s32 $0x138000, s2;
	p0 =	sne.s32 s9, $0x0  }
0xb: {  	_ =	strace $0x80000047;
	s11 =	ssub.s32 $0x2, s10;
	s25 =	smul.u32 $0x138800, s10  }
0xc: {  	s26 =	sshll.u32 s10, $0x4;
	s17 =	smul.u32 $0x27100, s10;
	s16 =	sshrl.u32 @!p0 s16, $0x3  }
0xd: {  	s12 =	sshrl.u32 s11, $0x1;
	s8 =	sshrl.u32 s8, $0x2;
	s24 =	sadd.s32 s7, s13  }
0xe: {  	s7 =	sadd.s32 $0x27000, s7;
	s29 =	sor.u32 s9, s26;
	s26 =	simm.s32 $0x2  }
0xf: {  	v0 =	vimm.s32 $0x0;
	s14 =	ssub.s32 s11, s12;
	s15 =	sadd.s32 s8, s2;
	[dreg:$0x5] =	wrdreg s24  }
0x10: {  	v1 =	vimm.s32 $0x1;
	v2 =	vimm.s32 $0x2;
	v3 =	vimm.s32 $0x3;
	s8 =	sor.u32 $0x1C05, s23;
	[dreg:$0x6] =	wrdreg s7;
	s11 =	sshrl.u32 s25, $0x3  }
0x11: {  	v4 =	vimm.s32 $0x4;
	v5 =	vimm.s32 $0x5;
	v6 =	vimm.s32 $0x6;
	s10 =	smul.u32 $0x5, s29;
	s30 =	sadd.s32 s13, s17;
	s17 =	simm.s32 $0x13880  }
0x12: {  	v7 =	vimm.s32 $0x7;
	v8 =	vimm.s32 $0x8;
	v9 =	vimm.s32 $0x9;
	s23 =	simm.s32 $0x19080;
	s24 =	simm.s32 $0x1;
	s25 =	simm.s32 $0x3  }
0x13: {  	v10 =	vimm.s32 $0xA;
	v11 =	vimm.s32 $0xB;
	v12 =	vimm.s32 $0xC;
	s31 =	sadd.s32 s0, s11;
	s11 =	sadd.s32 s0, s30;
	s13 =	smax.u32 s14, $0x1  }
0x14: {  	v13 =	vimm.s32 $0xD;
	v14 =	vimm.s32 $0xE;
	v15 =	vimm.s32 $0xF;
	s14 =	sshrl.u32 s15, $0x3;
	s15 =	simm.s32 $0x5;
	s12 =	sadd.s32 $0x27000, s31  }
.LBB2_1:
0x15: {  	s0 =	rddreg [dreg:$0x5]  }
0x16: {  	[spmem:s14], [sflag:s8] =	dma.local [hbm:s0], $0x2700  }
0x17: {  	_ =	swait.ge [sflag:s15], $0x2700  }
0x18: {  	[sflag:s15] =	ssyncset.done $0x0  }
0x19: {  	s0 =	rddreg [dreg:$0x6];
	[sflag:s15] =	ssyncadd.s32 $0xFFFFD900  }
0x1a: {  	[spmem:s16], [sflag:s8] =	dma.local @!p0 [hbm:s0], $0x100  }
0x1b: {  	s0 =	simm.s32 @!p0 $0x5  }
0x1c: {  	_ =	swait.ge @!p0 [sflag:s0], $0x100  }
0x1d: {  	[sflag:s0] =	ssyncset.done @!p0 $0x0  }
0x1e: {  	[sflag:s0] =	ssyncadd.s32 @!p0 $0xFFFFFF00  }
0x1f: {  	s29 =	simm.s32 $0x0;
	[bflag:$0x0] =	sbarrier.arrive $0xFFFF  }
.LBB2_2:
0x20: {  	s0 =	sadd.s32 s10, s29  }
0x21: {  	s0 =	sshll.u32 s0, $0x8  }
0x22: {  	s30 =	simm.s32 $0x0;
	s7 =	sadd.s32 s4, s0  }
0x23: {  	[tilespmem:s17], [sflag:$0x5] =	stream.linear.gather [hbm4b:s7+s30], $0x800, $0x38;
	[tilespmem:$0x1D080] =	vst v63  }
0x24: {  	_ =	swait.ge [sflag:s15], $0x800  }
0x25: {  	[sflag:s15] =	ssyncset.done $0x0  }
0x26: {  	s31 =	sadd.s32 s6, s0;
	[sflag:s15] =	ssyncadd.s32 $0xFFFFF800  }
0x27: {  	[tilespmem:s18], [sflag:$0x5] =	stream.linear.gather [hbm4b:s31+s30], $0x800, $0x38;
	[tilespmem:$0x1D080] =	vst v63  }
0x28: {  	_ =	swait.ge [sflag:s15], $0x800  }
0x29: {  	[sflag:s15] =	ssyncset.done $0x0  }
0x2a: {  	s0 =	sadd.s32 s5, s0;
	[sflag:s15] =	ssyncadd.s32 $0xFFFFF800  }
0x2b: {  	[tilespmem:s19], [sflag:$0x5] =	stream.linear.gather [hbm4b:s0+s30], $0x800, $0x38;
	[tilespmem:$0x1D080] =	vst v63  }
0x2c: {  	_ =	swait.ge [sflag:s15], $0x800  }
0x2d: {  	[sflag:s15] =	ssyncset.done $0x0  }
0x2e: {  	[sflag:s15] =	ssyncadd.s32 $0xFFFFF800  }
0x2f: {  	[tilespmem:s21], [sflag:$0x1] =	stream.indirect.gather [hbm4b:s1+s20], $0x80, s17, s20, $0xb8;
	[tilespmem:$0x1D080] =	vst v63  }
0x30: {  	_ = 	snop  }
0x31: {  	[tilespmem:s23], [sflag:$0x2] =	stream.indirect.gather [hbm4b:s1+s20], $0x80, s22, s20, $0xb8;
	[tilespmem:$0x1D080] =	vst v63  }
.LBB2_3:
0x32: {  	s0 =	sshll.u32 s30, $0xA  }
0x33: {  	s0 =	sshrl.u32 s0, $0x2  }
0x34: {  	s7 =	sadd.s32 $0x14880, s0  }
0x35: {  	_ =	swait.ge [sflag:s24], $0x4000;
	v16 =	vmov s7  }
0x36: {  	[sflag:s24] =	ssyncset.done $0x0  }
0x37: {  	[sflag:s24] =	ssyncadd.s32 $0xFFFFC000;
	s7 =	simm.s32 $0x0  }
.LBB2_4:
0x38: {  	s9 =	sshll.u32 s7, $0x4  }
0x39: {  	s9 =	sand.u32 $0x3FFFFFF0, s9  }
0x3a: {  	s31 =	sshll.u32 s7, $0xB;
	v17 =	vld.idx.msk [tilespmem:v16+s9+$0x0 ss:$0x1], $0xffff  }
0x3b: {  	s31 =	sand.u32 $0x3FFFF800, s31  }
0x3c: {  	v18 =	vld [tilespmem:s31+$0x15080]  }
0x3d: {  	v19 =	vld [tilespmem:s31+$0x15090]  }
0x3e: {  	v20 =	vld [tilespmem:s31+$0x150A0]  }
0x3f: {  	v22 =	vld [tilespmem:s31+$0x150B0];
	v21 =	vperm.xlane v17, v0  }
0x40: {  	v23 =	vld [tilespmem:s31+$0x150C0]  }
0x41: {  	v24 =	vld [tilespmem:s31+$0x150D0];
	v18 =	vmul.f32 v18, v21  }
0x42: {  	v25 =	vld [tilespmem:s31+$0x150E0];
	v19 =	vmul.f32 v19, v21  }
0x43: {  	v38 =	vld [tilespmem:s31+$0x150F0];
	[tilespmem:s31+$0x15080] =	vst v18;
	v18 =	vmul.f32 v20, v21  }
0x44: {  	v39 =	vld [tilespmem:s31+$0x15100];
	[tilespmem:s31+$0x15090] =	vst v19;
	v19 =	vmul.f32 v22, v21  }
0x45: {  	v40 =	vld [tilespmem:s31+$0x15110];
	[tilespmem:s31+$0x150A0] =	vst v18;
	v18 =	vmul.f32 v23, v21  }
0x46: {  	v41 =	vld [tilespmem:s31+$0x15120];
	[tilespmem:s31+$0x150B0] =	vst v19;
	v19 =	vmul.f32 v24, v21  }
0x47: {  	v26 =	vld [tilespmem:s31+$0x15130];
	v42 =	vperm.xlane v17, v1;
	[tilespmem:s31+$0x150C0] =	vst v18;
	v18 =	vmul.f32 v25, v21  }
0x48: {  	v43 =	vld [tilespmem:s31+$0x15140];
	[tilespmem:s31+$0x150D0] =	vst v19;
	v19 =	vmul.f32 v38, v21  }
0x49: {  	v44 =	vld [tilespmem:s31+$0x15150];
	[tilespmem:s31+$0x150E0] =	vst v18;
	v18 =	vmul.f32 v39, v42  }
0x4a: {  	v45 =	vld [tilespmem:s31+$0x15160];
	[tilespmem:s31+$0x150F0] =	vst v19;
	v19 =	vmul.f32 v40, v42  }
0x4b: {  	v46 =	vld [tilespmem:s31+$0x15170];
	[tilespmem:s31+$0x15100] =	vst v18;
	v18 =	vmul.f32 v41, v42  }
0x4c: {  	v47 =	vld [tilespmem:s31+$0x15180];
	[tilespmem:s31+$0x15110] =	vst v19;
	v19 =	vmul.f32 v26, v42  }
0x4d: {  	v48 =	vld [tilespmem:s31+$0x15190];
	[tilespmem:s31+$0x15120] =	vst v18;
	v18 =	vmul.f32 v43, v42  }
0x4e: {  	v49 =	vld [tilespmem:s31+$0x151A0];
	[tilespmem:s31+$0x15130] =	vst v19;
	v19 =	vmul.f32 v44, v42  }
0x4f: {  	v51 =	vld [tilespmem:s31+$0x151B0];
	v50 =	vperm.xlane v17, v2;
	[tilespmem:s31+$0x15140] =	vst v18;
	v18 =	vmul.f32 v45, v42  }
0x50: {  	v52 =	vld [tilespmem:s31+$0x151C0];
	[tilespmem:s31+$0x15150] =	vst v19;
	v19 =	vmul.f32 v46, v42  }
0x51: {  	v53 =	vld [tilespmem:s31+$0x151D0];
	[tilespmem:s31+$0x15160] =	vst v18;
	v18 =	vmul.f32 v47, v50  }
0x52: {  	v54 =	vld [tilespmem:s31+$0x151E0];
	[tilespmem:s31+$0x15170] =	vst v19;
	v19 =	vmul.f32 v48, v50  }
0x53: {  	v55 =	vld [tilespmem:s31+$0x151F0];
	[tilespmem:s31+$0x15180] =	vst v18;
	v18 =	vmul.f32 v49, v50  }
0x54: {  	v56 =	vld [tilespmem:s31+$0x15200];
	[tilespmem:s31+$0x15190] =	vst v19;
	v19 =	vmul.f32 v51, v50  }
0x55: {  	v57 =	vld [tilespmem:s31+$0x15210];
	[tilespmem:s31+$0x151A0] =	vst v18;
	v18 =	vmul.f32 v52, v50  }
0x56: {  	v58 =	vld [tilespmem:s31+$0x15220];
	[tilespmem:s31+$0x151B0] =	vst v19;
	v19 =	vmul.f32 v53, v50  }
0x57: {  	v60 =	vld [tilespmem:s31+$0x15230];
	v59 =	vperm.xlane v17, v3;
	[tilespmem:s31+$0x151C0] =	vst v18;
	v18 =	vmul.f32 v54, v50  }
0x58: {  	v61 =	vld [tilespmem:s31+$0x15240];
	[tilespmem:s31+$0x151D0] =	vst v19;
	v19 =	vmul.f32 v55, v50  }
0x59: {  	v62 =	vld [tilespmem:s31+$0x15250];
	[tilespmem:s31+$0x151E0] =	vst v18;
	v18 =	vmul.f32 v56, v59  }
0x5a: {  	v63 =	vld [tilespmem:s31+$0x15260];
	[tilespmem:s31+$0x151F0] =	vst v19;
	v19 =	vmul.f32 v57, v59  }
0x5b: {  	v28 =	vld [tilespmem:s31+$0x15270];
	[tilespmem:s31+$0x15200] =	vst v18;
	v18 =	vmul.f32 v58, v59  }
0x5c: {  	v29 =	vld [tilespmem:s31+$0x15280];
	[tilespmem:s31+$0x15210] =	vst v19;
	v19 =	vmul.f32 v60, v59  }
0x5d: {  	v30 =	vld [tilespmem:s31+$0x15290];
	[tilespmem:s31+$0x15220] =	vst v18;
	v18 =	vmul.f32 v61, v59  }
0x5e: {  	v31 =	vld [tilespmem:s31+$0x152A0];
	[tilespmem:s31+$0x15230] =	vst v19;
	v19 =	vmul.f32 v62, v59  }
0x5f: {  	v33 =	vld [tilespmem:s31+$0x152B0];
	v32 =	vperm.xlane v17, v4;
	[tilespmem:s31+$0x15240] =	vst v18;
	v18 =	vmul.f32 v63, v59  }
0x60: {  	v34 =	vld [tilespmem:s31+$0x152C0];
	[tilespmem:s31+$0x15250] =	vst v19;
	v19 =	vmul.f32 v28, v59  }
0x61: {  	v35 =	vld [tilespmem:s31+$0x152D0];
	[tilespmem:s31+$0x15260] =	vst v18;
	v18 =	vmul.f32 v29, v32  }
0x62: {  	v36 =	vld [tilespmem:s31+$0x152E0];
	[tilespmem:s31+$0x15270] =	vst v19;
	v19 =	vmul.f32 v30, v32  }
0x63: {  	v37 =	vld [tilespmem:s31+$0x152F0];
	[tilespmem:s31+$0x15280] =	vst v18;
	v18 =	vmul.f32 v31, v32  }
0x64: {  	v38 =	vld [tilespmem:s31+$0x15300];
	[tilespmem:s31+$0x15290] =	vst v19;
	v19 =	vmul.f32 v33, v32  }
0x65: {  	v39 =	vld [tilespmem:s31+$0x15310];
	[tilespmem:s31+$0x152A0] =	vst v18;
	v18 =	vmul.f32 v34, v32  }
0x66: {  	v40 =	vld [tilespmem:s31+$0x15320];
	[tilespmem:s31+$0x152B0] =	vst v19;
	v19 =	vmul.f32 v35, v32  }
0x67: {  	v41 =	vperm.xlane v17, v5;
	v42 =	vld [tilespmem:s31+$0x15330];
	[tilespmem:s31+$0x152C0] =	vst v18;
	v18 =	vmul.f32 v36, v32  }
0x68: {  	v43 =	vld [tilespmem:s31+$0x15340];
	[tilespmem:s31+$0x152D0] =	vst v19;
	v19 =	vmul.f32 v37, v32  }
0x69: {  	v44 =	vld [tilespmem:s31+$0x15350];
	[tilespmem:s31+$0x152E0] =	vst v18;
	v18 =	vmul.f32 v38, v41  }
0x6a: {  	v45 =	vld [tilespmem:s31+$0x15360];
	[tilespmem:s31+$0x152F0] =	vst v19;
	v19 =	vmul.f32 v39, v41  }
0x6b: {  	v46 =	vld [tilespmem:s31+$0x15370];
	[tilespmem:s31+$0x15300] =	vst v18;
	v18 =	vmul.f32 v40, v41  }
0x6c: {  	v47 =	vld [tilespmem:s31+$0x15380];
	[tilespmem:s31+$0x15310] =	vst v19;
	v19 =	vmul.f32 v42, v41  }
0x6d: {  	v48 =	vld [tilespmem:s31+$0x15390];
	[tilespmem:s31+$0x15320] =	vst v18;
	v18 =	vmul.f32 v43, v41  }
0x6e: {  	v49 =	vld [tilespmem:s31+$0x153A0];
	[tilespmem:s31+$0x15330] =	vst v19;
	v19 =	vmul.f32 v44, v41  }
0x6f: {  	v51 =	vld [tilespmem:s31+$0x153B0];
	v50 =	vperm.xlane v17, v6;
	[tilespmem:s31+$0x15340] =	vst v18;
	v18 =	vmul.f32 v45, v41  }
0x70: {  	v52 =	vld [tilespmem:s31+$0x153C0];
	[tilespmem:s31+$0x15350] =	vst v19;
	v19 =	vmul.f32 v46, v41  }
0x71: {  	v53 =	vld [tilespmem:s31+$0x153D0];
	[tilespmem:s31+$0x15360] =	vst v18;
	v18 =	vmul.f32 v47, v50  }
0x72: {  	v54 =	vld [tilespmem:s31+$0x153E0];
	[tilespmem:s31+$0x15370] =	vst v19;
	v19 =	vmul.f32 v48, v50  }
0x73: {  	v55 =	vld [tilespmem:s31+$0x153F0];
	[tilespmem:s31+$0x15380] =	vst v18;
	v18 =	vmul.f32 v49, v50  }
0x74: {  	v56 =	vld [tilespmem:s31+$0x15400];
	[tilespmem:s31+$0x15390] =	vst v19;
	v19 =	vmul.f32 v51, v50  }
0x75: {  	v57 =	vld [tilespmem:s31+$0x15410];
	[tilespmem:s31+$0x153A0] =	vst v18;
	v18 =	vmul.f32 v52, v50  }
0x76: {  	v58 =	vld [tilespmem:s31+$0x15420];
	[tilespmem:s31+$0x153B0] =	vst v19;
	v19 =	vmul.f32 v53, v50  }
0x77: {  	v60 =	vld [tilespmem:s31+$0x15430];
	v59 =	vperm.xlane v17, v7;
	[tilespmem:s31+$0x153C0] =	vst v18;
	v18 =	vmul.f32 v54, v50  }
0x78: {  	v61 =	vld [tilespmem:s31+$0x15440];
	[tilespmem:s31+$0x153D0] =	vst v19;
	v19 =	vmul.f32 v55, v50  }
0x79: {  	v62 =	vld [tilespmem:s31+$0x15450];
	[tilespmem:s31+$0x153E0] =	vst v18;
	v18 =	vmul.f32 v56, v59  }
0x7a: {  	v63 =	vld [tilespmem:s31+$0x15460];
	[tilespmem:s31+$0x153F0] =	vst v19;
	v19 =	vmul.f32 v57, v59  }
0x7b: {  	v28 =	vld [tilespmem:s31+$0x15470];
	[tilespmem:s31+$0x15400] =	vst v18;
	v18 =	vmul.f32 v58, v59  }
0x7c: {  	v29 =	vld [tilespmem:s31+$0x15480];
	[tilespmem:s31+$0x15410] =	vst v19;
	v19 =	vmul.f32 v60, v59  }
0x7d: {  	v30 =	vld [tilespmem:s31+$0x15490];
	[tilespmem:s31+$0x15420] =	vst v18;
	v18 =	vmul.f32 v61, v59  }
0x7e: {  	v31 =	vld [tilespmem:s31+$0x154A0];
	[tilespmem:s31+$0x15430] =	vst v19;
	v19 =	vmul.f32 v62, v59  }
0x7f: {  	v33 =	vld [tilespmem:s31+$0x154B0];
	v32 =	vperm.xlane v17, v8;
	[tilespmem:s31+$0x15440] =	vst v18;
	v18 =	vmul.f32 v63, v59  }
0x80: {  	v34 =	vld [tilespmem:s31+$0x154C0];
	[tilespmem:s31+$0x15450] =	vst v19;
	v19 =	vmul.f32 v28, v59  }
0x81: {  	v35 =	vld [tilespmem:s31+$0x154D0];
	[tilespmem:s31+$0x15460] =	vst v18;
	v18 =	vmul.f32 v29, v32  }
0x82: {  	v36 =	vld [tilespmem:s31+$0x154E0];
	[tilespmem:s31+$0x15470] =	vst v19;
	v19 =	vmul.f32 v30, v32  }
0x83: {  	v37 =	vld [tilespmem:s31+$0x154F0];
	[tilespmem:s31+$0x15480] =	vst v18;
	v18 =	vmul.f32 v31, v32  }
0x84: {  	v38 =	vld [tilespmem:s31+$0x15500];
	[tilespmem:s31+$0x15490] =	vst v19;
	v19 =	vmul.f32 v33, v32  }
0x85: {  	v39 =	vld [tilespmem:s31+$0x15510];
	[tilespmem:s31+$0x154A0] =	vst v18;
	v18 =	vmul.f32 v34, v32  }
0x86: {  	v40 =	vld [tilespmem:s31+$0x15520];
	[tilespmem:s31+$0x154B0] =	vst v19;
	v19 =	vmul.f32 v35, v32  }
0x87: {  	v42 =	vld [tilespmem:s31+$0x15530];
	v41 =	vperm.xlane v17, v9;
	[tilespmem:s31+$0x154C0] =	vst v18;
	v18 =	vmul.f32 v36, v32  }
0x88: {  	v43 =	vld [tilespmem:s31+$0x15540];
	[tilespmem:s31+$0x154D0] =	vst v19;
	v19 =	vmul.f32 v37, v32  }
0x89: {  	v44 =	vld [tilespmem:s31+$0x15550];
	[tilespmem:s31+$0x154E0] =	vst v18;
	v18 =	vmul.f32 v38, v41  }
0x8a: {  	v45 =	vld [tilespmem:s31+$0x15560];
	[tilespmem:s31+$0x154F0] =	vst v19;
	v19 =	vmul.f32 v39, v41  }
0x8b: {  	v46 =	vld [tilespmem:s31+$0x15570];
	[tilespmem:s31+$0x15500] =	vst v18;
	v18 =	vmul.f32 v40, v41  }
0x8c: {  	v47 =	vld [tilespmem:s31+$0x15580];
	[tilespmem:s31+$0x15510] =	vst v19;
	v19 =	vmul.f32 v42, v41  }
0x8d: {  	v48 =	vld [tilespmem:s31+$0x15590];
	[tilespmem:s31+$0x15520] =	vst v18;
	v18 =	vmul.f32 v43, v41  }
0x8e: {  	v49 =	vld [tilespmem:s31+$0x155A0];
	[tilespmem:s31+$0x15530] =	vst v19;
	v19 =	vmul.f32 v44, v41  }
0x8f: {  	v51 =	vld [tilespmem:s31+$0x155B0];
	v50 =	vperm.xlane v17, v10;
	[tilespmem:s31+$0x15540] =	vst v18;
	v18 =	vmul.f32 v45, v41  }
0x90: {  	v52 =	vld [tilespmem:s31+$0x155C0];
	[tilespmem:s31+$0x15550] =	vst v19;
	v19 =	vmul.f32 v46, v41  }
0x91: {  	v53 =	vld [tilespmem:s31+$0x155D0];
	[tilespmem:s31+$0x15560] =	vst v18;
	v18 =	vmul.f32 v47, v50  }
0x92: {  	v54 =	vld [tilespmem:s31+$0x155E0];
	[tilespmem:s31+$0x15570] =	vst v19;
	v19 =	vmul.f32 v48, v50  }
0x93: {  	v55 =	vld [tilespmem:s31+$0x155F0];
	[tilespmem:s31+$0x15580] =	vst v18;
	v18 =	vmul.f32 v49, v50  }
0x94: {  	v56 =	vld [tilespmem:s31+$0x15600];
	[tilespmem:s31+$0x15590] =	vst v19;
	v19 =	vmul.f32 v51, v50  }
0x95: {  	v57 =	vld [tilespmem:s31+$0x15610];
	[tilespmem:s31+$0x155A0] =	vst v18;
	v18 =	vmul.f32 v52, v50  }
0x96: {  	v58 =	vld [tilespmem:s31+$0x15620];
	[tilespmem:s31+$0x155B0] =	vst v19;
	v19 =	vmul.f32 v53, v50  }
0x97: {  	v60 =	vld [tilespmem:s31+$0x15630];
	v59 =	vperm.xlane v17, v11;
	[tilespmem:s31+$0x155C0] =	vst v18;
	v18 =	vmul.f32 v54, v50  }
0x98: {  	v61 =	vld [tilespmem:s31+$0x15640];
	[tilespmem:s31+$0x155D0] =	vst v19;
	v19 =	vmul.f32 v55, v50  }
0x99: {  	v62 =	vld [tilespmem:s31+$0x15650];
	[tilespmem:s31+$0x155E0] =	vst v18;
	v18 =	vmul.f32 v56, v59  }
0x9a: {  	v63 =	vld [tilespmem:s31+$0x15660];
	[tilespmem:s31+$0x155F0] =	vst v19;
	v19 =	vmul.f32 v57, v59  }
0x9b: {  	v28 =	vld [tilespmem:s31+$0x15670];
	[tilespmem:s31+$0x15600] =	vst v18;
	v18 =	vmul.f32 v58, v59  }
0x9c: {  	v29 =	vld [tilespmem:s31+$0x15680];
	[tilespmem:s31+$0x15610] =	vst v19;
	v19 =	vmul.f32 v60, v59  }
0x9d: {  	v30 =	vld [tilespmem:s31+$0x15690];
	[tilespmem:s31+$0x15620] =	vst v18;
	v18 =	vmul.f32 v61, v59  }
0x9e: {  	v31 =	vld [tilespmem:s31+$0x156A0];
	[tilespmem:s31+$0x15630] =	vst v19;
	v19 =	vmul.f32 v62, v59  }
0x9f: {  	v33 =	vld [tilespmem:s31+$0x156B0];
	v32 =	vperm.xlane v17, v12;
	[tilespmem:s31+$0x15640] =	vst v18;
	v18 =	vmul.f32 v63, v59  }
0xa0: {  	v34 =	vld [tilespmem:s31+$0x156C0];
	[tilespmem:s31+$0x15650] =	vst v19;
	v19 =	vmul.f32 v28, v59  }
0xa1: {  	v35 =	vld [tilespmem:s31+$0x156D0];
	[tilespmem:s31+$0x15660] =	vst v18;
	v18 =	vmul.f32 v29, v32  }
0xa2: {  	v36 =	vld [tilespmem:s31+$0x156E0];
	[tilespmem:s31+$0x15670] =	vst v19;
	v19 =	vmul.f32 v30, v32  }
0xa3: {  	v37 =	vld [tilespmem:s31+$0x156F0];
	[tilespmem:s31+$0x15680] =	vst v18;
	v18 =	vmul.f32 v31, v32  }
0xa4: {  	v38 =	vld [tilespmem:s31+$0x15700];
	[tilespmem:s31+$0x15690] =	vst v19;
	v19 =	vmul.f32 v33, v32  }
0xa5: {  	v39 =	vld [tilespmem:s31+$0x15710];
	[tilespmem:s31+$0x156A0] =	vst v18;
	v18 =	vmul.f32 v34, v32  }
0xa6: {  	v40 =	vld [tilespmem:s31+$0x15720];
	[tilespmem:s31+$0x156B0] =	vst v19;
	v19 =	vmul.f32 v35, v32  }
0xa7: {  	v42 =	vld [tilespmem:s31+$0x15730];
	v41 =	vperm.xlane v17, v13;
	[tilespmem:s31+$0x156C0] =	vst v18;
	v18 =	vmul.f32 v36, v32  }
0xa8: {  	v43 =	vld [tilespmem:s31+$0x15740];
	[tilespmem:s31+$0x156D0] =	vst v19;
	v19 =	vmul.f32 v37, v32  }
0xa9: {  	v44 =	vld [tilespmem:s31+$0x15750];
	[tilespmem:s31+$0x156E0] =	vst v18;
	v18 =	vmul.f32 v38, v41  }
0xaa: {  	v45 =	vld [tilespmem:s31+$0x15760];
	[tilespmem:s31+$0x156F0] =	vst v19;
	v19 =	vmul.f32 v39, v41  }
0xab: {  	v46 =	vld [tilespmem:s31+$0x15770];
	[tilespmem:s31+$0x15700] =	vst v18;
	v18 =	vmul.f32 v40, v41  }
0xac: {  	v47 =	vld [tilespmem:s31+$0x15780];
	[tilespmem:s31+$0x15710] =	vst v19;
	v19 =	vmul.f32 v42, v41  }
0xad: {  	v48 =	vld [tilespmem:s31+$0x15790];
	[tilespmem:s31+$0x15720] =	vst v18;
	v18 =	vmul.f32 v43, v41  }
0xae: {  	v49 =	vld [tilespmem:s31+$0x157A0];
	[tilespmem:s31+$0x15730] =	vst v19;
	v19 =	vmul.f32 v44, v41  }
0xaf: {  	v51 =	vld [tilespmem:s31+$0x157B0];
	v50 =	vperm.xlane v17, v14;
	[tilespmem:s31+$0x15740] =	vst v18;
	v18 =	vmul.f32 v45, v41  }
0xb0: {  	v52 =	vld [tilespmem:s31+$0x157C0];
	[tilespmem:s31+$0x15750] =	vst v19;
	v19 =	vmul.f32 v46, v41  }
0xb1: {  	v53 =	vld [tilespmem:s31+$0x157D0];
	[tilespmem:s31+$0x15760] =	vst v18;
	v18 =	vmul.f32 v47, v50  }
0xb2: {  	v54 =	vld [tilespmem:s31+$0x157E0];
	[tilespmem:s31+$0x15770] =	vst v19;
	v19 =	vmul.f32 v48, v50  }
0xb3: {  	v55 =	vld [tilespmem:s31+$0x157F0];
	[tilespmem:s31+$0x15780] =	vst v18;
	v18 =	vmul.f32 v49, v50  }
0xb4: {  	v56 =	vld [tilespmem:s31+$0x15800];
	[tilespmem:s31+$0x15790] =	vst v19;
	v19 =	vmul.f32 v51, v50  }
0xb5: {  	v57 =	vld [tilespmem:s31+$0x15810];
	[tilespmem:s31+$0x157A0] =	vst v18;
	v18 =	vmul.f32 v52, v50  }
0xb6: {  	v58 =	vld [tilespmem:s31+$0x15820];
	[tilespmem:s31+$0x157B0] =	vst v19;
	v19 =	vmul.f32 v53, v50  }
0xb7: {  	v17 =	vperm.xlane v17, v15;
	v59 =	vld [tilespmem:s31+$0x15830];
	[tilespmem:s31+$0x157C0] =	vst v18;
	v18 =	vmul.f32 v54, v50  }
0xb8: {  	v60 =	vld [tilespmem:s31+$0x15840];
	[tilespmem:s31+$0x157D0] =	vst v19;
	v19 =	vmul.f32 v55, v50  }
0xb9: {  	v61 =	vld [tilespmem:s31+$0x15850];
	[tilespmem:s31+$0x157E0] =	vst v18;
	v18 =	vmul.f32 v56, v17  }
0xba: {  	v62 =	vld [tilespmem:s31+$0x15860];
	[tilespmem:s31+$0x157F0] =	vst v19;
	v19 =	vmul.f32 v57, v17  }
0xbb: {  	v63 =	vld [tilespmem:s31+$0x15870];
	[tilespmem:s31+$0x15800] =	vst v18;
	v18 =	vmul.f32 v58, v17  }
0xbc: {  	[tilespmem:s31+$0x15810] =	vst v19;
	v19 =	vmul.f32 v59, v17  }
0xbd: {  	p1 =	sne.s32 s7, $0x7;
	[tilespmem:s31+$0x15820] =	vst v18;
	v18 =	vmul.f32 v60, v17  }
.Ltmp0:
0xbe: {  	[tilespmem:s31+$0x15830] =	vst v19;
	v19 =	vmul.f32 v61, v17;
	(pc) =	sbr.rel @p1 .LBB2_4-.Ltmp0, $4  }
0xbf: {  	[tilespmem:s31+$0x15840] =	vst v18;
	v18 =	vmul.f32 v62, v17  }
0xc0: {  	[tilespmem:s31+$0x15850] =	vst v19;
	v17 =	vmul.f32 v63, v17  }
0xc1: {  	[tilespmem:s31+$0x15860] =	vst v18  }
0xc2: {  	s7 =	sadd.s32 $0x1, s7;
	[tilespmem:s31+$0x15870] =	vst v17  }
0xc3: {  	s31 =	sshll.u32 s30, $0x1;
	s0 =	sadd.s32 $0x14080, s0  }
0xc4: {  	[spmem:s2] =	stream.indirect.scatter.add.f32 [tilespmem:s21], [sflag:$0x3], $0x80, s0, s20, $0xb8;
	[tilespmem:$0x1D080] =	vst v63  }
0xc5: {  	s9 =	smin.u32 s31, $0xD;
	_ =	swait.ge [sflag:s25], $0x4000  }
0xc6: {  	s7 =	sshll.u32 s30, $0x8;
	s0 =	sshll.u32 s9, $0x7;
	[sflag:s25] =	ssyncset.done $0x0  }
0xc7: {  	s9 =	sadd.s32 $0x14900, s7;
	s0 =	sadd.s32 $0x13980, s0;
	[sflag:s25] =	ssyncadd.s32 $0xFFFFC000  }
0xc8: {  	[tilespmem:s21], [sflag:$0x1] =	stream.indirect.gather [hbm4b:s1+s20], $0x80, s0, s20, $0xb8;
	[tilespmem:$0x1D080] =	vst v63  }
0xc9: {  	v16 =	vmov s9;
	_ =	swait.ge [sflag:s26], $0x4000  }
0xca: {  	[sflag:s26] =	ssyncset.done $0x0  }
0xcb: {  	s0 =	sor.u32 $0x80, s7;
	s7 =	simm.s32 $0x0;
	[sflag:s26] =	ssyncadd.s32 $0xFFFFC000  }
.LBB2_6:
0xcc: {  	s9 =	sshll.u32 s7, $0x4  }
0xcd: {  	s9 =	sand.u32 $0x3FFFFFF0, s9  }
0xce: {  	v17 =	vld.idx.msk [tilespmem:v16+s9+$0x0 ss:$0x1], $0xffff;
	s9 =	sshll.u32 s7, $0xB  }
0xcf: {  	s9 =	sand.u32 $0x3FFFF800, s9  }
0xd0: {  	v18 =	vld [tilespmem:s9+$0x19080]  }
0xd1: {  	v19 =	vld [tilespmem:s9+$0x19090]  }
0xd2: {  	v20 =	vld [tilespmem:s9+$0x190A0]  }
0xd3: {  	v22 =	vld [tilespmem:s9+$0x190B0];
	v21 =	vperm.xlane v17, v0  }
0xd4: {  	v23 =	vld [tilespmem:s9+$0x190C0]  }
0xd5: {  	v24 =	vld [tilespmem:s9+$0x190D0];
	v18 =	vmul.f32 v18, v21  }
0xd6: {  	v25 =	vld [tilespmem:s9+$0x190E0];
	v19 =	vmul.f32 v19, v21  }
0xd7: {  	v38 =	vld [tilespmem:s9+$0x190F0];
	[tilespmem:s9+$0x19080] =	vst v18;
	v18 =	vmul.f32 v20, v21  }
0xd8: {  	v39 =	vld [tilespmem:s9+$0x19100];
	[tilespmem:s9+$0x19090] =	vst v19;
	v19 =	vmul.f32 v22, v21  }
0xd9: {  	v40 =	vld [tilespmem:s9+$0x19110];
	[tilespmem:s9+$0x190A0] =	vst v18;
	v18 =	vmul.f32 v23, v21  }
0xda: {  	v41 =	vld [tilespmem:s9+$0x19120];
	[tilespmem:s9+$0x190B0] =	vst v19;
	v19 =	vmul.f32 v24, v21  }
0xdb: {  	v26 =	vld [tilespmem:s9+$0x19130];
	v42 =	vperm.xlane v17, v1;
	[tilespmem:s9+$0x190C0] =	vst v18;
	v18 =	vmul.f32 v25, v21  }
0xdc: {  	v43 =	vld [tilespmem:s9+$0x19140];
	[tilespmem:s9+$0x190D0] =	vst v19;
	v19 =	vmul.f32 v38, v21  }
0xdd: {  	v44 =	vld [tilespmem:s9+$0x19150];
	[tilespmem:s9+$0x190E0] =	vst v18;
	v18 =	vmul.f32 v39, v42  }
0xde: {  	v45 =	vld [tilespmem:s9+$0x19160];
	[tilespmem:s9+$0x190F0] =	vst v19;
	v19 =	vmul.f32 v40, v42  }
0xdf: {  	v46 =	vld [tilespmem:s9+$0x19170];
	[tilespmem:s9+$0x19100] =	vst v18;
	v18 =	vmul.f32 v41, v42  }
0xe0: {  	v47 =	vld [tilespmem:s9+$0x19180];
	[tilespmem:s9+$0x19110] =	vst v19;
	v19 =	vmul.f32 v26, v42  }
0xe1: {  	v48 =	vld [tilespmem:s9+$0x19190];
	[tilespmem:s9+$0x19120] =	vst v18;
	v18 =	vmul.f32 v43, v42  }
0xe2: {  	v49 =	vld [tilespmem:s9+$0x191A0];
	[tilespmem:s9+$0x19130] =	vst v19;
	v19 =	vmul.f32 v44, v42  }
0xe3: {  	v51 =	vld [tilespmem:s9+$0x191B0];
	v50 =	vperm.xlane v17, v2;
	[tilespmem:s9+$0x19140] =	vst v18;
	v18 =	vmul.f32 v45, v42  }
0xe4: {  	v52 =	vld [tilespmem:s9+$0x191C0];
	[tilespmem:s9+$0x19150] =	vst v19;
	v19 =	vmul.f32 v46, v42  }
0xe5: {  	v53 =	vld [tilespmem:s9+$0x191D0];
	[tilespmem:s9+$0x19160] =	vst v18;
	v18 =	vmul.f32 v47, v50  }
0xe6: {  	v54 =	vld [tilespmem:s9+$0x191E0];
	[tilespmem:s9+$0x19170] =	vst v19;
	v19 =	vmul.f32 v48, v50  }
0xe7: {  	v55 =	vld [tilespmem:s9+$0x191F0];
	[tilespmem:s9+$0x19180] =	vst v18;
	v18 =	vmul.f32 v49, v50  }
0xe8: {  	v56 =	vld [tilespmem:s9+$0x19200];
	[tilespmem:s9+$0x19190] =	vst v19;
	v19 =	vmul.f32 v51, v50  }
0xe9: {  	v57 =	vld [tilespmem:s9+$0x19210];
	[tilespmem:s9+$0x191A0] =	vst v18;
	v18 =	vmul.f32 v52, v50  }
0xea: {  	v58 =	vld [tilespmem:s9+$0x19220];
	[tilespmem:s9+$0x191B0] =	vst v19;
	v19 =	vmul.f32 v53, v50  }
0xeb: {  	v60 =	vld [tilespmem:s9+$0x19230];
	v59 =	vperm.xlane v17, v3;
	[tilespmem:s9+$0x191C0] =	vst v18;
	v18 =	vmul.f32 v54, v50  }
0xec: {  	v61 =	vld [tilespmem:s9+$0x19240];
	[tilespmem:s9+$0x191D0] =	vst v19;
	v19 =	vmul.f32 v55, v50  }
0xed: {  	v62 =	vld [tilespmem:s9+$0x19250];
	[tilespmem:s9+$0x191E0] =	vst v18;
	v18 =	vmul.f32 v56, v59  }
0xee: {  	v63 =	vld [tilespmem:s9+$0x19260];
	[tilespmem:s9+$0x191F0] =	vst v19;
	v19 =	vmul.f32 v57, v59  }
0xef: {  	v28 =	vld [tilespmem:s9+$0x19270];
	[tilespmem:s9+$0x19200] =	vst v18;
	v18 =	vmul.f32 v58, v59  }
0xf0: {  	v29 =	vld [tilespmem:s9+$0x19280];
	[tilespmem:s9+$0x19210] =	vst v19;
	v19 =	vmul.f32 v60, v59  }
0xf1: {  	v30 =	vld [tilespmem:s9+$0x19290];
	[tilespmem:s9+$0x19220] =	vst v18;
	v18 =	vmul.f32 v61, v59  }
0xf2: {  	v31 =	vld [tilespmem:s9+$0x192A0];
	[tilespmem:s9+$0x19230] =	vst v19;
	v19 =	vmul.f32 v62, v59  }
0xf3: {  	v33 =	vld [tilespmem:s9+$0x192B0];
	v32 =	vperm.xlane v17, v4;
	[tilespmem:s9+$0x19240] =	vst v18;
	v18 =	vmul.f32 v63, v59  }
0xf4: {  	v34 =	vld [tilespmem:s9+$0x192C0];
	[tilespmem:s9+$0x19250] =	vst v19;
	v19 =	vmul.f32 v28, v59  }
0xf5: {  	v35 =	vld [tilespmem:s9+$0x192D0];
	[tilespmem:s9+$0x19260] =	vst v18;
	v18 =	vmul.f32 v29, v32  }
0xf6: {  	v36 =	vld [tilespmem:s9+$0x192E0];
	[tilespmem:s9+$0x19270] =	vst v19;
	v19 =	vmul.f32 v30, v32  }
0xf7: {  	v37 =	vld [tilespmem:s9+$0x192F0];
	[tilespmem:s9+$0x19280] =	vst v18;
	v18 =	vmul.f32 v31, v32  }
0xf8: {  	v38 =	vld [tilespmem:s9+$0x19300];
	[tilespmem:s9+$0x19290] =	vst v19;
	v19 =	vmul.f32 v33, v32  }
0xf9: {  	v39 =	vld [tilespmem:s9+$0x19310];
	[tilespmem:s9+$0x192A0] =	vst v18;
	v18 =	vmul.f32 v34, v32  }
0xfa: {  	v40 =	vld [tilespmem:s9+$0x19320];
	[tilespmem:s9+$0x192B0] =	vst v19;
	v19 =	vmul.f32 v35, v32  }
0xfb: {  	v41 =	vperm.xlane v17, v5;
	v42 =	vld [tilespmem:s9+$0x19330];
	[tilespmem:s9+$0x192C0] =	vst v18;
	v18 =	vmul.f32 v36, v32  }
0xfc: {  	v43 =	vld [tilespmem:s9+$0x19340];
	[tilespmem:s9+$0x192D0] =	vst v19;
	v19 =	vmul.f32 v37, v32  }
0xfd: {  	v44 =	vld [tilespmem:s9+$0x19350];
	[tilespmem:s9+$0x192E0] =	vst v18;
	v18 =	vmul.f32 v38, v41  }
0xfe: {  	v45 =	vld [tilespmem:s9+$0x19360];
	[tilespmem:s9+$0x192F0] =	vst v19;
	v19 =	vmul.f32 v39, v41  }
0xff: {  	v46 =	vld [tilespmem:s9+$0x19370];
	[tilespmem:s9+$0x19300] =	vst v18;
	v18 =	vmul.f32 v40, v41  }
0x100: {  	v47 =	vld [tilespmem:s9+$0x19380];
	[tilespmem:s9+$0x19310] =	vst v19;
	v19 =	vmul.f32 v42, v41  }
0x101: {  	v48 =	vld [tilespmem:s9+$0x19390];
	[tilespmem:s9+$0x19320] =	vst v18;
	v18 =	vmul.f32 v43, v41  }
0x102: {  	v49 =	vld [tilespmem:s9+$0x193A0];
	[tilespmem:s9+$0x19330] =	vst v19;
	v19 =	vmul.f32 v44, v41  }
0x103: {  	v51 =	vld [tilespmem:s9+$0x193B0];
	v50 =	vperm.xlane v17, v6;
	[tilespmem:s9+$0x19340] =	vst v18;
	v18 =	vmul.f32 v45, v41  }
0x104: {  	v52 =	vld [tilespmem:s9+$0x193C0];
	[tilespmem:s9+$0x19350] =	vst v19;
	v19 =	vmul.f32 v46, v41  }
0x105: {  	v53 =	vld [tilespmem:s9+$0x193D0];
	[tilespmem:s9+$0x19360] =	vst v18;
	v18 =	vmul.f32 v47, v50  }
0x106: {  	v54 =	vld [tilespmem:s9+$0x193E0];
	[tilespmem:s9+$0x19370] =	vst v19;
	v19 =	vmul.f32 v48, v50  }
0x107: {  	v55 =	vld [tilespmem:s9+$0x193F0];
	[tilespmem:s9+$0x19380] =	vst v18;
	v18 =	vmul.f32 v49, v50  }
0x108: {  	v56 =	vld [tilespmem:s9+$0x19400];
	[tilespmem:s9+$0x19390] =	vst v19;
	v19 =	vmul.f32 v51, v50  }
0x109: {  	v57 =	vld [tilespmem:s9+$0x19410];
	[tilespmem:s9+$0x193A0] =	vst v18;
	v18 =	vmul.f32 v52, v50  }
0x10a: {  	v58 =	vld [tilespmem:s9+$0x19420];
	[tilespmem:s9+$0x193B0] =	vst v19;
	v19 =	vmul.f32 v53, v50  }
0x10b: {  	v60 =	vld [tilespmem:s9+$0x19430];
	v59 =	vperm.xlane v17, v7;
	[tilespmem:s9+$0x193C0] =	vst v18;
	v18 =	vmul.f32 v54, v50  }
0x10c: {  	v61 =	vld [tilespmem:s9+$0x19440];
	[tilespmem:s9+$0x193D0] =	vst v19;
	v19 =	vmul.f32 v55, v50  }
0x10d: {  	v62 =	vld [tilespmem:s9+$0x19450];
	[tilespmem:s9+$0x193E0] =	vst v18;
	v18 =	vmul.f32 v56, v59  }
0x10e: {  	v63 =	vld [tilespmem:s9+$0x19460];
	[tilespmem:s9+$0x193F0] =	vst v19;
	v19 =	vmul.f32 v57, v59  }
0x10f: {  	v28 =	vld [tilespmem:s9+$0x19470];
	[tilespmem:s9+$0x19400] =	vst v18;
	v18 =	vmul.f32 v58, v59  }
0x110: {  	v29 =	vld [tilespmem:s9+$0x19480];
	[tilespmem:s9+$0x19410] =	vst v19;
	v19 =	vmul.f32 v60, v59  }
0x111: {  	v30 =	vld [tilespmem:s9+$0x19490];
	[tilespmem:s9+$0x19420] =	vst v18;
	v18 =	vmul.f32 v61, v59  }
0x112: {  	v31 =	vld [tilespmem:s9+$0x194A0];
	[tilespmem:s9+$0x19430] =	vst v19;
	v19 =	vmul.f32 v62, v59  }
0x113: {  	v33 =	vld [tilespmem:s9+$0x194B0];
	v32 =	vperm.xlane v17, v8;
	[tilespmem:s9+$0x19440] =	vst v18;
	v18 =	vmul.f32 v63, v59  }
0x114: {  	v34 =	vld [tilespmem:s9+$0x194C0];
	[tilespmem:s9+$0x19450] =	vst v19;
	v19 =	vmul.f32 v28, v59  }
0x115: {  	v35 =	vld [tilespmem:s9+$0x194D0];
	[tilespmem:s9+$0x19460] =	vst v18;
	v18 =	vmul.f32 v29, v32  }
0x116: {  	v36 =	vld [tilespmem:s9+$0x194E0];
	[tilespmem:s9+$0x19470] =	vst v19;
	v19 =	vmul.f32 v30, v32  }
0x117: {  	v37 =	vld [tilespmem:s9+$0x194F0];
	[tilespmem:s9+$0x19480] =	vst v18;
	v18 =	vmul.f32 v31, v32  }
0x118: {  	v38 =	vld [tilespmem:s9+$0x19500];
	[tilespmem:s9+$0x19490] =	vst v19;
	v19 =	vmul.f32 v33, v32  }
0x119: {  	v39 =	vld [tilespmem:s9+$0x19510];
	[tilespmem:s9+$0x194A0] =	vst v18;
	v18 =	vmul.f32 v34, v32  }
0x11a: {  	v40 =	vld [tilespmem:s9+$0x19520];
	[tilespmem:s9+$0x194B0] =	vst v19;
	v19 =	vmul.f32 v35, v32  }
0x11b: {  	v42 =	vld [tilespmem:s9+$0x19530];
	v41 =	vperm.xlane v17, v9;
	[tilespmem:s9+$0x194C0] =	vst v18;
	v18 =	vmul.f32 v36, v32  }
0x11c: {  	v43 =	vld [tilespmem:s9+$0x19540];
	[tilespmem:s9+$0x194D0] =	vst v19;
	v19 =	vmul.f32 v37, v32  }
0x11d: {  	v44 =	vld [tilespmem:s9+$0x19550];
	[tilespmem:s9+$0x194E0] =	vst v18;
	v18 =	vmul.f32 v38, v41  }
0x11e: {  	v45 =	vld [tilespmem:s9+$0x19560];
	[tilespmem:s9+$0x194F0] =	vst v19;
	v19 =	vmul.f32 v39, v41  }
0x11f: {  	v46 =	vld [tilespmem:s9+$0x19570];
	[tilespmem:s9+$0x19500] =	vst v18;
	v18 =	vmul.f32 v40, v41  }
0x120: {  	v47 =	vld [tilespmem:s9+$0x19580];
	[tilespmem:s9+$0x19510] =	vst v19;
	v19 =	vmul.f32 v42, v41  }
0x121: {  	v48 =	vld [tilespmem:s9+$0x19590];
	[tilespmem:s9+$0x19520] =	vst v18;
	v18 =	vmul.f32 v43, v41  }
0x122: {  	v49 =	vld [tilespmem:s9+$0x195A0];
	[tilespmem:s9+$0x19530] =	vst v19;
	v19 =	vmul.f32 v44, v41  }
0x123: {  	v51 =	vld [tilespmem:s9+$0x195B0];
	v50 =	vperm.xlane v17, v10;
	[tilespmem:s9+$0x19540] =	vst v18;
	v18 =	vmul.f32 v45, v41  }
0x124: {  	v52 =	vld [tilespmem:s9+$0x195C0];
	[tilespmem:s9+$0x19550] =	vst v19;
	v19 =	vmul.f32 v46, v41  }
0x125: {  	v53 =	vld [tilespmem:s9+$0x195D0];
	[tilespmem:s9+$0x19560] =	vst v18;
	v18 =	vmul.f32 v47, v50  }
0x126: {  	v54 =	vld [tilespmem:s9+$0x195E0];
	[tilespmem:s9+$0x19570] =	vst v19;
	v19 =	vmul.f32 v48, v50  }
0x127: {  	v55 =	vld [tilespmem:s9+$0x195F0];
	[tilespmem:s9+$0x19580] =	vst v18;
	v18 =	vmul.f32 v49, v50  }
0x128: {  	v56 =	vld [tilespmem:s9+$0x19600];
	[tilespmem:s9+$0x19590] =	vst v19;
	v19 =	vmul.f32 v51, v50  }
0x129: {  	v57 =	vld [tilespmem:s9+$0x19610];
	[tilespmem:s9+$0x195A0] =	vst v18;
	v18 =	vmul.f32 v52, v50  }
0x12a: {  	v58 =	vld [tilespmem:s9+$0x19620];
	[tilespmem:s9+$0x195B0] =	vst v19;
	v19 =	vmul.f32 v53, v50  }
0x12b: {  	v60 =	vld [tilespmem:s9+$0x19630];
	v59 =	vperm.xlane v17, v11;
	[tilespmem:s9+$0x195C0] =	vst v18;
	v18 =	vmul.f32 v54, v50  }
0x12c: {  	v61 =	vld [tilespmem:s9+$0x19640];
	[tilespmem:s9+$0x195D0] =	vst v19;
	v19 =	vmul.f32 v55, v50  }
0x12d: {  	v62 =	vld [tilespmem:s9+$0x19650];
	[tilespmem:s9+$0x195E0] =	vst v18;
	v18 =	vmul.f32 v56, v59  }
0x12e: {  	v63 =	vld [tilespmem:s9+$0x19660];
	[tilespmem:s9+$0x195F0] =	vst v19;
	v19 =	vmul.f32 v57, v59  }
0x12f: {  	v28 =	vld [tilespmem:s9+$0x19670];
	[tilespmem:s9+$0x19600] =	vst v18;
	v18 =	vmul.f32 v58, v59  }
0x130: {  	v29 =	vld [tilespmem:s9+$0x19680];
	[tilespmem:s9+$0x19610] =	vst v19;
	v19 =	vmul.f32 v60, v59  }
0x131: {  	v30 =	vld [tilespmem:s9+$0x19690];
	[tilespmem:s9+$0x19620] =	vst v18;
	v18 =	vmul.f32 v61, v59  }
0x132: {  	v31 =	vld [tilespmem:s9+$0x196A0];
	[tilespmem:s9+$0x19630] =	vst v19;
	v19 =	vmul.f32 v62, v59  }
0x133: {  	v33 =	vld [tilespmem:s9+$0x196B0];
	v32 =	vperm.xlane v17, v12;
	[tilespmem:s9+$0x19640] =	vst v18;
	v18 =	vmul.f32 v63, v59  }
0x134: {  	v34 =	vld [tilespmem:s9+$0x196C0];
	[tilespmem:s9+$0x19650] =	vst v19;
	v19 =	vmul.f32 v28, v59  }
0x135: {  	v35 =	vld [tilespmem:s9+$0x196D0];
	[tilespmem:s9+$0x19660] =	vst v18;
	v18 =	vmul.f32 v29, v32  }
0x136: {  	v36 =	vld [tilespmem:s9+$0x196E0];
	[tilespmem:s9+$0x19670] =	vst v19;
	v19 =	vmul.f32 v30, v32  }
0x137: {  	v37 =	vld [tilespmem:s9+$0x196F0];
	[tilespmem:s9+$0x19680] =	vst v18;
	v18 =	vmul.f32 v31, v32  }
0x138: {  	v38 =	vld [tilespmem:s9+$0x19700];
	[tilespmem:s9+$0x19690] =	vst v19;
	v19 =	vmul.f32 v33, v32  }
0x139: {  	v39 =	vld [tilespmem:s9+$0x19710];
	[tilespmem:s9+$0x196A0] =	vst v18;
	v18 =	vmul.f32 v34, v32  }
0x13a: {  	v40 =	vld [tilespmem:s9+$0x19720];
	[tilespmem:s9+$0x196B0] =	vst v19;
	v19 =	vmul.f32 v35, v32  }
0x13b: {  	v42 =	vld [tilespmem:s9+$0x19730];
	v41 =	vperm.xlane v17, v13;
	[tilespmem:s9+$0x196C0] =	vst v18;
	v18 =	vmul.f32 v36, v32  }
0x13c: {  	v43 =	vld [tilespmem:s9+$0x19740];
	[tilespmem:s9+$0x196D0] =	vst v19;
	v19 =	vmul.f32 v37, v32  }
0x13d: {  	v44 =	vld [tilespmem:s9+$0x19750];
	[tilespmem:s9+$0x196E0] =	vst v18;
	v18 =	vmul.f32 v38, v41  }
0x13e: {  	v45 =	vld [tilespmem:s9+$0x19760];
	[tilespmem:s9+$0x196F0] =	vst v19;
	v19 =	vmul.f32 v39, v41  }
0x13f: {  	v46 =	vld [tilespmem:s9+$0x19770];
	[tilespmem:s9+$0x19700] =	vst v18;
	v18 =	vmul.f32 v40, v41  }
0x140: {  	v47 =	vld [tilespmem:s9+$0x19780];
	[tilespmem:s9+$0x19710] =	vst v19;
	v19 =	vmul.f32 v42, v41  }
0x141: {  	v48 =	vld [tilespmem:s9+$0x19790];
	[tilespmem:s9+$0x19720] =	vst v18;
	v18 =	vmul.f32 v43, v41  }
0x142: {  	v49 =	vld [tilespmem:s9+$0x197A0];
	[tilespmem:s9+$0x19730] =	vst v19;
	v19 =	vmul.f32 v44, v41  }
0x143: {  	v51 =	vld [tilespmem:s9+$0x197B0];
	v50 =	vperm.xlane v17, v14;
	[tilespmem:s9+$0x19740] =	vst v18;
	v18 =	vmul.f32 v45, v41  }
0x144: {  	v52 =	vld [tilespmem:s9+$0x197C0];
	[tilespmem:s9+$0x19750] =	vst v19;
	v19 =	vmul.f32 v46, v41  }
0x145: {  	v53 =	vld [tilespmem:s9+$0x197D0];
	[tilespmem:s9+$0x19760] =	vst v18;
	v18 =	vmul.f32 v47, v50  }
0x146: {  	v54 =	vld [tilespmem:s9+$0x197E0];
	[tilespmem:s9+$0x19770] =	vst v19;
	v19 =	vmul.f32 v48, v50  }
0x147: {  	v55 =	vld [tilespmem:s9+$0x197F0];
	[tilespmem:s9+$0x19780] =	vst v18;
	v18 =	vmul.f32 v49, v50  }
0x148: {  	v56 =	vld [tilespmem:s9+$0x19800];
	[tilespmem:s9+$0x19790] =	vst v19;
	v19 =	vmul.f32 v51, v50  }
0x149: {  	v57 =	vld [tilespmem:s9+$0x19810];
	[tilespmem:s9+$0x197A0] =	vst v18;
	v18 =	vmul.f32 v52, v50  }
0x14a: {  	v58 =	vld [tilespmem:s9+$0x19820];
	[tilespmem:s9+$0x197B0] =	vst v19;
	v19 =	vmul.f32 v53, v50  }
0x14b: {  	v17 =	vperm.xlane v17, v15;
	v59 =	vld [tilespmem:s9+$0x19830];
	[tilespmem:s9+$0x197C0] =	vst v18;
	v18 =	vmul.f32 v54, v50  }
0x14c: {  	v60 =	vld [tilespmem:s9+$0x19840];
	[tilespmem:s9+$0x197D0] =	vst v19;
	v19 =	vmul.f32 v55, v50  }
0x14d: {  	v61 =	vld [tilespmem:s9+$0x19850];
	[tilespmem:s9+$0x197E0] =	vst v18;
	v18 =	vmul.f32 v56, v17  }
0x14e: {  	v62 =	vld [tilespmem:s9+$0x19860];
	[tilespmem:s9+$0x197F0] =	vst v19;
	v19 =	vmul.f32 v57, v17  }
0x14f: {  	v63 =	vld [tilespmem:s9+$0x19870];
	[tilespmem:s9+$0x19800] =	vst v18;
	v18 =	vmul.f32 v58, v17  }
0x150: {  	[tilespmem:s9+$0x19810] =	vst v19;
	v19 =	vmul.f32 v59, v17  }
0x151: {  	p1 =	sne.s32 s7, $0x7;
	[tilespmem:s9+$0x19820] =	vst v18;
	v18 =	vmul.f32 v60, v17  }
.Ltmp1:
0x152: {  	[tilespmem:s9+$0x19830] =	vst v19;
	v19 =	vmul.f32 v61, v17;
	(pc) =	sbr.rel @p1 .LBB2_6-.Ltmp1, $4  }
0x153: {  	[tilespmem:s9+$0x19840] =	vst v18;
	v18 =	vmul.f32 v62, v17  }
0x154: {  	[tilespmem:s9+$0x19850] =	vst v19;
	v17 =	vmul.f32 v63, v17  }
0x155: {  	[tilespmem:s9+$0x19860] =	vst v18  }
0x156: {  	s7 =	sadd.s32 $0x1, s7;
	[tilespmem:s9+$0x19870] =	vst v17  }
0x157: {  	s0 =	sadd.s32 $0x14080, s0;
	s30 =	sadd.s32 $0x1, s30  }
0x158: {  	[spmem:s2] =	stream.indirect.scatter.add.f32 [tilespmem:s23], [sflag:$0x4], $0x80, s0, s20, $0xb8;
	[tilespmem:$0x1D080] =	vst v63  }
0x159: {  	p1 =	sne.s32 s30, $0x8  }
.Ltmp2:
0x15a: {  	_ = 	snop;
	(pc) =	sbr.rel @p1 .LBB2_3-.Ltmp2, $4  }
0x15b: {  	s31 =	smin.u32 s31, $0xC;
	_ =	swait.ge [sflag:s28], $0x4000  }
0x15c: {  	s0 =	sshll.u32 s31, $0x7;
	[sflag:s28] =	ssyncset.done $0x0  }
0x15d: {  	s0 =	sadd.s32 $0x13A00, s0;
	[sflag:s28] =	ssyncadd.s32 $0xFFFFC000  }
0x15e: {  	[tilespmem:s23], [sflag:$0x2] =	stream.indirect.gather [hbm4b:s1+s20], $0x80, s0, s20, $0xb8;
	[tilespmem:$0x1D080] =	vst v63  }
0x15f: {  	s29 =	sadd.s32 $0x1, s29  }
0x160: {  	_ =	swait.ge [sflag:s24], $0x4000;
	p1 =	sne.s32 s29, $0x5  }
.Ltmp3:
0x161: {  	[sflag:s24] =	ssyncset.done $0x0;
	(pc) =	sbr.rel @p1 .LBB2_2-.Ltmp3, $4  }
0x162: {  	[sflag:s24] =	ssyncadd.s32 $0xFFFFC000  }
0x163: {  	_ =	swait.ge [sflag:s26], $0x4000  }
0x164: {  	[sflag:s26] =	ssyncset.done $0x0  }
0x165: {  	[sflag:s26] =	ssyncadd.s32 $0xFFFFC000  }
0x166: {  	[bflag:$0x0] =	sbarrier.arrive $0xFFFF  }
0x167: {  	[hbm:s11], [sflag:s8] =	dma.local [spmem:s14], $0x2700  }
0x168: {  	s3 =	sadd.s32 $0x1, s3;
	_ =	swait.ge [sflag:s15], $0x2700  }
0x169: {  	p1 =	sne.s32 s3, s13;
	[sflag:s15] =	ssyncset.done $0x0  }
.Ltmp4:
0x16a: {  	s0 =	simm.s32 @!p0 $0x5;
	[sflag:s15] =	ssyncadd.s32 $0xFFFFD900;
	(pc) =	sbr.rel @p1 .LBB2_1-.Ltmp4, $4  }
0x16b: {  	[hbm:s12], [sflag:s8] =	dma.local @!p0 [spmem:s16], $0x100  }
0x16c: {  	_ =	swait.ge @!p0 [sflag:s0], $0x100  }
0x16d: {  	[sflag:s0] =	ssyncset.done @!p0 $0x0  }
0x16e: {  	[sflag:s0] =	ssyncadd.s32 @!p0 $0xFFFFFF00  }
0x16f: {  	_ =	sfence.sel $0x180000  }
0x170: {  	[bflag:$0x0] =	sbarrier.arrive $0xFFFF  }
0x171: {  	_ =	strace $0x90000047  }
0x172: {  	[bflag:$0x2] =	sbarrier.arrive $0xFFFF  }
0x173: {  	s0 =	rddreg [dreg:$0x4]  }
0x174: {  	s0 =	sadd.s32 @!p0 $0x100000, s0  }
0x175: {  	[sflag:s0] =	ssyncadd.tile.s32 @!p0 $0x1;
	_ =	shalt  }
.Lfunc_end2:
_tile_overlayer_lowered:
.L_overlay_start_2:
0x176: {  	(tag) =	ssettag $0x2  }
0x177: {  	s0 =	rddreg [dreg:$0x0];
	s2 =	stileid.u32  }
0x178: {  	s1 =	rddreg [dreg:$0x1];
	p0 =	sne.s32 s2, $0x0  }
0x179: {  	s3 =	rddreg [dreg:$0x2];
	[bflag:$0x3] =	sbarrier.arrive $0xFFFF;
	s2 =	simm.s32 @!p0 $0x1C05  }
0x17a: {  	[timem:s3], [sflag:s2] =	dma.local @!p0 [hbm:s0], s1  }
0x17b: {  	s0 =	simm.s32 @!p0 $0x5  }
0x17c: {  	_ =	swait.ge @!p0 [sflag:s0], s1  }
0x17d: {  	s1 =	ssub.s32 @!p0 $0x0, s1;
	[sflag:s0] =	ssyncset.done @!p0 $0x0  }
0x17e: {  	[sflag:s0] =	ssyncadd.s32 @!p0 s1  }
0x17f: {  	[bflag:$0x3] =	sbarrier.arrive $0xFFFF  }
0x180: {  	_ =	shalt  }

</sc_bundles>
